<compile_context>
chip_gen: v7x
topology: tpu7x:2x2x1
jax: 0.10.2.dev20260603
libtpu: 0.0.44.dev20260713+nightly
codegen_flags: <defaults>
</compile_context>

<pallas_src>
import functools

import jax
import jax.numpy as jnp
from jax import lax
from jax.experimental import pallas as pl
from jax.experimental.pallas import tpu as pltpu
from jax.experimental.pallas import tpu_sc as plsc

N_NODES = 10000
NPAD = 10240
D = 128
NC, NS = 2, 16
NW = NC * NS
K = 80
EPW = 10240
EPAD = EPW * NW
CHUNKS = EPW // K
ZPT = NPAD // NS

UNROLL = 4
OUTER = CHUNKS // UNROLL

_mesh = plsc.VectorSubcoreMesh(core_axis_name="c", subcore_axis_name="s")


@functools.partial(
    pl.kernel,
    out_type=jax.ShapeDtypeStruct((NC * NPAD, D), jnp.float32),
    mesh=_mesh,
    scratch_types=[
        [pltpu.VMEM((K,), jnp.int32)] * UNROLL,
        [pltpu.VMEM((K,), jnp.int32)] * UNROLL,
        pltpu.VMEM((UNROLL, K, D), jnp.float32),
        pltpu.VMEM_SHARED((NPAD, D), jnp.float32),
        [pltpu.SemaphoreType.DMA] * UNROLL,
        [pltpu.SemaphoreType.DMA] * UNROLL,
        [pltpu.SemaphoreType.DMA] * UNROLL,
        [pltpu.SemaphoreType.DMA] * UNROLL,
    ],
)
def _agg_partials(src_hbm, dst_hbm, h_hbm, out_hbm, si_v, di_v, rows_v, acc_sh,
                  gsems, ssems, isems, dsems):
    c = lax.axis_index("c")
    s = lax.axis_index("s")
    w = c * NS + s

    def zero(i, carry):
        for j in range(D // 16):
            rows_v[0, i, pl.ds(j * 16, 16)] = jnp.zeros((16,), jnp.float32)
        return carry

    lax.fori_loop(0, K, zero, 0)
    for j in range(ZPT // K):
        pltpu.sync_copy(rows_v.at[0], acc_sh.at[pl.ds(s * ZPT + j * K, K)])
    plsc.subcore_barrier()

    def body(t, drain):
        base = w * EPW + t * UNROLL * K
        ids, dds = [], []
        for b in range(UNROLL):
            if drain:
                pltpu.make_async_copy(
                    rows_v.at[b], acc_sh.at[di_v[b]], ssems[b]
                ).wait()
            ids.append(
                pltpu.async_copy(src_hbm.at[pl.ds(base + b * K, K)], si_v[b], isems[b])
            )
            dds.append(
                pltpu.async_copy(dst_hbm.at[pl.ds(base + b * K, K)], di_v[b], dsems[b])
            )
        gds = []
        for b in range(UNROLL):
            ids[b].wait()
            gds.append(
                pltpu.async_copy(h_hbm.at[si_v[b]], rows_v.at[b], gsems[b])
            )
        for b in range(UNROLL):
            gds[b].wait()
            dds[b].wait()
            pltpu.async_copy(rows_v.at[b], acc_sh.at[di_v[b]], ssems[b], add=True)

    body(0, False)

    def outer(t, carry):
        body(t, True)
        return carry

    lax.fori_loop(1, OUTER, outer, 0)
    for b in range(UNROLL):
        pltpu.make_async_copy(rows_v.at[b], acc_sh.at[di_v[b]], ssems[b]).wait()
    plsc.subcore_barrier()
    pltpu.sync_copy(
        acc_sh.at[pl.ds(s * ZPT, ZPT)], out_hbm.at[pl.ds(c * NPAD + s * ZPT, ZPT)]
    )


@functools.partial(
    pl.kernel,
    out_type=jax.ShapeDtypeStruct((NC * NPAD,), jnp.float32),
    mesh=_mesh,
    scratch_types=[
        [pltpu.VMEM((K,), jnp.int32)] * UNROLL,
        pltpu.VMEM((K,), jnp.float32),
        pltpu.VMEM_SHARED((NPAD,), jnp.float32),
        [pltpu.SemaphoreType.DMA] * UNROLL,
        [pltpu.SemaphoreType.DMA] * UNROLL,
    ],
)
def _deg_partials(dst_hbm, out_hbm, di_v, ones_v, acc_sh, ssems, dsems):
    c = lax.axis_index("c")
    s = lax.axis_index("s")
    w = c * NS + s

    for j in range(K // 16):
        ones_v[pl.ds(j * 16, 16)] = jnp.zeros((16,), jnp.float32)
    for j in range(ZPT // K):
        pltpu.sync_copy(ones_v, acc_sh.at[pl.ds(s * ZPT + j * K, K)])
    for j in range(K // 16):
        ones_v[pl.ds(j * 16, 16)] = jnp.full((16,), 1.0, jnp.float32)
    plsc.subcore_barrier()

    def body(t, drain):
        base = w * EPW + t * UNROLL * K
        dds = []
        for b in range(UNROLL):
            if drain:
                pltpu.make_async_copy(ones_v, acc_sh.at[di_v[b]], ssems[b]).wait()
            dds.append(
                pltpu.async_copy(dst_hbm.at[pl.ds(base + b * K, K)], di_v[b], dsems[b])
            )
        for b in range(UNROLL):
            dds[b].wait()
            pltpu.async_copy(ones_v, acc_sh.at[di_v[b]], ssems[b], add=True)

    body(0, False)

    def outer(t, carry):
        body(t, True)
        return carry

    lax.fori_loop(1, OUTER, outer, 0)
    for b in range(UNROLL):
        pltpu.make_async_copy(ones_v, acc_sh.at[di_v[b]], ssems[b]).wait()
    plsc.subcore_barrier()
    pltpu.sync_copy(
        acc_sh.at[pl.ds(s * ZPT, ZPT)], out_hbm.at[pl.ds(c * NPAD + s * ZPT, ZPT)]
    )


def _agg(src, dst, h):
    return _agg_partials(src, dst, h).reshape(NC, NPAD, D)


BLK = 1024


def _dinv_block(degp):
    deg = 1.0 + degp[0] + degp[1]
    return lax.rsqrt(deg)


def _tc0_body(x_ref, w_ref, o_ref):
    o_ref[...] = jnp.dot(x_ref[...], w_ref[...], preferred_element_type=jnp.float32)


_tc0 = pl.pallas_call(
    _tc0_body,
    grid=(N_NODES // 1000,),
    in_specs=[
        pl.BlockSpec((1000, D), lambda i: (i, 0)),
        pl.BlockSpec((D, D), lambda i: (0, 0)),
    ],
    out_specs=pl.BlockSpec((1000, D), lambda i: (i, 0)),
    out_shape=jax.ShapeDtypeStruct((NPAD, D), jnp.float32),
)


def _tc1_body(h_ref, degp_ref, o_ref):
    o_ref[...] = h_ref[...] * _dinv_block(degp_ref[...])


_tc1 = pl.pallas_call(
    _tc1_body,
    grid=(NPAD // BLK,),
    in_specs=[
        pl.BlockSpec((BLK, D), lambda i: (i, 0)),
        pl.BlockSpec((NC, BLK, 1), lambda i: (0, i, 0)),
    ],
    out_specs=pl.BlockSpec((BLK, D), lambda i: (i, 0)),
    out_shape=jax.ShapeDtypeStruct((NPAD, D), jnp.float32),
)


def _tc2_body(p_ref, hp_ref, degp_ref, b_ref, w_ref, o_ref):
    dinv = _dinv_block(degp_ref[...])
    ssum = p_ref[0] + p_ref[1] + hp_ref[...]
    a = jnp.maximum(ssum * dinv + b_ref[...], 0.0)
    h = jnp.dot(a, w_ref[...], preferred_element_type=jnp.float32)
    o_ref[...] = h * dinv


_tc2 = pl.pallas_call(
    _tc2_body,
    grid=(NPAD // BLK,),
    in_specs=[
        pl.BlockSpec((NC, BLK, D), lambda i: (0, i, 0)),
        pl.BlockSpec((BLK, D), lambda i: (i, 0)),
        pl.BlockSpec((NC, BLK, 1), lambda i: (0, i, 0)),
        pl.BlockSpec((1, D), lambda i: (0, 0)),
        pl.BlockSpec((D, D), lambda i: (0, 0)),
    ],
    out_specs=pl.BlockSpec((BLK, D), lambda i: (i, 0)),
    out_shape=jax.ShapeDtypeStruct((NPAD, D), jnp.float32),
)


def _tc3_body(p_ref, hp_ref, degp_ref, b_ref, wc_ref, bc_ref, o_ref):
    dinv = _dinv_block(degp_ref[...])
    ssum = p_ref[0] + p_ref[1] + hp_ref[...]
    a = jnp.maximum(ssum * dinv + b_ref[...], 0.0)
    logits = jnp.dot(a, wc_ref[...], preferred_element_type=jnp.float32) + bc_ref[...]
    m = jnp.max(logits, axis=1, keepdims=True)
    lse = jnp.log(jnp.sum(jnp.exp(logits - m), axis=1, keepdims=True))
    o_ref[...] = logits - m - lse


def _make_tc3(n_classes):
    return pl.pallas_call(
        _tc3_body,
        grid=(N_NODES // 1000,),
        in_specs=[
            pl.BlockSpec((NC, 1000, D), lambda i: (0, i, 0)),
            pl.BlockSpec((1000, D), lambda i: (i, 0)),
            pl.BlockSpec((NC, 1000, 1), lambda i: (0, i, 0)),
            pl.BlockSpec((1, D), lambda i: (0, 0)),
            pl.BlockSpec((D, n_classes), lambda i: (0, 0)),
            pl.BlockSpec((1, n_classes), lambda i: (0, 0)),
        ],
        out_specs=pl.BlockSpec((1000, n_classes), lambda i: (i, 0)),
        out_shape=jax.ShapeDtypeStruct((N_NODES, n_classes), jnp.float32),
    )


def kernel(x, edge_index, W1, b1, W2, b2, Wc, bc):
    n_classes = Wc.shape[1]
    n = x.shape[0]
    e = edge_index.shape[1]
    pad = EPAD - e
    pad_ids = jnp.arange(pad, dtype=jnp.int32)
    src = jnp.concatenate([edge_index[0].astype(jnp.int32), pad_ids % n])
    dst = jnp.concatenate(
        [edge_index[1].astype(jnp.int32), n + pad_ids % (NPAD - n)]
    )
    h1 = _tc0(x, W1)
    degp = _deg_partials(dst).reshape(NC, NPAD, 1)
    h1p = _tc1(h1, degp)
    p1 = _agg(src, dst, h1p)
    h2p = _tc2(p1, h1p, degp, b1.reshape(1, D), W2)
    p2 = _agg(src, dst, h2p)
    return _make_tc3(n_classes)(
        p2, h2p, degp, b2.reshape(1, D), Wc, bc.reshape(1, n_classes)
    )

# --- scband reference (transcript-rebuilt; emitter-appended) ---
"""Pipeline reference for scband-smart-scrape-gnn-6786048328024 (READ-ONLY COPY).

The authoritative reference and input builder live on the scoring server;
editing this copy changes nothing except your own understanding.
"""

import jax, jax.numpy as jnp
import numpy as np

N_NODES = 10000
N_EDGES = 320000
D_IN = 128
D_HID = 128
N_CLASSES = 4


def setup_inputs(seed: int = 0) -> dict:
    key = jax.random.key(seed)
    ks = jax.random.split(key, 8)
    x = jax.random.normal(ks[0], (N_NODES, D_IN), dtype=jnp.float32)
    edge_index = jax.random.randint(ks[1], (2, N_EDGES), 0, N_NODES, dtype=jnp.int64)
    W1 = jax.random.normal(ks[2], (D_IN, D_HID), dtype=jnp.float32) * (1.0 / np.sqrt(D_IN))
    b1 = jnp.zeros((D_HID,), dtype=jnp.float32)
    W2 = jax.random.normal(ks[3], (D_HID, D_HID), dtype=jnp.float32) * (1.0 / np.sqrt(D_HID))
    b2 = jnp.zeros((D_HID,), dtype=jnp.float32)
    Wc = jax.random.normal(ks[4], (D_HID, N_CLASSES), dtype=jnp.float32) * (1.0 / np.sqrt(D_HID))
    bc = jnp.zeros((N_CLASSES,), dtype=jnp.float32)
    return {"x": x, "edge_index": edge_index, "W1": W1, "b1": b1, "W2": W2, "b2": b2, "Wc": Wc, "bc": bc}


def gcn_conv(x, src, dst, norm, W, b, num_nodes):
    # GCNConv: out = D^{-1/2} (A + I) D^{-1/2} X W + b
    h = x @ W
    msg = h[src] * norm[:, None]
    out = jnp.zeros((num_nodes, W.shape[1]), dtype=h.dtype).at[dst].add(msg)
    return out + b


def reference(x, edge_index, W1, b1, W2, b2, Wc, bc):
    num_nodes = x.shape[0]
    loop = jnp.arange(num_nodes, dtype=edge_index.dtype)
    src = jnp.concatenate([edge_index[0], loop])
    dst = jnp.concatenate([edge_index[1], loop])
    deg = jnp.zeros((num_nodes,), dtype=jnp.float32).at[dst].add(1.0)
    deg_inv_sqrt = jnp.where(deg > 0, 1.0 / jnp.sqrt(deg), 0.0)
    norm = deg_inv_sqrt[src] * deg_inv_sqrt[dst]

    h = gcn_conv(x, src, dst, norm, W1, b1, num_nodes)
    h = jax.nn.relu(h)
    # dropout p=0.2 is identity in eval mode
    h = gcn_conv(h, src, dst, norm, W2, b2, num_nodes)
    h = jax.nn.relu(h)
    out = h @ Wc + bc
    return jax.nn.log_softmax(out, axis=1)

if __name__ == "__main__":
    import jax
    _d = setup_inputs()
    print(jax.jit(kernel)(*tuple(_d.values())))

</pallas_src>

<mosaic_0001>
#map = affine_map<(d0, d1) -> (0)>
#map1 = affine_map<(d0, d1) -> (0, 0)>
module attributes {stable_mosaic.version = 14 : i64} {
  func.func @_agg_partials(%arg0: i32, %arg1: i32, %arg2: memref<327680xi32, #tpu.memory_space<hbm>>, %arg3: memref<327680xi32, #tpu.memory_space<hbm>>, %arg4: memref<10240x128xf32, #tpu.memory_space<hbm>>, %arg5: memref<20480x128xf32, #tpu.memory_space<hbm>>, %arg6: memref<80xi32, #tpu.memory_space<vmem>>, %arg7: memref<80xi32, #tpu.memory_space<vmem>>, %arg8: memref<80xi32, #tpu.memory_space<vmem>>, %arg9: memref<80xi32, #tpu.memory_space<vmem>>, %arg10: memref<80xi32, #tpu.memory_space<vmem>>, %arg11: memref<80xi32, #tpu.memory_space<vmem>>, %arg12: memref<80xi32, #tpu.memory_space<vmem>>, %arg13: memref<80xi32, #tpu.memory_space<vmem>>, %arg14: memref<4x80x128xf32, #tpu.memory_space<vmem>>, %arg15: memref<10240x128xf32, #tpu.memory_space<vmem_shared>>, %arg16: memref<!tpu.dma_semaphore, #tpu.memory_space<semaphore_mem>>, %arg17: memref<!tpu.dma_semaphore, #tpu.memory_space<semaphore_mem>>, %arg18: memref<!tpu.dma_semaphore, #tpu.memory_space<semaphore_mem>>, %arg19: memref<!tpu.dma_semaphore, #tpu.memory_space<semaphore_mem>>, %arg20: memref<!tpu.dma_semaphore, #tpu.memory_space<semaphore_mem>>, %arg21: memref<!tpu.dma_semaphore, #tpu.memory_space<semaphore_mem>>, %arg22: memref<!tpu.dma_semaphore, #tpu.memory_space<semaphore_mem>>, %arg23: memref<!tpu.dma_semaphore, #tpu.memory_space<semaphore_mem>>, %arg24: memref<!tpu.dma_semaphore, #tpu.memory_space<semaphore_mem>>, %arg25: memref<!tpu.dma_semaphore, #tpu.memory_space<semaphore_mem>>, %arg26: memref<!tpu.dma_semaphore, #tpu.memory_space<semaphore_mem>>, %arg27: memref<!tpu.dma_semaphore, #tpu.memory_space<semaphore_mem>>, %arg28: memref<!tpu.dma_semaphore, #tpu.memory_space<semaphore_mem>>, %arg29: memref<!tpu.dma_semaphore, #tpu.memory_space<semaphore_mem>>, %arg30: memref<!tpu.dma_semaphore, #tpu.memory_space<semaphore_mem>>, %arg31: memref<!tpu.dma_semaphore, #tpu.memory_space<semaphore_mem>>) attributes {dimension_semantics = [#tpu.dimension_semantics<core_parallel>, #tpu.dimension_semantics<subcore_parallel>], iteration_bounds = array<i64: 2, 16>, scalar_prefetch = 0 : i64, scratch_operands = 26 : i64, tpu.core_type = #tpu.core_type<sc_vector_subcore>, window_params = [{transform_indices = #map}, {transform_indices = #map}, {transform_indices = #map1}, {transform_indices = #map1}]} {
    %mul3A = arith.constant 16 : i32
    %mul3A_0 = arith.muli %arg0, %mul3A : i32
    %add3A = arith.addi %mul3A_0, %arg1 : i32
    %scan3A = arith.constant 0 : i32
    %scan3A_1 = arith.constant 0 : i32
    %scan3A_2 = arith.constant 80 : i32
    %scan3A_3 = arith.addi %scan3A_1, %scan3A_2 : i32
    %scan3A_4 = arith.constant 1 : i32
    scf.for %scan3A_237 = %scan3A_1 to %scan3A_3 step %scan3A_4  : i32 {
      %broadcast_in_dim3A = arith.constant 0.000000e+00 : f32
      %broadcast_in_dim3A_238 = vector.broadcast %broadcast_in_dim3A : f32 to vector<16xf32>
      %swap3A = arith.constant 0 : i32
      %swap3A_239 = arith.index_cast %swap3A : i32 to index
      %swap3A_240 = arith.index_cast %scan3A_237 : i32 to index
      %swap3A_241 = arith.constant 0 : index
      %swap3A_242 = tpu.vector_load %arg14[%swap3A_239, %swap3A_240, %swap3A_241] {strides = array<i32>} : memref<4x80x128xf32, #tpu.memory_space<vmem>>, vector<1x1x16xf32>,
      %swap3A_243 = vector.shape_cast %swap3A_242 : vector<1x1x16xf32> to vector<16xf32>
      %swap3A_244 = vector.shape_cast %broadcast_in_dim3A_238 : vector<16xf32> to vector<1x1x16xf32>
      tpu.vector_store %arg14[%swap3A_239, %swap3A_240, %swap3A_241], %swap3A_244 {strides = array<i32>} : memref<4x80x128xf32, #tpu.memory_space<vmem>>, vector<1x1x16xf32>,
      %broadcast_in_dim3A_245 = arith.constant 0.000000e+00 : f32
      %broadcast_in_dim3A_246 = vector.broadcast %broadcast_in_dim3A_245 : f32 to vector<16xf32>
      %swap3A_247 = arith.constant 0 : i32
      %swap3A_248 = arith.index_cast %swap3A_247 : i32 to index
      %swap3A_249 = arith.index_cast %scan3A_237 : i32 to index
      %swap3A_250 = arith.constant 16 : index
      %swap3A_251 = tpu.vector_load %arg14[%swap3A_248, %swap3A_249, %swap3A_250] {strides = array<i32>} : memref<4x80x128xf32, #tpu.memory_space<vmem>>, vector<1x1x16xf32>,
      %swap3A_252 = vector.shape_cast %swap3A_251 : vector<1x1x16xf32> to vector<16xf32>
      %swap3A_253 = vector.shape_cast %broadcast_in_dim3A_246 : vector<16xf32> to vector<1x1x16xf32>
      tpu.vector_store %arg14[%swap3A_248, %swap3A_249, %swap3A_250], %swap3A_253 {strides = array<i32>} : memref<4x80x128xf32, #tpu.memory_space<vmem>>, vector<1x1x16xf32>,
      %broadcast_in_dim3A_254 = arith.constant 0.000000e+00 : f32
      %broadcast_in_dim3A_255 = vector.broadcast %broadcast_in_dim3A_254 : f32 to vector<16xf32>
      %swap3A_256 = arith.constant 0 : i32
      %swap3A_257 = arith.index_cast %swap3A_256 : i32 to index
      %swap3A_258 = arith.index_cast %scan3A_237 : i32 to index
      %swap3A_259 = arith.constant 32 : index
      %swap3A_260 = tpu.vector_load %arg14[%swap3A_257, %swap3A_258, %swap3A_259] {strides = array<i32>} : memref<4x80x128xf32, #tpu.memory_space<vmem>>, vector<1x1x16xf32>,
      %swap3A_261 = vector.shape_cast %swap3A_260 : vector<1x1x16xf32> to vector<16xf32>
      %swap3A_262 = vector.shape_cast %broadcast_in_dim3A_255 : vector<16xf32> to vector<1x1x16xf32>
      tpu.vector_store %arg14[%swap3A_257, %swap3A_258, %swap3A_259], %swap3A_262 {strides = array<i32>} : memref<4x80x128xf32, #tpu.memory_space<vmem>>, vector<1x1x16xf32>,
      %broadcast_in_dim3A_263 = arith.constant 0.000000e+00 : f32
      %broadcast_in_dim3A_264 = vector.broadcast %broadcast_in_dim3A_263 : f32 to vector<16xf32>
      %swap3A_265 = arith.constant 0 : i32
      %swap3A_266 = arith.index_cast %swap3A_265 : i32 to index
      %swap3A_267 = arith.index_cast %scan3A_237 : i32 to index
      %swap3A_268 = arith.constant 48 : index
      %swap3A_269 = tpu.vector_load %arg14[%swap3A_266, %swap3A_267, %swap3A_268] {strides = array<i32>} : memref<4x80x128xf32, #tpu.memory_space<vmem>>, vector<1x1x16xf32>,
      %swap3A_270 = vector.shape_cast %swap3A_269 : vector<1x1x16xf32> to vector<16xf32>
      %swap3A_271 = vector.shape_cast %broadcast_in_dim3A_264 : vector<16xf32> to vector<1x1x16xf32>
      tpu.vector_store %arg14[%swap3A_266, %swap3A_267, %swap3A_268], %swap3A_271 {strides = array<i32>} : memref<4x80x128xf32, #tpu.memory_space<vmem>>, vector<1x1x16xf32>,
      %broadcast_in_dim3A_272 = arith.constant 0.000000e+00 : f32
      %broadcast_in_dim3A_273 = vector.broadcast %broadcast_in_dim3A_272 : f32 to vector<16xf32>
      %swap3A_274 = arith.constant 0 : i32
      %swap3A_275 = arith.index_cast %swap3A_274 : i32 to index
      %swap3A_276 = arith.index_cast %scan3A_237 : i32 to index
      %swap3A_277 = arith.constant 64 : index
      %swap3A_278 = tpu.vector_load %arg14[%swap3A_275, %swap3A_276, %swap3A_277] {strides = array<i32>} : memref<4x80x128xf32, #tpu.memory_space<vmem>>, vector<1x1x16xf32>,
      %swap3A_279 = vector.shape_cast %swap3A_278 : vector<1x1x16xf32> to vector<16xf32>
      %swap3A_280 = vector.shape_cast %broadcast_in_dim3A_273 : vector<16xf32> to vector<1x1x16xf32>
      tpu.vector_store %arg14[%swap3A_275, %swap3A_276, %swap3A_277], %swap3A_280 {strides = array<i32>} : memref<4x80x128xf32, #tpu.memory_space<vmem>>, vector<1x1x16xf32>,
      %broadcast_in_dim3A_281 = arith.constant 0.000000e+00 : f32
      %broadcast_in_dim3A_282 = vector.broadcast %broadcast_in_dim3A_281 : f32 to vector<16xf32>
      %swap3A_283 = arith.constant 0 : i32
      %swap3A_284 = arith.index_cast %swap3A_283 : i32 to index
      %swap3A_285 = arith.index_cast %scan3A_237 : i32 to index
      %swap3A_286 = arith.constant 80 : index
      %swap3A_287 = tpu.vector_load %arg14[%swap3A_284, %swap3A_285, %swap3A_286] {strides = array<i32>} : memref<4x80x128xf32, #tpu.memory_space<vmem>>, vector<1x1x16xf32>,
      %swap3A_288 = vector.shape_cast %swap3A_287 : vector<1x1x16xf32> to vector<16xf32>
      %swap3A_289 = vector.shape_cast %broadcast_in_dim3A_282 : vector<16xf32> to vector<1x1x16xf32>
      tpu.vector_store %arg14[%swap3A_284, %swap3A_285, %swap3A_286], %swap3A_289 {strides = array<i32>} : memref<4x80x128xf32, #tpu.memory_space<vmem>>, vector<1x1x16xf32>,
      %broadcast_in_dim3A_290 = arith.constant 0.000000e+00 : f32
      %broadcast_in_dim3A_291 = vector.broadcast %broadcast_in_dim3A_290 : f32 to vector<16xf32>
      %swap3A_292 = arith.constant 0 : i32
      %swap3A_293 = arith.index_cast %swap3A_292 : i32 to index
      %swap3A_294 = arith.index_cast %scan3A_237 : i32 to index
      %swap3A_295 = arith.constant 96 : index
      %swap3A_296 = tpu.vector_load %arg14[%swap3A_293, %swap3A_294, %swap3A_295] {strides = array<i32>} : memref<4x80x128xf32, #tpu.memory_space<vmem>>, vector<1x1x16xf32>,
      %swap3A_297 = vector.shape_cast %swap3A_296 : vector<1x1x16xf32> to vector<16xf32>
      %swap3A_298 = vector.shape_cast %broadcast_in_dim3A_291 : vector<16xf32> to vector<1x1x16xf32>
      tpu.vector_store %arg14[%swap3A_293, %swap3A_294, %swap3A_295], %swap3A_298 {strides = array<i32>} : memref<4x80x128xf32, #tpu.memory_space<vmem>>, vector<1x1x16xf32>,
      %broadcast_in_dim3A_299 = arith.constant 0.000000e+00 : f32
      %broadcast_in_dim3A_300 = vector.broadcast %broadcast_in_dim3A_299 : f32 to vector<16xf32>
      %swap3A_301 = arith.constant 0 : i32
      %swap3A_302 = arith.index_cast %swap3A_301 : i32 to index
      %swap3A_303 = arith.index_cast %scan3A_237 : i32 to index
      %swap3A_304 = arith.constant 112 : index
      %swap3A_305 = tpu.vector_load %arg14[%swap3A_302, %swap3A_303, %swap3A_304] {strides = array<i32>} : memref<4x80x128xf32, #tpu.memory_space<vmem>>, vector<1x1x16xf32>,
      %swap3A_306 = vector.shape_cast %swap3A_305 : vector<1x1x16xf32> to vector<16xf32>
      %swap3A_307 = vector.shape_cast %broadcast_in_dim3A_300 : vector<16xf32> to vector<1x1x16xf32>
      tpu.vector_store %arg14[%swap3A_302, %swap3A_303, %swap3A_304], %swap3A_307 {strides = array<i32>} : memref<4x80x128xf32, #tpu.memory_space<vmem>>, vector<1x1x16xf32>,
    }
    %scan3A_5 = arith.constant 80 : i32
    %mul3A_6 = arith.constant 640 : i32
    %mul3A_7 = arith.muli %arg1, %mul3A_6 : i32
    %add3A_8 = arith.constant 0 : i32
    %add3A_9 = arith.addi %mul3A_7, %add3A_8 : i32
    %run_scoped3A = arith.constant 0 : i32
    "tpu.region"() ({
      %run_scoped3A_237 = tpu.sem_alloc : memref<!tpu.dma_semaphore, #tpu.memory_space<semaphore_mem>>
      %dma_start3A_238 = arith.constant 0 : i32
      %dma_start3A_239 = arith.constant 0 : i32
      %dma_start3A_240 = tpu.memref_slice %arg14[%run_scoped3A, %dma_start3A_238, %dma_start3A_239] : memref<4x80x128xf32, #tpu.memory_space<vmem>> -> memref<1x80x128xf32, #tpu.memory_space<vmem>>
      %dma_start3A_241 = tpu.memref_squeeze %dma_start3A_240 : memref<1x80x128xf32, #tpu.memory_space<vmem>> -> memref<80x128xf32, #tpu.memory_space<vmem>>
      %dma_start3A_242 = arith.constant 0 : i32
      %dma_start3A_243 = tpu.memref_slice %arg15[%add3A_9, %dma_start3A_242] : memref<10240x128xf32, #tpu.memory_space<vmem_shared>> -> memref<80x128xf32, #tpu.memory_space<vmem_shared>>
      %dma_start3A_244 = arith.constant 0 : i32
      %dma_start3A_245 = tpu.memref_slice %arg15[%add3A_9, %dma_start3A_244] : memref<10240x128xf32, #tpu.memory_space<vmem_shared>> -> memref<80x128xf32, #tpu.memory_space<vmem_shared>>
      %dma_start3A_246 = arith.constant 0 : i32
      %dma_start3A_247 = arith.constant 0 : i32
      %dma_start3A_248 = tpu.memref_slice %arg14[%run_scoped3A, %dma_start3A_246, %dma_start3A_247] : memref<4x80x128xf32, #tpu.memory_space<vmem>> -> memref<1x80x128xf32, #tpu.memory_space<vmem>>
      %dma_start3A_249 = tpu.memref_squeeze %dma_start3A_248 : memref<1x80x128xf32, #tpu.memory_space<vmem>> -> memref<80x128xf32, #tpu.memory_space<vmem>>
      tpu.enqueue_dma source(%dma_start3A_249 : memref<80x128xf32, #tpu.memory_space<vmem>>) target(%dma_start3A_245 : memref<80x128xf32, #tpu.memory_space<vmem_shared>>) target_semaphore(%run_scoped3A_237 : memref<!tpu.dma_semaphore, #tpu.memory_space<semaphore_mem>>)
      %dma_wait3A_250 = arith.constant 0 : i32
      %dma_wait3A_251 = arith.constant 0 : i32
      %dma_wait3A_252 = tpu.memref_slice %arg14[%run_scoped3A, %dma_wait3A_250, %dma_wait3A_251] : memref<4x80x128xf32, #tpu.memory_space<vmem>> -> memref<1x80x128xf32, #tpu.memory_space<vmem>>
      %dma_wait3A_253 = tpu.memref_squeeze %dma_wait3A_252 : memref<1x80x128xf32, #tpu.memory_space<vmem>> -> memref<80x128xf32, #tpu.memory_space<vmem>>
      %dma_wait3A_254 = arith.constant 0 : i32
      %dma_wait3A_255 = tpu.memref_slice %arg15[%add3A_9, %dma_wait3A_254] : memref<10240x128xf32, #tpu.memory_space<vmem_shared>> -> memref<80x128xf32, #tpu.memory_space<vmem_shared>>
      %dma_wait3A_256 = arith.constant 0 : i32
      %dma_wait3A_257 = tpu.memref_slice %arg15[%add3A_9, %dma_wait3A_256] : memref<10240x128xf32, #tpu.memory_space<vmem_shared>> -> memref<80x128xf32, #tpu.memory_space<vmem_shared>>
      %dma_wait3A_258 = arith.constant 0 : i32
      %dma_wait3A_259 = arith.constant 0 : i32
      %dma_wait3A_260 = tpu.memref_slice %arg14[%run_scoped3A, %dma_wait3A_258, %dma_wait3A_259] : memref<4x80x128xf32, #tpu.memory_space<vmem>> -> memref<1x80x128xf32, #tpu.memory_space<vmem>>
      %dma_wait3A_261 = tpu.memref_squeeze %dma_wait3A_260 : memref<1x80x128xf32, #tpu.memory_space<vmem>> -> memref<80x128xf32, #tpu.memory_space<vmem>>
      tpu.wait_dma2 semaphore(%run_scoped3A_237 : memref<!tpu.dma_semaphore, #tpu.memory_space<semaphore_mem>>) src(%dma_wait3A_261 : memref<80x128xf32, #tpu.memory_space<vmem>>) dst(%dma_wait3A_257 : memref<80x128xf32, #tpu.memory_space<vmem_shared>>)
      tpu.yield
    }) : () -> ()
    %mul3A_10 = arith.constant 640 : i32
    %mul3A_11 = arith.muli %arg1, %mul3A_10 : i32
    %add3A_12 = arith.constant 80 : i32
    %add3A_13 = arith.addi %mul3A_11, %add3A_12 : i32
    %run_scoped3A_14 = arith.constant 0 : i32
    "tpu.region"() ({
      %run_scoped3A_237 = tpu.sem_alloc : memref<!tpu.dma_semaphore, #tpu.memory_space<semaphore_mem>>
      %dma_start3A_238 = arith.constant 0 : i32
      %dma_start3A_239 = arith.constant 0 : i32
      %dma_start3A_240 = tpu.memref_slice %arg14[%run_scoped3A_14, %dma_start3A_238, %dma_start3A_239] : memref<4x80x128xf32, #tpu.memory_space<vmem>> -> memref<1x80x128xf32, #tpu.memory_space<vmem>>
      %dma_start3A_241 = tpu.memref_squeeze %dma_start3A_240 : memref<1x80x128xf32, #tpu.memory_space<vmem>> -> memref<80x128xf32, #tpu.memory_space<vmem>>
      %dma_start3A_242 = arith.constant 0 : i32
      %dma_start3A_243 = tpu.memref_slice %arg15[%add3A_13, %dma_start3A_242] : memref<10240x128xf32, #tpu.memory_space<vmem_shared>> -> memref<80x128xf32, #tpu.memory_space<vmem_shared>>
      %dma_start3A_244 = arith.constant 0 : i32
      %dma_start3A_245 = tpu.memref_slice %arg15[%add3A_13, %dma_start3A_244] : memref<10240x128xf32, #tpu.memory_space<vmem_shared>> -> memref<80x128xf32, #tpu.memory_space<vmem_shared>>
      %dma_start3A_246 = arith.constant 0 : i32
      %dma_start3A_247 = arith.constant 0 : i32
      %dma_start3A_248 = tpu.memref_slice %arg14[%run_scoped3A_14, %dma_start3A_246, %dma_start3A_247] : memref<4x80x128xf32, #tpu.memory_space<vmem>> -> memref<1x80x128xf32, #tpu.memory_space<vmem>>
      %dma_start3A_249 = tpu.memref_squeeze %dma_start3A_248 : memref<1x80x128xf32, #tpu.memory_space<vmem>> -> memref<80x128xf32, #tpu.memory_space<vmem>>
      tpu.enqueue_dma source(%dma_start3A_249 : memref<80x128xf32, #tpu.memory_space<vmem>>) target(%dma_start3A_245 : memref<80x128xf32, #tpu.memory_space<vmem_shared>>) target_semaphore(%run_scoped3A_237 : memref<!tpu.dma_semaphore, #tpu.memory_space<semaphore_mem>>)
      %dma_wait3A_250 = arith.constant 0 : i32
      %dma_wait3A_251 = arith.constant 0 : i32
      %dma_wait3A_252 = tpu.memref_slice %arg14[%run_scoped3A_14, %dma_wait3A_250, %dma_wait3A_251] : memref<4x80x128xf32, #tpu.memory_space<vmem>> -> memref<1x80x128xf32, #tpu.memory_space<vmem>>
      %dma_wait3A_253 = tpu.memref_squeeze %dma_wait3A_252 : memref<1x80x128xf32, #tpu.memory_space<vmem>> -> memref<80x128xf32, #tpu.memory_space<vmem>>
      %dma_wait3A_254 = arith.constant 0 : i32
      %dma_wait3A_255 = tpu.memref_slice %arg15[%add3A_13, %dma_wait3A_254] : memref<10240x128xf32, #tpu.memory_space<vmem_shared>> -> memref<80x128xf32, #tpu.memory_space<vmem_shared>>
      %dma_wait3A_256 = arith.constant 0 : i32
      %dma_wait3A_257 = tpu.memref_slice %arg15[%add3A_13, %dma_wait3A_256] : memref<10240x128xf32, #tpu.memory_space<vmem_shared>> -> memref<80x128xf32, #tpu.memory_space<vmem_shared>>
      %dma_wait3A_258 = arith.constant 0 : i32
      %dma_wait3A_259 = arith.constant 0 : i32
      %dma_wait3A_260 = tpu.memref_slice %arg14[%run_scoped3A_14, %dma_wait3A_258, %dma_wait3A_259] : memref<4x80x128xf32, #tpu.memory_space<vmem>> -> memref<1x80x128xf32, #tpu.memory_space<vmem>>
      %dma_wait3A_261 = tpu.memref_squeeze %dma_wait3A_260 : memref<1x80x128xf32, #tpu.memory_space<vmem>> -> memref<80x128xf32, #tpu.memory_space<vmem>>
      tpu.wait_dma2 semaphore(%run_scoped3A_237 : memref<!tpu.dma_semaphore, #tpu.memory_space<semaphore_mem>>) src(%dma_wait3A_261 : memref<80x128xf32, #tpu.memory_space<vmem>>) dst(%dma_wait3A_257 : memref<80x128xf32, #tpu.memory_space<vmem_shared>>)
      tpu.yield
    }) : () -> ()
    %mul3A_15 = arith.constant 640 : i32
    %mul3A_16 = arith.muli %arg1, %mul3A_15 : i32
    %add3A_17 = arith.constant 160 : i32
    %add3A_18 = arith.addi %mul3A_16, %add3A_17 : i32
    %run_scoped3A_19 = arith.constant 0 : i32
    "tpu.region"() ({
      %run_scoped3A_237 = tpu.sem_alloc : memref<!tpu.dma_semaphore, #tpu.memory_space<semaphore_mem>>
      %dma_start3A_238 = arith.constant 0 : i32
      %dma_start3A_239 = arith.constant 0 : i32
      %dma_start3A_240 = tpu.memref_slice %arg14[%run_scoped3A_19, %dma_start3A_238, %dma_start3A_239] : memref<4x80x128xf32, #tpu.memory_space<vmem>> -> memref<1x80x128xf32, #tpu.memory_space<vmem>>
      %dma_start3A_241 = tpu.memref_squeeze %dma_start3A_240 : memref<1x80x128xf32, #tpu.memory_space<vmem>> -> memref<80x128xf32, #tpu.memory_space<vmem>>
      %dma_start3A_242 = arith.constant 0 : i32
      %dma_start3A_243 = tpu.memref_slice %arg15[%add3A_18, %dma_start3A_242] : memref<10240x128xf32, #tpu.memory_space<vmem_shared>> -> memref<80x128xf32, #tpu.memory_space<vmem_shared>>
      %dma_start3A_244 = arith.constant 0 : i32
      %dma_start3A_245 = tpu.memref_slice %arg15[%add3A_18, %dma_start3A_244] : memref<10240x128xf32, #tpu.memory_space<vmem_shared>> -> memref<80x128xf32, #tpu.memory_space<vmem_shared>>
      %dma_start3A_246 = arith.constant 0 : i32
      %dma_start3A_247 = arith.constant 0 : i32
      %dma_start3A_248 = tpu.memref_slice %arg14[%run_scoped3A_19, %dma_start3A_246, %dma_start3A_247] : memref<4x80x128xf32, #tpu.memory_space<vmem>> -> memref<1x80x128xf32, #tpu.memory_space<vmem>>
      %dma_start3A_249 = tpu.memref_squeeze %dma_start3A_248 : memref<1x80x128xf32, #tpu.memory_space<vmem>> -> memref<80x128xf32, #tpu.memory_space<vmem>>
      tpu.enqueue_dma source(%dma_start3A_249 : memref<80x128xf32, #tpu.memory_space<vmem>>) target(%dma_start3A_245 : memref<80x128xf32, #tpu.memory_space<vmem_shared>>) target_semaphore(%run_scoped3A_237 : memref<!tpu.dma_semaphore, #tpu.memory_space<semaphore_mem>>)
      %dma_wait3A_250 = arith.constant 0 : i32
      %dma_wait3A_251 = arith.constant 0 : i32
      %dma_wait3A_252 = tpu.memref_slice %arg14[%run_scoped3A_19, %dma_wait3A_250, %dma_wait3A_251] : memref<4x80x128xf32, #tpu.memory_space<vmem>> -> memref<1x80x128xf32, #tpu.memory_space<vmem>>
      %dma_wait3A_253 = tpu.memref_squeeze %dma_wait3A_252 : memref<1x80x128xf32, #tpu.memory_space<vmem>> -> memref<80x128xf32, #tpu.memory_space<vmem>>
      %dma_wait3A_254 = arith.constant 0 : i32
      %dma_wait3A_255 = tpu.memref_slice %arg15[%add3A_18, %dma_wait3A_254] : memref<10240x128xf32, #tpu.memory_space<vmem_shared>> -> memref<80x128xf32, #tpu.memory_space<vmem_shared>>
      %dma_wait3A_256 = arith.constant 0 : i32
      %dma_wait3A_257 = tpu.memref_slice %arg15[%add3A_18, %dma_wait3A_256] : memref<10240x128xf32, #tpu.memory_space<vmem_shared>> -> memref<80x128xf32, #tpu.memory_space<vmem_shared>>
      %dma_wait3A_258 = arith.constant 0 : i32
      %dma_wait3A_259 = arith.constant 0 : i32
      %dma_wait3A_260 = tpu.memref_slice %arg14[%run_scoped3A_19, %dma_wait3A_258, %dma_wait3A_259] : memref<4x80x128xf32, #tpu.memory_space<vmem>> -> memref<1x80x128xf32, #tpu.memory_space<vmem>>
      %dma_wait3A_261 = tpu.memref_squeeze %dma_wait3A_260 : memref<1x80x128xf32, #tpu.memory_space<vmem>> -> memref<80x128xf32, #tpu.memory_space<vmem>>
      tpu.wait_dma2 semaphore(%run_scoped3A_237 : memref<!tpu.dma_semaphore, #tpu.memory_space<semaphore_mem>>) src(%dma_wait3A_261 : memref<80x128xf32, #tpu.memory_space<vmem>>) dst(%dma_wait3A_257 : memref<80x128xf32, #tpu.memory_space<vmem_shared>>)
      tpu.yield
    }) : () -> ()
    %mul3A_20 = arith.constant 640 : i32
    %mul3A_21 = arith.muli %arg1, %mul3A_20 : i32
    %add3A_22 = arith.constant 240 : i32
    %add3A_23 = arith.addi %mul3A_21, %add3A_22 : i32
    %run_scoped3A_24 = arith.constant 0 : i32
    "tpu.region"() ({
      %run_scoped3A_237 = tpu.sem_alloc : memref<!tpu.dma_semaphore, #tpu.memory_space<semaphore_mem>>
      %dma_start3A_238 = arith.constant 0 : i32
      %dma_start3A_239 = arith.constant 0 : i32
      %dma_start3A_240 = tpu.memref_slice %arg14[%run_scoped3A_24, %dma_start3A_238, %dma_start3A_239] : memref<4x80x128xf32, #tpu.memory_space<vmem>> -> memref<1x80x128xf32, #tpu.memory_space<vmem>>
      %dma_start3A_241 = tpu.memref_squeeze %dma_start3A_240 : memref<1x80x128xf32, #tpu.memory_space<vmem>> -> memref<80x128xf32, #tpu.memory_space<vmem>>
      %dma_start3A_242 = arith.constant 0 : i32
      %dma_start3A_243 = tpu.memref_slice %arg15[%add3A_23, %dma_start3A_242] : memref<10240x128xf32, #tpu.memory_space<vmem_shared>> -> memref<80x128xf32, #tpu.memory_space<vmem_shared>>
      %dma_start3A_244 = arith.constant 0 : i32
      %dma_start3A_245 = tpu.memref_slice %arg15[%add3A_23, %dma_start3A_244] : memref<10240x128xf32, #tpu.memory_space<vmem_shared>> -> memref<80x128xf32, #tpu.memory_space<vmem_shared>>
      %dma_start3A_246 = arith.constant 0 : i32
      %dma_start3A_247 = arith.constant 0 : i32
      %dma_start3A_248 = tpu.memref_slice %arg14[%run_scoped3A_24, %dma_start3A_246, %dma_start3A_247] : memref<4x80x128xf32, #tpu.memory_space<vmem>> -> memref<1x80x128xf32, #tpu.memory_space<vmem>>
      %dma_start3A_249 = tpu.memref_squeeze %dma_start3A_248 : memref<1x80x128xf32, #tpu.memory_space<vmem>> -> memref<80x128xf32, #tpu.memory_space<vmem>>
      tpu.enqueue_dma source(%dma_start3A_249 : memref<80x128xf32, #tpu.memory_space<vmem>>) target(%dma_start3A_245 : memref<80x128xf32, #tpu.memory_space<vmem_shared>>) target_semaphore(%run_scoped3A_237 : memref<!tpu.dma_semaphore, #tpu.memory_space<semaphore_mem>>)
      %dma_wait3A_250 = arith.constant 0 : i32
      %dma_wait3A_251 = arith.constant 0 : i32
      %dma_wait3A_252 = tpu.memref_slice %arg14[%run_scoped3A_24, %dma_wait3A_250, %dma_wait3A_251] : memref<4x80x128xf32, #tpu.memory_space<vmem>> -> memref<1x80x128xf32, #tpu.memory_space<vmem>>
      %dma_wait3A_253 = tpu.memref_squeeze %dma_wait3A_252 : memref<1x80x128xf32, #tpu.memory_space<vmem>> -> memref<80x128xf32, #tpu.memory_space<vmem>>
      %dma_wait3A_254 = arith.constant 0 : i32
      %dma_wait3A_255 = tpu.memref_slice %arg15[%add3A_23, %dma_wait3A_254] : memref<10240x128xf32, #tpu.memory_space<vmem_shared>> -> memref<80x128xf32, #tpu.memory_space<vmem_shared>>
      %dma_wait3A_256 = arith.constant 0 : i32
      %dma_wait3A_257 = tpu.memref_slice %arg15[%add3A_23, %dma_wait3A_256] : memref<10240x128xf32, #tpu.memory_space<vmem_shared>> -> memref<80x128xf32, #tpu.memory_space<vmem_shared>>
      %dma_wait3A_258 = arith.constant 0 : i32
      %dma_wait3A_259 = arith.constant 0 : i32
      %dma_wait3A_260 = tpu.memref_slice %arg14[%run_scoped3A_24, %dma_wait3A_258, %dma_wait3A_259] : memref<4x80x128xf32, #tpu.memory_space<vmem>> -> memref<1x80x128xf32, #tpu.memory_space<vmem>>
      %dma_wait3A_261 = tpu.memref_squeeze %dma_wait3A_260 : memref<1x80x128xf32, #tpu.memory_space<vmem>> -> memref<80x128xf32, #tpu.memory_space<vmem>>
      tpu.wait_dma2 semaphore(%run_scoped3A_237 : memref<!tpu.dma_semaphore, #tpu.memory_space<semaphore_mem>>) src(%dma_wait3A_261 : memref<80x128xf32, #tpu.memory_space<vmem>>) dst(%dma_wait3A_257 : memref<80x128xf32, #tpu.memory_space<vmem_shared>>)
      tpu.yield
    }) : () -> ()
    %mul3A_25 = arith.constant 640 : i32
    %mul3A_26 = arith.muli %arg1, %mul3A_25 : i32
    %add3A_27 = arith.constant 320 : i32
    %add3A_28 = arith.addi %mul3A_26, %add3A_27 : i32
    %run_scoped3A_29 = arith.constant 0 : i32
    "tpu.region"() ({
      %run_scoped3A_237 = tpu.sem_alloc : memref<!tpu.dma_semaphore, #tpu.memory_space<semaphore_mem>>
      %dma_start3A_238 = arith.constant 0 : i32
      %dma_start3A_239 = arith.constant 0 : i32
      %dma_start3A_240 = tpu.memref_slice %arg14[%run_scoped3A_29, %dma_start3A_238, %dma_start3A_239] : memref<4x80x128xf32, #tpu.memory_space<vmem>> -> memref<1x80x128xf32, #tpu.memory_space<vmem>>
      %dma_start3A_241 = tpu.memref_squeeze %dma_start3A_240 : memref<1x80x128xf32, #tpu.memory_space<vmem>> -> memref<80x128xf32, #tpu.memory_space<vmem>>
      %dma_start3A_242 = arith.constant 0 : i32
      %dma_start3A_243 = tpu.memref_slice %arg15[%add3A_28, %dma_start3A_242] : memref<10240x128xf32, #tpu.memory_space<vmem_shared>> -> memref<80x128xf32, #tpu.memory_space<vmem_shared>>
      %dma_start3A_244 = arith.constant 0 : i32
      %dma_start3A_245 = tpu.memref_slice %arg15[%add3A_28, %dma_start3A_244] : memref<10240x128xf32, #tpu.memory_space<vmem_shared>> -> memref<80x128xf32, #tpu.memory_space<vmem_shared>>
      %dma_start3A_246 = arith.constant 0 : i32
      %dma_start3A_247 = arith.constant 0 : i32
      %dma_start3A_248 = tpu.memref_slice %arg14[%run_scoped3A_29, %dma_start3A_246, %dma_start3A_247] : memref<4x80x128xf32, #tpu.memory_space<vmem>> -> memref<1x80x128xf32, #tpu.memory_space<vmem>>
      %dma_start3A_249 = tpu.memref_squeeze %dma_start3A_248 : memref<1x80x128xf32, #tpu.memory_space<vmem>> -> memref<80x128xf32, #tpu.memory_space<vmem>>
      tpu.enqueue_dma source(%dma_start3A_249 : memref<80x128xf32, #tpu.memory_space<vmem>>) target(%dma_start3A_245 : memref<80x128xf32, #tpu.memory_space<vmem_shared>>) target_semaphore(%run_scoped3A_237 : memref<!tpu.dma_semaphore, #tpu.memory_space<semaphore_mem>>)
      %dma_wait3A_250 = arith.constant 0 : i32
      %dma_wait3A_251 = arith.constant 0 : i32
      %dma_wait3A_252 = tpu.memref_slice %arg14[%run_scoped3A_29, %dma_wait3A_250, %dma_wait3A_251] : memref<4x80x128xf32, #tpu.memory_space<vmem>> -> memref<1x80x128xf32, #tpu.memory_space<vmem>>
      %dma_wait3A_253 = tpu.memref_squeeze %dma_wait3A_252 : memref<1x80x128xf32, #tpu.memory_space<vmem>> -> memref<80x128xf32, #tpu.memory_space<vmem>>
      %dma_wait3A_254 = arith.constant 0 : i32
      %dma_wait3A_255 = tpu.memref_slice %arg15[%add3A_28, %dma_wait3A_254] : memref<10240x128xf32, #tpu.memory_space<vmem_shared>> -> memref<80x128xf32, #tpu.memory_space<vmem_shared>>
      %dma_wait3A_256 = arith.constant 0 : i32
      %dma_wait3A_257 = tpu.memref_slice %arg15[%add3A_28, %dma_wait3A_256] : memref<10240x128xf32, #tpu.memory_space<vmem_shared>> -> memref<80x128xf32, #tpu.memory_space<vmem_shared>>
      %dma_wait3A_258 = arith.constant 0 : i32
      %dma_wait3A_259 = arith.constant 0 : i32
      %dma_wait3A_260 = tpu.memref_slice %arg14[%run_scoped3A_29, %dma_wait3A_258, %dma_wait3A_259] : memref<4x80x128xf32, #tpu.memory_space<vmem>> -> memref<1x80x128xf32, #tpu.memory_space<vmem>>
      %dma_wait3A_261 = tpu.memref_squeeze %dma_wait3A_260 : memref<1x80x128xf32, #tpu.memory_space<vmem>> -> memref<80x128xf32, #tpu.memory_space<vmem>>
      tpu.wait_dma2 semaphore(%run_scoped3A_237 : memref<!tpu.dma_semaphore, #tpu.memory_space<semaphore_mem>>) src(%dma_wait3A_261 : memref<80x128xf32, #tpu.memory_space<vmem>>) dst(%dma_wait3A_257 : memref<80x128xf32, #tpu.memory_space<vmem_shared>>)
      tpu.yield
    }) : () -> ()
    %mul3A_30 = arith.constant 640 : i32
    %mul3A_31 = arith.muli %arg1, %mul3A_30 : i32
    %add3A_32 = arith.constant 400 : i32
    %add3A_33 = arith.addi %mul3A_31, %add3A_32 : i32
    %run_scoped3A_34 = arith.constant 0 : i32
    "tpu.region"() ({
      %run_scoped3A_237 = tpu.sem_alloc : memref<!tpu.dma_semaphore, #tpu.memory_space<semaphore_mem>>
      %dma_start3A_238 = arith.constant 0 : i32
      %dma_start3A_239 = arith.constant 0 : i32
      %dma_start3A_240 = tpu.memref_slice %arg14[%run_scoped3A_34, %dma_start3A_238, %dma_start3A_239] : memref<4x80x128xf32, #tpu.memory_space<vmem>> -> memref<1x80x128xf32, #tpu.memory_space<vmem>>
      %dma_start3A_241 = tpu.memref_squeeze %dma_start3A_240 : memref<1x80x128xf32, #tpu.memory_space<vmem>> -> memref<80x128xf32, #tpu.memory_space<vmem>>
      %dma_start3A_242 = arith.constant 0 : i32
      %dma_start3A_243 = tpu.memref_slice %arg15[%add3A_33, %dma_start3A_242] : memref<10240x128xf32, #tpu.memory_space<vmem_shared>> -> memref<80x128xf32, #tpu.memory_space<vmem_shared>>
      %dma_start3A_244 = arith.constant 0 : i32
      %dma_start3A_245 = tpu.memref_slice %arg15[%add3A_33, %dma_start3A_244] : memref<10240x128xf32, #tpu.memory_space<vmem_shared>> -> memref<80x128xf32, #tpu.memory_space<vmem_shared>>
      %dma_start3A_246 = arith.constant 0 : i32
      %dma_start3A_247 = arith.constant 0 : i32
      %dma_start3A_248 = tpu.memref_slice %arg14[%run_scoped3A_34, %dma_start3A_246, %dma_start3A_247] : memref<4x80x128xf32, #tpu.memory_space<vmem>> -> memref<1x80x128xf32, #tpu.memory_space<vmem>>
      %dma_start3A_249 = tpu.memref_squeeze %dma_start3A_248 : memref<1x80x128xf32, #tpu.memory_space<vmem>> -> memref<80x128xf32, #tpu.memory_space<vmem>>
      tpu.enqueue_dma source(%dma_start3A_249 : memref<80x128xf32, #tpu.memory_space<vmem>>) target(%dma_start3A_245 : memref<80x128xf32, #tpu.memory_space<vmem_shared>>) target_semaphore(%run_scoped3A_237 : memref<!tpu.dma_semaphore, #tpu.memory_space<semaphore_mem>>)
      %dma_wait3A_250 = arith.constant 0 : i32
      %dma_wait3A_251 = arith.constant 0 : i32
      %dma_wait3A_252 = tpu.memref_slice %arg14[%run_scoped3A_34, %dma_wait3A_250, %dma_wait3A_251] : memref<4x80x128xf32, #tpu.memory_space<vmem>> -> memref<1x80x128xf32, #tpu.memory_space<vmem>>
      %dma_wait3A_253 = tpu.memref_squeeze %dma_wait3A_252 : memref<1x80x128xf32, #tpu.memory_space<vmem>> -> memref<80x128xf32, #tpu.memory_space<vmem>>
      %dma_wait3A_254 = arith.constant 0 : i32
      %dma_wait3A_255 = tpu.memref_slice %arg15[%add3A_33, %dma_wait3A_254] : memref<10240x128xf32, #tpu.memory_space<vmem_shared>> -> memref<80x128xf32, #tpu.memory_space<vmem_shared>>
      %dma_wait3A_256 = arith.constant 0 : i32
      %dma_wait3A_257 = tpu.memref_slice %arg15[%add3A_33, %dma_wait3A_256] : memref<10240x128xf32, #tpu.memory_space<vmem_shared>> -> memref<80x128xf32, #tpu.memory_space<vmem_shared>>
      %dma_wait3A_258 = arith.constant 0 : i32
      %dma_wait3A_259 = arith.constant 0 : i32
      %dma_wait3A_260 = tpu.memref_slice %arg14[%run_scoped3A_34, %dma_wait3A_258, %dma_wait3A_259] : memref<4x80x128xf32, #tpu.memory_space<vmem>> -> memref<1x80x128xf32, #tpu.memory_space<vmem>>
      %dma_wait3A_261 = tpu.memref_squeeze %dma_wait3A_260 : memref<1x80x128xf32, #tpu.memory_space<vmem>> -> memref<80x128xf32, #tpu.memory_space<vmem>>
      tpu.wait_dma2 semaphore(%run_scoped3A_237 : memref<!tpu.dma_semaphore, #tpu.memory_space<semaphore_mem>>) src(%dma_wait3A_261 : memref<80x128xf32, #tpu.memory_space<vmem>>) dst(%dma_wait3A_257 : memref<80x128xf32, #tpu.memory_space<vmem_shared>>)
      tpu.yield
    }) : () -> ()
    %mul3A_35 = arith.constant 640 : i32
    %mul3A_36 = arith.muli %arg1, %mul3A_35 : i32
    %add3A_37 = arith.constant 480 : i32
    %add3A_38 = arith.addi %mul3A_36, %add3A_37 : i32
    %run_scoped3A_39 = arith.constant 0 : i32
    "tpu.region"() ({
      %run_scoped3A_237 = tpu.sem_alloc : memref<!tpu.dma_semaphore, #tpu.memory_space<semaphore_mem>>
      %dma_start3A_238 = arith.constant 0 : i32
      %dma_start3A_239 = arith.constant 0 : i32
      %dma_start3A_240 = tpu.memref_slice %arg14[%run_scoped3A_39, %dma_start3A_238, %dma_start3A_239] : memref<4x80x128xf32, #tpu.memory_space<vmem>> -> memref<1x80x128xf32, #tpu.memory_space<vmem>>
      %dma_start3A_241 = tpu.memref_squeeze %dma_start3A_240 : memref<1x80x128xf32, #tpu.memory_space<vmem>> -> memref<80x128xf32, #tpu.memory_space<vmem>>
      %dma_start3A_242 = arith.constant 0 : i32
      %dma_start3A_243 = tpu.memref_slice %arg15[%add3A_38, %dma_start3A_242] : memref<10240x128xf32, #tpu.memory_space<vmem_shared>> -> memref<80x128xf32, #tpu.memory_space<vmem_shared>>
      %dma_start3A_244 = arith.constant 0 : i32
      %dma_start3A_245 = tpu.memref_slice %arg15[%add3A_38, %dma_start3A_244] : memref<10240x128xf32, #tpu.memory_space<vmem_shared>> -> memref<80x128xf32, #tpu.memory_space<vmem_shared>>
      %dma_start3A_246 = arith.constant 0 : i32
      %dma_start3A_247 = arith.constant 0 : i32
      %dma_start3A_248 = tpu.memref_slice %arg14[%run_scoped3A_39, %dma_start3A_246, %dma_start3A_247] : memref<4x80x128xf32, #tpu.memory_space<vmem>> -> memref<1x80x128xf32, #tpu.memory_space<vmem>>
      %dma_start3A_249 = tpu.memref_squeeze %dma_start3A_248 : memref<1x80x128xf32, #tpu.memory_space<vmem>> -> memref<80x128xf32, #tpu.memory_space<vmem>>
      tpu.enqueue_dma source(%dma_start3A_249 : memref<80x128xf32, #tpu.memory_space<vmem>>) target(%dma_start3A_245 : memref<80x128xf32, #tpu.memory_space<vmem_shared>>) target_semaphore(%run_scoped3A_237 : memref<!tpu.dma_semaphore, #tpu.memory_space<semaphore_mem>>)
      %dma_wait3A_250 = arith.constant 0 : i32
      %dma_wait3A_251 = arith.constant 0 : i32
      %dma_wait3A_252 = tpu.memref_slice %arg14[%run_scoped3A_39, %dma_wait3A_250, %dma_wait3A_251] : memref<4x80x128xf32, #tpu.memory_space<vmem>> -> memref<1x80x128xf32, #tpu.memory_space<vmem>>
      %dma_wait3A_253 = tpu.memref_squeeze %dma_wait3A_252 : memref<1x80x128xf32, #tpu.memory_space<vmem>> -> memref<80x128xf32, #tpu.memory_space<vmem>>
      %dma_wait3A_254 = arith.constant 0 : i32
      %dma_wait3A_255 = tpu.memref_slice %arg15[%add3A_38, %dma_wait3A_254] : memref<10240x128xf32, #tpu.memory_space<vmem_shared>> -> memref<80x128xf32, #tpu.memory_space<vmem_shared>>
      %dma_wait3A_256 = arith.constant 0 : i32
      %dma_wait3A_257 = tpu.memref_slice %arg15[%add3A_38, %dma_wait3A_256] : memref<10240x128xf32, #tpu.memory_space<vmem_shared>> -> memref<80x128xf32, #tpu.memory_space<vmem_shared>>
      %dma_wait3A_258 = arith.constant 0 : i32
      %dma_wait3A_259 = arith.constant 0 : i32
      %dma_wait3A_260 = tpu.memref_slice %arg14[%run_scoped3A_39, %dma_wait3A_258, %dma_wait3A_259] : memref<4x80x128xf32, #tpu.memory_space<vmem>> -> memref<1x80x128xf32, #tpu.memory_space<vmem>>
      %dma_wait3A_261 = tpu.memref_squeeze %dma_wait3A_260 : memref<1x80x128xf32, #tpu.memory_space<vmem>> -> memref<80x128xf32, #tpu.memory_space<vmem>>
      tpu.wait_dma2 semaphore(%run_scoped3A_237 : memref<!tpu.dma_semaphore, #tpu.memory_space<semaphore_mem>>) src(%dma_wait3A_261 : memref<80x128xf32, #tpu.memory_space<vmem>>) dst(%dma_wait3A_257 : memref<80x128xf32, #tpu.memory_space<vmem_shared>>)
      tpu.yield
    }) : () -> ()
    %mul3A_40 = arith.constant 640 : i32
    %mul3A_41 = arith.muli %arg1, %mul3A_40 : i32
    %add3A_42 = arith.constant 560 : i32
    %add3A_43 = arith.addi %mul3A_41, %add3A_42 : i32
    %run_scoped3A_44 = arith.constant 0 : i32
    "tpu.region"() ({
      %run_scoped3A_237 = tpu.sem_alloc : memref<!tpu.dma_semaphore, #tpu.memory_space<semaphore_mem>>
      %dma_start3A_238 = arith.constant 0 : i32
      %dma_start3A_239 = arith.constant 0 : i32
      %dma_start3A_240 = tpu.memref_slice %arg14[%run_scoped3A_44, %dma_start3A_238, %dma_start3A_239] : memref<4x80x128xf32, #tpu.memory_space<vmem>> -> memref<1x80x128xf32, #tpu.memory_space<vmem>>
      %dma_start3A_241 = tpu.memref_squeeze %dma_start3A_240 : memref<1x80x128xf32, #tpu.memory_space<vmem>> -> memref<80x128xf32, #tpu.memory_space<vmem>>
      %dma_start3A_242 = arith.constant 0 : i32
      %dma_start3A_243 = tpu.memref_slice %arg15[%add3A_43, %dma_start3A_242] : memref<10240x128xf32, #tpu.memory_space<vmem_shared>> -> memref<80x128xf32, #tpu.memory_space<vmem_shared>>
      %dma_start3A_244 = arith.constant 0 : i32
      %dma_start3A_245 = tpu.memref_slice %arg15[%add3A_43, %dma_start3A_244] : memref<10240x128xf32, #tpu.memory_space<vmem_shared>> -> memref<80x128xf32, #tpu.memory_space<vmem_shared>>
      %dma_start3A_246 = arith.constant 0 : i32
      %dma_start3A_247 = arith.constant 0 : i32
      %dma_start3A_248 = tpu.memref_slice %arg14[%run_scoped3A_44, %dma_start3A_246, %dma_start3A_247] : memref<4x80x128xf32, #tpu.memory_space<vmem>> -> memref<1x80x128xf32, #tpu.memory_space<vmem>>
      %dma_start3A_249 = tpu.memref_squeeze %dma_start3A_248 : memref<1x80x128xf32, #tpu.memory_space<vmem>> -> memref<80x128xf32, #tpu.memory_space<vmem>>
      tpu.enqueue_dma source(%dma_start3A_249 : memref<80x128xf32, #tpu.memory_space<vmem>>) target(%dma_start3A_245 : memref<80x128xf32, #tpu.memory_space<vmem_shared>>) target_semaphore(%run_scoped3A_237 : memref<!tpu.dma_semaphore, #tpu.memory_space<semaphore_mem>>)
      %dma_wait3A_250 = arith.constant 0 : i32
      %dma_wait3A_251 = arith.constant 0 : i32
      %dma_wait3A_252 = tpu.memref_slice %arg14[%run_scoped3A_44, %dma_wait3A_250, %dma_wait3A_251] : memref<4x80x128xf32, #tpu.memory_space<vmem>> -> memref<1x80x128xf32, #tpu.memory_space<vmem>>
      %dma_wait3A_253 = tpu.memref_squeeze %dma_wait3A_252 : memref<1x80x128xf32, #tpu.memory_space<vmem>> -> memref<80x128xf32, #tpu.memory_space<vmem>>
      %dma_wait3A_254 = arith.constant 0 : i32
      %dma_wait3A_255 = tpu.memref_slice %arg15[%add3A_43, %dma_wait3A_254] : memref<10240x128xf32, #tpu.memory_space<vmem_shared>> -> memref<80x128xf32, #tpu.memory_space<vmem_shared>>
      %dma_wait3A_256 = arith.constant 0 : i32
      %dma_wait3A_257 = tpu.memref_slice %arg15[%add3A_43, %dma_wait3A_256] : memref<10240x128xf32, #tpu.memory_space<vmem_shared>> -> memref<80x128xf32, #tpu.memory_space<vmem_shared>>
      %dma_wait3A_258 = arith.constant 0 : i32
      %dma_wait3A_259 = arith.constant 0 : i32
      %dma_wait3A_260 = tpu.memref_slice %arg14[%run_scoped3A_44, %dma_wait3A_258, %dma_wait3A_259] : memref<4x80x128xf32, #tpu.memory_space<vmem>> -> memref<1x80x128xf32, #tpu.memory_space<vmem>>
      %dma_wait3A_261 = tpu.memref_squeeze %dma_wait3A_260 : memref<1x80x128xf32, #tpu.memory_space<vmem>> -> memref<80x128xf32, #tpu.memory_space<vmem>>
      tpu.wait_dma2 semaphore(%run_scoped3A_237 : memref<!tpu.dma_semaphore, #tpu.memory_space<semaphore_mem>>) src(%dma_wait3A_261 : memref<80x128xf32, #tpu.memory_space<vmem>>) dst(%dma_wait3A_257 : memref<80x128xf32, #tpu.memory_space<vmem_shared>>)
      tpu.yield
    }) : () -> ()
    %barrier3A = arith.constant 0 : index
    tpu.barrier barrier_id(%barrier3A)
    %mul3A_45 = arith.constant 10240 : i32
    %mul3A_46 = arith.muli %add3A, %mul3A_45 : i32
    %add3A_47 = arith.constant 0 : i32
    %add3A_48 = arith.addi %mul3A_46, %add3A_47 : i32
    %add3A_49 = arith.constant 0 : i32
    %add3A_50 = arith.addi %add3A_48, %add3A_49 : i32
    %dma_start3A = tpu.memref_slice %arg2[%add3A_50] : memref<327680xi32, #tpu.memory_space<hbm>> -> memref<80xi32, #tpu.memory_space<hbm>>
    %dma_start3A_51 = tpu.memref_slice %arg2[%add3A_50] : memref<327680xi32, #tpu.memory_space<hbm>> -> memref<80xi32, #tpu.memory_space<hbm>>
    tpu.enqueue_dma source(%dma_start3A_51 : memref<80xi32, #tpu.memory_space<hbm>>) target(%arg6 : memref<80xi32, #tpu.memory_space<vmem>>) target_semaphore(%arg24 : memref<!tpu.dma_semaphore, #tpu.memory_space<semaphore_mem>>)
    %add3A_52 = arith.constant 0 : i32
    %add3A_53 = arith.addi %add3A_48, %add3A_52 : i32
    %dma_start3A_54 = tpu.memref_slice %arg3[%add3A_53] : memref<327680xi32, #tpu.memory_space<hbm>> -> memref<80xi32, #tpu.memory_space<hbm>>
    %dma_start3A_55 = tpu.memref_slice %arg3[%add3A_53] : memref<327680xi32, #tpu.memory_space<hbm>> -> memref<80xi32, #tpu.memory_space<hbm>>
    tpu.enqueue_dma source(%dma_start3A_55 : memref<80xi32, #tpu.memory_space<hbm>>) target(%arg10 : memref<80xi32, #tpu.memory_space<vmem>>) target_semaphore(%arg28 : memref<!tpu.dma_semaphore, #tpu.memory_space<semaphore_mem>>)
    %add3A_56 = arith.constant 80 : i32
    %add3A_57 = arith.addi %add3A_48, %add3A_56 : i32
    %dma_start3A_58 = tpu.memref_slice %arg2[%add3A_57] : memref<327680xi32, #tpu.memory_space<hbm>> -> memref<80xi32, #tpu.memory_space<hbm>>
    %dma_start3A_59 = tpu.memref_slice %arg2[%add3A_57] : memref<327680xi32, #tpu.memory_space<hbm>> -> memref<80xi32, #tpu.memory_space<hbm>>
    tpu.enqueue_dma source(%dma_start3A_59 : memref<80xi32, #tpu.memory_space<hbm>>) target(%arg7 : memref<80xi32, #tpu.memory_space<vmem>>) target_semaphore(%arg25 : memref<!tpu.dma_semaphore, #tpu.memory_space<semaphore_mem>>)
    %add3A_60 = arith.constant 80 : i32
    %add3A_61 = arith.addi %add3A_48, %add3A_60 : i32
    %dma_start3A_62 = tpu.memref_slice %arg3[%add3A_61] : memref<327680xi32, #tpu.memory_space<hbm>> -> memref<80xi32, #tpu.memory_space<hbm>>
    %dma_start3A_63 = tpu.memref_slice %arg3[%add3A_61] : memref<327680xi32, #tpu.memory_space<hbm>> -> memref<80xi32, #tpu.memory_space<hbm>>
    tpu.enqueue_dma source(%dma_start3A_63 : memref<80xi32, #tpu.memory_space<hbm>>) target(%arg11 : memref<80xi32, #tpu.memory_space<vmem>>) target_semaphore(%arg29 : memref<!tpu.dma_semaphore, #tpu.memory_space<semaphore_mem>>)
    %add3A_64 = arith.constant 160 : i32
    %add3A_65 = arith.addi %add3A_48, %add3A_64 : i32
    %dma_start3A_66 = tpu.memref_slice %arg2[%add3A_65] : memref<327680xi32, #tpu.memory_space<hbm>> -> memref<80xi32, #tpu.memory_space<hbm>>
    %dma_start3A_67 = tpu.memref_slice %arg2[%add3A_65] : memref<327680xi32, #tpu.memory_space<hbm>> -> memref<80xi32, #tpu.memory_space<hbm>>
    tpu.enqueue_dma source(%dma_start3A_67 : memref<80xi32, #tpu.memory_space<hbm>>) target(%arg8 : memref<80xi32, #tpu.memory_space<vmem>>) target_semaphore(%arg26 : memref<!tpu.dma_semaphore, #tpu.memory_space<semaphore_mem>>)
    %add3A_68 = arith.constant 160 : i32
    %add3A_69 = arith.addi %add3A_48, %add3A_68 : i32
    %dma_start3A_70 = tpu.memref_slice %arg3[%add3A_69] : memref<327680xi32, #tpu.memory_space<hbm>> -> memref<80xi32, #tpu.memory_space<hbm>>
    %dma_start3A_71 = tpu.memref_slice %arg3[%add3A_69] : memref<327680xi32, #tpu.memory_space<hbm>> -> memref<80xi32, #tpu.memory_space<hbm>>
    tpu.enqueue_dma source(%dma_start3A_71 : memref<80xi32, #tpu.memory_space<hbm>>) target(%arg12 : memref<80xi32, #tpu.memory_space<vmem>>) target_semaphore(%arg30 : memref<!tpu.dma_semaphore, #tpu.memory_space<semaphore_mem>>)
    %add3A_72 = arith.constant 240 : i32
    %add3A_73 = arith.addi %add3A_48, %add3A_72 : i32
    %dma_start3A_74 = tpu.memref_slice %arg2[%add3A_73] : memref<327680xi32, #tpu.memory_space<hbm>> -> memref<80xi32, #tpu.memory_space<hbm>>
    %dma_start3A_75 = tpu.memref_slice %arg2[%add3A_73] : memref<327680xi32, #tpu.memory_space<hbm>> -> memref<80xi32, #tpu.memory_space<hbm>>
    tpu.enqueue_dma source(%dma_start3A_75 : memref<80xi32, #tpu.memory_space<hbm>>) target(%arg9 : memref<80xi32, #tpu.memory_space<vmem>>) target_semaphore(%arg27 : memref<!tpu.dma_semaphore, #tpu.memory_space<semaphore_mem>>)
    %add3A_76 = arith.constant 240 : i32
    %add3A_77 = arith.addi %add3A_48, %add3A_76 : i32
    %dma_start3A_78 = tpu.memref_slice %arg3[%add3A_77] : memref<327680xi32, #tpu.memory_space<hbm>> -> memref<80xi32, #tpu.memory_space<hbm>>
    %dma_start3A_79 = tpu.memref_slice %arg3[%add3A_77] : memref<327680xi32, #tpu.memory_space<hbm>> -> memref<80xi32, #tpu.memory_space<hbm>>
    tpu.enqueue_dma source(%dma_start3A_79 : memref<80xi32, #tpu.memory_space<hbm>>) target(%arg13 : memref<80xi32, #tpu.memory_space<vmem>>) target_semaphore(%arg31 : memref<!tpu.dma_semaphore, #tpu.memory_space<semaphore_mem>>)
    %dma_wait3A = tpu.memref_slice %arg2[%add3A_50] : memref<327680xi32, #tpu.memory_space<hbm>> -> memref<80xi32, #tpu.memory_space<hbm>>
    %dma_wait3A_80 = tpu.memref_slice %arg2[%add3A_50] : memref<327680xi32, #tpu.memory_space<hbm>> -> memref<80xi32, #tpu.memory_space<hbm>>
    tpu.wait_dma2 semaphore(%arg24 : memref<!tpu.dma_semaphore, #tpu.memory_space<semaphore_mem>>) src(%dma_wait3A_80 : memref<80xi32, #tpu.memory_space<hbm>>) dst(%arg6 : memref<80xi32, #tpu.memory_space<vmem>>)
    %dma_start3A_81 = arith.constant 0 : i32
    %dma_start3A_82 = arith.constant 0 : i32
    %dma_start3A_83 = arith.constant 0 : i32
    %dma_start3A_84 = tpu.memref_slice %arg14[%dma_start3A_81, %dma_start3A_82, %dma_start3A_83] : memref<4x80x128xf32, #tpu.memory_space<vmem>> -> memref<1x80x128xf32, #tpu.memory_space<vmem>>
    %dma_start3A_85 = tpu.memref_squeeze %dma_start3A_84 : memref<1x80x128xf32, #tpu.memory_space<vmem>> -> memref<80x128xf32, #tpu.memory_space<vmem>>
    %dma_start3A_86 = arith.constant 0 : i32
    %dma_start3A_87 = arith.constant 0 : i32
    %dma_start3A_88 = tpu.memref_slice %arg4[%dma_start3A_86, %dma_start3A_87] : memref<10240x128xf32, #tpu.memory_space<hbm>> -> memref<10240x128xf32, #tpu.memory_space<hbm>>
    tpu.enqueue_indirect_dma source(%dma_start3A_88 : memref<10240x128xf32, #tpu.memory_space<hbm>>) target(%dma_start3A_85 : memref<80x128xf32, #tpu.memory_space<vmem>>) offsets(%arg6 : memref<80xi32, #tpu.memory_space<vmem>>) semaphore(%arg16 : memref<!tpu.dma_semaphore, #tpu.memory_space<semaphore_mem>>)
    %dma_wait3A_89 = tpu.memref_slice %arg2[%add3A_57] : memref<327680xi32, #tpu.memory_space<hbm>> -> memref<80xi32, #tpu.memory_space<hbm>>
    %dma_wait3A_90 = tpu.memref_slice %arg2[%add3A_57] : memref<327680xi32, #tpu.memory_space<hbm>> -> memref<80xi32, #tpu.memory_space<hbm>>
    tpu.wait_dma2 semaphore(%arg25 : memref<!tpu.dma_semaphore, #tpu.memory_space<semaphore_mem>>) src(%dma_wait3A_90 : memref<80xi32, #tpu.memory_space<hbm>>) dst(%arg7 : memref<80xi32, #tpu.memory_space<vmem>>)
    %dma_start3A_91 = arith.constant 1 : i32
    %dma_start3A_92 = arith.constant 0 : i32
    %dma_start3A_93 = arith.constant 0 : i32
    %dma_start3A_94 = tpu.memref_slice %arg14[%dma_start3A_91, %dma_start3A_92, %dma_start3A_93] : memref<4x80x128xf32, #tpu.memory_space<vmem>> -> memref<1x80x128xf32, #tpu.memory_space<vmem>>
    %dma_start3A_95 = tpu.memref_squeeze %dma_start3A_94 : memref<1x80x128xf32, #tpu.memory_space<vmem>> -> memref<80x128xf32, #tpu.memory_space<vmem>>
    %dma_start3A_96 = arith.constant 0 : i32
    %dma_start3A_97 = arith.constant 0 : i32
    %dma_start3A_98 = tpu.memref_slice %arg4[%dma_start3A_96, %dma_start3A_97] : memref<10240x128xf32, #tpu.memory_space<hbm>> -> memref<10240x128xf32, #tpu.memory_space<hbm>>
    tpu.enqueue_indirect_dma source(%dma_start3A_98 : memref<10240x128xf32, #tpu.memory_space<hbm>>) target(%dma_start3A_95 : memref<80x128xf32, #tpu.memory_space<vmem>>) offsets(%arg7 : memref<80xi32, #tpu.memory_space<vmem>>) semaphore(%arg17 : memref<!tpu.dma_semaphore, #tpu.memory_space<semaphore_mem>>)
    %dma_wait3A_99 = tpu.memref_slice %arg2[%add3A_65] : memref<327680xi32, #tpu.memory_space<hbm>> -> memref<80xi32, #tpu.memory_space<hbm>>
    %dma_wait3A_100 = tpu.memref_slice %arg2[%add3A_65] : memref<327680xi32, #tpu.memory_space<hbm>> -> memref<80xi32, #tpu.memory_space<hbm>>
    tpu.wait_dma2 semaphore(%arg26 : memref<!tpu.dma_semaphore, #tpu.memory_space<semaphore_mem>>) src(%dma_wait3A_100 : memref<80xi32, #tpu.memory_space<hbm>>) dst(%arg8 : memref<80xi32, #tpu.memory_space<vmem>>)
    %dma_start3A_101 = arith.constant 2 : i32
    %dma_start3A_102 = arith.constant 0 : i32
    %dma_start3A_103 = arith.constant 0 : i32
    %dma_start3A_104 = tpu.memref_slice %arg14[%dma_start3A_101, %dma_start3A_102, %dma_start3A_103] : memref<4x80x128xf32, #tpu.memory_space<vmem>> -> memref<1x80x128xf32, #tpu.memory_space<vmem>>
    %dma_start3A_105 = tpu.memref_squeeze %dma_start3A_104 : memref<1x80x128xf32, #tpu.memory_space<vmem>> -> memref<80x128xf32, #tpu.memory_space<vmem>>
    %dma_start3A_106 = arith.constant 0 : i32
    %dma_start3A_107 = arith.constant 0 : i32
    %dma_start3A_108 = tpu.memref_slice %arg4[%dma_start3A_106, %dma_start3A_107] : memref<10240x128xf32, #tpu.memory_space<hbm>> -> memref<10240x128xf32, #tpu.memory_space<hbm>>
    tpu.enqueue_indirect_dma source(%dma_start3A_108 : memref<10240x128xf32, #tpu.memory_space<hbm>>) target(%dma_start3A_105 : memref<80x128xf32, #tpu.memory_space<vmem>>) offsets(%arg8 : memref<80xi32, #tpu.memory_space<vmem>>) semaphore(%arg18 : memref<!tpu.dma_semaphore, #tpu.memory_space<semaphore_mem>>)
    %dma_wait3A_109 = tpu.memref_slice %arg2[%add3A_73] : memref<327680xi32, #tpu.memory_space<hbm>> -> memref<80xi32, #tpu.memory_space<hbm>>
    %dma_wait3A_110 = tpu.memref_slice %arg2[%add3A_73] : memref<327680xi32, #tpu.memory_space<hbm>> -> memref<80xi32, #tpu.memory_space<hbm>>
    tpu.wait_dma2 semaphore(%arg27 : memref<!tpu.dma_semaphore, #tpu.memory_space<semaphore_mem>>) src(%dma_wait3A_110 : memref<80xi32, #tpu.memory_space<hbm>>) dst(%arg9 : memref<80xi32, #tpu.memory_space<vmem>>)
    %dma_start3A_111 = arith.constant 3 : i32
    %dma_start3A_112 = arith.constant 0 : i32
    %dma_start3A_113 = arith.constant 0 : i32
    %dma_start3A_114 = tpu.memref_slice %arg14[%dma_start3A_111, %dma_start3A_112, %dma_start3A_113] : memref<4x80x128xf32, #tpu.memory_space<vmem>> -> memref<1x80x128xf32, #tpu.memory_space<vmem>>
    %dma_start3A_115 = tpu.memref_squeeze %dma_start3A_114 : memref<1x80x128xf32, #tpu.memory_space<vmem>> -> memref<80x128xf32, #tpu.memory_space<vmem>>
    %dma_start3A_116 = arith.constant 0 : i32
    %dma_start3A_117 = arith.constant 0 : i32
    %dma_start3A_118 = tpu.memref_slice %arg4[%dma_start3A_116, %dma_start3A_117] : memref<10240x128xf32, #tpu.memory_space<hbm>> -> memref<10240x128xf32, #tpu.memory_space<hbm>>
    tpu.enqueue_indirect_dma source(%dma_start3A_118 : memref<10240x128xf32, #tpu.memory_space<hbm>>) target(%dma_start3A_115 : memref<80x128xf32, #tpu.memory_space<vmem>>) offsets(%arg9 : memref<80xi32, #tpu.memory_space<vmem>>) semaphore(%arg19 : memref<!tpu.dma_semaphore, #tpu.memory_space<semaphore_mem>>)
    %dma_wait3A_119 = arith.constant 0 : i32
    %dma_wait3A_120 = arith.constant 0 : i32
    %dma_wait3A_121 = arith.constant 0 : i32
    %dma_wait3A_122 = tpu.memref_slice %arg14[%dma_wait3A_119, %dma_wait3A_120, %dma_wait3A_121] : memref<4x80x128xf32, #tpu.memory_space<vmem>> -> memref<1x80x128xf32, #tpu.memory_space<vmem>>
    %dma_wait3A_123 = tpu.memref_squeeze %dma_wait3A_122 : memref<1x80x128xf32, #tpu.memory_space<vmem>> -> memref<80x128xf32, #tpu.memory_space<vmem>>
    %dma_wait3A_124 = arith.constant 0 : i32
    %dma_wait3A_125 = arith.constant 0 : i32
    %dma_wait3A_126 = tpu.memref_slice %arg4[%dma_wait3A_124, %dma_wait3A_125] : memref<10240x128xf32, #tpu.memory_space<hbm>> -> memref<10240x128xf32, #tpu.memory_space<hbm>>
    tpu.wait_indirect_dma semaphore(%arg16 : memref<!tpu.dma_semaphore, #tpu.memory_space<semaphore_mem>>) src(%dma_wait3A_126 : memref<10240x128xf32, #tpu.memory_space<hbm>>) dst(%dma_wait3A_123 : memref<80x128xf32, #tpu.memory_space<vmem>>)
    %dma_wait3A_127 = tpu.memref_slice %arg3[%add3A_53] : memref<327680xi32, #tpu.memory_space<hbm>> -> memref<80xi32, #tpu.memory_space<hbm>>
    %dma_wait3A_128 = tpu.memref_slice %arg3[%add3A_53] : memref<327680xi32, #tpu.memory_space<hbm>> -> memref<80xi32, #tpu.memory_space<hbm>>
    tpu.wait_dma2 semaphore(%arg28 : memref<!tpu.dma_semaphore, #tpu.memory_space<semaphore_mem>>) src(%dma_wait3A_128 : memref<80xi32, #tpu.memory_space<hbm>>) dst(%arg10 : memref<80xi32, #tpu.memory_space<vmem>>)
    %dma_start3A_129 = arith.constant 0 : i32
    %dma_start3A_130 = arith.constant 0 : i32
    %dma_start3A_131 = arith.constant 0 : i32
    %dma_start3A_132 = tpu.memref_slice %arg14[%dma_start3A_129, %dma_start3A_130, %dma_start3A_131] : memref<4x80x128xf32, #tpu.memory_space<vmem>> -> memref<1x80x128xf32, #tpu.memory_space<vmem>>
    %dma_start3A_133 = tpu.memref_squeeze %dma_start3A_132 : memref<1x80x128xf32, #tpu.memory_space<vmem>> -> memref<80x128xf32, #tpu.memory_space<vmem>>
    %dma_start3A_134 = arith.constant 0 : i32
    %dma_start3A_135 = arith.constant 0 : i32
    %dma_start3A_136 = tpu.memref_slice %arg15[%dma_start3A_134, %dma_start3A_135] : memref<10240x128xf32, #tpu.memory_space<vmem_shared>> -> memref<10240x128xf32, #tpu.memory_space<vmem_shared>>
    tpu.enqueue_indirect_dma source(%dma_start3A_133 : memref<80x128xf32, #tpu.memory_space<vmem>>) target(%dma_start3A_136 : memref<10240x128xf32, #tpu.memory_space<vmem_shared>>) offsets(%arg10 : memref<80xi32, #tpu.memory_space<vmem>>) semaphore(%arg20 : memref<!tpu.dma_semaphore, #tpu.memory_space<semaphore_mem>>) {add = true}
    %dma_wait3A_137 = arith.constant 1 : i32
    %dma_wait3A_138 = arith.constant 0 : i32
    %dma_wait3A_139 = arith.constant 0 : i32
    %dma_wait3A_140 = tpu.memref_slice %arg14[%dma_wait3A_137, %dma_wait3A_138, %dma_wait3A_139] : memref<4x80x128xf32, #tpu.memory_space<vmem>> -> memref<1x80x128xf32, #tpu.memory_space<vmem>>
    %dma_wait3A_141 = tpu.memref_squeeze %dma_wait3A_140 : memref<1x80x128xf32, #tpu.memory_space<vmem>> -> memref<80x128xf32, #tpu.memory_space<vmem>>
    %dma_wait3A_142 = arith.constant 0 : i32
    %dma_wait3A_143 = arith.constant 0 : i32
    %dma_wait3A_144 = tpu.memref_slice %arg4[%dma_wait3A_142, %dma_wait3A_143] : memref<10240x128xf32, #tpu.memory_space<hbm>> -> memref<10240x128xf32, #tpu.memory_space<hbm>>
    tpu.wait_indirect_dma semaphore(%arg17 : memref<!tpu.dma_semaphore, #tpu.memory_space<semaphore_mem>>) src(%dma_wait3A_144 : memref<10240x128xf32, #tpu.memory_space<hbm>>) dst(%dma_wait3A_141 : memref<80x128xf32, #tpu.memory_space<vmem>>)
    %dma_wait3A_145 = tpu.memref_slice %arg3[%add3A_61] : memref<327680xi32, #tpu.memory_space<hbm>> -> memref<80xi32, #tpu.memory_space<hbm>>
    %dma_wait3A_146 = tpu.memref_slice %arg3[%add3A_61] : memref<327680xi32, #tpu.memory_space<hbm>> -> memref<80xi32, #tpu.memory_space<hbm>>
    tpu.wait_dma2 semaphore(%arg29 : memref<!tpu.dma_semaphore, #tpu.memory_space<semaphore_mem>>) src(%dma_wait3A_146 : memref<80xi32, #tpu.memory_space<hbm>>) dst(%arg11 : memref<80xi32, #tpu.memory_space<vmem>>)
    %dma_start3A_147 = arith.constant 1 : i32
    %dma_start3A_148 = arith.constant 0 : i32
    %dma_start3A_149 = arith.constant 0 : i32
    %dma_start3A_150 = tpu.memref_slice %arg14[%dma_start3A_147, %dma_start3A_148, %dma_start3A_149] : memref<4x80x128xf32, #tpu.memory_space<vmem>> -> memref<1x80x128xf32, #tpu.memory_space<vmem>>
    %dma_start3A_151 = tpu.memref_squeeze %dma_start3A_150 : memref<1x80x128xf32, #tpu.memory_space<vmem>> -> memref<80x128xf32, #tpu.memory_space<vmem>>
    %dma_start3A_152 = arith.constant 0 : i32
    %dma_start3A_153 = arith.constant 0 : i32
    %dma_start3A_154 = tpu.memref_slice %arg15[%dma_start3A_152, %dma_start3A_153] : memref<10240x128xf32, #tpu.memory_space<vmem_shared>> -> memref<10240x128xf32, #tpu.memory_space<vmem_shared>>
    tpu.enqueue_indirect_dma source(%dma_start3A_151 : memref<80x128xf32, #tpu.memory_space<vmem>>) target(%dma_start3A_154 : memref<10240x128xf32, #tpu.memory_space<vmem_shared>>) offsets(%arg11 : memref<80xi32, #tpu.memory_space<vmem>>) semaphore(%arg21 : memref<!tpu.dma_semaphore, #tpu.memory_space<semaphore_mem>>) {add = true}
    %dma_wait3A_155 = arith.constant 2 : i32
    %dma_wait3A_156 = arith.constant 0 : i32
    %dma_wait3A_157 = arith.constant 0 : i32
    %dma_wait3A_158 = tpu.memref_slice %arg14[%dma_wait3A_155, %dma_wait3A_156, %dma_wait3A_157] : memref<4x80x128xf32, #tpu.memory_space<vmem>> -> memref<1x80x128xf32, #tpu.memory_space<vmem>>
    %dma_wait3A_159 = tpu.memref_squeeze %dma_wait3A_158 : memref<1x80x128xf32, #tpu.memory_space<vmem>> -> memref<80x128xf32, #tpu.memory_space<vmem>>
    %dma_wait3A_160 = arith.constant 0 : i32
    %dma_wait3A_161 = arith.constant 0 : i32
    %dma_wait3A_162 = tpu.memref_slice %arg4[%dma_wait3A_160, %dma_wait3A_161] : memref<10240x128xf32, #tpu.memory_space<hbm>> -> memref<10240x128xf32, #tpu.memory_space<hbm>>
    tpu.wait_indirect_dma semaphore(%arg18 : memref<!tpu.dma_semaphore, #tpu.memory_space<semaphore_mem>>) src(%dma_wait3A_162 : memref<10240x128xf32, #tpu.memory_space<hbm>>) dst(%dma_wait3A_159 : memref<80x128xf32, #tpu.memory_space<vmem>>)
    %dma_wait3A_163 = tpu.memref_slice %arg3[%add3A_69] : memref<327680xi32, #tpu.memory_space<hbm>> -> memref<80xi32, #tpu.memory_space<hbm>>
    %dma_wait3A_164 = tpu.memref_slice %arg3[%add3A_69] : memref<327680xi32, #tpu.memory_space<hbm>> -> memref<80xi32, #tpu.memory_space<hbm>>
    tpu.wait_dma2 semaphore(%arg30 : memref<!tpu.dma_semaphore, #tpu.memory_space<semaphore_mem>>) src(%dma_wait3A_164 : memref<80xi32, #tpu.memory_space<hbm>>) dst(%arg12 : memref<80xi32, #tpu.memory_space<vmem>>)
    %dma_start3A_165 = arith.constant 2 : i32
    %dma_start3A_166 = arith.constant 0 : i32
    %dma_start3A_167 = arith.constant 0 : i32
    %dma_start3A_168 = tpu.memref_slice %arg14[%dma_start3A_165, %dma_start3A_166, %dma_start3A_167] : memref<4x80x128xf32, #tpu.memory_space<vmem>> -> memref<1x80x128xf32, #tpu.memory_space<vmem>>
    %dma_start3A_169 = tpu.memref_squeeze %dma_start3A_168 : memref<1x80x128xf32, #tpu.memory_space<vmem>> -> memref<80x128xf32, #tpu.memory_space<vmem>>
    %dma_start3A_170 = arith.constant 0 : i32
    %dma_start3A_171 = arith.constant 0 : i32
    %dma_start3A_172 = tpu.memref_slice %arg15[%dma_start3A_170, %dma_start3A_171] : memref<10240x128xf32, #tpu.memory_space<vmem_shared>> -> memref<10240x128xf32, #tpu.memory_space<vmem_shared>>
    tpu.enqueue_indirect_dma source(%dma_start3A_169 : memref<80x128xf32, #tpu.memory_space<vmem>>) target(%dma_start3A_172 : memref<10240x128xf32, #tpu.memory_space<vmem_shared>>) offsets(%arg12 : memref<80xi32, #tpu.memory_space<vmem>>) semaphore(%arg22 : memref<!tpu.dma_semaphore, #tpu.memory_space<semaphore_mem>>) {add = true}
    %dma_wait3A_173 = arith.constant 3 : i32
    %dma_wait3A_174 = arith.constant 0 : i32
    %dma_wait3A_175 = arith.constant 0 : i32
    %dma_wait3A_176 = tpu.memref_slice %arg14[%dma_wait3A_173, %dma_wait3A_174, %dma_wait3A_175] : memref<4x80x128xf32, #tpu.memory_space<vmem>> -> memref<1x80x128xf32, #tpu.memory_space<vmem>>
    %dma_wait3A_177 = tpu.memref_squeeze %dma_wait3A_176 : memref<1x80x128xf32, #tpu.memory_space<vmem>> -> memref<80x128xf32, #tpu.memory_space<vmem>>
    %dma_wait3A_178 = arith.constant 0 : i32
    %dma_wait3A_179 = arith.constant 0 : i32
    %dma_wait3A_180 = tpu.memref_slice %arg4[%dma_wait3A_178, %dma_wait3A_179] : memref<10240x128xf32, #tpu.memory_space<hbm>> -> memref<10240x128xf32, #tpu.memory_space<hbm>>
    tpu.wait_indirect_dma semaphore(%arg19 : memref<!tpu.dma_semaphore, #tpu.memory_space<semaphore_mem>>) src(%dma_wait3A_180 : memref<10240x128xf32, #tpu.memory_space<hbm>>) dst(%dma_wait3A_177 : memref<80x128xf32, #tpu.memory_space<vmem>>)
    %dma_wait3A_181 = tpu.memref_slice %arg3[%add3A_77] : memref<327680xi32, #tpu.memory_space<hbm>> -> memref<80xi32, #tpu.memory_space<hbm>>
    %dma_wait3A_182 = tpu.memref_slice %arg3[%add3A_77] : memref<327680xi32, #tpu.memory_space<hbm>> -> memref<80xi32, #tpu.memory_space<hbm>>
    tpu.wait_dma2 semaphore(%arg31 : memref<!tpu.dma_semaphore, #tpu.memory_space<semaphore_mem>>) src(%dma_wait3A_182 : memref<80xi32, #tpu.memory_space<hbm>>) dst(%arg13 : memref<80xi32, #tpu.memory_space<vmem>>)
    %dma_start3A_183 = arith.constant 3 : i32
    %dma_start3A_184 = arith.constant 0 : i32
    %dma_start3A_185 = arith.constant 0 : i32
    %dma_start3A_186 = tpu.memref_slice %arg14[%dma_start3A_183, %dma_start3A_184, %dma_start3A_185] : memref<4x80x128xf32, #tpu.memory_space<vmem>> -> memref<1x80x128xf32, #tpu.memory_space<vmem>>
    %dma_start3A_187 = tpu.memref_squeeze %dma_start3A_186 : memref<1x80x128xf32, #tpu.memory_space<vmem>> -> memref<80x128xf32, #tpu.memory_space<vmem>>
    %dma_start3A_188 = arith.constant 0 : i32
    %dma_start3A_189 = arith.constant 0 : i32
    %dma_start3A_190 = tpu.memref_slice %arg15[%dma_start3A_188, %dma_start3A_189] : memref<10240x128xf32, #tpu.memory_space<vmem_shared>> -> memref<10240x128xf32, #tpu.memory_space<vmem_shared>>
    tpu.enqueue_indirect_dma source(%dma_start3A_187 : memref<80x128xf32, #tpu.memory_space<vmem>>) target(%dma_start3A_190 : memref<10240x128xf32, #tpu.memory_space<vmem_shared>>) offsets(%arg13 : memref<80xi32, #tpu.memory_space<vmem>>) semaphore(%arg23 : memref<!tpu.dma_semaphore, #tpu.memory_space<semaphore_mem>>) {add = true}
    %scan3A_191 = arith.constant 0 : i32
    %scan3A_192 = arith.constant 1 : i32
    %scan3A_193 = arith.constant 31 : i32
    %scan3A_194 = arith.addi %scan3A_192, %scan3A_193 : i32
    %scan3A_195 = arith.constant 1 : i32
    scf.for %scan3A_237 = %scan3A_192 to %scan3A_194 step %scan3A_195  : i32 {
      %mul3A_238 = arith.constant 10240 : i32
      %mul3A_239 = arith.muli %add3A, %mul3A_238 : i32
      %mul3A_240 = arith.constant 4 : i32
      %mul3A_241 = arith.muli %scan3A_237, %mul3A_240 : i32
      %mul3A_242 = arith.constant 80 : i32
      %mul3A_243 = arith.muli %mul3A_241, %mul3A_242 : i32
      %add3A_244 = arith.addi %mul3A_239, %mul3A_243 : i32
      %dma_wait3A_245 = arith.constant 0 : i32
      %dma_wait3A_246 = arith.constant 0 : i32
      %dma_wait3A_247 = arith.constant 0 : i32
      %dma_wait3A_248 = tpu.memref_slice %arg14[%dma_wait3A_245, %dma_wait3A_246, %dma_wait3A_247] : memref<4x80x128xf32, #tpu.memory_space<vmem>> -> memref<1x80x128xf32, #tpu.memory_space<vmem>>
      %dma_wait3A_249 = tpu.memref_squeeze %dma_wait3A_248 : memref<1x80x128xf32, #tpu.memory_space<vmem>> -> memref<80x128xf32, #tpu.memory_space<vmem>>
      %dma_wait3A_250 = arith.constant 0 : i32
      %dma_wait3A_251 = arith.constant 0 : i32
      %dma_wait3A_252 = tpu.memref_slice %arg15[%dma_wait3A_250, %dma_wait3A_251] : memref<10240x128xf32, #tpu.memory_space<vmem_shared>> -> memref<10240x128xf32, #tpu.memory_space<vmem_shared>>
      tpu.wait_indirect_dma semaphore(%arg20 : memref<!tpu.dma_semaphore, #tpu.memory_space<semaphore_mem>>) src(%dma_wait3A_249 : memref<80x128xf32, #tpu.memory_space<vmem>>) dst(%dma_wait3A_252 : memref<10240x128xf32, #tpu.memory_space<vmem_shared>>)
      %add3A_253 = arith.constant 0 : i32
      %add3A_254 = arith.addi %add3A_244, %add3A_253 : i32
      %dma_start3A_255 = tpu.memref_slice %arg2[%add3A_254] : memref<327680xi32, #tpu.memory_space<hbm>> -> memref<80xi32, #tpu.memory_space<hbm>>
      %dma_start3A_256 = tpu.memref_slice %arg2[%add3A_254] : memref<327680xi32, #tpu.memory_space<hbm>> -> memref<80xi32, #tpu.memory_space<hbm>>
      tpu.enqueue_dma source(%dma_start3A_256 : memref<80xi32, #tpu.memory_space<hbm>>) target(%arg6 : memref<80xi32, #tpu.memory_space<vmem>>) target_semaphore(%arg24 : memref<!tpu.dma_semaphore, #tpu.memory_space<semaphore_mem>>)
      %add3A_257 = arith.constant 0 : i32
      %add3A_258 = arith.addi %add3A_244, %add3A_257 : i32
      %dma_start3A_259 = tpu.memref_slice %arg3[%add3A_258] : memref<327680xi32, #tpu.memory_space<hbm>> -> memref<80xi32, #tpu.memory_space<hbm>>
      %dma_start3A_260 = tpu.memref_slice %arg3[%add3A_258] : memref<327680xi32, #tpu.memory_space<hbm>> -> memref<80xi32, #tpu.memory_space<hbm>>
      tpu.enqueue_dma source(%dma_start3A_260 : memref<80xi32, #tpu.memory_space<hbm>>) target(%arg10 : memref<80xi32, #tpu.memory_space<vmem>>) target_semaphore(%arg28 : memref<!tpu.dma_semaphore, #tpu.memory_space<semaphore_mem>>)
      %dma_wait3A_261 = arith.constant 1 : i32
      %dma_wait3A_262 = arith.constant 0 : i32
      %dma_wait3A_263 = arith.constant 0 : i32
      %dma_wait3A_264 = tpu.memref_slice %arg14[%dma_wait3A_261, %dma_wait3A_262, %dma_wait3A_263] : memref<4x80x128xf32, #tpu.memory_space<vmem>> -> memref<1x80x128xf32, #tpu.memory_space<vmem>>
      %dma_wait3A_265 = tpu.memref_squeeze %dma_wait3A_264 : memref<1x80x128xf32, #tpu.memory_space<vmem>> -> memref<80x128xf32, #tpu.memory_space<vmem>>
      %dma_wait3A_266 = arith.constant 0 : i32
      %dma_wait3A_267 = arith.constant 0 : i32
      %dma_wait3A_268 = tpu.memref_slice %arg15[%dma_wait3A_266, %dma_wait3A_267] : memref<10240x128xf32, #tpu.memory_space<vmem_shared>> -> memref<10240x128xf32, #tpu.memory_space<vmem_shared>>
      tpu.wait_indirect_dma semaphore(%arg21 : memref<!tpu.dma_semaphore, #tpu.memory_space<semaphore_mem>>) src(%dma_wait3A_265 : memref<80x128xf32, #tpu.memory_space<vmem>>) dst(%dma_wait3A_268 : memref<10240x128xf32, #tpu.memory_space<vmem_shared>>)
      %add3A_269 = arith.constant 80 : i32
      %add3A_270 = arith.addi %add3A_244, %add3A_269 : i32
      %dma_start3A_271 = tpu.memref_slice %arg2[%add3A_270] : memref<327680xi32, #tpu.memory_space<hbm>> -> memref<80xi32, #tpu.memory_space<hbm>>
      %dma_start3A_272 = tpu.memref_slice %arg2[%add3A_270] : memref<327680xi32, #tpu.memory_space<hbm>> -> memref<80xi32, #tpu.memory_space<hbm>>
      tpu.enqueue_dma source(%dma_start3A_272 : memref<80xi32, #tpu.memory_space<hbm>>) target(%arg7 : memref<80xi32, #tpu.memory_space<vmem>>) target_semaphore(%arg25 : memref<!tpu.dma_semaphore, #tpu.memory_space<semaphore_mem>>)
      %add3A_273 = arith.constant 80 : i32
      %add3A_274 = arith.addi %add3A_244, %add3A_273 : i32
      %dma_start3A_275 = tpu.memref_slice %arg3[%add3A_274] : memref<327680xi32, #tpu.memory_space<hbm>> -> memref<80xi32, #tpu.memory_space<hbm>>
      %dma_start3A_276 = tpu.memref_slice %arg3[%add3A_274] : memref<327680xi32, #tpu.memory_space<hbm>> -> memref<80xi32, #tpu.memory_space<hbm>>
      tpu.enqueue_dma source(%dma_start3A_276 : memref<80xi32, #tpu.memory_space<hbm>>) target(%arg11 : memref<80xi32, #tpu.memory_space<vmem>>) target_semaphore(%arg29 : memref<!tpu.dma_semaphore, #tpu.memory_space<semaphore_mem>>)
      %dma_wait3A_277 = arith.constant 2 : i32
      %dma_wait3A_278 = arith.constant 0 : i32
      %dma_wait3A_279 = arith.constant 0 : i32
      %dma_wait3A_280 = tpu.memref_slice %arg14[%dma_wait3A_277, %dma_wait3A_278, %dma_wait3A_279] : memref<4x80x128xf32, #tpu.memory_space<vmem>> -> memref<1x80x128xf32, #tpu.memory_space<vmem>>
      %dma_wait3A_281 = tpu.memref_squeeze %dma_wait3A_280 : memref<1x80x128xf32, #tpu.memory_space<vmem>> -> memref<80x128xf32, #tpu.memory_space<vmem>>
      %dma_wait3A_282 = arith.constant 0 : i32
      %dma_wait3A_283 = arith.constant 0 : i32
      %dma_wait3A_284 = tpu.memref_slice %arg15[%dma_wait3A_282, %dma_wait3A_283] : memref<10240x128xf32, #tpu.memory_space<vmem_shared>> -> memref<10240x128xf32, #tpu.memory_space<vmem_shared>>
      tpu.wait_indirect_dma semaphore(%arg22 : memref<!tpu.dma_semaphore, #tpu.memory_space<semaphore_mem>>) src(%dma_wait3A_281 : memref<80x128xf32, #tpu.memory_space<vmem>>) dst(%dma_wait3A_284 : memref<10240x128xf32, #tpu.memory_space<vmem_shared>>)
      %add3A_285 = arith.constant 160 : i32
      %add3A_286 = arith.addi %add3A_244, %add3A_285 : i32
      %dma_start3A_287 = tpu.memref_slice %arg2[%add3A_286] : memref<327680xi32, #tpu.memory_space<hbm>> -> memref<80xi32, #tpu.memory_space<hbm>>
      %dma_start3A_288 = tpu.memref_slice %arg2[%add3A_286] : memref<327680xi32, #tpu.memory_space<hbm>> -> memref<80xi32, #tpu.memory_space<hbm>>
      tpu.enqueue_dma source(%dma_start3A_288 : memref<80xi32, #tpu.memory_space<hbm>>) target(%arg8 : memref<80xi32, #tpu.memory_space<vmem>>) target_semaphore(%arg26 : memref<!tpu.dma_semaphore, #tpu.memory_space<semaphore_mem>>)
      %add3A_289 = arith.constant 160 : i32
      %add3A_290 = arith.addi %add3A_244, %add3A_289 : i32
      %dma_start3A_291 = tpu.memref_slice %arg3[%add3A_290] : memref<327680xi32, #tpu.memory_space<hbm>> -> memref<80xi32, #tpu.memory_space<hbm>>
      %dma_start3A_292 = tpu.memref_slice %arg3[%add3A_290] : memref<327680xi32, #tpu.memory_space<hbm>> -> memref<80xi32, #tpu.memory_space<hbm>>
      tpu.enqueue_dma source(%dma_start3A_292 : memref<80xi32, #tpu.memory_space<hbm>>) target(%arg12 : memref<80xi32, #tpu.memory_space<vmem>>) target_semaphore(%arg30 : memref<!tpu.dma_semaphore, #tpu.memory_space<semaphore_mem>>)
      %dma_wait3A_293 = arith.constant 3 : i32
      %dma_wait3A_294 = arith.constant 0 : i32
      %dma_wait3A_295 = arith.constant 0 : i32
      %dma_wait3A_296 = tpu.memref_slice %arg14[%dma_wait3A_293, %dma_wait3A_294, %dma_wait3A_295] : memref<4x80x128xf32, #tpu.memory_space<vmem>> -> memref<1x80x128xf32, #tpu.memory_space<vmem>>
      %dma_wait3A_297 = tpu.memref_squeeze %dma_wait3A_296 : memref<1x80x128xf32, #tpu.memory_space<vmem>> -> memref<80x128xf32, #tpu.memory_space<vmem>>
      %dma_wait3A_298 = arith.constant 0 : i32
      %dma_wait3A_299 = arith.constant 0 : i32
      %dma_wait3A_300 = tpu.memref_slice %arg15[%dma_wait3A_298, %dma_wait3A_299] : memref<10240x128xf32, #tpu.memory_space<vmem_shared>> -> memref<10240x128xf32, #tpu.memory_space<vmem_shared>>
      tpu.wait_indirect_dma semaphore(%arg23 : memref<!tpu.dma_semaphore, #tpu.memory_space<semaphore_mem>>) src(%dma_wait3A_297 : memref<80x128xf32, #tpu.memory_space<vmem>>) dst(%dma_wait3A_300 : memref<10240x128xf32, #tpu.memory_space<vmem_shared>>)
      %add3A_301 = arith.constant 240 : i32
      %add3A_302 = arith.addi %add3A_244, %add3A_301 : i32
      %dma_start3A_303 = tpu.memref_slice %arg2[%add3A_302] : memref<327680xi32, #tpu.memory_space<hbm>> -> memref<80xi32, #tpu.memory_space<hbm>>
      %dma_start3A_304 = tpu.memref_slice %arg2[%add3A_302] : memref<327680xi32, #tpu.memory_space<hbm>> -> memref<80xi32, #tpu.memory_space<hbm>>
      tpu.enqueue_dma source(%dma_start3A_304 : memref<80xi32, #tpu.memory_space<hbm>>) target(%arg9 : memref<80xi32, #tpu.memory_space<vmem>>) target_semaphore(%arg27 : memref<!tpu.dma_semaphore, #tpu.memory_space<semaphore_mem>>)
      %add3A_305 = arith.constant 240 : i32
      %add3A_306 = arith.addi %add3A_244, %add3A_305 : i32
      %dma_start3A_307 = tpu.memref_slice %arg3[%add3A_306] : memref<327680xi32, #tpu.memory_space<hbm>> -> memref<80xi32, #tpu.memory_space<hbm>>
      %dma_start3A_308 = tpu.memref_slice %arg3[%add3A_306] : memref<327680xi32, #tpu.memory_space<hbm>> -> memref<80xi32, #tpu.memory_space<hbm>>
      tpu.enqueue_dma source(%dma_start3A_308 : memref<80xi32, #tpu.memory_space<hbm>>) target(%arg13 : memref<80xi32, #tpu.memory_space<vmem>>) target_semaphore(%arg31 : memref<!tpu.dma_semaphore, #tpu.memory_space<semaphore_mem>>)
      %dma_wait3A_309 = tpu.memref_slice %arg2[%add3A_254] : memref<327680xi32, #tpu.memory_space<hbm>> -> memref<80xi32, #tpu.memory_space<hbm>>
      %dma_wait3A_310 = tpu.memref_slice %arg2[%add3A_254] : memref<327680xi32, #tpu.memory_space<hbm>> -> memref<80xi32, #tpu.memory_space<hbm>>
      tpu.wait_dma2 semaphore(%arg24 : memref<!tpu.dma_semaphore, #tpu.memory_space<semaphore_mem>>) src(%dma_wait3A_310 : memref<80xi32, #tpu.memory_space<hbm>>) dst(%arg6 : memref<80xi32, #tpu.memory_space<vmem>>)
      %dma_start3A_311 = arith.constant 0 : i32
      %dma_start3A_312 = arith.constant 0 : i32
      %dma_start3A_313 = arith.constant 0 : i32
      %dma_start3A_314 = tpu.memref_slice %arg14[%dma_start3A_311, %dma_start3A_312, %dma_start3A_313] : memref<4x80x128xf32, #tpu.memory_space<vmem>> -> memref<1x80x128xf32, #tpu.memory_space<vmem>>
      %dma_start3A_315 = tpu.memref_squeeze %dma_start3A_314 : memref<1x80x128xf32, #tpu.memory_space<vmem>> -> memref<80x128xf32, #tpu.memory_space<vmem>>
      %dma_start3A_316 = arith.constant 0 : i32
      %dma_start3A_317 = arith.constant 0 : i32
      %dma_start3A_318 = tpu.memref_slice %arg4[%dma_start3A_316, %dma_start3A_317] : memref<10240x128xf32, #tpu.memory_space<hbm>> -> memref<10240x128xf32, #tpu.memory_space<hbm>>
      tpu.enqueue_indirect_dma source(%dma_start3A_318 : memref<10240x128xf32, #tpu.memory_space<hbm>>) target(%dma_start3A_315 : memref<80x128xf32, #tpu.memory_space<vmem>>) offsets(%arg6 : memref<80xi32, #tpu.memory_space<vmem>>) semaphore(%arg16 : memref<!tpu.dma_semaphore, #tpu.memory_space<semaphore_mem>>)
      %dma_wait3A_319 = tpu.memref_slice %arg2[%add3A_270] : memref<327680xi32, #tpu.memory_space<hbm>> -> memref<80xi32, #tpu.memory_space<hbm>>
      %dma_wait3A_320 = tpu.memref_slice %arg2[%add3A_270] : memref<327680xi32, #tpu.memory_space<hbm>> -> memref<80xi32, #tpu.memory_space<hbm>>
      tpu.wait_dma2 semaphore(%arg25 : memref<!tpu.dma_semaphore, #tpu.memory_space<semaphore_mem>>) src(%dma_wait3A_320 : memref<80xi32, #tpu.memory_space<hbm>>) dst(%arg7 : memref<80xi32, #tpu.memory_space<vmem>>)
      %dma_start3A_321 = arith.constant 1 : i32
      %dma_start3A_322 = arith.constant 0 : i32
      %dma_start3A_323 = arith.constant 0 : i32
      %dma_start3A_324 = tpu.memref_slice %arg14[%dma_start3A_321, %dma_start3A_322, %dma_start3A_323] : memref<4x80x128xf32, #tpu.memory_space<vmem>> -> memref<1x80x128xf32, #tpu.memory_space<vmem>>
      %dma_start3A_325 = tpu.memref_squeeze %dma_start3A_324 : memref<1x80x128xf32, #tpu.memory_space<vmem>> -> memref<80x128xf32, #tpu.memory_space<vmem>>
      %dma_start3A_326 = arith.constant 0 : i32
      %dma_start3A_327 = arith.constant 0 : i32
      %dma_start3A_328 = tpu.memref_slice %arg4[%dma_start3A_326, %dma_start3A_327] : memref<10240x128xf32, #tpu.memory_space<hbm>> -> memref<10240x128xf32, #tpu.memory_space<hbm>>
      tpu.enqueue_indirect_dma source(%dma_start3A_328 : memref<10240x128xf32, #tpu.memory_space<hbm>>) target(%dma_start3A_325 : memref<80x128xf32, #tpu.memory_space<vmem>>) offsets(%arg7 : memref<80xi32, #tpu.memory_space<vmem>>) semaphore(%arg17 : memref<!tpu.dma_semaphore, #tpu.memory_space<semaphore_mem>>)
      %dma_wait3A_329 = tpu.memref_slice %arg2[%add3A_286] : memref<327680xi32, #tpu.memory_space<hbm>> -> memref<80xi32, #tpu.memory_space<hbm>>
      %dma_wait3A_330 = tpu.memref_slice %arg2[%add3A_286] : memref<327680xi32, #tpu.memory_space<hbm>> -> memref<80xi32, #tpu.memory_space<hbm>>
      tpu.wait_dma2 semaphore(%arg26 : memref<!tpu.dma_semaphore, #tpu.memory_space<semaphore_mem>>) src(%dma_wait3A_330 : memref<80xi32, #tpu.memory_space<hbm>>) dst(%arg8 : memref<80xi32, #tpu.memory_space<vmem>>)
      %dma_start3A_331 = arith.constant 2 : i32
      %dma_start3A_332 = arith.constant 0 : i32
      %dma_start3A_333 = arith.constant 0 : i32
      %dma_start3A_334 = tpu.memref_slice %arg14[%dma_start3A_331, %dma_start3A_332, %dma_start3A_333] : memref<4x80x128xf32, #tpu.memory_space<vmem>> -> memref<1x80x128xf32, #tpu.memory_space<vmem>>
      %dma_start3A_335 = tpu.memref_squeeze %dma_start3A_334 : memref<1x80x128xf32, #tpu.memory_space<vmem>> -> memref<80x128xf32, #tpu.memory_space<vmem>>
      %dma_start3A_336 = arith.constant 0 : i32
      %dma_start3A_337 = arith.constant 0 : i32
      %dma_start3A_338 = tpu.memref_slice %arg4[%dma_start3A_336, %dma_start3A_337] : memref<10240x128xf32, #tpu.memory_space<hbm>> -> memref<10240x128xf32, #tpu.memory_space<hbm>>
      tpu.enqueue_indirect_dma source(%dma_start3A_338 : memref<10240x128xf32, #tpu.memory_space<hbm>>) target(%dma_start3A_335 : memref<80x128xf32, #tpu.memory_space<vmem>>) offsets(%arg8 : memref<80xi32, #tpu.memory_space<vmem>>) semaphore(%arg18 : memref<!tpu.dma_semaphore, #tpu.memory_space<semaphore_mem>>)
      %dma_wait3A_339 = tpu.memref_slice %arg2[%add3A_302] : memref<327680xi32, #tpu.memory_space<hbm>> -> memref<80xi32, #tpu.memory_space<hbm>>
      %dma_wait3A_340 = tpu.memref_slice %arg2[%add3A_302] : memref<327680xi32, #tpu.memory_space<hbm>> -> memref<80xi32, #tpu.memory_space<hbm>>
      tpu.wait_dma2 semaphore(%arg27 : memref<!tpu.dma_semaphore, #tpu.memory_space<semaphore_mem>>) src(%dma_wait3A_340 : memref<80xi32, #tpu.memory_space<hbm>>) dst(%arg9 : memref<80xi32, #tpu.memory_space<vmem>>)
      %dma_start3A_341 = arith.constant 3 : i32
      %dma_start3A_342 = arith.constant 0 : i32
      %dma_start3A_343 = arith.constant 0 : i32
      %dma_start3A_344 = tpu.memref_slice %arg14[%dma_start3A_341, %dma_start3A_342, %dma_start3A_343] : memref<4x80x128xf32, #tpu.memory_space<vmem>> -> memref<1x80x128xf32, #tpu.memory_space<vmem>>
      %dma_start3A_345 = tpu.memref_squeeze %dma_start3A_344 : memref<1x80x128xf32, #tpu.memory_space<vmem>> -> memref<80x128xf32, #tpu.memory_space<vmem>>
      %dma_start3A_346 = arith.constant 0 : i32
      %dma_start3A_347 = arith.constant 0 : i32
      %dma_start3A_348 = tpu.memref_slice %arg4[%dma_start3A_346, %dma_start3A_347] : memref<10240x128xf32, #tpu.memory_space<hbm>> -> memref<10240x128xf32, #tpu.memory_space<hbm>>
      tpu.enqueue_indirect_dma source(%dma_start3A_348 : memref<10240x128xf32, #tpu.memory_space<hbm>>) target(%dma_start3A_345 : memref<80x128xf32, #tpu.memory_space<vmem>>) offsets(%arg9 : memref<80xi32, #tpu.memory_space<vmem>>) semaphore(%arg19 : memref<!tpu.dma_semaphore, #tpu.memory_space<semaphore_mem>>)
      %dma_wait3A_349 = arith.constant 0 : i32
      %dma_wait3A_350 = arith.constant 0 : i32
      %dma_wait3A_351 = arith.constant 0 : i32
      %dma_wait3A_352 = tpu.memref_slice %arg14[%dma_wait3A_349, %dma_wait3A_350, %dma_wait3A_351] : memref<4x80x128xf32, #tpu.memory_space<vmem>> -> memref<1x80x128xf32, #tpu.memory_space<vmem>>
      %dma_wait3A_353 = tpu.memref_squeeze %dma_wait3A_352 : memref<1x80x128xf32, #tpu.memory_space<vmem>> -> memref<80x128xf32, #tpu.memory_space<vmem>>
      %dma_wait3A_354 = arith.constant 0 : i32
      %dma_wait3A_355 = arith.constant 0 : i32
      %dma_wait3A_356 = tpu.memref_slice %arg4[%dma_wait3A_354, %dma_wait3A_355] : memref<10240x128xf32, #tpu.memory_space<hbm>> -> memref<10240x128xf32, #tpu.memory_space<hbm>>
      tpu.wait_indirect_dma semaphore(%arg16 : memref<!tpu.dma_semaphore, #tpu.memory_space<semaphore_mem>>) src(%dma_wait3A_356 : memref<10240x128xf32, #tpu.memory_space<hbm>>) dst(%dma_wait3A_353 : memref<80x128xf32, #tpu.memory_space<vmem>>)
      %dma_wait3A_357 = tpu.memref_slice %arg3[%add3A_258] : memref<327680xi32, #tpu.memory_space<hbm>> -> memref<80xi32, #tpu.memory_space<hbm>>
      %dma_wait3A_358 = tpu.memref_slice %arg3[%add3A_258] : memref<327680xi32, #tpu.memory_space<hbm>> -> memref<80xi32, #tpu.memory_space<hbm>>
      tpu.wait_dma2 semaphore(%arg28 : memref<!tpu.dma_semaphore, #tpu.memory_space<semaphore_mem>>) src(%dma_wait3A_358 : memref<80xi32, #tpu.memory_space<hbm>>) dst(%arg10 : memref<80xi32, #tpu.memory_space<vmem>>)
      %dma_start3A_359 = arith.constant 0 : i32
      %dma_start3A_360 = arith.constant 0 : i32
      %dma_start3A_361 = arith.constant 0 : i32
      %dma_start3A_362 = tpu.memref_slice %arg14[%dma_start3A_359, %dma_start3A_360, %dma_start3A_361] : memref<4x80x128xf32, #tpu.memory_space<vmem>> -> memref<1x80x128xf32, #tpu.memory_space<vmem>>
      %dma_start3A_363 = tpu.memref_squeeze %dma_start3A_362 : memref<1x80x128xf32, #tpu.memory_space<vmem>> -> memref<80x128xf32, #tpu.memory_space<vmem>>
      %dma_start3A_364 = arith.constant 0 : i32
      %dma_start3A_365 = arith.constant 0 : i32
      %dma_start3A_366 = tpu.memref_slice %arg15[%dma_start3A_364, %dma_start3A_365] : memref<10240x128xf32, #tpu.memory_space<vmem_shared>> -> memref<10240x128xf32, #tpu.memory_space<vmem_shared>>
      tpu.enqueue_indirect_dma source(%dma_start3A_363 : memref<80x128xf32, #tpu.memory_space<vmem>>) target(%dma_start3A_366 : memref<10240x128xf32, #tpu.memory_space<vmem_shared>>) offsets(%arg10 : memref<80xi32, #tpu.memory_space<vmem>>) semaphore(%arg20 : memref<!tpu.dma_semaphore, #tpu.memory_space<semaphore_mem>>) {add = true}
      %dma_wait3A_367 = arith.constant 1 : i32
      %dma_wait3A_368 = arith.constant 0 : i32
      %dma_wait3A_369 = arith.constant 0 : i32
      %dma_wait3A_370 = tpu.memref_slice %arg14[%dma_wait3A_367, %dma_wait3A_368, %dma_wait3A_369] : memref<4x80x128xf32, #tpu.memory_space<vmem>> -> memref<1x80x128xf32, #tpu.memory_space<vmem>>
      %dma_wait3A_371 = tpu.memref_squeeze %dma_wait3A_370 : memref<1x80x128xf32, #tpu.memory_space<vmem>> -> memref<80x128xf32, #tpu.memory_space<vmem>>
      %dma_wait3A_372 = arith.constant 0 : i32
      %dma_wait3A_373 = arith.constant 0 : i32
      %dma_wait3A_374 = tpu.memref_slice %arg4[%dma_wait3A_372, %dma_wait3A_373] : memref<10240x128xf32, #tpu.memory_space<hbm>> -> memref<10240x128xf32, #tpu.memory_space<hbm>>
      tpu.wait_indirect_dma semaphore(%arg17 : memref<!tpu.dma_semaphore, #tpu.memory_space<semaphore_mem>>) src(%dma_wait3A_374 : memref<10240x128xf32, #tpu.memory_space<hbm>>) dst(%dma_wait3A_371 : memref<80x128xf32, #tpu.memory_space<vmem>>)
      %dma_wait3A_375 = tpu.memref_slice %arg3[%add3A_274] : memref<327680xi32, #tpu.memory_space<hbm>> -> memref<80xi32, #tpu.memory_space<hbm>>
      %dma_wait3A_376 = tpu.memref_slice %arg3[%add3A_274] : memref<327680xi32, #tpu.memory_space<hbm>> -> memref<80xi32, #tpu.memory_space<hbm>>
      tpu.wait_dma2 semaphore(%arg29 : memref<!tpu.dma_semaphore, #tpu.memory_space<semaphore_mem>>) src(%dma_wait3A_376 : memref<80xi32, #tpu.memory_space<hbm>>) dst(%arg11 : memref<80xi32, #tpu.memory_space<vmem>>)
      %dma_start3A_377 = arith.constant 1 : i32
      %dma_start3A_378 = arith.constant 0 : i32
      %dma_start3A_379 = arith.constant 0 : i32
      %dma_start3A_380 = tpu.memref_slice %arg14[%dma_start3A_377, %dma_start3A_378, %dma_start3A_379] : memref<4x80x128xf32, #tpu.memory_space<vmem>> -> memref<1x80x128xf32, #tpu.memory_space<vmem>>
      %dma_start3A_381 = tpu.memref_squeeze %dma_start3A_380 : memref<1x80x128xf32, #tpu.memory_space<vmem>> -> memref<80x128xf32, #tpu.memory_space<vmem>>
      %dma_start3A_382 = arith.constant 0 : i32
      %dma_start3A_383 = arith.constant 0 : i32
      %dma_start3A_384 = tpu.memref_slice %arg15[%dma_start3A_382, %dma_start3A_383] : memref<10240x128xf32, #tpu.memory_space<vmem_shared>> -> memref<10240x128xf32, #tpu.memory_space<vmem_shared>>
      tpu.enqueue_indirect_dma source(%dma_start3A_381 : memref<80x128xf32, #tpu.memory_space<vmem>>) target(%dma_start3A_384 : memref<10240x128xf32, #tpu.memory_space<vmem_shared>>) offsets(%arg11 : memref<80xi32, #tpu.memory_space<vmem>>) semaphore(%arg21 : memref<!tpu.dma_semaphore, #tpu.memory_space<semaphore_mem>>) {add = true}
      %dma_wait3A_385 = arith.constant 2 : i32
      %dma_wait3A_386 = arith.constant 0 : i32
      %dma_wait3A_387 = arith.constant 0 : i32
      %dma_wait3A_388 = tpu.memref_slice %arg14[%dma_wait3A_385, %dma_wait3A_386, %dma_wait3A_387] : memref<4x80x128xf32, #tpu.memory_space<vmem>> -> memref<1x80x128xf32, #tpu.memory_space<vmem>>
      %dma_wait3A_389 = tpu.memref_squeeze %dma_wait3A_388 : memref<1x80x128xf32, #tpu.memory_space<vmem>> -> memref<80x128xf32, #tpu.memory_space<vmem>>
      %dma_wait3A_390 = arith.constant 0 : i32
      %dma_wait3A_391 = arith.constant 0 : i32
      %dma_wait3A_392 = tpu.memref_slice %arg4[%dma_wait3A_390, %dma_wait3A_391] : memref<10240x128xf32, #tpu.memory_space<hbm>> -> memref<10240x128xf32, #tpu.memory_space<hbm>>
      tpu.wait_indirect_dma semaphore(%arg18 : memref<!tpu.dma_semaphore, #tpu.memory_space<semaphore_mem>>) src(%dma_wait3A_392 : memref<10240x128xf32, #tpu.memory_space<hbm>>) dst(%dma_wait3A_389 : memref<80x128xf32, #tpu.memory_space<vmem>>)
      %dma_wait3A_393 = tpu.memref_slice %arg3[%add3A_290] : memref<327680xi32, #tpu.memory_space<hbm>> -> memref<80xi32, #tpu.memory_space<hbm>>
      %dma_wait3A_394 = tpu.memref_slice %arg3[%add3A_290] : memref<327680xi32, #tpu.memory_space<hbm>> -> memref<80xi32, #tpu.memory_space<hbm>>
      tpu.wait_dma2 semaphore(%arg30 : memref<!tpu.dma_semaphore, #tpu.memory_space<semaphore_mem>>) src(%dma_wait3A_394 : memref<80xi32, #tpu.memory_space<hbm>>) dst(%arg12 : memref<80xi32, #tpu.memory_space<vmem>>)
      %dma_start3A_395 = arith.constant 2 : i32
      %dma_start3A_396 = arith.constant 0 : i32
      %dma_start3A_397 = arith.constant 0 : i32
      %dma_start3A_398 = tpu.memref_slice %arg14[%dma_start3A_395, %dma_start3A_396, %dma_start3A_397] : memref<4x80x128xf32, #tpu.memory_space<vmem>> -> memref<1x80x128xf32, #tpu.memory_space<vmem>>
      %dma_start3A_399 = tpu.memref_squeeze %dma_start3A_398 : memref<1x80x128xf32, #tpu.memory_space<vmem>> -> memref<80x128xf32, #tpu.memory_space<vmem>>
      %dma_start3A_400 = arith.constant 0 : i32
      %dma_start3A_401 = arith.constant 0 : i32
      %dma_start3A_402 = tpu.memref_slice %arg15[%dma_start3A_400, %dma_start3A_401] : memref<10240x128xf32, #tpu.memory_space<vmem_shared>> -> memref<10240x128xf32, #tpu.memory_space<vmem_shared>>
      tpu.enqueue_indirect_dma source(%dma_start3A_399 : memref<80x128xf32, #tpu.memory_space<vmem>>) target(%dma_start3A_402 : memref<10240x128xf32, #tpu.memory_space<vmem_shared>>) offsets(%arg12 : memref<80xi32, #tpu.memory_space<vmem>>) semaphore(%arg22 : memref<!tpu.dma_semaphore, #tpu.memory_space<semaphore_mem>>) {add = true}
      %dma_wait3A_403 = arith.constant 3 : i32
      %dma_wait3A_404 = arith.constant 0 : i32
      %dma_wait3A_405 = arith.constant 0 : i32
      %dma_wait3A_406 = tpu.memref_slice %arg14[%dma_wait3A_403, %dma_wait3A_404, %dma_wait3A_405] : memref<4x80x128xf32, #tpu.memory_space<vmem>> -> memref<1x80x128xf32, #tpu.memory_space<vmem>>
      %dma_wait3A_407 = tpu.memref_squeeze %dma_wait3A_406 : memref<1x80x128xf32, #tpu.memory_space<vmem>> -> memref<80x128xf32, #tpu.memory_space<vmem>>
      %dma_wait3A_408 = arith.constant 0 : i32
      %dma_wait3A_409 = arith.constant 0 : i32
      %dma_wait3A_410 = tpu.memref_slice %arg4[%dma_wait3A_408, %dma_wait3A_409] : memref<10240x128xf32, #tpu.memory_space<hbm>> -> memref<10240x128xf32, #tpu.memory_space<hbm>>
      tpu.wait_indirect_dma semaphore(%arg19 : memref<!tpu.dma_semaphore, #tpu.memory_space<semaphore_mem>>) src(%dma_wait3A_410 : memref<10240x128xf32, #tpu.memory_space<hbm>>) dst(%dma_wait3A_407 : memref<80x128xf32, #tpu.memory_space<vmem>>)
      %dma_wait3A_411 = tpu.memref_slice %arg3[%add3A_306] : memref<327680xi32, #tpu.memory_space<hbm>> -> memref<80xi32, #tpu.memory_space<hbm>>
      %dma_wait3A_412 = tpu.memref_slice %arg3[%add3A_306] : memref<327680xi32, #tpu.memory_space<hbm>> -> memref<80xi32, #tpu.memory_space<hbm>>
      tpu.wait_dma2 semaphore(%arg31 : memref<!tpu.dma_semaphore, #tpu.memory_space<semaphore_mem>>) src(%dma_wait3A_412 : memref<80xi32, #tpu.memory_space<hbm>>) dst(%arg13 : memref<80xi32, #tpu.memory_space<vmem>>)
      %dma_start3A_413 = arith.constant 3 : i32
      %dma_start3A_414 = arith.constant 0 : i32
      %dma_start3A_415 = arith.constant 0 : i32
      %dma_start3A_416 = tpu.memref_slice %arg14[%dma_start3A_413, %dma_start3A_414, %dma_start3A_415] : memref<4x80x128xf32, #tpu.memory_space<vmem>> -> memref<1x80x128xf32, #tpu.memory_space<vmem>>
      %dma_start3A_417 = tpu.memref_squeeze %dma_start3A_416 : memref<1x80x128xf32, #tpu.memory_space<vmem>> -> memref<80x128xf32, #tpu.memory_space<vmem>>
      %dma_start3A_418 = arith.constant 0 : i32
      %dma_start3A_419 = arith.constant 0 : i32
      %dma_start3A_420 = tpu.memref_slice %arg15[%dma_start3A_418, %dma_start3A_419] : memref<10240x128xf32, #tpu.memory_space<vmem_shared>> -> memref<10240x128xf32, #tpu.memory_space<vmem_shared>>
      tpu.enqueue_indirect_dma source(%dma_start3A_417 : memref<80x128xf32, #tpu.memory_space<vmem>>) target(%dma_start3A_420 : memref<10240x128xf32, #tpu.memory_space<vmem_shared>>) offsets(%arg13 : memref<80xi32, #tpu.memory_space<vmem>>) semaphore(%arg23 : memref<!tpu.dma_semaphore, #tpu.memory_space<semaphore_mem>>) {add = true}
    }
    %scan3A_196 = arith.constant 31 : i32
    %dma_wait3A_197 = arith.constant 0 : i32
    %dma_wait3A_198 = arith.constant 0 : i32
    %dma_wait3A_199 = arith.constant 0 : i32
    %dma_wait3A_200 = tpu.memref_slice %arg14[%dma_wait3A_197, %dma_wait3A_198, %dma_wait3A_199] : memref<4x80x128xf32, #tpu.memory_space<vmem>> -> memref<1x80x128xf32, #tpu.memory_space<vmem>>
    %dma_wait3A_201 = tpu.memref_squeeze %dma_wait3A_200 : memref<1x80x128xf32, #tpu.memory_space<vmem>> -> memref<80x128xf32, #tpu.memory_space<vmem>>
    %dma_wait3A_202 = arith.constant 0 : i32
    %dma_wait3A_203 = arith.constant 0 : i32
    %dma_wait3A_204 = tpu.memref_slice %arg15[%dma_wait3A_202, %dma_wait3A_203] : memref<10240x128xf32, #tpu.memory_space<vmem_shared>> -> memref<10240x128xf32, #tpu.memory_space<vmem_shared>>
    tpu.wait_indirect_dma semaphore(%arg20 : memref<!tpu.dma_semaphore, #tpu.memory_space<semaphore_mem>>) src(%dma_wait3A_201 : memref<80x128xf32, #tpu.memory_space<vmem>>) dst(%dma_wait3A_204 : memref<10240x128xf32, #tpu.memory_space<vmem_shared>>)
    %dma_wait3A_205 = arith.constant 1 : i32
    %dma_wait3A_206 = arith.constant 0 : i32
    %dma_wait3A_207 = arith.constant 0 : i32
    %dma_wait3A_208 = tpu.memref_slice %arg14[%dma_wait3A_205, %dma_wait3A_206, %dma_wait3A_207] : memref<4x80x128xf32, #tpu.memory_space<vmem>> -> memref<1x80x128xf32, #tpu.memory_space<vmem>>
    %dma_wait3A_209 = tpu.memref_squeeze %dma_wait3A_208 : memref<1x80x128xf32, #tpu.memory_space<vmem>> -> memref<80x128xf32, #tpu.memory_space<vmem>>
    %dma_wait3A_210 = arith.constant 0 : i32
    %dma_wait3A_211 = arith.constant 0 : i32
    %dma_wait3A_212 = tpu.memref_slice %arg15[%dma_wait3A_210, %dma_wait3A_211] : memref<10240x128xf32, #tpu.memory_space<vmem_shared>> -> memref<10240x128xf32, #tpu.memory_space<vmem_shared>>
    tpu.wait_indirect_dma semaphore(%arg21 : memref<!tpu.dma_semaphore, #tpu.memory_space<semaphore_mem>>) src(%dma_wait3A_209 : memref<80x128xf32, #tpu.memory_space<vmem>>) dst(%dma_wait3A_212 : memref<10240x128xf32, #tpu.memory_space<vmem_shared>>)
    %dma_wait3A_213 = arith.constant 2 : i32
    %dma_wait3A_214 = arith.constant 0 : i32
    %dma_wait3A_215 = arith.constant 0 : i32
    %dma_wait3A_216 = tpu.memref_slice %arg14[%dma_wait3A_213, %dma_wait3A_214, %dma_wait3A_215] : memref<4x80x128xf32, #tpu.memory_space<vmem>> -> memref<1x80x128xf32, #tpu.memory_space<vmem>>
    %dma_wait3A_217 = tpu.memref_squeeze %dma_wait3A_216 : memref<1x80x128xf32, #tpu.memory_space<vmem>> -> memref<80x128xf32, #tpu.memory_space<vmem>>
    %dma_wait3A_218 = arith.constant 0 : i32
    %dma_wait3A_219 = arith.constant 0 : i32
    %dma_wait3A_220 = tpu.memref_slice %arg15[%dma_wait3A_218, %dma_wait3A_219] : memref<10240x128xf32, #tpu.memory_space<vmem_shared>> -> memref<10240x128xf32, #tpu.memory_space<vmem_shared>>
    tpu.wait_indirect_dma semaphore(%arg22 : memref<!tpu.dma_semaphore, #tpu.memory_space<semaphore_mem>>) src(%dma_wait3A_217 : memref<80x128xf32, #tpu.memory_space<vmem>>) dst(%dma_wait3A_220 : memref<10240x128xf32, #tpu.memory_space<vmem_shared>>)
    %dma_wait3A_221 = arith.constant 3 : i32
    %dma_wait3A_222 = arith.constant 0 : i32
    %dma_wait3A_223 = arith.constant 0 : i32
    %dma_wait3A_224 = tpu.memref_slice %arg14[%dma_wait3A_221, %dma_wait3A_222, %dma_wait3A_223] : memref<4x80x128xf32, #tpu.memory_space<vmem>> -> memref<1x80x128xf32, #tpu.memory_space<vmem>>
    %dma_wait3A_225 = tpu.memref_squeeze %dma_wait3A_224 : memref<1x80x128xf32, #tpu.memory_space<vmem>> -> memref<80x128xf32, #tpu.memory_space<vmem>>
    %dma_wait3A_226 = arith.constant 0 : i32
    %dma_wait3A_227 = arith.constant 0 : i32
    %dma_wait3A_228 = tpu.memref_slice %arg15[%dma_wait3A_226, %dma_wait3A_227] : memref<10240x128xf32, #tpu.memory_space<vmem_shared>> -> memref<10240x128xf32, #tpu.memory_space<vmem_shared>>
    tpu.wait_indirect_dma semaphore(%arg23 : memref<!tpu.dma_semaphore, #tpu.memory_space<semaphore_mem>>) src(%dma_wait3A_225 : memref<80x128xf32, #tpu.memory_space<vmem>>) dst(%dma_wait3A_228 : memref<10240x128xf32, #tpu.memory_space<vmem_shared>>)
    %barrier3A_229 = arith.constant 0 : index
    tpu.barrier barrier_id(%barrier3A_229)
    %mul3A_230 = arith.constant 640 : i32
    %mul3A_231 = arith.muli %arg1, %mul3A_230 : i32
    %mul3A_232 = arith.constant 10240 : i32
    %mul3A_233 = arith.muli %arg0, %mul3A_232 : i32
    %mul3A_234 = arith.constant 640 : i32
    %mul3A_235 = arith.muli %arg1, %mul3A_234 : i32
    %add3A_236 = arith.addi %mul3A_233, %mul3A_235 : i32
    "tpu.region"() ({
      %run_scoped3A_237 = tpu.sem_alloc : memref<!tpu.dma_semaphore, #tpu.memory_space<semaphore_mem>>
      %dma_start3A_238 = arith.constant 0 : i32
      %dma_start3A_239 = tpu.memref_slice %arg5[%add3A_236, %dma_start3A_238] : memref<20480x128xf32, #tpu.memory_space<hbm>> -> memref<640x128xf32, #tpu.memory_space<hbm>>
      %dma_start3A_240 = arith.constant 0 : i32
      %dma_start3A_241 = tpu.memref_slice %arg15[%mul3A_231, %dma_start3A_240] : memref<10240x128xf32, #tpu.memory_space<vmem_shared>> -> memref<640x128xf32, #tpu.memory_space<vmem_shared>>
      tpu.enqueue_dma source(%dma_start3A_241 : memref<640x128xf32, #tpu.memory_space<vmem_shared>>) target(%dma_start3A_239 : memref<640x128xf32, #tpu.memory_space<hbm>>) target_semaphore(%run_scoped3A_237 : memref<!tpu.dma_semaphore, #tpu.memory_space<semaphore_mem>>)
      %dma_wait3A_242 = arith.constant 0 : i32
      %dma_wait3A_243 = tpu.memref_slice %arg5[%add3A_236, %dma_wait3A_242] : memref<20480x128xf32, #tpu.memory_space<hbm>> -> memref<640x128xf32, #tpu.memory_space<hbm>>
      %dma_wait3A_244 = arith.constant 0 : i32
      %dma_wait3A_245 = tpu.memref_slice %arg15[%mul3A_231, %dma_wait3A_244] : memref<10240x128xf32, #tpu.memory_space<vmem_shared>> -> memref<640x128xf32, #tpu.memory_space<vmem_shared>>
      tpu.wait_dma2 semaphore(%run_scoped3A_237 : memref<!tpu.dma_semaphore, #tpu.memory_space<semaphore_mem>>) src(%dma_wait3A_245 : memref<640x128xf32, #tpu.memory_space<vmem_shared>>) dst(%dma_wait3A_243 : memref<640x128xf32, #tpu.memory_space<hbm>>)
      tpu.yield
    }) : () -> ()
    return
  }
}

#map = affine_map<(d0, d1) -> (0)>
#map1 = affine_map<(d0, d1) -> (0, 0)>
module attributes {stable_mosaic.version = 14 : i64} {
  func.func @_agg_partials(%arg0: i32, %arg1: i32, %arg2: memref<327680xi32, #tpu.memory_space<hbm>>, %arg3: memref<327680xi32, #tpu.memory_space<hbm>>, %arg4: memref<10240x128xf32, #tpu.memory_space<hbm>>, %arg5: memref<20480x128xf32, #tpu.memory_space<hbm>>, %arg6: memref<80xi32, #tpu.memory_space<vmem>>, %arg7: memref<80xi32, #tpu.memory_space<vmem>>, %arg8: memref<80xi32, #tpu.memory_space<vmem>>, %arg9: memref<80xi32, #tpu.memory_space<vmem>>, %arg10: memref<80xi32, #tpu.memory_space<vmem>>, %arg11: memref<80xi32, #tpu.memory_space<vmem>>, %arg12: memref<80xi32, #tpu.memory_space<vmem>>, %arg13: memref<80xi32, #tpu.memory_space<vmem>>, %arg14: memref<4x80x128xf32, #tpu.memory_space<vmem>>, %arg15: memref<10240x128xf32, #tpu.memory_space<vmem_shared>>, %arg16: memref<!tpu.dma_semaphore, #tpu.memory_space<semaphore_mem>>, %arg17: memref<!tpu.dma_semaphore, #tpu.memory_space<semaphore_mem>>, %arg18: memref<!tpu.dma_semaphore, #tpu.memory_space<semaphore_mem>>, %arg19: memref<!tpu.dma_semaphore, #tpu.memory_space<semaphore_mem>>, %arg20: memref<!tpu.dma_semaphore, #tpu.memory_space<semaphore_mem>>, %arg21: memref<!tpu.dma_semaphore, #tpu.memory_space<semaphore_mem>>, %arg22: memref<!tpu.dma_semaphore, #tpu.memory_space<semaphore_mem>>, %arg23: memref<!tpu.dma_semaphore, #tpu.memory_space<semaphore_mem>>, %arg24: memref<!tpu.dma_semaphore, #tpu.memory_space<semaphore_mem>>, %arg25: memref<!tpu.dma_semaphore, #tpu.memory_space<semaphore_mem>>, %arg26: memref<!tpu.dma_semaphore, #tpu.memory_space<semaphore_mem>>, %arg27: memref<!tpu.dma_semaphore, #tpu.memory_space<semaphore_mem>>, %arg28: memref<!tpu.dma_semaphore, #tpu.memory_space<semaphore_mem>>, %arg29: memref<!tpu.dma_semaphore, #tpu.memory_space<semaphore_mem>>, %arg30: memref<!tpu.dma_semaphore, #tpu.memory_space<semaphore_mem>>, %arg31: memref<!tpu.dma_semaphore, #tpu.memory_space<semaphore_mem>>) attributes {dimension_semantics = [#tpu.dimension_semantics<core_parallel>, #tpu.dimension_semantics<subcore_parallel>], iteration_bounds = array<i64: 2, 16>, scalar_prefetch = 0 : i64, scratch_operands = 26 : i64, tpu.core_type = #tpu.core_type<sc_vector_subcore>, window_params = [{transform_indices = #map}, {transform_indices = #map}, {transform_indices = #map1}, {transform_indices = #map1}]} {
    %mul3A = arith.constant 16 : i32
    %mul3A_0 = arith.muli %arg0, %mul3A : i32
    %add3A = arith.addi %mul3A_0, %arg1 : i32
    %scan3A = arith.constant 0 : i32
    %scan3A_1 = arith.constant 0 : i32
    %scan3A_2 = arith.constant 80 : i32
    %scan3A_3 = arith.addi %scan3A_1, %scan3A_2 : i32
    %scan3A_4 = arith.constant 1 : i32
    scf.for %scan3A_237 = %scan3A_1 to %scan3A_3 step %scan3A_4  : i32 {
      %broadcast_in_dim3A = arith.constant 0.000000e+00 : f32
      %broadcast_in_dim3A_238 = vector.broadcast %broadcast_in_dim3A : f32 to vector<16xf32>
      %swap3A = arith.constant 0 : i32
      %swap3A_239 = arith.index_cast %swap3A : i32 to index
      %swap3A_240 = arith.index_cast %scan3A_237 : i32 to index
      %swap3A_241 = arith.constant 0 : index
      %swap3A_242 = tpu.vector_load %arg14[%swap3A_239, %swap3A_240, %swap3A_241] {strides = array<i32>} : memref<4x80x128xf32, #tpu.memory_space<vmem>>, vector<1x1x16xf32>,
      %swap3A_243 = vector.shape_cast %swap3A_242 : vector<1x1x16xf32> to vector<16xf32>
      %swap3A_244 = vector.shape_cast %broadcast_in_dim3A_238 : vector<16xf32> to vector<1x1x16xf32>
      tpu.vector_store %arg14[%swap3A_239, %swap3A_240, %swap3A_241], %swap3A_244 {strides = array<i32>} : memref<4x80x128xf32, #tpu.memory_space<vmem>>, vector<1x1x16xf32>,
      %broadcast_in_dim3A_245 = arith.constant 0.000000e+00 : f32
      %broadcast_in_dim3A_246 = vector.broadcast %broadcast_in_dim3A_245 : f32 to vector<16xf32>
      %swap3A_247 = arith.constant 0 : i32
      %swap3A_248 = arith.index_cast %swap3A_247 : i32 to index
      %swap3A_249 = arith.index_cast %scan3A_237 : i32 to index
      %swap3A_250 = arith.constant 16 : index
      %swap3A_251 = tpu.vector_load %arg14[%swap3A_248, %swap3A_249, %swap3A_250] {strides = array<i32>} : memref<4x80x128xf32, #tpu.memory_space<vmem>>, vector<1x1x16xf32>,
      %swap3A_252 = vector.shape_cast %swap3A_251 : vector<1x1x16xf32> to vector<16xf32>
      %swap3A_253 = vector.shape_cast %broadcast_in_dim3A_246 : vector<16xf32> to vector<1x1x16xf32>
      tpu.vector_store %arg14[%swap3A_248, %swap3A_249, %swap3A_250], %swap3A_253 {strides = array<i32>} : memref<4x80x128xf32, #tpu.memory_space<vmem>>, vector<1x1x16xf32>,
      %broadcast_in_dim3A_254 = arith.constant 0.000000e+00 : f32
      %broadcast_in_dim3A_255 = vector.broadcast %broadcast_in_dim3A_254 : f32 to vector<16xf32>
      %swap3A_256 = arith.constant 0 : i32
      %swap3A_257 = arith.index_cast %swap3A_256 : i32 to index
      %swap3A_258 = arith.index_cast %scan3A_237 : i32 to index
      %swap3A_259 = arith.constant 32 : index
      %swap3A_260 = tpu.vector_load %arg14[%swap3A_257, %swap3A_258, %swap3A_259] {strides = array<i32>} : memref<4x80x128xf32, #tpu.memory_space<vmem>>, vector<1x1x16xf32>,
      %swap3A_261 = vector.shape_cast %swap3A_260 : vector<1x1x16xf32> to vector<16xf32>
      %swap3A_262 = vector.shape_cast %broadcast_in_dim3A_255 : vector<16xf32> to vector<1x1x16xf32>
      tpu.vector_store %arg14[%swap3A_257, %swap3A_258, %swap3A_259], %swap3A_262 {strides = array<i32>} : memref<4x80x128xf32, #tpu.memory_space<vmem>>, vector<1x1x16xf32>,
      %broadcast_in_dim3A_263 = arith.constant 0.000000e+00 : f32
      %broadcast_in_dim3A_264 = vector.broadcast %broadcast_in_dim3A_263 : f32 to vector<16xf32>
      %swap3A_265 = arith.constant 0 : i32
      %swap3A_266 = arith.index_cast %swap3A_265 : i32 to index
      %swap3A_267 = arith.index_cast %scan3A_237 : i32 to index
      %swap3A_268 = arith.constant 48 : index
      %swap3A_269 = tpu.vector_load %arg14[%swap3A_266, %swap3A_267, %swap3A_268] {strides = array<i32>} : memref<4x80x128xf32, #tpu.memory_space<vmem>>, vector<1x1x16xf32>,
      %swap3A_270 = vector.shape_cast %swap3A_269 : vector<1x1x16xf32> to vector<16xf32>
      %swap3A_271 = vector.shape_cast %broadcast_in_dim3A_264 : vector<16xf32> to vector<1x1x16xf32>
      tpu.vector_store %arg14[%swap3A_266, %swap3A_267, %swap3A_268], %swap3A_271 {strides = array<i32>} : memref<4x80x128xf32, #tpu.memory_space<vmem>>, vector<1x1x16xf32>,
      %broadcast_in_dim3A_272 = arith.constant 0.000000e+00 : f32
      %broadcast_in_dim3A_273 = vector.broadcast %broadcast_in_dim3A_272 : f32 to vector<16xf32>
      %swap3A_274 = arith.constant 0 : i32
      %swap3A_275 = arith.index_cast %swap3A_274 : i32 to index
      %swap3A_276 = arith.index_cast %scan3A_237 : i32 to index
      %swap3A_277 = arith.constant 64 : index
      %swap3A_278 = tpu.vector_load %arg14[%swap3A_275, %swap3A_276, %swap3A_277] {strides = array<i32>} : memref<4x80x128xf32, #tpu.memory_space<vmem>>, vector<1x1x16xf32>,
      %swap3A_279 = vector.shape_cast %swap3A_278 : vector<1x1x16xf32> to vector<16xf32>
      %swap3A_280 = vector.shape_cast %broadcast_in_dim3A_273 : vector<16xf32> to vector<1x1x16xf32>
      tpu.vector_store %arg14[%swap3A_275, %swap3A_276, %swap3A_277], %swap3A_280 {strides = array<i32>} : memref<4x80x128xf32, #tpu.memory_space<vmem>>, vector<1x1x16xf32>,
      %broadcast_in_dim3A_281 = arith.constant 0.000000e+00 : f32
      %broadcast_in_dim3A_282 = vector.broadcast %broadcast_in_dim3A_281 : f32 to vector<16xf32>
      %swap3A_283 = arith.constant 0 : i32
      %swap3A_284 = arith.index_cast %swap3A_283 : i32 to index
      %swap3A_285 = arith.index_cast %scan3A_237 : i32 to index
      %swap3A_286 = arith.constant 80 : index
      %swap3A_287 = tpu.vector_load %arg14[%swap3A_284, %swap3A_285, %swap3A_286] {strides = array<i32>} : memref<4x80x128xf32, #tpu.memory_space<vmem>>, vector<1x1x16xf32>,
      %swap3A_288 = vector.shape_cast %swap3A_287 : vector<1x1x16xf32> to vector<16xf32>
      %swap3A_289 = vector.shape_cast %broadcast_in_dim3A_282 : vector<16xf32> to vector<1x1x16xf32>
      tpu.vector_store %arg14[%swap3A_284, %swap3A_285, %swap3A_286], %swap3A_289 {strides = array<i32>} : memref<4x80x128xf32, #tpu.memory_space<vmem>>, vector<1x1x16xf32>,
      %broadcast_in_dim3A_290 = arith.constant 0.000000e+00 : f32
      %broadcast_in_dim3A_291 = vector.broadcast %broadcast_in_dim3A_290 : f32 to vector<16xf32>
      %swap3A_292 = arith.constant 0 : i32
      %swap3A_293 = arith.index_cast %swap3A_292 : i32 to index
      %swap3A_294 = arith.index_cast %scan3A_237 : i32 to index
      %swap3A_295 = arith.constant 96 : index
      %swap3A_296 = tpu.vector_load %arg14[%swap3A_293, %swap3A_294, %swap3A_295] {strides = array<i32>} : memref<4x80x128xf32, #tpu.memory_space<vmem>>, vector<1x1x16xf32>,
      %swap3A_297 = vector.shape_cast %swap3A_296 : vector<1x1x16xf32> to vector<16xf32>
      %swap3A_298 = vector.shape_cast %broadcast_in_dim3A_291 : vector<16xf32> to vector<1x1x16xf32>
      tpu.vector_store %arg14[%swap3A_293, %swap3A_294, %swap3A_295], %swap3A_298 {strides = array<i32>} : memref<4x80x128xf32, #tpu.memory_space<vmem>>, vector<1x1x16xf32>,
      %broadcast_in_dim3A_299 = arith.constant 0.000000e+00 : f32
      %broadcast_in_dim3A_300 = vector.broadcast %broadcast_in_dim3A_299 : f32 to vector<16xf32>
      %swap3A_301 = arith.constant 0 : i32
      %swap3A_302 = arith.index_cast %swap3A_301 : i32 to index
      %swap3A_303 = arith.index_cast %scan3A_237 : i32 to index
      %swap3A_304 = arith.constant 112 : index
      %swap3A_305 = tpu.vector_load %arg14[%swap3A_302, %swap3A_303, %swap3A_304] {strides = array<i32>} : memref<4x80x128xf32, #tpu.memory_space<vmem>>, vector<1x1x16xf32>,
      %swap3A_306 = vector.shape_cast %swap3A_305 : vector<1x1x16xf32> to vector<16xf32>
      %swap3A_307 = vector.shape_cast %broadcast_in_dim3A_300 : vector<16xf32> to vector<1x1x16xf32>
      tpu.vector_store %arg14[%swap3A_302, %swap3A_303, %swap3A_304], %swap3A_307 {strides = array<i32>} : memref<4x80x128xf32, #tpu.memory_space<vmem>>, vector<1x1x16xf32>,
    }
    %scan3A_5 = arith.constant 80 : i32
    %mul3A_6 = arith.constant 640 : i32
    %mul3A_7 = arith.muli %arg1, %mul3A_6 : i32
    %add3A_8 = arith.constant 0 : i32
    %add3A_9 = arith.addi %mul3A_7, %add3A_8 : i32
    %run_scoped3A = arith.constant 0 : i32
    "tpu.region"() ({
      %run_scoped3A_237 = tpu.sem_alloc : memref<!tpu.dma_semaphore, #tpu.memory_space<semaphore_mem>>
      %dma_start3A_238 = arith.constant 0 : i32
      %dma_start3A_239 = arith.constant 0 : i32
      %dma_start3A_240 = tpu.memref_slice %arg14[%run_scoped3A, %dma_start3A_238, %dma_start3A_239] : memref<4x80x128xf32, #tpu.memory_space<vmem>> -> memref<1x80x128xf32, #tpu.memory_space<vmem>>
      %dma_start3A_241 = tpu.memref_squeeze %dma_start3A_240 : memref<1x80x128xf32, #tpu.memory_space<vmem>> -> memref<80x128xf32, #tpu.memory_space<vmem>>
      %dma_start3A_242 = arith.constant 0 : i32
      %dma_start3A_243 = tpu.memref_slice %arg15[%add3A_9, %dma_start3A_242] : memref<10240x128xf32, #tpu.memory_space<vmem_shared>> -> memref<80x128xf32, #tpu.memory_space<vmem_shared>>
      %dma_start3A_244 = arith.constant 0 : i32
      %dma_start3A_245 = tpu.memref_slice %arg15[%add3A_9, %dma_start3A_244] : memref<10240x128xf32, #tpu.memory_space<vmem_shared>> -> memref<80x128xf32, #tpu.memory_space<vmem_shared>>
      %dma_start3A_246 = arith.constant 0 : i32
      %dma_start3A_247 = arith.constant 0 : i32
      %dma_start3A_248 = tpu.memref_slice %arg14[%run_scoped3A, %dma_start3A_246, %dma_start3A_247] : memref<4x80x128xf32, #tpu.memory_space<vmem>> -> memref<1x80x128xf32, #tpu.memory_space<vmem>>
      %dma_start3A_249 = tpu.memref_squeeze %dma_start3A_248 : memref<1x80x128xf32, #tpu.memory_space<vmem>> -> memref<80x128xf32, #tpu.memory_space<vmem>>
      tpu.enqueue_dma source(%dma_start3A_249 : memref<80x128xf32, #tpu.memory_space<vmem>>) target(%dma_start3A_245 : memref<80x128xf32, #tpu.memory_space<vmem_shared>>) target_semaphore(%run_scoped3A_237 : memref<!tpu.dma_semaphore, #tpu.memory_space<semaphore_mem>>)
      %dma_wait3A_250 = arith.constant 0 : i32
      %dma_wait3A_251 = arith.constant 0 : i32
      %dma_wait3A_252 = tpu.memref_slice %arg14[%run_scoped3A, %dma_wait3A_250, %dma_wait3A_251] : memref<4x80x128xf32, #tpu.memory_space<vmem>> -> memref<1x80x128xf32, #tpu.memory_space<vmem>>
      %dma_wait3A_253 = tpu.memref_squeeze %dma_wait3A_252 : memref<1x80x128xf32, #tpu.memory_space<vmem>> -> memref<80x128xf32, #tpu.memory_space<vmem>>
      %dma_wait3A_254 = arith.constant 0 : i32
      %dma_wait3A_255 = tpu.memref_slice %arg15[%add3A_9, %dma_wait3A_254] : memref<10240x128xf32, #tpu.memory_space<vmem_shared>> -> memref<80x128xf32, #tpu.memory_space<vmem_shared>>
      %dma_wait3A_256 = arith.constant 0 : i32
      %dma_wait3A_257 = tpu.memref_slice %arg15[%add3A_9, %dma_wait3A_256] : memref<10240x128xf32, #tpu.memory_space<vmem_shared>> -> memref<80x128xf32, #tpu.memory_space<vmem_shared>>
      %dma_wait3A_258 = arith.constant 0 : i32
      %dma_wait3A_259 = arith.constant 0 : i32
      %dma_wait3A_260 = tpu.memref_slice %arg14[%run_scoped3A, %dma_wait3A_258, %dma_wait3A_259] : memref<4x80x128xf32, #tpu.memory_space<vmem>> -> memref<1x80x128xf32, #tpu.memory_space<vmem>>
      %dma_wait3A_261 = tpu.memref_squeeze %dma_wait3A_260 : memref<1x80x128xf32, #tpu.memory_space<vmem>> -> memref<80x128xf32, #tpu.memory_space<vmem>>
      tpu.wait_dma2 semaphore(%run_scoped3A_237 : memref<!tpu.dma_semaphore, #tpu.memory_space<semaphore_mem>>) src(%dma_wait3A_261 : memref<80x128xf32, #tpu.memory_space<vmem>>) dst(%dma_wait3A_257 : memref<80x128xf32, #tpu.memory_space<vmem_shared>>)
      tpu.yield
    }) : () -> ()
    %mul3A_10 = arith.constant 640 : i32
    %mul3A_11 = arith.muli %arg1, %mul3A_10 : i32
    %add3A_12 = arith.constant 80 : i32
    %add3A_13 = arith.addi %mul3A_11, %add3A_12 : i32
    %run_scoped3A_14 = arith.constant 0 : i32
    "tpu.region"() ({
      %run_scoped3A_237 = tpu.sem_alloc : memref<!tpu.dma_semaphore, #tpu.memory_space<semaphore_mem>>
      %dma_start3A_238 = arith.constant 0 : i32
      %dma_start3A_239 = arith.constant 0 : i32
      %dma_start3A_240 = tpu.memref_slice %arg14[%run_scoped3A_14, %dma_start3A_238, %dma_start3A_239] : memref<4x80x128xf32, #tpu.memory_space<vmem>> -> memref<1x80x128xf32, #tpu.memory_space<vmem>>
      %dma_start3A_241 = tpu.memref_squeeze %dma_start3A_240 : memref<1x80x128xf32, #tpu.memory_space<vmem>> -> memref<80x128xf32, #tpu.memory_space<vmem>>
      %dma_start3A_242 = arith.constant 0 : i32
      %dma_start3A_243 = tpu.memref_slice %arg15[%add3A_13, %dma_start3A_242] : memref<10240x128xf32, #tpu.memory_space<vmem_shared>> -> memref<80x128xf32, #tpu.memory_space<vmem_shared>>
      %dma_start3A_244 = arith.constant 0 : i32
      %dma_start3A_245 = tpu.memref_slice %arg15[%add3A_13, %dma_start3A_244] : memref<10240x128xf32, #tpu.memory_space<vmem_shared>> -> memref<80x128xf32, #tpu.memory_space<vmem_shared>>
      %dma_start3A_246 = arith.constant 0 : i32
      %dma_start3A_247 = arith.constant 0 : i32
      %dma_start3A_248 = tpu.memref_slice %arg14[%run_scoped3A_14, %dma_start3A_246, %dma_start3A_247] : memref<4x80x128xf32, #tpu.memory_space<vmem>> -> memref<1x80x128xf32, #tpu.memory_space<vmem>>
      %dma_start3A_249 = tpu.memref_squeeze %dma_start3A_248 : memref<1x80x128xf32, #tpu.memory_space<vmem>> -> memref<80x128xf32, #tpu.memory_space<vmem>>
      tpu.enqueue_dma source(%dma_start3A_249 : memref<80x128xf32, #tpu.memory_space<vmem>>) target(%dma_start3A_245 : memref<80x128xf32, #tpu.memory_space<vmem_shared>>) target_semaphore(%run_scoped3A_237 : memref<!tpu.dma_semaphore, #tpu.memory_space<semaphore_mem>>)
      %dma_wait3A_250 = arith.constant 0 : i32
      %dma_wait3A_251 = arith.constant 0 : i32
      %dma_wait3A_252 = tpu.memref_slice %arg14[%run_scoped3A_14, %dma_wait3A_250, %dma_wait3A_251] : memref<4x80x128xf32, #tpu.memory_space<vmem>> -> memref<1x80x128xf32, #tpu.memory_space<vmem>>
      %dma_wait3A_253 = tpu.memref_squeeze %dma_wait3A_252 : memref<1x80x128xf32, #tpu.memory_space<vmem>> -> memref<80x128xf32, #tpu.memory_space<vmem>>
      %dma_wait3A_254 = arith.constant 0 : i32
      %dma_wait3A_255 = tpu.memref_slice %arg15[%add3A_13, %dma_wait3A_254] : memref<10240x128xf32, #tpu.memory_space<vmem_shared>> -> memref<80x128xf32, #tpu.memory_space<vmem_shared>>
      %dma_wait3A_256 = arith.constant 0 : i32
      %dma_wait3A_257 = tpu.memref_slice %arg15[%add3A_13, %dma_wait3A_256] : memref<10240x128xf32, #tpu.memory_space<vmem_shared>> -> memref<80x128xf32, #tpu.memory_space<vmem_shared>>
      %dma_wait3A_258 = arith.constant 0 : i32
      %dma_wait3A_259 = arith.constant 0 : i32
      %dma_wait3A_260 = tpu.memref_slice %arg14[%run_scoped3A_14, %dma_wait3A_258, %dma_wait3A_259] : memref<4x80x128xf32, #tpu.memory_space<vmem>> -> memref<1x80x128xf32, #tpu.memory_space<vmem>>
      %dma_wait3A_261 = tpu.memref_squeeze %dma_wait3A_260 : memref<1x80x128xf32, #tpu.memory_space<vmem>> -> memref<80x128xf32, #tpu.memory_space<vmem>>
      tpu.wait_dma2 semaphore(%run_scoped3A_237 : memref<!tpu.dma_semaphore, #tpu.memory_space<semaphore_mem>>) src(%dma_wait3A_261 : memref<80x128xf32, #tpu.memory_space<vmem>>) dst(%dma_wait3A_257 : memref<80x128xf32, #tpu.memory_space<vmem_shared>>)
      tpu.yield
    }) : () -> ()
    %mul3A_15 = arith.constant 640 : i32
    %mul3A_16 = arith.muli %arg1, %mul3A_15 : i32
    %add3A_17 = arith.constant 160 : i32
    %add3A_18 = arith.addi %mul3A_16, %add3A_17 : i32
    %run_scoped3A_19 = arith.constant 0 : i32
    "tpu.region"() ({
      %run_scoped3A_237 = tpu.sem_alloc : memref<!tpu.dma_semaphore, #tpu.memory_space<semaphore_mem>>
      %dma_start3A_238 = arith.constant 0 : i32
      %dma_start3A_239 = arith.constant 0 : i32
      %dma_start3A_240 = tpu.memref_slice %arg14[%run_scoped3A_19, %dma_start3A_238, %dma_start3A_239] : memref<4x80x128xf32, #tpu.memory_space<vmem>> -> memref<1x80x128xf32, #tpu.memory_space<vmem>>
      %dma_start3A_241 = tpu.memref_squeeze %dma_start3A_240 : memref<1x80x128xf32, #tpu.memory_space<vmem>> -> memref<80x128xf32, #tpu.memory_space<vmem>>
      %dma_start3A_242 = arith.constant 0 : i32
      %dma_start3A_243 = tpu.memref_slice %arg15[%add3A_18, %dma_start3A_242] : memref<10240x128xf32, #tpu.memory_space<vmem_shared>> -> memref<80x128xf32, #tpu.memory_space<vmem_shared>>
      %dma_start3A_244 = arith.constant 0 : i32
      %dma_start3A_245 = tpu.memref_slice %arg15[%add3A_18, %dma_start3A_244] : memref<10240x128xf32, #tpu.memory_space<vmem_shared>> -> memref<80x128xf32, #tpu.memory_space<vmem_shared>>
      %dma_start3A_246 = arith.constant 0 : i32
      %dma_start3A_247 = arith.constant 0 : i32
      %dma_start3A_248 = tpu.memref_slice %arg14[%run_scoped3A_19, %dma_start3A_246, %dma_start3A_247] : memref<4x80x128xf32, #tpu.memory_space<vmem>> -> memref<1x80x128xf32, #tpu.memory_space<vmem>>
      %dma_start3A_249 = tpu.memref_squeeze %dma_start3A_248 : memref<1x80x128xf32, #tpu.memory_space<vmem>> -> memref<80x128xf32, #tpu.memory_space<vmem>>
      tpu.enqueue_dma source(%dma_start3A_249 : memref<80x128xf32, #tpu.memory_space<vmem>>) target(%dma_start3A_245 : memref<80x128xf32, #tpu.memory_space<vmem_shared>>) target_semaphore(%run_scoped3A_237 : memref<!tpu.dma_semaphore, #tpu.memory_space<semaphore_mem>>)
      %dma_wait3A_250 = arith.constant 0 : i32
      %dma_wait3A_251 = arith.constant 0 : i32
      %dma_wait3A_252 = tpu.memref_slice %arg14[%run_scoped3A_19, %dma_wait3A_250, %dma_wait3A_251] : memref<4x80x128xf32, #tpu.memory_space<vmem>> -> memref<1x80x128xf32, #tpu.memory_space<vmem>>
      %dma_wait3A_253 = tpu.memref_squeeze %dma_wait3A_252 : memref<1x80x128xf32, #tpu.memory_space<vmem>> -> memref<80x128xf32, #tpu.memory_space<vmem>>
      %dma_wait3A_254 = arith.constant 0 : i32
      %dma_wait3A_255 = tpu.memref_slice %arg15[%add3A_18, %dma_wait3A_254] : memref<10240x128xf32, #tpu.memory_space<vmem_shared>> -> memref<80x128xf32, #tpu.memory_space<vmem_shared>>
      %dma_wait3A_256 = arith.constant 0 : i32
      %dma_wait3A_257 = tpu.memref_slice %arg15[%add3A_18, %dma_wait3A_256] : memref<10240x128xf32, #tpu.memory_space<vmem_shared>> -> memref<80x128xf32, #tpu.memory_space<vmem_shared>>
      %dma_wait3A_258 = arith.constant 0 : i32
      %dma_wait3A_259 = arith.constant 0 : i32
      %dma_wait3A_260 = tpu.memref_slice %arg14[%run_scoped3A_19, %dma_wait3A_258, %dma_wait3A_259] : memref<4x80x128xf32, #tpu.memory_space<vmem>> -> memref<1x80x128xf32, #tpu.memory_space<vmem>>
      %dma_wait3A_261 = tpu.memref_squeeze %dma_wait3A_260 : memref<1x80x128xf32, #tpu.memory_space<vmem>> -> memref<80x128xf32, #tpu.memory_space<vmem>>
      tpu.wait_dma2 semaphore(%run_scoped3A_237 : memref<!tpu.dma_semaphore, #tpu.memory_space<semaphore_mem>>) src(%dma_wait3A_261 : memref<80x128xf32, #tpu.memory_space<vmem>>) dst(%dma_wait3A_257 : memref<80x128xf32, #tpu.memory_space<vmem_shared>>)
      tpu.yield
    }) : () -> ()
    %mul3A_20 = arith.constant 640 : i32
    %mul3A_21 = arith.muli %arg1, %mul3A_20 : i32
    %add3A_22 = arith.constant 240 : i32
    %add3A_23 = arith.addi %mul3A_21, %add3A_22 : i32
    %run_scoped3A_24 = arith.constant 0 : i32
    "tpu.region"() ({
      %run_scoped3A_237 = tpu.sem_alloc : memref<!tpu.dma_semaphore, #tpu.memory_space<semaphore_mem>>
      %dma_start3A_238 = arith.constant 0 : i32
      %dma_start3A_239 = arith.constant 0 : i32
      %dma_start3A_240 = tpu.memref_slice %arg14[%run_scoped3A_24, %dma_start3A_238, %dma_start3A_239] : memref<4x80x128xf32, #tpu.memory_space<vmem>> -> memref<1x80x128xf32, #tpu.memory_space<vmem>>
      %dma_start3A_241 = tpu.memref_squeeze %dma_start3A_240 : memref<1x80x128xf32, #tpu.memory_space<vmem>> -> memref<80x128xf32, #tpu.memory_space<vmem>>
      %dma_start3A_242 = arith.constant 0 : i32
      %dma_start3A_243 = tpu.memref_slice %arg15[%add3A_23, %dma_start3A_242] : memref<10240x128xf32, #tpu.memory_space<vmem_shared>> -> memref<80x128xf32, #tpu.memory_space<vmem_shared>>
      %dma_start3A_244 = arith.constant 0 : i32
      %dma_start3A_245 = tpu.memref_slice %arg15[%add3A_23, %dma_start3A_244] : memref<10240x128xf32, #tpu.memory_space<vmem_shared>> -> memref<80x128xf32, #tpu.memory_space<vmem_shared>>
      %dma_start3A_246 = arith.constant 0 : i32
      %dma_start3A_247 = arith.constant 0 : i32
      %dma_start3A_248 = tpu.memref_slice %arg14[%run_scoped3A_24, %dma_start3A_246, %dma_start3A_247] : memref<4x80x128xf32, #tpu.memory_space<vmem>> -> memref<1x80x128xf32, #tpu.memory_space<vmem>>
      %dma_start3A_249 = tpu.memref_squeeze %dma_start3A_248 : memref<1x80x128xf32, #tpu.memory_space<vmem>> -> memref<80x128xf32, #tpu.memory_space<vmem>>
      tpu.enqueue_dma source(%dma_start3A_249 : memref<80x128xf32, #tpu.memory_space<vmem>>) target(%dma_start3A_245 : memref<80x128xf32, #tpu.memory_space<vmem_shared>>) target_semaphore(%run_scoped3A_237 : memref<!tpu.dma_semaphore, #tpu.memory_space<semaphore_mem>>)
      %dma_wait3A_250 = arith.constant 0 : i32
      %dma_wait3A_251 = arith.constant 0 : i32
      %dma_wait3A_252 = tpu.memref_slice %arg14[%run_scoped3A_24, %dma_wait3A_250, %dma_wait3A_251] : memref<4x80x128xf32, #tpu.memory_space<vmem>> -> memref<1x80x128xf32, #tpu.memory_space<vmem>>
      %dma_wait3A_253 = tpu.memref_squeeze %dma_wait3A_252 : memref<1x80x128xf32, #tpu.memory_space<vmem>> -> memref<80x128xf32, #tpu.memory_space<vmem>>
      %dma_wait3A_254 = arith.constant 0 : i32
      %dma_wait3A_255 = tpu.memref_slice %arg15[%add3A_23, %dma_wait3A_254] : memref<10240x128xf32, #tpu.memory_space<vmem_shared>> -> memref<80x128xf32, #tpu.memory_space<vmem_shared>>
      %dma_wait3A_256 = arith.constant 0 : i32
      %dma_wait3A_257 = tpu.memref_slice %arg15[%add3A_23, %dma_wait3A_256] : memref<10240x128xf32, #tpu.memory_space<vmem_shared>> -> memref<80x128xf32, #tpu.memory_space<vmem_shared>>
      %dma_wait3A_258 = arith.constant 0 : i32
      %dma_wait3A_259 = arith.constant 0 : i32
      %dma_wait3A_260 = tpu.memref_slice %arg14[%run_scoped3A_24, %dma_wait3A_258, %dma_wait3A_259] : memref<4x80x128xf32, #tpu.memory_space<vmem>> -> memref<1x80x128xf32, #tpu.memory_space<vmem>>
      %dma_wait3A_261 = tpu.memref_squeeze %dma_wait3A_260 : memref<1x80x128xf32, #tpu.memory_space<vmem>> -> memref<80x128xf32, #tpu.memory_space<vmem>>
      tpu.wait_dma2 semaphore(%run_scoped3A_237 : memref<!tpu.dma_semaphore, #tpu.memory_space<semaphore_mem>>) src(%dma_wait3A_261 : memref<80x128xf32, #tpu.memory_space<vmem>>) dst(%dma_wait3A_257 : memref<80x128xf32, #tpu.memory_space<vmem_shared>>)
      tpu.yield
    }) : () -> ()
    %mul3A_25 = arith.constant 640 : i32
    %mul3A_26 = arith.muli %arg1, %mul3A_25 : i32
    %add3A_27 = arith.constant 320 : i32
    %add3A_28 = arith.addi %mul3A_26, %add3A_27 : i32
    %run_scoped3A_29 = arith.constant 0 : i32
    "tpu.region"() ({
      %run_scoped3A_237 = tpu.sem_alloc : memref<!tpu.dma_semaphore, #tpu.memory_space<semaphore_mem>>
      %dma_start3A_238 = arith.constant 0 : i32
      %dma_start3A_239 = arith.constant 0 : i32
      %dma_start3A_240 = tpu.memref_slice %arg14[%run_scoped3A_29, %dma_start3A_238, %dma_start3A_239] : memref<4x80x128xf32, #tpu.memory_space<vmem>> -> memref<1x80x128xf32, #tpu.memory_space<vmem>>
      %dma_start3A_241 = tpu.memref_squeeze %dma_start3A_240 : memref<1x80x128xf32, #tpu.memory_space<vmem>> -> memref<80x128xf32, #tpu.memory_space<vmem>>
      %dma_start3A_242 = arith.constant 0 : i32
      %dma_start3A_243 = tpu.memref_slice %arg15[%add3A_28, %dma_start3A_242] : memref<10240x128xf32, #tpu.memory_space<vmem_shared>> -> memref<80x128xf32, #tpu.memory_space<vmem_shared>>
      %dma_start3A_244 = arith.constant 0 : i32
      %dma_start3A_245 = tpu.memref_slice %arg15[%add3A_28, %dma_start3A_244] : memref<10240x128xf32, #tpu.memory_space<vmem_shared>> -> memref<80x128xf32, #tpu.memory_space<vmem_shared>>
      %dma_start3A_246 = arith.constant 0 : i32
      %dma_start3A_247 = arith.constant 0 : i32
      %dma_start3A_248 = tpu.memref_slice %arg14[%run_scoped3A_29, %dma_start3A_246, %dma_start3A_247] : memref<4x80x128xf32, #tpu.memory_space<vmem>> -> memref<1x80x128xf32, #tpu.memory_space<vmem>>
      %dma_start3A_249 = tpu.memref_squeeze %dma_start3A_248 : memref<1x80x128xf32, #tpu.memory_space<vmem>> -> memref<80x128xf32, #tpu.memory_space<vmem>>
      tpu.enqueue_dma source(%dma_start3A_249 : memref<80x128xf32, #tpu.memory_space<vmem>>) target(%dma_start3A_245 : memref<80x128xf32, #tpu.memory_space<vmem_shared>>) target_semaphore(%run_scoped3A_237 : memref<!tpu.dma_semaphore, #tpu.memory_space<semaphore_mem>>)
      %dma_wait3A_250 = arith.constant 0 : i32
      %dma_wait3A_251 = arith.constant 0 : i32
      %dma_wait3A_252 = tpu.memref_slice %arg14[%run_scoped3A_29, %dma_wait3A_250, %dma_wait3A_251] : memref<4x80x128xf32, #tpu.memory_space<vmem>> -> memref<1x80x128xf32, #tpu.memory_space<vmem>>
      %dma_wait3A_253 = tpu.memref_squeeze %dma_wait3A_252 : memref<1x80x128xf32, #tpu.memory_space<vmem>> -> memref<80x128xf32, #tpu.memory_space<vmem>>
      %dma_wait3A_254 = arith.constant 0 : i32
      %dma_wait3A_255 = tpu.memref_slice %arg15[%add3A_28, %dma_wait3A_254] : memref<10240x128xf32, #tpu.memory_space<vmem_shared>> -> memref<80x128xf32, #tpu.memory_space<vmem_shared>>
      %dma_wait3A_256 = arith.constant 0 : i32
      %dma_wait3A_257 = tpu.memref_slice %arg15[%add3A_28, %dma_wait3A_256] : memref<10240x128xf32, #tpu.memory_space<vmem_shared>> -> memref<80x128xf32, #tpu.memory_space<vmem_shared>>
      %dma_wait3A_258 = arith.constant 0 : i32
      %dma_wait3A_259 = arith.constant 0 : i32
      %dma_wait3A_260 = tpu.memref_slice %arg14[%run_scoped3A_29, %dma_wait3A_258, %dma_wait3A_259] : memref<4x80x128xf32, #tpu.memory_space<vmem>> -> memref<1x80x128xf32, #tpu.memory_space<vmem>>
      %dma_wait3A_261 = tpu.memref_squeeze %dma_wait3A_260 : memref<1x80x128xf32, #tpu.memory_space<vmem>> -> memref<80x128xf32, #tpu.memory_space<vmem>>
      tpu.wait_dma2 semaphore(%run_scoped3A_237 : memref<!tpu.dma_semaphore, #tpu.memory_space<semaphore_mem>>) src(%dma_wait3A_261 : memref<80x128xf32, #tpu.memory_space<vmem>>) dst(%dma_wait3A_257 : memref<80x128xf32, #tpu.memory_space<vmem_shared>>)
      tpu.yield
    }) : () -> ()
    %mul3A_30 = arith.constant 640 : i32
    %mul3A_31 = arith.muli %arg1, %mul3A_30 : i32
    %add3A_32 = arith.constant 400 : i32
    %add3A_33 = arith.addi %mul3A_31, %add3A_32 : i32
    %run_scoped3A_34 = arith.constant 0 : i32
    "tpu.region"() ({
      %run_scoped3A_237 = tpu.sem_alloc : memref<!tpu.dma_semaphore, #tpu.memory_space<semaphore_mem>>
      %dma_start3A_238 = arith.constant 0 : i32
      %dma_start3A_239 = arith.constant 0 : i32
      %dma_start3A_240 = tpu.memref_slice %arg14[%run_scoped3A_34, %dma_start3A_238, %dma_start3A_239] : memref<4x80x128xf32, #tpu.memory_space<vmem>> -> memref<1x80x128xf32, #tpu.memory_space<vmem>>
      %dma_start3A_241 = tpu.memref_squeeze %dma_start3A_240 : memref<1x80x128xf32, #tpu.memory_space<vmem>> -> memref<80x128xf32, #tpu.memory_space<vmem>>
      %dma_start3A_242 = arith.constant 0 : i32
      %dma_start3A_243 = tpu.memref_slice %arg15[%add3A_33, %dma_start3A_242] : memref<10240x128xf32, #tpu.memory_space<vmem_shared>> -> memref<80x128xf32, #tpu.memory_space<vmem_shared>>
      %dma_start3A_244 = arith.constant 0 : i32
      %dma_start3A_245 = tpu.memref_slice %arg15[%add3A_33, %dma_start3A_244] : memref<10240x128xf32, #tpu.memory_space<vmem_shared>> -> memref<80x128xf32, #tpu.memory_space<vmem_shared>>
      %dma_start3A_246 = arith.constant 0 : i32
      %dma_start3A_247 = arith.constant 0 : i32
      %dma_start3A_248 = tpu.memref_slice %arg14[%run_scoped3A_34, %dma_start3A_246, %dma_start3A_247] : memref<4x80x128xf32, #tpu.memory_space<vmem>> -> memref<1x80x128xf32, #tpu.memory_space<vmem>>
      %dma_start3A_249 = tpu.memref_squeeze %dma_start3A_248 : memref<1x80x128xf32, #tpu.memory_space<vmem>> -> memref<80x128xf32, #tpu.memory_space<vmem>>
      tpu.enqueue_dma source(%dma_start3A_249 : memref<80x128xf32, #tpu.memory_space<vmem>>) target(%dma_start3A_245 : memref<80x128xf32, #tpu.memory_space<vmem_shared>>) target_semaphore(%run_scoped3A_237 : memref<!tpu.dma_semaphore, #tpu.memory_space<semaphore_mem>>)
      %dma_wait3A_250 = arith.constant 0 : i32
      %dma_wait3A_251 = arith.constant 0 : i32
      %dma_wait3A_252 = tpu.memref_slice %arg14[%run_scoped3A_34, %dma_wait3A_250, %dma_wait3A_251] : memref<4x80x128xf32, #tpu.memory_space<vmem>> -> memref<1x80x128xf32, #tpu.memory_space<vmem>>
      %dma_wait3A_253 = tpu.memref_squeeze %dma_wait3A_252 : memref<1x80x128xf32, #tpu.memory_space<vmem>> -> memref<80x128xf32, #tpu.memory_space<vmem>>
      %dma_wait3A_254 = arith.constant 0 : i32
      %dma_wait3A_255 = tpu.memref_slice %arg15[%add3A_33, %dma_wait3A_254] : memref<10240x128xf32, #tpu.memory_space<vmem_shared>> -> memref<80x128xf32, #tpu.memory_space<vmem_shared>>
      %dma_wait3A_256 = arith.constant 0 : i32
      %dma_wait3A_257 = tpu.memref_slice %arg15[%add3A_33, %dma_wait3A_256] : memref<10240x128xf32, #tpu.memory_space<vmem_shared>> -> memref<80x128xf32, #tpu.memory_space<vmem_shared>>
      %dma_wait3A_258 = arith.constant 0 : i32
      %dma_wait3A_259 = arith.constant 0 : i32
      %dma_wait3A_260 = tpu.memref_slice %arg14[%run_scoped3A_34, %dma_wait3A_258, %dma_wait3A_259] : memref<4x80x128xf32, #tpu.memory_space<vmem>> -> memref<1x80x128xf32, #tpu.memory_space<vmem>>
      %dma_wait3A_261 = tpu.memref_squeeze %dma_wait3A_260 : memref<1x80x128xf32, #tpu.memory_space<vmem>> -> memref<80x128xf32, #tpu.memory_space<vmem>>
      tpu.wait_dma2 semaphore(%run_scoped3A_237 : memref<!tpu.dma_semaphore, #tpu.memory_space<semaphore_mem>>) src(%dma_wait3A_261 : memref<80x128xf32, #tpu.memory_space<vmem>>) dst(%dma_wait3A_257 : memref<80x128xf32, #tpu.memory_space<vmem_shared>>)
      tpu.yield
    }) : () -> ()
    %mul3A_35 = arith.constant 640 : i32
    %mul3A_36 = arith.muli %arg1, %mul3A_35 : i32
    %add3A_37 = arith.constant 480 : i32
    %add3A_38 = arith.addi %mul3A_36, %add3A_37 : i32
    %run_scoped3A_39 = arith.constant 0 : i32
    "tpu.region"() ({
      %run_scoped3A_237 = tpu.sem_alloc : memref<!tpu.dma_semaphore, #tpu.memory_space<semaphore_mem>>
      %dma_start3A_238 = arith.constant 0 : i32
      %dma_start3A_239 = arith.constant 0 : i32
      %dma_start3A_240 = tpu.memref_slice %arg14[%run_scoped3A_39, %dma_start3A_238, %dma_start3A_239] : memref<4x80x128xf32, #tpu.memory_space<vmem>> -> memref<1x80x128xf32, #tpu.memory_space<vmem>>
      %dma_start3A_241 = tpu.memref_squeeze %dma_start3A_240 : memref<1x80x128xf32, #tpu.memory_space<vmem>> -> memref<80x128xf32, #tpu.memory_space<vmem>>
      %dma_start3A_242 = arith.constant 0 : i32
      %dma_start3A_243 = tpu.memref_slice %arg15[%add3A_38, %dma_start3A_242] : memref<10240x128xf32, #tpu.memory_space<vmem_shared>> -> memref<80x128xf32, #tpu.memory_space<vmem_shared>>
      %dma_start3A_244 = arith.constant 0 : i32
      %dma_start3A_245 = tpu.memref_slice %arg15[%add3A_38, %dma_start3A_244] : memref<10240x128xf32, #tpu.memory_space<vmem_shared>> -> memref<80x128xf32, #tpu.memory_space<vmem_shared>>
      %dma_start3A_246 = arith.constant 0 : i32
      %dma_start3A_247 = arith.constant 0 : i32
      %dma_start3A_248 = tpu.memref_slice %arg14[%run_scoped3A_39, %dma_start3A_246, %dma_start3A_247] : memref<4x80x128xf32, #tpu.memory_space<vmem>> -> memref<1x80x128xf32, #tpu.memory_space<vmem>>
      %dma_start3A_249 = tpu.memref_squeeze %dma_start3A_248 : memref<1x80x128xf32, #tpu.memory_space<vmem>> -> memref<80x128xf32, #tpu.memory_space<vmem>>
      tpu.enqueue_dma source(%dma_start3A_249 : memref<80x128xf32, #tpu.memory_space<vmem>>) target(%dma_start3A_245 : memref<80x128xf32, #tpu.memory_space<vmem_shared>>) target_semaphore(%run_scoped3A_237 : memref<!tpu.dma_semaphore, #tpu.memory_space<semaphore_mem>>)
      %dma_wait3A_250 = arith.constant 0 : i32
      %dma_wait3A_251 = arith.constant 0 : i32
      %dma_wait3A_252 = tpu.memref_slice %arg14[%run_scoped3A_39, %dma_wait3A_250, %dma_wait3A_251] : memref<4x80x128xf32, #tpu.memory_space<vmem>> -> memref<1x80x128xf32, #tpu.memory_space<vmem>>
      %dma_wait3A_253 = tpu.memref_squeeze %dma_wait3A_252 : memref<1x80x128xf32, #tpu.memory_space<vmem>> -> memref<80x128xf32, #tpu.memory_space<vmem>>
      %dma_wait3A_254 = arith.constant 0 : i32
      %dma_wait3A_255 = tpu.memref_slice %arg15[%add3A_38, %dma_wait3A_254] : memref<10240x128xf32, #tpu.memory_space<vmem_shared>> -> memref<80x128xf32, #tpu.memory_space<vmem_shared>>
      %dma_wait3A_256 = arith.constant 0 : i32
      %dma_wait3A_257 = tpu.memref_slice %arg15[%add3A_38, %dma_wait3A_256] : memref<10240x128xf32, #tpu.memory_space<vmem_shared>> -> memref<80x128xf32, #tpu.memory_space<vmem_shared>>
      %dma_wait3A_258 = arith.constant 0 : i32
      %dma_wait3A_259 = arith.constant 0 : i32
      %dma_wait3A_260 = tpu.memref_slice %arg14[%run_scoped3A_39, %dma_wait3A_258, %dma_wait3A_259] : memref<4x80x128xf32, #tpu.memory_space<vmem>> -> memref<1x80x128xf32, #tpu.memory_space<vmem>>
      %dma_wait3A_261 = tpu.memref_squeeze %dma_wait3A_260 : memref<1x80x128xf32, #tpu.memory_space<vmem>> -> memref<80x128xf32, #tpu.memory_space<vmem>>
      tpu.wait_dma2 semaphore(%run_scoped3A_237 : memref<!tpu.dma_semaphore, #tpu.memory_space<semaphore_mem>>) src(%dma_wait3A_261 : memref<80x128xf32, #tpu.memory_space<vmem>>) dst(%dma_wait3A_257 : memref<80x128xf32, #tpu.memory_space<vmem_shared>>)
      tpu.yield
    }) : () -> ()
    %mul3A_40 = arith.constant 640 : i32
    %mul3A_41 = arith.muli %arg1, %mul3A_40 : i32
    %add3A_42 = arith.constant 560 : i32
    %add3A_43 = arith.addi %mul3A_41, %add3A_42 : i32
    %run_scoped3A_44 = arith.constant 0 : i32
    "tpu.region"() ({
      %run_scoped3A_237 = tpu.sem_alloc : memref<!tpu.dma_semaphore, #tpu.memory_space<semaphore_mem>>
      %dma_start3A_238 = arith.constant 0 : i32
      %dma_start3A_239 = arith.constant 0 : i32
      %dma_start3A_240 = tpu.memref_slice %arg14[%run_scoped3A_44, %dma_start3A_238, %dma_start3A_239] : memref<4x80x128xf32, #tpu.memory_space<vmem>> -> memref<1x80x128xf32, #tpu.memory_space<vmem>>
      %dma_start3A_241 = tpu.memref_squeeze %dma_start3A_240 : memref<1x80x128xf32, #tpu.memory_space<vmem>> -> memref<80x128xf32, #tpu.memory_space<vmem>>
      %dma_start3A_242 = arith.constant 0 : i32
      %dma_start3A_243 = tpu.memref_slice %arg15[%add3A_43, %dma_start3A_242] : memref<10240x128xf32, #tpu.memory_space<vmem_shared>> -> memref<80x128xf32, #tpu.memory_space<vmem_shared>>
      %dma_start3A_244 = arith.constant 0 : i32
      %dma_start3A_245 = tpu.memref_slice %arg15[%add3A_43, %dma_start3A_244] : memref<10240x128xf32, #tpu.memory_space<vmem_shared>> -> memref<80x128xf32, #tpu.memory_space<vmem_shared>>
      %dma_start3A_246 = arith.constant 0 : i32
      %dma_start3A_247 = arith.constant 0 : i32
      %dma_start3A_248 = tpu.memref_slice %arg14[%run_scoped3A_44, %dma_start3A_246, %dma_start3A_247] : memref<4x80x128xf32, #tpu.memory_space<vmem>> -> memref<1x80x128xf32, #tpu.memory_space<vmem>>
      %dma_start3A_249 = tpu.memref_squeeze %dma_start3A_248 : memref<1x80x128xf32, #tpu.memory_space<vmem>> -> memref<80x128xf32, #tpu.memory_space<vmem>>
      tpu.enqueue_dma source(%dma_start3A_249 : memref<80x128xf32, #tpu.memory_space<vmem>>) target(%dma_start3A_245 : memref<80x128xf32, #tpu.memory_space<vmem_shared>>) target_semaphore(%run_scoped3A_237 : memref<!tpu.dma_semaphore, #tpu.memory_space<semaphore_mem>>)
      %dma_wait3A_250 = arith.constant 0 : i32
      %dma_wait3A_251 = arith.constant 0 : i32
      %dma_wait3A_252 = tpu.memref_slice %arg14[%run_scoped3A_44, %dma_wait3A_250, %dma_wait3A_251] : memref<4x80x128xf32, #tpu.memory_space<vmem>> -> memref<1x80x128xf32, #tpu.memory_space<vmem>>
      %dma_wait3A_253 = tpu.memref_squeeze %dma_wait3A_252 : memref<1x80x128xf32, #tpu.memory_space<vmem>> -> memref<80x128xf32, #tpu.memory_space<vmem>>
      %dma_wait3A_254 = arith.constant 0 : i32
      %dma_wait3A_255 = tpu.memref_slice %arg15[%add3A_43, %dma_wait3A_254] : memref<10240x128xf32, #tpu.memory_space<vmem_shared>> -> memref<80x128xf32, #tpu.memory_space<vmem_shared>>
      %dma_wait3A_256 = arith.constant 0 : i32
      %dma_wait3A_257 = tpu.memref_slice %arg15[%add3A_43, %dma_wait3A_256] : memref<10240x128xf32, #tpu.memory_space<vmem_shared>> -> memref<80x128xf32, #tpu.memory_space<vmem_shared>>
      %dma_wait3A_258 = arith.constant 0 : i32
      %dma_wait3A_259 = arith.constant 0 : i32
      %dma_wait3A_260 = tpu.memref_slice %arg14[%run_scoped3A_44, %dma_wait3A_258, %dma_wait3A_259] : memref<4x80x128xf32, #tpu.memory_space<vmem>> -> memref<1x80x128xf32, #tpu.memory_space<vmem>>
      %dma_wait3A_261 = tpu.memref_squeeze %dma_wait3A_260 : memref<1x80x128xf32, #tpu.memory_space<vmem>> -> memref<80x128xf32, #tpu.memory_space<vmem>>
      tpu.wait_dma2 semaphore(%run_scoped3A_237 : memref<!tpu.dma_semaphore, #tpu.memory_space<semaphore_mem>>) src(%dma_wait3A_261 : memref<80x128xf32, #tpu.memory_space<vmem>>) dst(%dma_wait3A_257 : memref<80x128xf32, #tpu.memory_space<vmem_shared>>)
      tpu.yield
    }) : () -> ()
    %barrier3A = arith.constant 0 : index
    tpu.barrier barrier_id(%barrier3A)
    %mul3A_45 = arith.constant 10240 : i32
    %mul3A_46 = arith.muli %add3A, %mul3A_45 : i32
    %add3A_47 = arith.constant 0 : i32
    %add3A_48 = arith.addi %mul3A_46, %add3A_47 : i32
    %add3A_49 = arith.constant 0 : i32
    %add3A_50 = arith.addi %add3A_48, %add3A_49 : i32
    %dma_start3A = tpu.memref_slice %arg2[%add3A_50] : memref<327680xi32, #tpu.memory_space<hbm>> -> memref<80xi32, #tpu.memory_space<hbm>>
    %dma_start3A_51 = tpu.memref_slice %arg2[%add3A_50] : memref<327680xi32, #tpu.memory_space<hbm>> -> memref<80xi32, #tpu.memory_space<hbm>>
    tpu.enqueue_dma source(%dma_start3A_51 : memref<80xi32, #tpu.memory_space<hbm>>) target(%arg6 : memref<80xi32, #tpu.memory_space<vmem>>) target_semaphore(%arg24 : memref<!tpu.dma_semaphore, #tpu.memory_space<semaphore_mem>>)
    %add3A_52 = arith.constant 0 : i32
    %add3A_53 = arith.addi %add3A_48, %add3A_52 : i32
    %dma_start3A_54 = tpu.memref_slice %arg3[%add3A_53] : memref<327680xi32, #tpu.memory_space<hbm>> -> memref<80xi32, #tpu.memory_space<hbm>>
    %dma_start3A_55 = tpu.memref_slice %arg3[%add3A_53] : memref<327680xi32, #tpu.memory_space<hbm>> -> memref<80xi32, #tpu.memory_space<hbm>>
    tpu.enqueue_dma source(%dma_start3A_55 : memref<80xi32, #tpu.memory_space<hbm>>) target(%arg10 : memref<80xi32, #tpu.memory_space<vmem>>) target_semaphore(%arg28 : memref<!tpu.dma_semaphore, #tpu.memory_space<semaphore_mem>>)
    %add3A_56 = arith.constant 80 : i32
    %add3A_57 = arith.addi %add3A_48, %add3A_56 : i32
    %dma_start3A_58 = tpu.memref_slice %arg2[%add3A_57] : memref<327680xi32, #tpu.memory_space<hbm>> -> memref<80xi32, #tpu.memory_space<hbm>>
    %dma_start3A_59 = tpu.memref_slice %arg2[%add3A_57] : memref<327680xi32, #tpu.memory_space<hbm>> -> memref<80xi32, #tpu.memory_space<hbm>>
    tpu.enqueue_dma source(%dma_start3A_59 : memref<80xi32, #tpu.memory_space<hbm>>) target(%arg7 : memref<80xi32, #tpu.memory_space<vmem>>) target_semaphore(%arg25 : memref<!tpu.dma_semaphore, #tpu.memory_space<semaphore_mem>>)
    %add3A_60 = arith.constant 80 : i32
    %add3A_61 = arith.addi %add3A_48, %add3A_60 : i32
    %dma_start3A_62 = tpu.memref_slice %arg3[%add3A_61] : memref<327680xi32, #tpu.memory_space<hbm>> -> memref<80xi32, #tpu.memory_space<hbm>>
    %dma_start3A_63 = tpu.memref_slice %arg3[%add3A_61] : memref<327680xi32, #tpu.memory_space<hbm>> -> memref<80xi32, #tpu.memory_space<hbm>>
    tpu.enqueue_dma source(%dma_start3A_63 : memref<80xi32, #tpu.memory_space<hbm>>) target(%arg11 : memref<80xi32, #tpu.memory_space<vmem>>) target_semaphore(%arg29 : memref<!tpu.dma_semaphore, #tpu.memory_space<semaphore_mem>>)
    %add3A_64 = arith.constant 160 : i32
    %add3A_65 = arith.addi %add3A_48, %add3A_64 : i32
    %dma_start3A_66 = tpu.memref_slice %arg2[%add3A_65] : memref<327680xi32, #tpu.memory_space<hbm>> -> memref<80xi32, #tpu.memory_space<hbm>>
    %dma_start3A_67 = tpu.memref_slice %arg2[%add3A_65] : memref<327680xi32, #tpu.memory_space<hbm>> -> memref<80xi32, #tpu.memory_space<hbm>>
    tpu.enqueue_dma source(%dma_start3A_67 : memref<80xi32, #tpu.memory_space<hbm>>) target(%arg8 : memref<80xi32, #tpu.memory_space<vmem>>) target_semaphore(%arg26 : memref<!tpu.dma_semaphore, #tpu.memory_space<semaphore_mem>>)
    %add3A_68 = arith.constant 160 : i32
    %add3A_69 = arith.addi %add3A_48, %add3A_68 : i32
    %dma_start3A_70 = tpu.memref_slice %arg3[%add3A_69] : memref<327680xi32, #tpu.memory_space<hbm>> -> memref<80xi32, #tpu.memory_space<hbm>>
    %dma_start3A_71 = tpu.memref_slice %arg3[%add3A_69] : memref<327680xi32, #tpu.memory_space<hbm>> -> memref<80xi32, #tpu.memory_space<hbm>>
    tpu.enqueue_dma source(%dma_start3A_71 : memref<80xi32, #tpu.memory_space<hbm>>) target(%arg12 : memref<80xi32, #tpu.memory_space<vmem>>) target_semaphore(%arg30 : memref<!tpu.dma_semaphore, #tpu.memory_space<semaphore_mem>>)
    %add3A_72 = arith.constant 240 : i32
    %add3A_73 = arith.addi %add3A_48, %add3A_72 : i32
    %dma_start3A_74 = tpu.memref_slice %arg2[%add3A_73] : memref<327680xi32, #tpu.memory_space<hbm>> -> memref<80xi32, #tpu.memory_space<hbm>>
    %dma_start3A_75 = tpu.memref_slice %arg2[%add3A_73] : memref<327680xi32, #tpu.memory_space<hbm>> -> memref<80xi32, #tpu.memory_space<hbm>>
    tpu.enqueue_dma source(%dma_start3A_75 : memref<80xi32, #tpu.memory_space<hbm>>) target(%arg9 : memref<80xi32, #tpu.memory_space<vmem>>) target_semaphore(%arg27 : memref<!tpu.dma_semaphore, #tpu.memory_space<semaphore_mem>>)
    %add3A_76 = arith.constant 240 : i32
    %add3A_77 = arith.addi %add3A_48, %add3A_76 : i32
    %dma_start3A_78 = tpu.memref_slice %arg3[%add3A_77] : memref<327680xi32, #tpu.memory_space<hbm>> -> memref<80xi32, #tpu.memory_space<hbm>>
    %dma_start3A_79 = tpu.memref_slice %arg3[%add3A_77] : memref<327680xi32, #tpu.memory_space<hbm>> -> memref<80xi32, #tpu.memory_space<hbm>>
    tpu.enqueue_dma source(%dma_start3A_79 : memref<80xi32, #tpu.memory_space<hbm>>) target(%arg13 : memref<80xi32, #tpu.memory_space<vmem>>) target_semaphore(%arg31 : memref<!tpu.dma_semaphore, #tpu.memory_space<semaphore_mem>>)
    %dma_wait3A = tpu.memref_slice %arg2[%add3A_50] : memref<327680xi32, #tpu.memory_space<hbm>> -> memref<80xi32, #tpu.memory_space<hbm>>
    %dma_wait3A_80 = tpu.memref_slice %arg2[%add3A_50] : memref<327680xi32, #tpu.memory_space<hbm>> -> memref<80xi32, #tpu.memory_space<hbm>>
    tpu.wait_dma2 semaphore(%arg24 : memref<!tpu.dma_semaphore, #tpu.memory_space<semaphore_mem>>) src(%dma_wait3A_80 : memref<80xi32, #tpu.memory_space<hbm>>) dst(%arg6 : memref<80xi32, #tpu.memory_space<vmem>>)
    %dma_start3A_81 = arith.constant 0 : i32
    %dma_start3A_82 = arith.constant 0 : i32
    %dma_start3A_83 = arith.constant 0 : i32
    %dma_start3A_84 = tpu.memref_slice %arg14[%dma_start3A_81, %dma_start3A_82, %dma_start3A_83] : memref<4x80x128xf32, #tpu.memory_space<vmem>> -> memref<1x80x128xf32, #tpu.memory_space<vmem>>
    %dma_start3A_85 = tpu.memref_squeeze %dma_start3A_84 : memref<1x80x128xf32, #tpu.memory_space<vmem>> -> memref<80x128xf32, #tpu.memory_space<vmem>>
    %dma_start3A_86 = arith.constant 0 : i32
    %dma_start3A_87 = arith.constant 0 : i32
    %dma_start3A_88 = tpu.memref_slice %arg4[%dma_start3A_86, %dma_start3A_87] : memref<10240x128xf32, #tpu.memory_space<hbm>> -> memref<10240x128xf32, #tpu.memory_space<hbm>>
    tpu.enqueue_indirect_dma source(%dma_start3A_88 : memref<10240x128xf32, #tpu.memory_space<hbm>>) target(%dma_start3A_85 : memref<80x128xf32, #tpu.memory_space<vmem>>) offsets(%arg6 : memref<80xi32, #tpu.memory_space<vmem>>) semaphore(%arg16 : memref<!tpu.dma_semaphore, #tpu.memory_space<semaphore_mem>>)
    %dma_wait3A_89 = tpu.memref_slice %arg2[%add3A_57] : memref<327680xi32, #tpu.memory_space<hbm>> -> memref<80xi32, #tpu.memory_space<hbm>>
    %dma_wait3A_90 = tpu.memref_slice %arg2[%add3A_57] : memref<327680xi32, #tpu.memory_space<hbm>> -> memref<80xi32, #tpu.memory_space<hbm>>
    tpu.wait_dma2 semaphore(%arg25 : memref<!tpu.dma_semaphore, #tpu.memory_space<semaphore_mem>>) src(%dma_wait3A_90 : memref<80xi32, #tpu.memory_space<hbm>>) dst(%arg7 : memref<80xi32, #tpu.memory_space<vmem>>)
    %dma_start3A_91 = arith.constant 1 : i32
    %dma_start3A_92 = arith.constant 0 : i32
    %dma_start3A_93 = arith.constant 0 : i32
    %dma_start3A_94 = tpu.memref_slice %arg14[%dma_start3A_91, %dma_start3A_92, %dma_start3A_93] : memref<4x80x128xf32, #tpu.memory_space<vmem>> -> memref<1x80x128xf32, #tpu.memory_space<vmem>>
    %dma_start3A_95 = tpu.memref_squeeze %dma_start3A_94 : memref<1x80x128xf32, #tpu.memory_space<vmem>> -> memref<80x128xf32, #tpu.memory_space<vmem>>
    %dma_start3A_96 = arith.constant 0 : i32
    %dma_start3A_97 = arith.constant 0 : i32
    %dma_start3A_98 = tpu.memref_slice %arg4[%dma_start3A_96, %dma_start3A_97] : memref<10240x128xf32, #tpu.memory_space<hbm>> -> memref<10240x128xf32, #tpu.memory_space<hbm>>
    tpu.enqueue_indirect_dma source(%dma_start3A_98 : memref<10240x128xf32, #tpu.memory_space<hbm>>) target(%dma_start3A_95 : memref<80x128xf32, #tpu.memory_space<vmem>>) offsets(%arg7 : memref<80xi32, #tpu.memory_space<vmem>>) semaphore(%arg17 : memref<!tpu.dma_semaphore, #tpu.memory_space<semaphore_mem>>)
    %dma_wait3A_99 = tpu.memref_slice %arg2[%add3A_65] : memref<327680xi32, #tpu.memory_space<hbm>> -> memref<80xi32, #tpu.memory_space<hbm>>
    %dma_wait3A_100 = tpu.memref_slice %arg2[%add3A_65] : memref<327680xi32, #tpu.memory_space<hbm>> -> memref<80xi32, #tpu.memory_space<hbm>>
    tpu.wait_dma2 semaphore(%arg26 : memref<!tpu.dma_semaphore, #tpu.memory_space<semaphore_mem>>) src(%dma_wait3A_100 : memref<80xi32, #tpu.memory_space<hbm>>) dst(%arg8 : memref<80xi32, #tpu.memory_space<vmem>>)
    %dma_start3A_101 = arith.constant 2 : i32
    %dma_start3A_102 = arith.constant 0 : i32
    %dma_start3A_103 = arith.constant 0 : i32
    %dma_start3A_104 = tpu.memref_slice %arg14[%dma_start3A_101, %dma_start3A_102, %dma_start3A_103] : memref<4x80x128xf32, #tpu.memory_space<vmem>> -> memref<1x80x128xf32, #tpu.memory_space<vmem>>
    %dma_start3A_105 = tpu.memref_squeeze %dma_start3A_104 : memref<1x80x128xf32, #tpu.memory_space<vmem>> -> memref<80x128xf32, #tpu.memory_space<vmem>>
    %dma_start3A_106 = arith.constant 0 : i32
    %dma_start3A_107 = arith.constant 0 : i32
    %dma_start3A_108 = tpu.memref_slice %arg4[%dma_start3A_106, %dma_start3A_107] : memref<10240x128xf32, #tpu.memory_space<hbm>> -> memref<10240x128xf32, #tpu.memory_space<hbm>>
    tpu.enqueue_indirect_dma source(%dma_start3A_108 : memref<10240x128xf32, #tpu.memory_space<hbm>>) target(%dma_start3A_105 : memref<80x128xf32, #tpu.memory_space<vmem>>) offsets(%arg8 : memref<80xi32, #tpu.memory_space<vmem>>) semaphore(%arg18 : memref<!tpu.dma_semaphore, #tpu.memory_space<semaphore_mem>>)
    %dma_wait3A_109 = tpu.memref_slice %arg2[%add3A_73] : memref<327680xi32, #tpu.memory_space<hbm>> -> memref<80xi32, #tpu.memory_space<hbm>>
    %dma_wait3A_110 = tpu.memref_slice %arg2[%add3A_73] : memref<327680xi32, #tpu.memory_space<hbm>> -> memref<80xi32, #tpu.memory_space<hbm>>
    tpu.wait_dma2 semaphore(%arg27 : memref<!tpu.dma_semaphore, #tpu.memory_space<semaphore_mem>>) src(%dma_wait3A_110 : memref<80xi32, #tpu.memory_space<hbm>>) dst(%arg9 : memref<80xi32, #tpu.memory_space<vmem>>)
    %dma_start3A_111 = arith.constant 3 : i32
    %dma_start3A_112 = arith.constant 0 : i32
    %dma_start3A_113 = arith.constant 0 : i32
    %dma_start3A_114 = tpu.memref_slice %arg14[%dma_start3A_111, %dma_start3A_112, %dma_start3A_113] : memref<4x80x128xf32, #tpu.memory_space<vmem>> -> memref<1x80x128xf32, #tpu.memory_space<vmem>>
    %dma_start3A_115 = tpu.memref_squeeze %dma_start3A_114 : memref<1x80x128xf32, #tpu.memory_space<vmem>> -> memref<80x128xf32, #tpu.memory_space<vmem>>
    %dma_start3A_116 = arith.constant 0 : i32
    %dma_start3A_117 = arith.constant 0 : i32
    %dma_start3A_118 = tpu.memref_slice %arg4[%dma_start3A_116, %dma_start3A_117] : memref<10240x128xf32, #tpu.memory_space<hbm>> -> memref<10240x128xf32, #tpu.memory_space<hbm>>
    tpu.enqueue_indirect_dma source(%dma_start3A_118 : memref<10240x128xf32, #tpu.memory_space<hbm>>) target(%dma_start3A_115 : memref<80x128xf32, #tpu.memory_space<vmem>>) offsets(%arg9 : memref<80xi32, #tpu.memory_space<vmem>>) semaphore(%arg19 : memref<!tpu.dma_semaphore, #tpu.memory_space<semaphore_mem>>)
    %dma_wait3A_119 = arith.constant 0 : i32
    %dma_wait3A_120 = arith.constant 0 : i32
    %dma_wait3A_121 = arith.constant 0 : i32
    %dma_wait3A_122 = tpu.memref_slice %arg14[%dma_wait3A_119, %dma_wait3A_120, %dma_wait3A_121] : memref<4x80x128xf32, #tpu.memory_space<vmem>> -> memref<1x80x128xf32, #tpu.memory_space<vmem>>
    %dma_wait3A_123 = tpu.memref_squeeze %dma_wait3A_122 : memref<1x80x128xf32, #tpu.memory_space<vmem>> -> memref<80x128xf32, #tpu.memory_space<vmem>>
    %dma_wait3A_124 = arith.constant 0 : i32
    %dma_wait3A_125 = arith.constant 0 : i32
    %dma_wait3A_126 = tpu.memref_slice %arg4[%dma_wait3A_124, %dma_wait3A_125] : memref<10240x128xf32, #tpu.memory_space<hbm>> -> memref<10240x128xf32, #tpu.memory_space<hbm>>
    tpu.wait_indirect_dma semaphore(%arg16 : memref<!tpu.dma_semaphore, #tpu.memory_space<semaphore_mem>>) src(%dma_wait3A_126 : memref<10240x128xf32, #tpu.memory_space<hbm>>) dst(%dma_wait3A_123 : memref<80x128xf32, #tpu.memory_space<vmem>>)
    %dma_wait3A_127 = tpu.memref_slice %arg3[%add3A_53] : memref<327680xi32, #tpu.memory_space<hbm>> -> memref<80xi32, #tpu.memory_space<hbm>>
    %dma_wait3A_128 = tpu.memref_slice %arg3[%add3A_53] : memref<327680xi32, #tpu.memory_space<hbm>> -> memref<80xi32, #tpu.memory_space<hbm>>
    tpu.wait_dma2 semaphore(%arg28 : memref<!tpu.dma_semaphore, #tpu.memory_space<semaphore_mem>>) src(%dma_wait3A_128 : memref<80xi32, #tpu.memory_space<hbm>>) dst(%arg10 : memref<80xi32, #tpu.memory_space<vmem>>)
    %dma_start3A_129 = arith.constant 0 : i32
    %dma_start3A_130 = arith.constant 0 : i32
    %dma_start3A_131 = arith.constant 0 : i32
    %dma_start3A_132 = tpu.memref_slice %arg14[%dma_start3A_129, %dma_start3A_130, %dma_start3A_131] : memref<4x80x128xf32, #tpu.memory_space<vmem>> -> memref<1x80x128xf32, #tpu.memory_space<vmem>>
    %dma_start3A_133 = tpu.memref_squeeze %dma_start3A_132 : memref<1x80x128xf32, #tpu.memory_space<vmem>> -> memref<80x128xf32, #tpu.memory_space<vmem>>
    %dma_start3A_134 = arith.constant 0 : i32
    %dma_start3A_135 = arith.constant 0 : i32
    %dma_start3A_136 = tpu.memref_slice %arg15[%dma_start3A_134, %dma_start3A_135] : memref<10240x128xf32, #tpu.memory_space<vmem_shared>> -> memref<10240x128xf32, #tpu.memory_space<vmem_shared>>
    tpu.enqueue_indirect_dma source(%dma_start3A_133 : memref<80x128xf32, #tpu.memory_space<vmem>>) target(%dma_start3A_136 : memref<10240x128xf32, #tpu.memory_space<vmem_shared>>) offsets(%arg10 : memref<80xi32, #tpu.memory_space<vmem>>) semaphore(%arg20 : memref<!tpu.dma_semaphore, #tpu.memory_space<semaphore_mem>>) {add = true}
    %dma_wait3A_137 = arith.constant 1 : i32
    %dma_wait3A_138 = arith.constant 0 : i32
    %dma_wait3A_139 = arith.constant 0 : i32
    %dma_wait3A_140 = tpu.memref_slice %arg14[%dma_wait3A_137, %dma_wait3A_138, %dma_wait3A_139] : memref<4x80x128xf32, #tpu.memory_space<vmem>> -> memref<1x80x128xf32, #tpu.memory_space<vmem>>
    %dma_wait3A_141 = tpu.memref_squeeze %dma_wait3A_140 : memref<1x80x128xf32, #tpu.memory_space<vmem>> -> memref<80x128xf32, #tpu.memory_space<vmem>>
    %dma_wait3A_142 = arith.constant 0 : i32
    %dma_wait3A_143 = arith.constant 0 : i32
    %dma_wait3A_144 = tpu.memref_slice %arg4[%dma_wait3A_142, %dma_wait3A_143] : memref<10240x128xf32, #tpu.memory_space<hbm>> -> memref<10240x128xf32, #tpu.memory_space<hbm>>
    tpu.wait_indirect_dma semaphore(%arg17 : memref<!tpu.dma_semaphore, #tpu.memory_space<semaphore_mem>>) src(%dma_wait3A_144 : memref<10240x128xf32, #tpu.memory_space<hbm>>) dst(%dma_wait3A_141 : memref<80x128xf32, #tpu.memory_space<vmem>>)
    %dma_wait3A_145 = tpu.memref_slice %arg3[%add3A_61] : memref<327680xi32, #tpu.memory_space<hbm>> -> memref<80xi32, #tpu.memory_space<hbm>>
    %dma_wait3A_146 = tpu.memref_slice %arg3[%add3A_61] : memref<327680xi32, #tpu.memory_space<hbm>> -> memref<80xi32, #tpu.memory_space<hbm>>
    tpu.wait_dma2 semaphore(%arg29 : memref<!tpu.dma_semaphore, #tpu.memory_space<semaphore_mem>>) src(%dma_wait3A_146 : memref<80xi32, #tpu.memory_space<hbm>>) dst(%arg11 : memref<80xi32, #tpu.memory_space<vmem>>)
    %dma_start3A_147 = arith.constant 1 : i32
    %dma_start3A_148 = arith.constant 0 : i32
    %dma_start3A_149 = arith.constant 0 : i32
    %dma_start3A_150 = tpu.memref_slice %arg14[%dma_start3A_147, %dma_start3A_148, %dma_start3A_149] : memref<4x80x128xf32, #tpu.memory_space<vmem>> -> memref<1x80x128xf32, #tpu.memory_space<vmem>>
    %dma_start3A_151 = tpu.memref_squeeze %dma_start3A_150 : memref<1x80x128xf32, #tpu.memory_space<vmem>> -> memref<80x128xf32, #tpu.memory_space<vmem>>
    %dma_start3A_152 = arith.constant 0 : i32
    %dma_start3A_153 = arith.constant 0 : i32
    %dma_start3A_154 = tpu.memref_slice %arg15[%dma_start3A_152, %dma_start3A_153] : memref<10240x128xf32, #tpu.memory_space<vmem_shared>> -> memref<10240x128xf32, #tpu.memory_space<vmem_shared>>
    tpu.enqueue_indirect_dma source(%dma_start3A_151 : memref<80x128xf32, #tpu.memory_space<vmem>>) target(%dma_start3A_154 : memref<10240x128xf32, #tpu.memory_space<vmem_shared>>) offsets(%arg11 : memref<80xi32, #tpu.memory_space<vmem>>) semaphore(%arg21 : memref<!tpu.dma_semaphore, #tpu.memory_space<semaphore_mem>>) {add = true}
    %dma_wait3A_155 = arith.constant 2 : i32
    %dma_wait3A_156 = arith.constant 0 : i32
    %dma_wait3A_157 = arith.constant 0 : i32
    %dma_wait3A_158 = tpu.memref_slice %arg14[%dma_wait3A_155, %dma_wait3A_156, %dma_wait3A_157] : memref<4x80x128xf32, #tpu.memory_space<vmem>> -> memref<1x80x128xf32, #tpu.memory_space<vmem>>
    %dma_wait3A_159 = tpu.memref_squeeze %dma_wait3A_158 : memref<1x80x128xf32, #tpu.memory_space<vmem>> -> memref<80x128xf32, #tpu.memory_space<vmem>>
    %dma_wait3A_160 = arith.constant 0 : i32
    %dma_wait3A_161 = arith.constant 0 : i32
    %dma_wait3A_162 = tpu.memref_slice %arg4[%dma_wait3A_160, %dma_wait3A_161] : memref<10240x128xf32, #tpu.memory_space<hbm>> -> memref<10240x128xf32, #tpu.memory_space<hbm>>
    tpu.wait_indirect_dma semaphore(%arg18 : memref<!tpu.dma_semaphore, #tpu.memory_space<semaphore_mem>>) src(%dma_wait3A_162 : memref<10240x128xf32, #tpu.memory_space<hbm>>) dst(%dma_wait3A_159 : memref<80x128xf32, #tpu.memory_space<vmem>>)
    %dma_wait3A_163 = tpu.memref_slice %arg3[%add3A_69] : memref<327680xi32, #tpu.memory_space<hbm>> -> memref<80xi32, #tpu.memory_space<hbm>>
    %dma_wait3A_164 = tpu.memref_slice %arg3[%add3A_69] : memref<327680xi32, #tpu.memory_space<hbm>> -> memref<80xi32, #tpu.memory_space<hbm>>
    tpu.wait_dma2 semaphore(%arg30 : memref<!tpu.dma_semaphore, #tpu.memory_space<semaphore_mem>>) src(%dma_wait3A_164 : memref<80xi32, #tpu.memory_space<hbm>>) dst(%arg12 : memref<80xi32, #tpu.memory_space<vmem>>)
    %dma_start3A_165 = arith.constant 2 : i32
    %dma_start3A_166 = arith.constant 0 : i32
    %dma_start3A_167 = arith.constant 0 : i32
    %dma_start3A_168 = tpu.memref_slice %arg14[%dma_start3A_165, %dma_start3A_166, %dma_start3A_167] : memref<4x80x128xf32, #tpu.memory_space<vmem>> -> memref<1x80x128xf32, #tpu.memory_space<vmem>>
    %dma_start3A_169 = tpu.memref_squeeze %dma_start3A_168 : memref<1x80x128xf32, #tpu.memory_space<vmem>> -> memref<80x128xf32, #tpu.memory_space<vmem>>
    %dma_start3A_170 = arith.constant 0 : i32
    %dma_start3A_171 = arith.constant 0 : i32
    %dma_start3A_172 = tpu.memref_slice %arg15[%dma_start3A_170, %dma_start3A_171] : memref<10240x128xf32, #tpu.memory_space<vmem_shared>> -> memref<10240x128xf32, #tpu.memory_space<vmem_shared>>
    tpu.enqueue_indirect_dma source(%dma_start3A_169 : memref<80x128xf32, #tpu.memory_space<vmem>>) target(%dma_start3A_172 : memref<10240x128xf32, #tpu.memory_space<vmem_shared>>) offsets(%arg12 : memref<80xi32, #tpu.memory_space<vmem>>) semaphore(%arg22 : memref<!tpu.dma_semaphore, #tpu.memory_space<semaphore_mem>>) {add = true}
    %dma_wait3A_173 = arith.constant 3 : i32
    %dma_wait3A_174 = arith.constant 0 : i32
    %dma_wait3A_175 = arith.constant 0 : i32
    %dma_wait3A_176 = tpu.memref_slice %arg14[%dma_wait3A_173, %dma_wait3A_174, %dma_wait3A_175] : memref<4x80x128xf32, #tpu.memory_space<vmem>> -> memref<1x80x128xf32, #tpu.memory_space<vmem>>
    %dma_wait3A_177 = tpu.memref_squeeze %dma_wait3A_176 : memref<1x80x128xf32, #tpu.memory_space<vmem>> -> memref<80x128xf32, #tpu.memory_space<vmem>>
    %dma_wait3A_178 = arith.constant 0 : i32
    %dma_wait3A_179 = arith.constant 0 : i32
    %dma_wait3A_180 = tpu.memref_slice %arg4[%dma_wait3A_178, %dma_wait3A_179] : memref<10240x128xf32, #tpu.memory_space<hbm>> -> memref<10240x128xf32, #tpu.memory_space<hbm>>
    tpu.wait_indirect_dma semaphore(%arg19 : memref<!tpu.dma_semaphore, #tpu.memory_space<semaphore_mem>>) src(%dma_wait3A_180 : memref<10240x128xf32, #tpu.memory_space<hbm>>) dst(%dma_wait3A_177 : memref<80x128xf32, #tpu.memory_space<vmem>>)
    %dma_wait3A_181 = tpu.memref_slice %arg3[%add3A_77] : memref<327680xi32, #tpu.memory_space<hbm>> -> memref<80xi32, #tpu.memory_space<hbm>>
    %dma_wait3A_182 = tpu.memref_slice %arg3[%add3A_77] : memref<327680xi32, #tpu.memory_space<hbm>> -> memref<80xi32, #tpu.memory_space<hbm>>
    tpu.wait_dma2 semaphore(%arg31 : memref<!tpu.dma_semaphore, #tpu.memory_space<semaphore_mem>>) src(%dma_wait3A_182 : memref<80xi32, #tpu.memory_space<hbm>>) dst(%arg13 : memref<80xi32, #tpu.memory_space<vmem>>)
    %dma_start3A_183 = arith.constant 3 : i32
    %dma_start3A_184 = arith.constant 0 : i32
    %dma_start3A_185 = arith.constant 0 : i32
    %dma_start3A_186 = tpu.memref_slice %arg14[%dma_start3A_183, %dma_start3A_184, %dma_start3A_185] : memref<4x80x128xf32, #tpu.memory_space<vmem>> -> memref<1x80x128xf32, #tpu.memory_space<vmem>>
    %dma_start3A_187 = tpu.memref_squeeze %dma_start3A_186 : memref<1x80x128xf32, #tpu.memory_space<vmem>> -> memref<80x128xf32, #tpu.memory_space<vmem>>
    %dma_start3A_188 = arith.constant 0 : i32
    %dma_start3A_189 = arith.constant 0 : i32
    %dma_start3A_190 = tpu.memref_slice %arg15[%dma_start3A_188, %dma_start3A_189] : memref<10240x128xf32, #tpu.memory_space<vmem_shared>> -> memref<10240x128xf32, #tpu.memory_space<vmem_shared>>
    tpu.enqueue_indirect_dma source(%dma_start3A_187 : memref<80x128xf32, #tpu.memory_space<vmem>>) target(%dma_start3A_190 : memref<10240x128xf32, #tpu.memory_space<vmem_shared>>) offsets(%arg13 : memref<80xi32, #tpu.memory_space<vmem>>) semaphore(%arg23 : memref<!tpu.dma_semaphore, #tpu.memory_space<semaphore_mem>>) {add = true}
    %scan3A_191 = arith.constant 0 : i32
    %scan3A_192 = arith.constant 1 : i32
    %scan3A_193 = arith.constant 31 : i32
    %scan3A_194 = arith.addi %scan3A_192, %scan3A_193 : i32
    %scan3A_195 = arith.constant 1 : i32
    scf.for %scan3A_237 = %scan3A_192 to %scan3A_194 step %scan3A_195  : i32 {
      %mul3A_238 = arith.constant 10240 : i32
      %mul3A_239 = arith.muli %add3A, %mul3A_238 : i32
      %mul3A_240 = arith.constant 4 : i32
      %mul3A_241 = arith.muli %scan3A_237, %mul3A_240 : i32
      %mul3A_242 = arith.constant 80 : i32
      %mul3A_243 = arith.muli %mul3A_241, %mul3A_242 : i32
      %add3A_244 = arith.addi %mul3A_239, %mul3A_243 : i32
      %dma_wait3A_245 = arith.constant 0 : i32
      %dma_wait3A_246 = arith.constant 0 : i32
      %dma_wait3A_247 = arith.constant 0 : i32
      %dma_wait3A_248 = tpu.memref_slice %arg14[%dma_wait3A_245, %dma_wait3A_246, %dma_wait3A_247] : memref<4x80x128xf32, #tpu.memory_space<vmem>> -> memref<1x80x128xf32, #tpu.memory_space<vmem>>
      %dma_wait3A_249 = tpu.memref_squeeze %dma_wait3A_248 : memref<1x80x128xf32, #tpu.memory_space<vmem>> -> memref<80x128xf32, #tpu.memory_space<vmem>>
      %dma_wait3A_250 = arith.constant 0 : i32
      %dma_wait3A_251 = arith.constant 0 : i32
      %dma_wait3A_252 = tpu.memref_slice %arg15[%dma_wait3A_250, %dma_wait3A_251] : memref<10240x128xf32, #tpu.memory_space<vmem_shared>> -> memref<10240x128xf32, #tpu.memory_space<vmem_shared>>
      tpu.wait_indirect_dma semaphore(%arg20 : memref<!tpu.dma_semaphore, #tpu.memory_space<semaphore_mem>>) src(%dma_wait3A_249 : memref<80x128xf32, #tpu.memory_space<vmem>>) dst(%dma_wait3A_252 : memref<10240x128xf32, #tpu.memory_space<vmem_shared>>)
      %add3A_253 = arith.constant 0 : i32
      %add3A_254 = arith.addi %add3A_244, %add3A_253 : i32
      %dma_start3A_255 = tpu.memref_slice %arg2[%add3A_254] : memref<327680xi32, #tpu.memory_space<hbm>> -> memref<80xi32, #tpu.memory_space<hbm>>
      %dma_start3A_256 = tpu.memref_slice %arg2[%add3A_254] : memref<327680xi32, #tpu.memory_space<hbm>> -> memref<80xi32, #tpu.memory_space<hbm>>
      tpu.enqueue_dma source(%dma_start3A_256 : memref<80xi32, #tpu.memory_space<hbm>>) target(%arg6 : memref<80xi32, #tpu.memory_space<vmem>>) target_semaphore(%arg24 : memref<!tpu.dma_semaphore, #tpu.memory_space<semaphore_mem>>)
      %add3A_257 = arith.constant 0 : i32
      %add3A_258 = arith.addi %add3A_244, %add3A_257 : i32
      %dma_start3A_259 = tpu.memref_slice %arg3[%add3A_258] : memref<327680xi32, #tpu.memory_space<hbm>> -> memref<80xi32, #tpu.memory_space<hbm>>
      %dma_start3A_260 = tpu.memref_slice %arg3[%add3A_258] : memref<327680xi32, #tpu.memory_space<hbm>> -> memref<80xi32, #tpu.memory_space<hbm>>
      tpu.enqueue_dma source(%dma_start3A_260 : memref<80xi32, #tpu.memory_space<hbm>>) target(%arg10 : memref<80xi32, #tpu.memory_space<vmem>>) target_semaphore(%arg28 : memref<!tpu.dma_semaphore, #tpu.memory_space<semaphore_mem>>)
      %dma_wait3A_261 = arith.constant 1 : i32
      %dma_wait3A_262 = arith.constant 0 : i32
      %dma_wait3A_263 = arith.constant 0 : i32
      %dma_wait3A_264 = tpu.memref_slice %arg14[%dma_wait3A_261, %dma_wait3A_262, %dma_wait3A_263] : memref<4x80x128xf32, #tpu.memory_space<vmem>> -> memref<1x80x128xf32, #tpu.memory_space<vmem>>
      %dma_wait3A_265 = tpu.memref_squeeze %dma_wait3A_264 : memref<1x80x128xf32, #tpu.memory_space<vmem>> -> memref<80x128xf32, #tpu.memory_space<vmem>>
      %dma_wait3A_266 = arith.constant 0 : i32
      %dma_wait3A_267 = arith.constant 0 : i32
      %dma_wait3A_268 = tpu.memref_slice %arg15[%dma_wait3A_266, %dma_wait3A_267] : memref<10240x128xf32, #tpu.memory_space<vmem_shared>> -> memref<10240x128xf32, #tpu.memory_space<vmem_shared>>
      tpu.wait_indirect_dma semaphore(%arg21 : memref<!tpu.dma_semaphore, #tpu.memory_space<semaphore_mem>>) src(%dma_wait3A_265 : memref<80x128xf32, #tpu.memory_space<vmem>>) dst(%dma_wait3A_268 : memref<10240x128xf32, #tpu.memory_space<vmem_shared>>)
      %add3A_269 = arith.constant 80 : i32
      %add3A_270 = arith.addi %add3A_244, %add3A_269 : i32
      %dma_start3A_271 = tpu.memref_slice %arg2[%add3A_270] : memref<327680xi32, #tpu.memory_space<hbm>> -> memref<80xi32, #tpu.memory_space<hbm>>
      %dma_start3A_272 = tpu.memref_slice %arg2[%add3A_270] : memref<327680xi32, #tpu.memory_space<hbm>> -> memref<80xi32, #tpu.memory_space<hbm>>
      tpu.enqueue_dma source(%dma_start3A_272 : memref<80xi32, #tpu.memory_space<hbm>>) target(%arg7 : memref<80xi32, #tpu.memory_space<vmem>>) target_semaphore(%arg25 : memref<!tpu.dma_semaphore, #tpu.memory_space<semaphore_mem>>)
      %add3A_273 = arith.constant 80 : i32
      %add3A_274 = arith.addi %add3A_244, %add3A_273 : i32
      %dma_start3A_275 = tpu.memref_slice %arg3[%add3A_274] : memref<327680xi32, #tpu.memory_space<hbm>> -> memref<80xi32, #tpu.memory_space<hbm>>
      %dma_start3A_276 = tpu.memref_slice %arg3[%add3A_274] : memref<327680xi32, #tpu.memory_space<hbm>> -> memref<80xi32, #tpu.memory_space<hbm>>
      tpu.enqueue_dma source(%dma_start3A_276 : memref<80xi32, #tpu.memory_space<hbm>>) target(%arg11 : memref<80xi32, #tpu.memory_space<vmem>>) target_semaphore(%arg29 : memref<!tpu.dma_semaphore, #tpu.memory_space<semaphore_mem>>)
      %dma_wait3A_277 = arith.constant 2 : i32
      %dma_wait3A_278 = arith.constant 0 : i32
      %dma_wait3A_279 = arith.constant 0 : i32
      %dma_wait3A_280 = tpu.memref_slice %arg14[%dma_wait3A_277, %dma_wait3A_278, %dma_wait3A_279] : memref<4x80x128xf32, #tpu.memory_space<vmem>> -> memref<1x80x128xf32, #tpu.memory_space<vmem>>
      %dma_wait3A_281 = tpu.memref_squeeze %dma_wait3A_280 : memref<1x80x128xf32, #tpu.memory_space<vmem>> -> memref<80x128xf32, #tpu.memory_space<vmem>>
      %dma_wait3A_282 = arith.constant 0 : i32
      %dma_wait3A_283 = arith.constant 0 : i32
      %dma_wait3A_284 = tpu.memref_slice %arg15[%dma_wait3A_282, %dma_wait3A_283] : memref<10240x128xf32, #tpu.memory_space<vmem_shared>> -> memref<10240x128xf32, #tpu.memory_space<vmem_shared>>
      tpu.wait_indirect_dma semaphore(%arg22 : memref<!tpu.dma_semaphore, #tpu.memory_space<semaphore_mem>>) src(%dma_wait3A_281 : memref<80x128xf32, #tpu.memory_space<vmem>>) dst(%dma_wait3A_284 : memref<10240x128xf32, #tpu.memory_space<vmem_shared>>)
      %add3A_285 = arith.constant 160 : i32
      %add3A_286 = arith.addi %add3A_244, %add3A_285 : i32
      %dma_start3A_287 = tpu.memref_slice %arg2[%add3A_286] : memref<327680xi32, #tpu.memory_space<hbm>> -> memref<80xi32, #tpu.memory_space<hbm>>
      %dma_start3A_288 = tpu.memref_slice %arg2[%add3A_286] : memref<327680xi32, #tpu.memory_space<hbm>> -> memref<80xi32, #tpu.memory_space<hbm>>
      tpu.enqueue_dma source(%dma_start3A_288 : memref<80xi32, #tpu.memory_space<hbm>>) target(%arg8 : memref<80xi32, #tpu.memory_space<vmem>>) target_semaphore(%arg26 : memref<!tpu.dma_semaphore, #tpu.memory_space<semaphore_mem>>)
      %add3A_289 = arith.constant 160 : i32
      %add3A_290 = arith.addi %add3A_244, %add3A_289 : i32
      %dma_start3A_291 = tpu.memref_slice %arg3[%add3A_290] : memref<327680xi32, #tpu.memory_space<hbm>> -> memref<80xi32, #tpu.memory_space<hbm>>
      %dma_start3A_292 = tpu.memref_slice %arg3[%add3A_290] : memref<327680xi32, #tpu.memory_space<hbm>> -> memref<80xi32, #tpu.memory_space<hbm>>
      tpu.enqueue_dma source(%dma_start3A_292 : memref<80xi32, #tpu.memory_space<hbm>>) target(%arg12 : memref<80xi32, #tpu.memory_space<vmem>>) target_semaphore(%arg30 : memref<!tpu.dma_semaphore, #tpu.memory_space<semaphore_mem>>)
      %dma_wait3A_293 = arith.constant 3 : i32
      %dma_wait3A_294 = arith.constant 0 : i32
      %dma_wait3A_295 = arith.constant 0 : i32
      %dma_wait3A_296 = tpu.memref_slice %arg14[%dma_wait3A_293, %dma_wait3A_294, %dma_wait3A_295] : memref<4x80x128xf32, #tpu.memory_space<vmem>> -> memref<1x80x128xf32, #tpu.memory_space<vmem>>
      %dma_wait3A_297 = tpu.memref_squeeze %dma_wait3A_296 : memref<1x80x128xf32, #tpu.memory_space<vmem>> -> memref<80x128xf32, #tpu.memory_space<vmem>>
      %dma_wait3A_298 = arith.constant 0 : i32
      %dma_wait3A_299 = arith.constant 0 : i32
      %dma_wait3A_300 = tpu.memref_slice %arg15[%dma_wait3A_298, %dma_wait3A_299] : memref<10240x128xf32, #tpu.memory_space<vmem_shared>> -> memref<10240x128xf32, #tpu.memory_space<vmem_shared>>
      tpu.wait_indirect_dma semaphore(%arg23 : memref<!tpu.dma_semaphore, #tpu.memory_space<semaphore_mem>>) src(%dma_wait3A_297 : memref<80x128xf32, #tpu.memory_space<vmem>>) dst(%dma_wait3A_300 : memref<10240x128xf32, #tpu.memory_space<vmem_shared>>)
      %add3A_301 = arith.constant 240 : i32
      %add3A_302 = arith.addi %add3A_244, %add3A_301 : i32
      %dma_start3A_303 = tpu.memref_slice %arg2[%add3A_302] : memref<327680xi32, #tpu.memory_space<hbm>> -> memref<80xi32, #tpu.memory_space<hbm>>
      %dma_start3A_304 = tpu.memref_slice %arg2[%add3A_302] : memref<327680xi32, #tpu.memory_space<hbm>> -> memref<80xi32, #tpu.memory_space<hbm>>
      tpu.enqueue_dma source(%dma_start3A_304 : memref<80xi32, #tpu.memory_space<hbm>>) target(%arg9 : memref<80xi32, #tpu.memory_space<vmem>>) target_semaphore(%arg27 : memref<!tpu.dma_semaphore, #tpu.memory_space<semaphore_mem>>)
      %add3A_305 = arith.constant 240 : i32
      %add3A_306 = arith.addi %add3A_244, %add3A_305 : i32
      %dma_start3A_307 = tpu.memref_slice %arg3[%add3A_306] : memref<327680xi32, #tpu.memory_space<hbm>> -> memref<80xi32, #tpu.memory_space<hbm>>
      %dma_start3A_308 = tpu.memref_slice %arg3[%add3A_306] : memref<327680xi32, #tpu.memory_space<hbm>> -> memref<80xi32, #tpu.memory_space<hbm>>
      tpu.enqueue_dma source(%dma_start3A_308 : memref<80xi32, #tpu.memory_space<hbm>>) target(%arg13 : memref<80xi32, #tpu.memory_space<vmem>>) target_semaphore(%arg31 : memref<!tpu.dma_semaphore, #tpu.memory_space<semaphore_mem>>)
      %dma_wait3A_309 = tpu.memref_slice %arg2[%add3A_254] : memref<327680xi32, #tpu.memory_space<hbm>> -> memref<80xi32, #tpu.memory_space<hbm>>
      %dma_wait3A_310 = tpu.memref_slice %arg2[%add3A_254] : memref<327680xi32, #tpu.memory_space<hbm>> -> memref<80xi32, #tpu.memory_space<hbm>>
      tpu.wait_dma2 semaphore(%arg24 : memref<!tpu.dma_semaphore, #tpu.memory_space<semaphore_mem>>) src(%dma_wait3A_310 : memref<80xi32, #tpu.memory_space<hbm>>) dst(%arg6 : memref<80xi32, #tpu.memory_space<vmem>>)
      %dma_start3A_311 = arith.constant 0 : i32
      %dma_start3A_312 = arith.constant 0 : i32
      %dma_start3A_313 = arith.constant 0 : i32
      %dma_start3A_314 = tpu.memref_slice %arg14[%dma_start3A_311, %dma_start3A_312, %dma_start3A_313] : memref<4x80x128xf32, #tpu.memory_space<vmem>> -> memref<1x80x128xf32, #tpu.memory_space<vmem>>
      %dma_start3A_315 = tpu.memref_squeeze %dma_start3A_314 : memref<1x80x128xf32, #tpu.memory_space<vmem>> -> memref<80x128xf32, #tpu.memory_space<vmem>>
      %dma_start3A_316 = arith.constant 0 : i32
      %dma_start3A_317 = arith.constant 0 : i32
      %dma_start3A_318 = tpu.memref_slice %arg4[%dma_start3A_316, %dma_start3A_317] : memref<10240x128xf32, #tpu.memory_space<hbm>> -> memref<10240x128xf32, #tpu.memory_space<hbm>>
      tpu.enqueue_indirect_dma source(%dma_start3A_318 : memref<10240x128xf32, #tpu.memory_space<hbm>>) target(%dma_start3A_315 : memref<80x128xf32, #tpu.memory_space<vmem>>) offsets(%arg6 : memref<80xi32, #tpu.memory_space<vmem>>) semaphore(%arg16 : memref<!tpu.dma_semaphore, #tpu.memory_space<semaphore_mem>>)
      %dma_wait3A_319 = tpu.memref_slice %arg2[%add3A_270] : memref<327680xi32, #tpu.memory_space<hbm>> -> memref<80xi32, #tpu.memory_space<hbm>>
      %dma_wait3A_320 = tpu.memref_slice %arg2[%add3A_270] : memref<327680xi32, #tpu.memory_space<hbm>> -> memref<80xi32, #tpu.memory_space<hbm>>
      tpu.wait_dma2 semaphore(%arg25 : memref<!tpu.dma_semaphore, #tpu.memory_space<semaphore_mem>>) src(%dma_wait3A_320 : memref<80xi32, #tpu.memory_space<hbm>>) dst(%arg7 : memref<80xi32, #tpu.memory_space<vmem>>)
      %dma_start3A_321 = arith.constant 1 : i32
      %dma_start3A_322 = arith.constant 0 : i32
      %dma_start3A_323 = arith.constant 0 : i32
      %dma_start3A_324 = tpu.memref_slice %arg14[%dma_start3A_321, %dma_start3A_322, %dma_start3A_323] : memref<4x80x128xf32, #tpu.memory_space<vmem>> -> memref<1x80x128xf32, #tpu.memory_space<vmem>>
      %dma_start3A_325 = tpu.memref_squeeze %dma_start3A_324 : memref<1x80x128xf32, #tpu.memory_space<vmem>> -> memref<80x128xf32, #tpu.memory_space<vmem>>
      %dma_start3A_326 = arith.constant 0 : i32
      %dma_start3A_327 = arith.constant 0 : i32
      %dma_start3A_328 = tpu.memref_slice %arg4[%dma_start3A_326, %dma_start3A_327] : memref<10240x128xf32, #tpu.memory_space<hbm>> -> memref<10240x128xf32, #tpu.memory_space<hbm>>
      tpu.enqueue_indirect_dma source(%dma_start3A_328 : memref<10240x128xf32, #tpu.memory_space<hbm>>) target(%dma_start3A_325 : memref<80x128xf32, #tpu.memory_space<vmem>>) offsets(%arg7 : memref<80xi32, #tpu.memory_space<vmem>>) semaphore(%arg17 : memref<!tpu.dma_semaphore, #tpu.memory_space<semaphore_mem>>)
      %dma_wait3A_329 = tpu.memref_slice %arg2[%add3A_286] : memref<327680xi32, #tpu.memory_space<hbm>> -> memref<80xi32, #tpu.memory_space<hbm>>
      %dma_wait3A_330 = tpu.memref_slice %arg2[%add3A_286] : memref<327680xi32, #tpu.memory_space<hbm>> -> memref<80xi32, #tpu.memory_space<hbm>>
      tpu.wait_dma2 semaphore(%arg26 : memref<!tpu.dma_semaphore, #tpu.memory_space<semaphore_mem>>) src(%dma_wait3A_330 : memref<80xi32, #tpu.memory_space<hbm>>) dst(%arg8 : memref<80xi32, #tpu.memory_space<vmem>>)
      %dma_start3A_331 = arith.constant 2 : i32
      %dma_start3A_332 = arith.constant 0 : i32
      %dma_start3A_333 = arith.constant 0 : i32
      %dma_start3A_334 = tpu.memref_slice %arg14[%dma_start3A_331, %dma_start3A_332, %dma_start3A_333] : memref<4x80x128xf32, #tpu.memory_space<vmem>> -> memref<1x80x128xf32, #tpu.memory_space<vmem>>
      %dma_start3A_335 = tpu.memref_squeeze %dma_start3A_334 : memref<1x80x128xf32, #tpu.memory_space<vmem>> -> memref<80x128xf32, #tpu.memory_space<vmem>>
      %dma_start3A_336 = arith.constant 0 : i32
      %dma_start3A_337 = arith.constant 0 : i32
      %dma_start3A_338 = tpu.memref_slice %arg4[%dma_start3A_336, %dma_start3A_337] : memref<10240x128xf32, #tpu.memory_space<hbm>> -> memref<10240x128xf32, #tpu.memory_space<hbm>>
      tpu.enqueue_indirect_dma source(%dma_start3A_338 : memref<10240x128xf32, #tpu.memory_space<hbm>>) target(%dma_start3A_335 : memref<80x128xf32, #tpu.memory_space<vmem>>) offsets(%arg8 : memref<80xi32, #tpu.memory_space<vmem>>) semaphore(%arg18 : memref<!tpu.dma_semaphore, #tpu.memory_space<semaphore_mem>>)
      %dma_wait3A_339 = tpu.memref_slice %arg2[%add3A_302] : memref<327680xi32, #tpu.memory_space<hbm>> -> memref<80xi32, #tpu.memory_space<hbm>>
      %dma_wait3A_340 = tpu.memref_slice %arg2[%add3A_302] : memref<327680xi32, #tpu.memory_space<hbm>> -> memref<80xi32, #tpu.memory_space<hbm>>
      tpu.wait_dma2 semaphore(%arg27 : memref<!tpu.dma_semaphore, #tpu.memory_space<semaphore_mem>>) src(%dma_wait3A_340 : memref<80xi32, #tpu.memory_space<hbm>>) dst(%arg9 : memref<80xi32, #tpu.memory_space<vmem>>)
      %dma_start3A_341 = arith.constant 3 : i32
      %dma_start3A_342 = arith.constant 0 : i32
      %dma_start3A_343 = arith.constant 0 : i32
      %dma_start3A_344 = tpu.memref_slice %arg14[%dma_start3A_341, %dma_start3A_342, %dma_start3A_343] : memref<4x80x128xf32, #tpu.memory_space<vmem>> -> memref<1x80x128xf32, #tpu.memory_space<vmem>>
      %dma_start3A_345 = tpu.memref_squeeze %dma_start3A_344 : memref<1x80x128xf32, #tpu.memory_space<vmem>> -> memref<80x128xf32, #tpu.memory_space<vmem>>
      %dma_start3A_346 = arith.constant 0 : i32
      %dma_start3A_347 = arith.constant 0 : i32
      %dma_start3A_348 = tpu.memref_slice %arg4[%dma_start3A_346, %dma_start3A_347] : memref<10240x128xf32, #tpu.memory_space<hbm>> -> memref<10240x128xf32, #tpu.memory_space<hbm>>
      tpu.enqueue_indirect_dma source(%dma_start3A_348 : memref<10240x128xf32, #tpu.memory_space<hbm>>) target(%dma_start3A_345 : memref<80x128xf32, #tpu.memory_space<vmem>>) offsets(%arg9 : memref<80xi32, #tpu.memory_space<vmem>>) semaphore(%arg19 : memref<!tpu.dma_semaphore, #tpu.memory_space<semaphore_mem>>)
      %dma_wait3A_349 = arith.constant 0 : i32
      %dma_wait3A_350 = arith.constant 0 : i32
      %dma_wait3A_351 = arith.constant 0 : i32
      %dma_wait3A_352 = tpu.memref_slice %arg14[%dma_wait3A_349, %dma_wait3A_350, %dma_wait3A_351] : memref<4x80x128xf32, #tpu.memory_space<vmem>> -> memref<1x80x128xf32, #tpu.memory_space<vmem>>
      %dma_wait3A_353 = tpu.memref_squeeze %dma_wait3A_352 : memref<1x80x128xf32, #tpu.memory_space<vmem>> -> memref<80x128xf32, #tpu.memory_space<vmem>>
      %dma_wait3A_354 = arith.constant 0 : i32
      %dma_wait3A_355 = arith.constant 0 : i32
      %dma_wait3A_356 = tpu.memref_slice %arg4[%dma_wait3A_354, %dma_wait3A_355] : memref<10240x128xf32, #tpu.memory_space<hbm>> -> memref<10240x128xf32, #tpu.memory_space<hbm>>
      tpu.wait_indirect_dma semaphore(%arg16 : memref<!tpu.dma_semaphore, #tpu.memory_space<semaphore_mem>>) src(%dma_wait3A_356 : memref<10240x128xf32, #tpu.memory_space<hbm>>) dst(%dma_wait3A_353 : memref<80x128xf32, #tpu.memory_space<vmem>>)
      %dma_wait3A_357 = tpu.memref_slice %arg3[%add3A_258] : memref<327680xi32, #tpu.memory_space<hbm>> -> memref<80xi32, #tpu.memory_space<hbm>>
      %dma_wait3A_358 = tpu.memref_slice %arg3[%add3A_258] : memref<327680xi32, #tpu.memory_space<hbm>> -> memref<80xi32, #tpu.memory_space<hbm>>
      tpu.wait_dma2 semaphore(%arg28 : memref<!tpu.dma_semaphore, #tpu.memory_space<semaphore_mem>>) src(%dma_wait3A_358 : memref<80xi32, #tpu.memory_space<hbm>>) dst(%arg10 : memref<80xi32, #tpu.memory_space<vmem>>)
      %dma_start3A_359 = arith.constant 0 : i32
      %dma_start3A_360 = arith.constant 0 : i32
      %dma_start3A_361 = arith.constant 0 : i32
      %dma_start3A_362 = tpu.memref_slice %arg14[%dma_start3A_359, %dma_start3A_360, %dma_start3A_361] : memref<4x80x128xf32, #tpu.memory_space<vmem>> -> memref<1x80x128xf32, #tpu.memory_space<vmem>>
      %dma_start3A_363 = tpu.memref_squeeze %dma_start3A_362 : memref<1x80x128xf32, #tpu.memory_space<vmem>> -> memref<80x128xf32, #tpu.memory_space<vmem>>
      %dma_start3A_364 = arith.constant 0 : i32
      %dma_start3A_365 = arith.constant 0 : i32
      %dma_start3A_366 = tpu.memref_slice %arg15[%dma_start3A_364, %dma_start3A_365] : memref<10240x128xf32, #tpu.memory_space<vmem_shared>> -> memref<10240x128xf32, #tpu.memory_space<vmem_shared>>
      tpu.enqueue_indirect_dma source(%dma_start3A_363 : memref<80x128xf32, #tpu.memory_space<vmem>>) target(%dma_start3A_366 : memref<10240x128xf32, #tpu.memory_space<vmem_shared>>) offsets(%arg10 : memref<80xi32, #tpu.memory_space<vmem>>) semaphore(%arg20 : memref<!tpu.dma_semaphore, #tpu.memory_space<semaphore_mem>>) {add = true}
      %dma_wait3A_367 = arith.constant 1 : i32
      %dma_wait3A_368 = arith.constant 0 : i32
      %dma_wait3A_369 = arith.constant 0 : i32
      %dma_wait3A_370 = tpu.memref_slice %arg14[%dma_wait3A_367, %dma_wait3A_368, %dma_wait3A_369] : memref<4x80x128xf32, #tpu.memory_space<vmem>> -> memref<1x80x128xf32, #tpu.memory_space<vmem>>
      %dma_wait3A_371 = tpu.memref_squeeze %dma_wait3A_370 : memref<1x80x128xf32, #tpu.memory_space<vmem>> -> memref<80x128xf32, #tpu.memory_space<vmem>>
      %dma_wait3A_372 = arith.constant 0 : i32
      %dma_wait3A_373 = arith.constant 0 : i32
      %dma_wait3A_374 = tpu.memref_slice %arg4[%dma_wait3A_372, %dma_wait3A_373] : memref<10240x128xf32, #tpu.memory_space<hbm>> -> memref<10240x128xf32, #tpu.memory_space<hbm>>
      tpu.wait_indirect_dma semaphore(%arg17 : memref<!tpu.dma_semaphore, #tpu.memory_space<semaphore_mem>>) src(%dma_wait3A_374 : memref<10240x128xf32, #tpu.memory_space<hbm>>) dst(%dma_wait3A_371 : memref<80x128xf32, #tpu.memory_space<vmem>>)
      %dma_wait3A_375 = tpu.memref_slice %arg3[%add3A_274] : memref<327680xi32, #tpu.memory_space<hbm>> -> memref<80xi32, #tpu.memory_space<hbm>>
      %dma_wait3A_376 = tpu.memref_slice %arg3[%add3A_274] : memref<327680xi32, #tpu.memory_space<hbm>> -> memref<80xi32, #tpu.memory_space<hbm>>
      tpu.wait_dma2 semaphore(%arg29 : memref<!tpu.dma_semaphore, #tpu.memory_space<semaphore_mem>>) src(%dma_wait3A_376 : memref<80xi32, #tpu.memory_space<hbm>>) dst(%arg11 : memref<80xi32, #tpu.memory_space<vmem>>)
      %dma_start3A_377 = arith.constant 1 : i32
      %dma_start3A_378 = arith.constant 0 : i32
      %dma_start3A_379 = arith.constant 0 : i32
      %dma_start3A_380 = tpu.memref_slice %arg14[%dma_start3A_377, %dma_start3A_378, %dma_start3A_379] : memref<4x80x128xf32, #tpu.memory_space<vmem>> -> memref<1x80x128xf32, #tpu.memory_space<vmem>>
      %dma_start3A_381 = tpu.memref_squeeze %dma_start3A_380 : memref<1x80x128xf32, #tpu.memory_space<vmem>> -> memref<80x128xf32, #tpu.memory_space<vmem>>
      %dma_start3A_382 = arith.constant 0 : i32
      %dma_start3A_383 = arith.constant 0 : i32
      %dma_start3A_384 = tpu.memref_slice %arg15[%dma_start3A_382, %dma_start3A_383] : memref<10240x128xf32, #tpu.memory_space<vmem_shared>> -> memref<10240x128xf32, #tpu.memory_space<vmem_shared>>
      tpu.enqueue_indirect_dma source(%dma_start3A_381 : memref<80x128xf32, #tpu.memory_space<vmem>>) target(%dma_start3A_384 : memref<10240x128xf32, #tpu.memory_space<vmem_shared>>) offsets(%arg11 : memref<80xi32, #tpu.memory_space<vmem>>) semaphore(%arg21 : memref<!tpu.dma_semaphore, #tpu.memory_space<semaphore_mem>>) {add = true}
      %dma_wait3A_385 = arith.constant 2 : i32
      %dma_wait3A_386 = arith.constant 0 : i32
      %dma_wait3A_387 = arith.constant 0 : i32
      %dma_wait3A_388 = tpu.memref_slice %arg14[%dma_wait3A_385, %dma_wait3A_386, %dma_wait3A_387] : memref<4x80x128xf32, #tpu.memory_space<vmem>> -> memref<1x80x128xf32, #tpu.memory_space<vmem>>
      %dma_wait3A_389 = tpu.memref_squeeze %dma_wait3A_388 : memref<1x80x128xf32, #tpu.memory_space<vmem>> -> memref<80x128xf32, #tpu.memory_space<vmem>>
      %dma_wait3A_390 = arith.constant 0 : i32
      %dma_wait3A_391 = arith.constant 0 : i32
      %dma_wait3A_392 = tpu.memref_slice %arg4[%dma_wait3A_390, %dma_wait3A_391] : memref<10240x128xf32, #tpu.memory_space<hbm>> -> memref<10240x128xf32, #tpu.memory_space<hbm>>
      tpu.wait_indirect_dma semaphore(%arg18 : memref<!tpu.dma_semaphore, #tpu.memory_space<semaphore_mem>>) src(%dma_wait3A_392 : memref<10240x128xf32, #tpu.memory_space<hbm>>) dst(%dma_wait3A_389 : memref<80x128xf32, #tpu.memory_space<vmem>>)
      %dma_wait3A_393 = tpu.memref_slice %arg3[%add3A_290] : memref<327680xi32, #tpu.memory_space<hbm>> -> memref<80xi32, #tpu.memory_space<hbm>>
      %dma_wait3A_394 = tpu.memref_slice %arg3[%add3A_290] : memref<327680xi32, #tpu.memory_space<hbm>> -> memref<80xi32, #tpu.memory_space<hbm>>
      tpu.wait_dma2 semaphore(%arg30 : memref<!tpu.dma_semaphore, #tpu.memory_space<semaphore_mem>>) src(%dma_wait3A_394 : memref<80xi32, #tpu.memory_space<hbm>>) dst(%arg12 : memref<80xi32, #tpu.memory_space<vmem>>)
      %dma_start3A_395 = arith.constant 2 : i32
      %dma_start3A_396 = arith.constant 0 : i32
      %dma_start3A_397 = arith.constant 0 : i32
      %dma_start3A_398 = tpu.memref_slice %arg14[%dma_start3A_395, %dma_start3A_396, %dma_start3A_397] : memref<4x80x128xf32, #tpu.memory_space<vmem>> -> memref<1x80x128xf32, #tpu.memory_space<vmem>>
      %dma_start3A_399 = tpu.memref_squeeze %dma_start3A_398 : memref<1x80x128xf32, #tpu.memory_space<vmem>> -> memref<80x128xf32, #tpu.memory_space<vmem>>
      %dma_start3A_400 = arith.constant 0 : i32
      %dma_start3A_401 = arith.constant 0 : i32
      %dma_start3A_402 = tpu.memref_slice %arg15[%dma_start3A_400, %dma_start3A_401] : memref<10240x128xf32, #tpu.memory_space<vmem_shared>> -> memref<10240x128xf32, #tpu.memory_space<vmem_shared>>
      tpu.enqueue_indirect_dma source(%dma_start3A_399 : memref<80x128xf32, #tpu.memory_space<vmem>>) target(%dma_start3A_402 : memref<10240x128xf32, #tpu.memory_space<vmem_shared>>) offsets(%arg12 : memref<80xi32, #tpu.memory_space<vmem>>) semaphore(%arg22 : memref<!tpu.dma_semaphore, #tpu.memory_space<semaphore_mem>>) {add = true}
      %dma_wait3A_403 = arith.constant 3 : i32
      %dma_wait3A_404 = arith.constant 0 : i32
      %dma_wait3A_405 = arith.constant 0 : i32
      %dma_wait3A_406 = tpu.memref_slice %arg14[%dma_wait3A_403, %dma_wait3A_404, %dma_wait3A_405] : memref<4x80x128xf32, #tpu.memory_space<vmem>> -> memref<1x80x128xf32, #tpu.memory_space<vmem>>
      %dma_wait3A_407 = tpu.memref_squeeze %dma_wait3A_406 : memref<1x80x128xf32, #tpu.memory_space<vmem>> -> memref<80x128xf32, #tpu.memory_space<vmem>>
      %dma_wait3A_408 = arith.constant 0 : i32
      %dma_wait3A_409 = arith.constant 0 : i32
      %dma_wait3A_410 = tpu.memref_slice %arg4[%dma_wait3A_408, %dma_wait3A_409] : memref<10240x128xf32, #tpu.memory_space<hbm>> -> memref<10240x128xf32, #tpu.memory_space<hbm>>
      tpu.wait_indirect_dma semaphore(%arg19 : memref<!tpu.dma_semaphore, #tpu.memory_space<semaphore_mem>>) src(%dma_wait3A_410 : memref<10240x128xf32, #tpu.memory_space<hbm>>) dst(%dma_wait3A_407 : memref<80x128xf32, #tpu.memory_space<vmem>>)
      %dma_wait3A_411 = tpu.memref_slice %arg3[%add3A_306] : memref<327680xi32, #tpu.memory_space<hbm>> -> memref<80xi32, #tpu.memory_space<hbm>>
      %dma_wait3A_412 = tpu.memref_slice %arg3[%add3A_306] : memref<327680xi32, #tpu.memory_space<hbm>> -> memref<80xi32, #tpu.memory_space<hbm>>
      tpu.wait_dma2 semaphore(%arg31 : memref<!tpu.dma_semaphore, #tpu.memory_space<semaphore_mem>>) src(%dma_wait3A_412 : memref<80xi32, #tpu.memory_space<hbm>>) dst(%arg13 : memref<80xi32, #tpu.memory_space<vmem>>)
      %dma_start3A_413 = arith.constant 3 : i32
      %dma_start3A_414 = arith.constant 0 : i32
      %dma_start3A_415 = arith.constant 0 : i32
      %dma_start3A_416 = tpu.memref_slice %arg14[%dma_start3A_413, %dma_start3A_414, %dma_start3A_415] : memref<4x80x128xf32, #tpu.memory_space<vmem>> -> memref<1x80x128xf32, #tpu.memory_space<vmem>>
      %dma_start3A_417 = tpu.memref_squeeze %dma_start3A_416 : memref<1x80x128xf32, #tpu.memory_space<vmem>> -> memref<80x128xf32, #tpu.memory_space<vmem>>
      %dma_start3A_418 = arith.constant 0 : i32
      %dma_start3A_419 = arith.constant 0 : i32
      %dma_start3A_420 = tpu.memref_slice %arg15[%dma_start3A_418, %dma_start3A_419] : memref<10240x128xf32, #tpu.memory_space<vmem_shared>> -> memref<10240x128xf32, #tpu.memory_space<vmem_shared>>
      tpu.enqueue_indirect_dma source(%dma_start3A_417 : memref<80x128xf32, #tpu.memory_space<vmem>>) target(%dma_start3A_420 : memref<10240x128xf32, #tpu.memory_space<vmem_shared>>) offsets(%arg13 : memref<80xi32, #tpu.memory_space<vmem>>) semaphore(%arg23 : memref<!tpu.dma_semaphore, #tpu.memory_space<semaphore_mem>>) {add = true}
    }
    %scan3A_196 = arith.constant 31 : i32
    %dma_wait3A_197 = arith.constant 0 : i32
    %dma_wait3A_198 = arith.constant 0 : i32
    %dma_wait3A_199 = arith.constant 0 : i32
    %dma_wait3A_200 = tpu.memref_slice %arg14[%dma_wait3A_197, %dma_wait3A_198, %dma_wait3A_199] : memref<4x80x128xf32, #tpu.memory_space<vmem>> -> memref<1x80x128xf32, #tpu.memory_space<vmem>>
    %dma_wait3A_201 = tpu.memref_squeeze %dma_wait3A_200 : memref<1x80x128xf32, #tpu.memory_space<vmem>> -> memref<80x128xf32, #tpu.memory_space<vmem>>
    %dma_wait3A_202 = arith.constant 0 : i32
    %dma_wait3A_203 = arith.constant 0 : i32
    %dma_wait3A_204 = tpu.memref_slice %arg15[%dma_wait3A_202, %dma_wait3A_203] : memref<10240x128xf32, #tpu.memory_space<vmem_shared>> -> memref<10240x128xf32, #tpu.memory_space<vmem_shared>>
    tpu.wait_indirect_dma semaphore(%arg20 : memref<!tpu.dma_semaphore, #tpu.memory_space<semaphore_mem>>) src(%dma_wait3A_201 : memref<80x128xf32, #tpu.memory_space<vmem>>) dst(%dma_wait3A_204 : memref<10240x128xf32, #tpu.memory_space<vmem_shared>>)
    %dma_wait3A_205 = arith.constant 1 : i32
    %dma_wait3A_206 = arith.constant 0 : i32
    %dma_wait3A_207 = arith.constant 0 : i32
    %dma_wait3A_208 = tpu.memref_slice %arg14[%dma_wait3A_205, %dma_wait3A_206, %dma_wait3A_207] : memref<4x80x128xf32, #tpu.memory_space<vmem>> -> memref<1x80x128xf32, #tpu.memory_space<vmem>>
    %dma_wait3A_209 = tpu.memref_squeeze %dma_wait3A_208 : memref<1x80x128xf32, #tpu.memory_space<vmem>> -> memref<80x128xf32, #tpu.memory_space<vmem>>
    %dma_wait3A_210 = arith.constant 0 : i32
    %dma_wait3A_211 = arith.constant 0 : i32
    %dma_wait3A_212 = tpu.memref_slice %arg15[%dma_wait3A_210, %dma_wait3A_211] : memref<10240x128xf32, #tpu.memory_space<vmem_shared>> -> memref<10240x128xf32, #tpu.memory_space<vmem_shared>>
    tpu.wait_indirect_dma semaphore(%arg21 : memref<!tpu.dma_semaphore, #tpu.memory_space<semaphore_mem>>) src(%dma_wait3A_209 : memref<80x128xf32, #tpu.memory_space<vmem>>) dst(%dma_wait3A_212 : memref<10240x128xf32, #tpu.memory_space<vmem_shared>>)
    %dma_wait3A_213 = arith.constant 2 : i32
    %dma_wait3A_214 = arith.constant 0 : i32
    %dma_wait3A_215 = arith.constant 0 : i32
    %dma_wait3A_216 = tpu.memref_slice %arg14[%dma_wait3A_213, %dma_wait3A_214, %dma_wait3A_215] : memref<4x80x128xf32, #tpu.memory_space<vmem>> -> memref<1x80x128xf32, #tpu.memory_space<vmem>>
    %dma_wait3A_217 = tpu.memref_squeeze %dma_wait3A_216 : memref<1x80x128xf32, #tpu.memory_space<vmem>> -> memref<80x128xf32, #tpu.memory_space<vmem>>
    %dma_wait3A_218 = arith.constant 0 : i32
    %dma_wait3A_219 = arith.constant 0 : i32
    %dma_wait3A_220 = tpu.memref_slice %arg15[%dma_wait3A_218, %dma_wait3A_219] : memref<10240x128xf32, #tpu.memory_space<vmem_shared>> -> memref<10240x128xf32, #tpu.memory_space<vmem_shared>>
    tpu.wait_indirect_dma semaphore(%arg22 : memref<!tpu.dma_semaphore, #tpu.memory_space<semaphore_mem>>) src(%dma_wait3A_217 : memref<80x128xf32, #tpu.memory_space<vmem>>) dst(%dma_wait3A_220 : memref<10240x128xf32, #tpu.memory_space<vmem_shared>>)
    %dma_wait3A_221 = arith.constant 3 : i32
    %dma_wait3A_222 = arith.constant 0 : i32
    %dma_wait3A_223 = arith.constant 0 : i32
    %dma_wait3A_224 = tpu.memref_slice %arg14[%dma_wait3A_221, %dma_wait3A_222, %dma_wait3A_223] : memref<4x80x128xf32, #tpu.memory_space<vmem>> -> memref<1x80x128xf32, #tpu.memory_space<vmem>>
    %dma_wait3A_225 = tpu.memref_squeeze %dma_wait3A_224 : memref<1x80x128xf32, #tpu.memory_space<vmem>> -> memref<80x128xf32, #tpu.memory_space<vmem>>
    %dma_wait3A_226 = arith.constant 0 : i32
    %dma_wait3A_227 = arith.constant 0 : i32
    %dma_wait3A_228 = tpu.memref_slice %arg15[%dma_wait3A_226, %dma_wait3A_227] : memref<10240x128xf32, #tpu.memory_space<vmem_shared>> -> memref<10240x128xf32, #tpu.memory_space<vmem_shared>>
    tpu.wait_indirect_dma semaphore(%arg23 : memref<!tpu.dma_semaphore, #tpu.memory_space<semaphore_mem>>) src(%dma_wait3A_225 : memref<80x128xf32, #tpu.memory_space<vmem>>) dst(%dma_wait3A_228 : memref<10240x128xf32, #tpu.memory_space<vmem_shared>>)
    %barrier3A_229 = arith.constant 0 : index
    tpu.barrier barrier_id(%barrier3A_229)
    %mul3A_230 = arith.constant 640 : i32
    %mul3A_231 = arith.muli %arg1, %mul3A_230 : i32
    %mul3A_232 = arith.constant 10240 : i32
    %mul3A_233 = arith.muli %arg0, %mul3A_232 : i32
    %mul3A_234 = arith.constant 640 : i32
    %mul3A_235 = arith.muli %arg1, %mul3A_234 : i32
    %add3A_236 = arith.addi %mul3A_233, %mul3A_235 : i32
    "tpu.region"() ({
      %run_scoped3A_237 = tpu.sem_alloc : memref<!tpu.dma_semaphore, #tpu.memory_space<semaphore_mem>>
      %dma_start3A_238 = arith.constant 0 : i32
      %dma_start3A_239 = tpu.memref_slice %arg5[%add3A_236, %dma_start3A_238] : memref<20480x128xf32, #tpu.memory_space<hbm>> -> memref<640x128xf32, #tpu.memory_space<hbm>>
      %dma_start3A_240 = arith.constant 0 : i32
      %dma_start3A_241 = tpu.memref_slice %arg15[%mul3A_231, %dma_start3A_240] : memref<10240x128xf32, #tpu.memory_space<vmem_shared>> -> memref<640x128xf32, #tpu.memory_space<vmem_shared>>
      tpu.enqueue_dma source(%dma_start3A_241 : memref<640x128xf32, #tpu.memory_space<vmem_shared>>) target(%dma_start3A_239 : memref<640x128xf32, #tpu.memory_space<hbm>>) target_semaphore(%run_scoped3A_237 : memref<!tpu.dma_semaphore, #tpu.memory_space<semaphore_mem>>)
      %dma_wait3A_242 = arith.constant 0 : i32
      %dma_wait3A_243 = tpu.memref_slice %arg5[%add3A_236, %dma_wait3A_242] : memref<20480x128xf32, #tpu.memory_space<hbm>> -> memref<640x128xf32, #tpu.memory_space<hbm>>
      %dma_wait3A_244 = arith.constant 0 : i32
      %dma_wait3A_245 = tpu.memref_slice %arg15[%mul3A_231, %dma_wait3A_244] : memref<10240x128xf32, #tpu.memory_space<vmem_shared>> -> memref<640x128xf32, #tpu.memory_space<vmem_shared>>
      tpu.wait_dma2 semaphore(%run_scoped3A_237 : memref<!tpu.dma_semaphore, #tpu.memory_space<semaphore_mem>>) src(%dma_wait3A_245 : memref<640x128xf32, #tpu.memory_space<vmem_shared>>) dst(%dma_wait3A_243 : memref<640x128xf32, #tpu.memory_space<hbm>>)
      tpu.yield
    }) : () -> ()
    return
  }
}

#map = affine_map<(d0, d1) -> (0)>
module attributes {stable_mosaic.version = 14 : i64} {
  func.func @_deg_partials(%arg0: i32, %arg1: i32, %arg2: memref<327680xi32, #tpu.memory_space<hbm>>, %arg3: memref<20480xf32, #tpu.memory_space<hbm>>, %arg4: memref<80xi32, #tpu.memory_space<vmem>>, %arg5: memref<80xi32, #tpu.memory_space<vmem>>, %arg6: memref<80xi32, #tpu.memory_space<vmem>>, %arg7: memref<80xi32, #tpu.memory_space<vmem>>, %arg8: memref<80xf32, #tpu.memory_space<vmem>>, %arg9: memref<10240xf32, #tpu.memory_space<vmem_shared>>, %arg10: memref<!tpu.dma_semaphore, #tpu.memory_space<semaphore_mem>>, %arg11: memref<!tpu.dma_semaphore, #tpu.memory_space<semaphore_mem>>, %arg12: memref<!tpu.dma_semaphore, #tpu.memory_space<semaphore_mem>>, %arg13: memref<!tpu.dma_semaphore, #tpu.memory_space<semaphore_mem>>, %arg14: memref<!tpu.dma_semaphore, #tpu.memory_space<semaphore_mem>>, %arg15: memref<!tpu.dma_semaphore, #tpu.memory_space<semaphore_mem>>, %arg16: memref<!tpu.dma_semaphore, #tpu.memory_space<semaphore_mem>>, %arg17: memref<!tpu.dma_semaphore, #tpu.memory_space<semaphore_mem>>) attributes {dimension_semantics = [#tpu.dimension_semantics<core_parallel>, #tpu.dimension_semantics<subcore_parallel>], iteration_bounds = array<i64: 2, 16>, scalar_prefetch = 0 : i64, scratch_operands = 14 : i64, tpu.core_type = #tpu.core_type<sc_vector_subcore>, window_params = [{transform_indices = #map}, {transform_indices = #map}]} {
    %mul3A = arith.constant 16 : i32
    %mul3A_0 = arith.muli %arg0, %mul3A : i32
    %add3A = arith.addi %mul3A_0, %arg1 : i32
    %broadcast_in_dim3A = arith.constant 0.000000e+00 : f32
    %broadcast_in_dim3A_1 = vector.broadcast %broadcast_in_dim3A : f32 to vector<16xf32>
    %swap3A = arith.constant 0 : index
    %swap3A_2 = tpu.vector_load %arg8[%swap3A] {strides = array<i32>} : memref<80xf32, #tpu.memory_space<vmem>>, vector<16xf32>,
    %swap3A_3 = vector.shape_cast %swap3A_2 : vector<16xf32> to vector<16xf32>
    %swap3A_4 = vector.shape_cast %broadcast_in_dim3A_1 : vector<16xf32> to vector<16xf32>
    tpu.vector_store %arg8[%swap3A], %swap3A_4 {strides = array<i32>} : memref<80xf32, #tpu.memory_space<vmem>>, vector<16xf32>,
    %broadcast_in_dim3A_5 = arith.constant 0.000000e+00 : f32
    %broadcast_in_dim3A_6 = vector.broadcast %broadcast_in_dim3A_5 : f32 to vector<16xf32>
    %swap3A_7 = arith.constant 16 : index
    %swap3A_8 = tpu.vector_load %arg8[%swap3A_7] {strides = array<i32>} : memref<80xf32, #tpu.memory_space<vmem>>, vector<16xf32>,
    %swap3A_9 = vector.shape_cast %swap3A_8 : vector<16xf32> to vector<16xf32>
    %swap3A_10 = vector.shape_cast %broadcast_in_dim3A_6 : vector<16xf32> to vector<16xf32>
    tpu.vector_store %arg8[%swap3A_7], %swap3A_10 {strides = array<i32>} : memref<80xf32, #tpu.memory_space<vmem>>, vector<16xf32>,
    %broadcast_in_dim3A_11 = arith.constant 0.000000e+00 : f32
    %broadcast_in_dim3A_12 = vector.broadcast %broadcast_in_dim3A_11 : f32 to vector<16xf32>
    %swap3A_13 = arith.constant 32 : index
    %swap3A_14 = tpu.vector_load %arg8[%swap3A_13] {strides = array<i32>} : memref<80xf32, #tpu.memory_space<vmem>>, vector<16xf32>,
    %swap3A_15 = vector.shape_cast %swap3A_14 : vector<16xf32> to vector<16xf32>
    %swap3A_16 = vector.shape_cast %broadcast_in_dim3A_12 : vector<16xf32> to vector<16xf32>
    tpu.vector_store %arg8[%swap3A_13], %swap3A_16 {strides = array<i32>} : memref<80xf32, #tpu.memory_space<vmem>>, vector<16xf32>,
    %broadcast_in_dim3A_17 = arith.constant 0.000000e+00 : f32
    %broadcast_in_dim3A_18 = vector.broadcast %broadcast_in_dim3A_17 : f32 to vector<16xf32>
    %swap3A_19 = arith.constant 48 : index
    %swap3A_20 = tpu.vector_load %arg8[%swap3A_19] {strides = array<i32>} : memref<80xf32, #tpu.memory_space<vmem>>, vector<16xf32>,
    %swap3A_21 = vector.shape_cast %swap3A_20 : vector<16xf32> to vector<16xf32>
    %swap3A_22 = vector.shape_cast %broadcast_in_dim3A_18 : vector<16xf32> to vector<16xf32>
    tpu.vector_store %arg8[%swap3A_19], %swap3A_22 {strides = array<i32>} : memref<80xf32, #tpu.memory_space<vmem>>, vector<16xf32>,
    %broadcast_in_dim3A_23 = arith.constant 0.000000e+00 : f32
    %broadcast_in_dim3A_24 = vector.broadcast %broadcast_in_dim3A_23 : f32 to vector<16xf32>
    %swap3A_25 = arith.constant 64 : index
    %swap3A_26 = tpu.vector_load %arg8[%swap3A_25] {strides = array<i32>} : memref<80xf32, #tpu.memory_space<vmem>>, vector<16xf32>,
    %swap3A_27 = vector.shape_cast %swap3A_26 : vector<16xf32> to vector<16xf32>
    %swap3A_28 = vector.shape_cast %broadcast_in_dim3A_24 : vector<16xf32> to vector<16xf32>
    tpu.vector_store %arg8[%swap3A_25], %swap3A_28 {strides = array<i32>} : memref<80xf32, #tpu.memory_space<vmem>>, vector<16xf32>,
    %mul3A_29 = arith.constant 640 : i32
    %mul3A_30 = arith.muli %arg1, %mul3A_29 : i32
    %add3A_31 = arith.constant 0 : i32
    %add3A_32 = arith.addi %mul3A_30, %add3A_31 : i32
    "tpu.region"() ({
      %run_scoped3A = tpu.sem_alloc : memref<!tpu.dma_semaphore, #tpu.memory_space<semaphore_mem>>
      %dma_start3A_146 = tpu.memref_slice %arg9[%add3A_32] : memref<10240xf32, #tpu.memory_space<vmem_shared>> -> memref<80xf32, #tpu.memory_space<vmem_shared>>
      %dma_start3A_147 = tpu.memref_slice %arg9[%add3A_32] : memref<10240xf32, #tpu.memory_space<vmem_shared>> -> memref<80xf32, #tpu.memory_space<vmem_shared>>
      tpu.enqueue_dma source(%arg8 : memref<80xf32, #tpu.memory_space<vmem>>) target(%dma_start3A_147 : memref<80xf32, #tpu.memory_space<vmem_shared>>) target_semaphore(%run_scoped3A : memref<!tpu.dma_semaphore, #tpu.memory_space<semaphore_mem>>)
      %dma_wait3A_148 = tpu.memref_slice %arg9[%add3A_32] : memref<10240xf32, #tpu.memory_space<vmem_shared>> -> memref<80xf32, #tpu.memory_space<vmem_shared>>
      %dma_wait3A_149 = tpu.memref_slice %arg9[%add3A_32] : memref<10240xf32, #tpu.memory_space<vmem_shared>> -> memref<80xf32, #tpu.memory_space<vmem_shared>>
      tpu.wait_dma2 semaphore(%run_scoped3A : memref<!tpu.dma_semaphore, #tpu.memory_space<semaphore_mem>>) src(%arg8 : memref<80xf32, #tpu.memory_space<vmem>>) dst(%dma_wait3A_149 : memref<80xf32, #tpu.memory_space<vmem_shared>>)
      tpu.yield
    }) : () -> ()
    %mul3A_33 = arith.constant 640 : i32
    %mul3A_34 = arith.muli %arg1, %mul3A_33 : i32
    %add3A_35 = arith.constant 80 : i32
    %add3A_36 = arith.addi %mul3A_34, %add3A_35 : i32
    "tpu.region"() ({
      %run_scoped3A = tpu.sem_alloc : memref<!tpu.dma_semaphore, #tpu.memory_space<semaphore_mem>>
      %dma_start3A_146 = tpu.memref_slice %arg9[%add3A_36] : memref<10240xf32, #tpu.memory_space<vmem_shared>> -> memref<80xf32, #tpu.memory_space<vmem_shared>>
      %dma_start3A_147 = tpu.memref_slice %arg9[%add3A_36] : memref<10240xf32, #tpu.memory_space<vmem_shared>> -> memref<80xf32, #tpu.memory_space<vmem_shared>>
      tpu.enqueue_dma source(%arg8 : memref<80xf32, #tpu.memory_space<vmem>>) target(%dma_start3A_147 : memref<80xf32, #tpu.memory_space<vmem_shared>>) target_semaphore(%run_scoped3A : memref<!tpu.dma_semaphore, #tpu.memory_space<semaphore_mem>>)
      %dma_wait3A_148 = tpu.memref_slice %arg9[%add3A_36] : memref<10240xf32, #tpu.memory_space<vmem_shared>> -> memref<80xf32, #tpu.memory_space<vmem_shared>>
      %dma_wait3A_149 = tpu.memref_slice %arg9[%add3A_36] : memref<10240xf32, #tpu.memory_space<vmem_shared>> -> memref<80xf32, #tpu.memory_space<vmem_shared>>
      tpu.wait_dma2 semaphore(%run_scoped3A : memref<!tpu.dma_semaphore, #tpu.memory_space<semaphore_mem>>) src(%arg8 : memref<80xf32, #tpu.memory_space<vmem>>) dst(%dma_wait3A_149 : memref<80xf32, #tpu.memory_space<vmem_shared>>)
      tpu.yield
    }) : () -> ()
    %mul3A_37 = arith.constant 640 : i32
    %mul3A_38 = arith.muli %arg1, %mul3A_37 : i32
    %add3A_39 = arith.constant 160 : i32
    %add3A_40 = arith.addi %mul3A_38, %add3A_39 : i32
    "tpu.region"() ({
      %run_scoped3A = tpu.sem_alloc : memref<!tpu.dma_semaphore, #tpu.memory_space<semaphore_mem>>
      %dma_start3A_146 = tpu.memref_slice %arg9[%add3A_40] : memref<10240xf32, #tpu.memory_space<vmem_shared>> -> memref<80xf32, #tpu.memory_space<vmem_shared>>
      %dma_start3A_147 = tpu.memref_slice %arg9[%add3A_40] : memref<10240xf32, #tpu.memory_space<vmem_shared>> -> memref<80xf32, #tpu.memory_space<vmem_shared>>
      tpu.enqueue_dma source(%arg8 : memref<80xf32, #tpu.memory_space<vmem>>) target(%dma_start3A_147 : memref<80xf32, #tpu.memory_space<vmem_shared>>) target_semaphore(%run_scoped3A : memref<!tpu.dma_semaphore, #tpu.memory_space<semaphore_mem>>)
      %dma_wait3A_148 = tpu.memref_slice %arg9[%add3A_40] : memref<10240xf32, #tpu.memory_space<vmem_shared>> -> memref<80xf32, #tpu.memory_space<vmem_shared>>
      %dma_wait3A_149 = tpu.memref_slice %arg9[%add3A_40] : memref<10240xf32, #tpu.memory_space<vmem_shared>> -> memref<80xf32, #tpu.memory_space<vmem_shared>>
      tpu.wait_dma2 semaphore(%run_scoped3A : memref<!tpu.dma_semaphore, #tpu.memory_space<semaphore_mem>>) src(%arg8 : memref<80xf32, #tpu.memory_space<vmem>>) dst(%dma_wait3A_149 : memref<80xf32, #tpu.memory_space<vmem_shared>>)
      tpu.yield
    }) : () -> ()
    %mul3A_41 = arith.constant 640 : i32
    %mul3A_42 = arith.muli %arg1, %mul3A_41 : i32
    %add3A_43 = arith.constant 240 : i32
    %add3A_44 = arith.addi %mul3A_42, %add3A_43 : i32
    "tpu.region"() ({
      %run_scoped3A = tpu.sem_alloc : memref<!tpu.dma_semaphore, #tpu.memory_space<semaphore_mem>>
      %dma_start3A_146 = tpu.memref_slice %arg9[%add3A_44] : memref<10240xf32, #tpu.memory_space<vmem_shared>> -> memref<80xf32, #tpu.memory_space<vmem_shared>>
      %dma_start3A_147 = tpu.memref_slice %arg9[%add3A_44] : memref<10240xf32, #tpu.memory_space<vmem_shared>> -> memref<80xf32, #tpu.memory_space<vmem_shared>>
      tpu.enqueue_dma source(%arg8 : memref<80xf32, #tpu.memory_space<vmem>>) target(%dma_start3A_147 : memref<80xf32, #tpu.memory_space<vmem_shared>>) target_semaphore(%run_scoped3A : memref<!tpu.dma_semaphore, #tpu.memory_space<semaphore_mem>>)
      %dma_wait3A_148 = tpu.memref_slice %arg9[%add3A_44] : memref<10240xf32, #tpu.memory_space<vmem_shared>> -> memref<80xf32, #tpu.memory_space<vmem_shared>>
      %dma_wait3A_149 = tpu.memref_slice %arg9[%add3A_44] : memref<10240xf32, #tpu.memory_space<vmem_shared>> -> memref<80xf32, #tpu.memory_space<vmem_shared>>
      tpu.wait_dma2 semaphore(%run_scoped3A : memref<!tpu.dma_semaphore, #tpu.memory_space<semaphore_mem>>) src(%arg8 : memref<80xf32, #tpu.memory_space<vmem>>) dst(%dma_wait3A_149 : memref<80xf32, #tpu.memory_space<vmem_shared>>)
      tpu.yield
    }) : () -> ()
    %mul3A_45 = arith.constant 640 : i32
    %mul3A_46 = arith.muli %arg1, %mul3A_45 : i32
    %add3A_47 = arith.constant 320 : i32
    %add3A_48 = arith.addi %mul3A_46, %add3A_47 : i32
    "tpu.region"() ({
      %run_scoped3A = tpu.sem_alloc : memref<!tpu.dma_semaphore, #tpu.memory_space<semaphore_mem>>
      %dma_start3A_146 = tpu.memref_slice %arg9[%add3A_48] : memref<10240xf32, #tpu.memory_space<vmem_shared>> -> memref<80xf32, #tpu.memory_space<vmem_shared>>
      %dma_start3A_147 = tpu.memref_slice %arg9[%add3A_48] : memref<10240xf32, #tpu.memory_space<vmem_shared>> -> memref<80xf32, #tpu.memory_space<vmem_shared>>
      tpu.enqueue_dma source(%arg8 : memref<80xf32, #tpu.memory_space<vmem>>) target(%dma_start3A_147 : memref<80xf32, #tpu.memory_space<vmem_shared>>) target_semaphore(%run_scoped3A : memref<!tpu.dma_semaphore, #tpu.memory_space<semaphore_mem>>)
      %dma_wait3A_148 = tpu.memref_slice %arg9[%add3A_48] : memref<10240xf32, #tpu.memory_space<vmem_shared>> -> memref<80xf32, #tpu.memory_space<vmem_shared>>
      %dma_wait3A_149 = tpu.memref_slice %arg9[%add3A_48] : memref<10240xf32, #tpu.memory_space<vmem_shared>> -> memref<80xf32, #tpu.memory_space<vmem_shared>>
      tpu.wait_dma2 semaphore(%run_scoped3A : memref<!tpu.dma_semaphore, #tpu.memory_space<semaphore_mem>>) src(%arg8 : memref<80xf32, #tpu.memory_space<vmem>>) dst(%dma_wait3A_149 : memref<80xf32, #tpu.memory_space<vmem_shared>>)
      tpu.yield
    }) : () -> ()
    %mul3A_49 = arith.constant 640 : i32
    %mul3A_50 = arith.muli %arg1, %mul3A_49 : i32
    %add3A_51 = arith.constant 400 : i32
    %add3A_52 = arith.addi %mul3A_50, %add3A_51 : i32
    "tpu.region"() ({
      %run_scoped3A = tpu.sem_alloc : memref<!tpu.dma_semaphore, #tpu.memory_space<semaphore_mem>>
      %dma_start3A_146 = tpu.memref_slice %arg9[%add3A_52] : memref<10240xf32, #tpu.memory_space<vmem_shared>> -> memref<80xf32, #tpu.memory_space<vmem_shared>>
      %dma_start3A_147 = tpu.memref_slice %arg9[%add3A_52] : memref<10240xf32, #tpu.memory_space<vmem_shared>> -> memref<80xf32, #tpu.memory_space<vmem_shared>>
      tpu.enqueue_dma source(%arg8 : memref<80xf32, #tpu.memory_space<vmem>>) target(%dma_start3A_147 : memref<80xf32, #tpu.memory_space<vmem_shared>>) target_semaphore(%run_scoped3A : memref<!tpu.dma_semaphore, #tpu.memory_space<semaphore_mem>>)
      %dma_wait3A_148 = tpu.memref_slice %arg9[%add3A_52] : memref<10240xf32, #tpu.memory_space<vmem_shared>> -> memref<80xf32, #tpu.memory_space<vmem_shared>>
      %dma_wait3A_149 = tpu.memref_slice %arg9[%add3A_52] : memref<10240xf32, #tpu.memory_space<vmem_shared>> -> memref<80xf32, #tpu.memory_space<vmem_shared>>
      tpu.wait_dma2 semaphore(%run_scoped3A : memref<!tpu.dma_semaphore, #tpu.memory_space<semaphore_mem>>) src(%arg8 : memref<80xf32, #tpu.memory_space<vmem>>) dst(%dma_wait3A_149 : memref<80xf32, #tpu.memory_space<vmem_shared>>)
      tpu.yield
    }) : () -> ()
    %mul3A_53 = arith.constant 640 : i32
    %mul3A_54 = arith.muli %arg1, %mul3A_53 : i32
    %add3A_55 = arith.constant 480 : i32
    %add3A_56 = arith.addi %mul3A_54, %add3A_55 : i32
    "tpu.region"() ({
      %run_scoped3A = tpu.sem_alloc : memref<!tpu.dma_semaphore, #tpu.memory_space<semaphore_mem>>
      %dma_start3A_146 = tpu.memref_slice %arg9[%add3A_56] : memref<10240xf32, #tpu.memory_space<vmem_shared>> -> memref<80xf32, #tpu.memory_space<vmem_shared>>
      %dma_start3A_147 = tpu.memref_slice %arg9[%add3A_56] : memref<10240xf32, #tpu.memory_space<vmem_shared>> -> memref<80xf32, #tpu.memory_space<vmem_shared>>
      tpu.enqueue_dma source(%arg8 : memref<80xf32, #tpu.memory_space<vmem>>) target(%dma_start3A_147 : memref<80xf32, #tpu.memory_space<vmem_shared>>) target_semaphore(%run_scoped3A : memref<!tpu.dma_semaphore, #tpu.memory_space<semaphore_mem>>)
      %dma_wait3A_148 = tpu.memref_slice %arg9[%add3A_56] : memref<10240xf32, #tpu.memory_space<vmem_shared>> -> memref<80xf32, #tpu.memory_space<vmem_shared>>
      %dma_wait3A_149 = tpu.memref_slice %arg9[%add3A_56] : memref<10240xf32, #tpu.memory_space<vmem_shared>> -> memref<80xf32, #tpu.memory_space<vmem_shared>>
      tpu.wait_dma2 semaphore(%run_scoped3A : memref<!tpu.dma_semaphore, #tpu.memory_space<semaphore_mem>>) src(%arg8 : memref<80xf32, #tpu.memory_space<vmem>>) dst(%dma_wait3A_149 : memref<80xf32, #tpu.memory_space<vmem_shared>>)
      tpu.yield
    }) : () -> ()
    %mul3A_57 = arith.constant 640 : i32
    %mul3A_58 = arith.muli %arg1, %mul3A_57 : i32
    %add3A_59 = arith.constant 560 : i32
    %add3A_60 = arith.addi %mul3A_58, %add3A_59 : i32
    "tpu.region"() ({
      %run_scoped3A = tpu.sem_alloc : memref<!tpu.dma_semaphore, #tpu.memory_space<semaphore_mem>>
      %dma_start3A_146 = tpu.memref_slice %arg9[%add3A_60] : memref<10240xf32, #tpu.memory_space<vmem_shared>> -> memref<80xf32, #tpu.memory_space<vmem_shared>>
      %dma_start3A_147 = tpu.memref_slice %arg9[%add3A_60] : memref<10240xf32, #tpu.memory_space<vmem_shared>> -> memref<80xf32, #tpu.memory_space<vmem_shared>>
      tpu.enqueue_dma source(%arg8 : memref<80xf32, #tpu.memory_space<vmem>>) target(%dma_start3A_147 : memref<80xf32, #tpu.memory_space<vmem_shared>>) target_semaphore(%run_scoped3A : memref<!tpu.dma_semaphore, #tpu.memory_space<semaphore_mem>>)
      %dma_wait3A_148 = tpu.memref_slice %arg9[%add3A_60] : memref<10240xf32, #tpu.memory_space<vmem_shared>> -> memref<80xf32, #tpu.memory_space<vmem_shared>>
      %dma_wait3A_149 = tpu.memref_slice %arg9[%add3A_60] : memref<10240xf32, #tpu.memory_space<vmem_shared>> -> memref<80xf32, #tpu.memory_space<vmem_shared>>
      tpu.wait_dma2 semaphore(%run_scoped3A : memref<!tpu.dma_semaphore, #tpu.memory_space<semaphore_mem>>) src(%arg8 : memref<80xf32, #tpu.memory_space<vmem>>) dst(%dma_wait3A_149 : memref<80xf32, #tpu.memory_space<vmem_shared>>)
      tpu.yield
    }) : () -> ()
    %broadcast_in_dim3A_61 = arith.constant 1.000000e+00 : f32
    %broadcast_in_dim3A_62 = vector.broadcast %broadcast_in_dim3A_61 : f32 to vector<16xf32>
    %swap3A_63 = arith.constant 0 : index
    %swap3A_64 = tpu.vector_load %arg8[%swap3A_63] {strides = array<i32>} : memref<80xf32, #tpu.memory_space<vmem>>, vector<16xf32>,
    %swap3A_65 = vector.shape_cast %swap3A_64 : vector<16xf32> to vector<16xf32>
    %swap3A_66 = vector.shape_cast %broadcast_in_dim3A_62 : vector<16xf32> to vector<16xf32>
    tpu.vector_store %arg8[%swap3A_63], %swap3A_66 {strides = array<i32>} : memref<80xf32, #tpu.memory_space<vmem>>, vector<16xf32>,
    %broadcast_in_dim3A_67 = arith.constant 1.000000e+00 : f32
    %broadcast_in_dim3A_68 = vector.broadcast %broadcast_in_dim3A_67 : f32 to vector<16xf32>
    %swap3A_69 = arith.constant 16 : index
    %swap3A_70 = tpu.vector_load %arg8[%swap3A_69] {strides = array<i32>} : memref<80xf32, #tpu.memory_space<vmem>>, vector<16xf32>,
    %swap3A_71 = vector.shape_cast %swap3A_70 : vector<16xf32> to vector<16xf32>
    %swap3A_72 = vector.shape_cast %broadcast_in_dim3A_68 : vector<16xf32> to vector<16xf32>
    tpu.vector_store %arg8[%swap3A_69], %swap3A_72 {strides = array<i32>} : memref<80xf32, #tpu.memory_space<vmem>>, vector<16xf32>,
    %broadcast_in_dim3A_73 = arith.constant 1.000000e+00 : f32
    %broadcast_in_dim3A_74 = vector.broadcast %broadcast_in_dim3A_73 : f32 to vector<16xf32>
    %swap3A_75 = arith.constant 32 : index
    %swap3A_76 = tpu.vector_load %arg8[%swap3A_75] {strides = array<i32>} : memref<80xf32, #tpu.memory_space<vmem>>, vector<16xf32>,
    %swap3A_77 = vector.shape_cast %swap3A_76 : vector<16xf32> to vector<16xf32>
    %swap3A_78 = vector.shape_cast %broadcast_in_dim3A_74 : vector<16xf32> to vector<16xf32>
    tpu.vector_store %arg8[%swap3A_75], %swap3A_78 {strides = array<i32>} : memref<80xf32, #tpu.memory_space<vmem>>, vector<16xf32>,
    %broadcast_in_dim3A_79 = arith.constant 1.000000e+00 : f32
    %broadcast_in_dim3A_80 = vector.broadcast %broadcast_in_dim3A_79 : f32 to vector<16xf32>
    %swap3A_81 = arith.constant 48 : index
    %swap3A_82 = tpu.vector_load %arg8[%swap3A_81] {strides = array<i32>} : memref<80xf32, #tpu.memory_space<vmem>>, vector<16xf32>,
    %swap3A_83 = vector.shape_cast %swap3A_82 : vector<16xf32> to vector<16xf32>
    %swap3A_84 = vector.shape_cast %broadcast_in_dim3A_80 : vector<16xf32> to vector<16xf32>
    tpu.vector_store %arg8[%swap3A_81], %swap3A_84 {strides = array<i32>} : memref<80xf32, #tpu.memory_space<vmem>>, vector<16xf32>,
    %broadcast_in_dim3A_85 = arith.constant 1.000000e+00 : f32
    %broadcast_in_dim3A_86 = vector.broadcast %broadcast_in_dim3A_85 : f32 to vector<16xf32>
    %swap3A_87 = arith.constant 64 : index
    %swap3A_88 = tpu.vector_load %arg8[%swap3A_87] {strides = array<i32>} : memref<80xf32, #tpu.memory_space<vmem>>, vector<16xf32>,
    %swap3A_89 = vector.shape_cast %swap3A_88 : vector<16xf32> to vector<16xf32>
    %swap3A_90 = vector.shape_cast %broadcast_in_dim3A_86 : vector<16xf32> to vector<16xf32>
    tpu.vector_store %arg8[%swap3A_87], %swap3A_90 {strides = array<i32>} : memref<80xf32, #tpu.memory_space<vmem>>, vector<16xf32>,
    %barrier3A = arith.constant 0 : index
    tpu.barrier barrier_id(%barrier3A)
    %mul3A_91 = arith.constant 10240 : i32
    %mul3A_92 = arith.muli %add3A, %mul3A_91 : i32
    %add3A_93 = arith.constant 0 : i32
    %add3A_94 = arith.addi %mul3A_92, %add3A_93 : i32
    %add3A_95 = arith.constant 0 : i32
    %add3A_96 = arith.addi %add3A_94, %add3A_95 : i32
    %dma_start3A = tpu.memref_slice %arg2[%add3A_96] : memref<327680xi32, #tpu.memory_space<hbm>> -> memref<80xi32, #tpu.memory_space<hbm>>
    %dma_start3A_97 = tpu.memref_slice %arg2[%add3A_96] : memref<327680xi32, #tpu.memory_space<hbm>> -> memref<80xi32, #tpu.memory_space<hbm>>
    tpu.enqueue_dma source(%dma_start3A_97 : memref<80xi32, #tpu.memory_space<hbm>>) target(%arg4 : memref<80xi32, #tpu.memory_space<vmem>>) target_semaphore(%arg14 : memref<!tpu.dma_semaphore, #tpu.memory_space<semaphore_mem>>)
    %add3A_98 = arith.constant 80 : i32
    %add3A_99 = arith.addi %add3A_94, %add3A_98 : i32
    %dma_start3A_100 = tpu.memref_slice %arg2[%add3A_99] : memref<327680xi32, #tpu.memory_space<hbm>> -> memref<80xi32, #tpu.memory_space<hbm>>
    %dma_start3A_101 = tpu.memref_slice %arg2[%add3A_99] : memref<327680xi32, #tpu.memory_space<hbm>> -> memref<80xi32, #tpu.memory_space<hbm>>
    tpu.enqueue_dma source(%dma_start3A_101 : memref<80xi32, #tpu.memory_space<hbm>>) target(%arg5 : memref<80xi32, #tpu.memory_space<vmem>>) target_semaphore(%arg15 : memref<!tpu.dma_semaphore, #tpu.memory_space<semaphore_mem>>)
    %add3A_102 = arith.constant 160 : i32
    %add3A_103 = arith.addi %add3A_94, %add3A_102 : i32
    %dma_start3A_104 = tpu.memref_slice %arg2[%add3A_103] : memref<327680xi32, #tpu.memory_space<hbm>> -> memref<80xi32, #tpu.memory_space<hbm>>
    %dma_start3A_105 = tpu.memref_slice %arg2[%add3A_103] : memref<327680xi32, #tpu.memory_space<hbm>> -> memref<80xi32, #tpu.memory_space<hbm>>
    tpu.enqueue_dma source(%dma_start3A_105 : memref<80xi32, #tpu.memory_space<hbm>>) target(%arg6 : memref<80xi32, #tpu.memory_space<vmem>>) target_semaphore(%arg16 : memref<!tpu.dma_semaphore, #tpu.memory_space<semaphore_mem>>)
    %add3A_106 = arith.constant 240 : i32
    %add3A_107 = arith.addi %add3A_94, %add3A_106 : i32
    %dma_start3A_108 = tpu.memref_slice %arg2[%add3A_107] : memref<327680xi32, #tpu.memory_space<hbm>> -> memref<80xi32, #tpu.memory_space<hbm>>
    %dma_start3A_109 = tpu.memref_slice %arg2[%add3A_107] : memref<327680xi32, #tpu.memory_space<hbm>> -> memref<80xi32, #tpu.memory_space<hbm>>
    tpu.enqueue_dma source(%dma_start3A_109 : memref<80xi32, #tpu.memory_space<hbm>>) target(%arg7 : memref<80xi32, #tpu.memory_space<vmem>>) target_semaphore(%arg17 : memref<!tpu.dma_semaphore, #tpu.memory_space<semaphore_mem>>)
    %dma_wait3A = tpu.memref_slice %arg2[%add3A_96] : memref<327680xi32, #tpu.memory_space<hbm>> -> memref<80xi32, #tpu.memory_space<hbm>>
    %dma_wait3A_110 = tpu.memref_slice %arg2[%add3A_96] : memref<327680xi32, #tpu.memory_space<hbm>> -> memref<80xi32, #tpu.memory_space<hbm>>
    tpu.wait_dma2 semaphore(%arg14 : memref<!tpu.dma_semaphore, #tpu.memory_space<semaphore_mem>>) src(%dma_wait3A_110 : memref<80xi32, #tpu.memory_space<hbm>>) dst(%arg4 : memref<80xi32, #tpu.memory_space<vmem>>)
    %dma_start3A_111 = arith.constant 0 : i32
    %dma_start3A_112 = tpu.memref_slice %arg9[%dma_start3A_111] : memref<10240xf32, #tpu.memory_space<vmem_shared>> -> memref<10240xf32, #tpu.memory_space<vmem_shared>>
    tpu.enqueue_indirect_dma source(%arg8 : memref<80xf32, #tpu.memory_space<vmem>>) target(%dma_start3A_112 : memref<10240xf32, #tpu.memory_space<vmem_shared>>) offsets(%arg4 : memref<80xi32, #tpu.memory_space<vmem>>) semaphore(%arg10 : memref<!tpu.dma_semaphore, #tpu.memory_space<semaphore_mem>>) {add = true}
    %dma_wait3A_113 = tpu.memref_slice %arg2[%add3A_99] : memref<327680xi32, #tpu.memory_space<hbm>> -> memref<80xi32, #tpu.memory_space<hbm>>
    %dma_wait3A_114 = tpu.memref_slice %arg2[%add3A_99] : memref<327680xi32, #tpu.memory_space<hbm>> -> memref<80xi32, #tpu.memory_space<hbm>>
    tpu.wait_dma2 semaphore(%arg15 : memref<!tpu.dma_semaphore, #tpu.memory_space<semaphore_mem>>) src(%dma_wait3A_114 : memref<80xi32, #tpu.memory_space<hbm>>) dst(%arg5 : memref<80xi32, #tpu.memory_space<vmem>>)
    %dma_start3A_115 = arith.constant 0 : i32
    %dma_start3A_116 = tpu.memref_slice %arg9[%dma_start3A_115] : memref<10240xf32, #tpu.memory_space<vmem_shared>> -> memref<10240xf32, #tpu.memory_space<vmem_shared>>
    tpu.enqueue_indirect_dma source(%arg8 : memref<80xf32, #tpu.memory_space<vmem>>) target(%dma_start3A_116 : memref<10240xf32, #tpu.memory_space<vmem_shared>>) offsets(%arg5 : memref<80xi32, #tpu.memory_space<vmem>>) semaphore(%arg11 : memref<!tpu.dma_semaphore, #tpu.memory_space<semaphore_mem>>) {add = true}
    %dma_wait3A_117 = tpu.memref_slice %arg2[%add3A_103] : memref<327680xi32, #tpu.memory_space<hbm>> -> memref<80xi32, #tpu.memory_space<hbm>>
    %dma_wait3A_118 = tpu.memref_slice %arg2[%add3A_103] : memref<327680xi32, #tpu.memory_space<hbm>> -> memref<80xi32, #tpu.memory_space<hbm>>
    tpu.wait_dma2 semaphore(%arg16 : memref<!tpu.dma_semaphore, #tpu.memory_space<semaphore_mem>>) src(%dma_wait3A_118 : memref<80xi32, #tpu.memory_space<hbm>>) dst(%arg6 : memref<80xi32, #tpu.memory_space<vmem>>)
    %dma_start3A_119 = arith.constant 0 : i32
    %dma_start3A_120 = tpu.memref_slice %arg9[%dma_start3A_119] : memref<10240xf32, #tpu.memory_space<vmem_shared>> -> memref<10240xf32, #tpu.memory_space<vmem_shared>>
    tpu.enqueue_indirect_dma source(%arg8 : memref<80xf32, #tpu.memory_space<vmem>>) target(%dma_start3A_120 : memref<10240xf32, #tpu.memory_space<vmem_shared>>) offsets(%arg6 : memref<80xi32, #tpu.memory_space<vmem>>) semaphore(%arg12 : memref<!tpu.dma_semaphore, #tpu.memory_space<semaphore_mem>>) {add = true}
    %dma_wait3A_121 = tpu.memref_slice %arg2[%add3A_107] : memref<327680xi32, #tpu.memory_space<hbm>> -> memref<80xi32, #tpu.memory_space<hbm>>
    %dma_wait3A_122 = tpu.memref_slice %arg2[%add3A_107] : memref<327680xi32, #tpu.memory_space<hbm>> -> memref<80xi32, #tpu.memory_space<hbm>>
    tpu.wait_dma2 semaphore(%arg17 : memref<!tpu.dma_semaphore, #tpu.memory_space<semaphore_mem>>) src(%dma_wait3A_122 : memref<80xi32, #tpu.memory_space<hbm>>) dst(%arg7 : memref<80xi32, #tpu.memory_space<vmem>>)
    %dma_start3A_123 = arith.constant 0 : i32
    %dma_start3A_124 = tpu.memref_slice %arg9[%dma_start3A_123] : memref<10240xf32, #tpu.memory_space<vmem_shared>> -> memref<10240xf32, #tpu.memory_space<vmem_shared>>
    tpu.enqueue_indirect_dma source(%arg8 : memref<80xf32, #tpu.memory_space<vmem>>) target(%dma_start3A_124 : memref<10240xf32, #tpu.memory_space<vmem_shared>>) offsets(%arg7 : memref<80xi32, #tpu.memory_space<vmem>>) semaphore(%arg13 : memref<!tpu.dma_semaphore, #tpu.memory_space<semaphore_mem>>) {add = true}
    %scan3A = arith.constant 0 : i32
    %scan3A_125 = arith.constant 1 : i32
    %scan3A_126 = arith.constant 31 : i32
    %scan3A_127 = arith.addi %scan3A_125, %scan3A_126 : i32
    %scan3A_128 = arith.constant 1 : i32
    scf.for %scan3A_146 = %scan3A_125 to %scan3A_127 step %scan3A_128  : i32 {
      %mul3A_147 = arith.constant 10240 : i32
      %mul3A_148 = arith.muli %add3A, %mul3A_147 : i32
      %mul3A_149 = arith.constant 4 : i32
      %mul3A_150 = arith.muli %scan3A_146, %mul3A_149 : i32
      %mul3A_151 = arith.constant 80 : i32
      %mul3A_152 = arith.muli %mul3A_150, %mul3A_151 : i32
      %add3A_153 = arith.addi %mul3A_148, %mul3A_152 : i32
      %dma_wait3A_154 = arith.constant 0 : i32
      %dma_wait3A_155 = tpu.memref_slice %arg9[%dma_wait3A_154] : memref<10240xf32, #tpu.memory_space<vmem_shared>> -> memref<10240xf32, #tpu.memory_space<vmem_shared>>
      tpu.wait_indirect_dma semaphore(%arg10 : memref<!tpu.dma_semaphore, #tpu.memory_space<semaphore_mem>>) src(%arg8 : memref<80xf32, #tpu.memory_space<vmem>>) dst(%dma_wait3A_155 : memref<10240xf32, #tpu.memory_space<vmem_shared>>)
      %add3A_156 = arith.constant 0 : i32
      %add3A_157 = arith.addi %add3A_153, %add3A_156 : i32
      %dma_start3A_158 = tpu.memref_slice %arg2[%add3A_157] : memref<327680xi32, #tpu.memory_space<hbm>> -> memref<80xi32, #tpu.memory_space<hbm>>
      %dma_start3A_159 = tpu.memref_slice %arg2[%add3A_157] : memref<327680xi32, #tpu.memory_space<hbm>> -> memref<80xi32, #tpu.memory_space<hbm>>
      tpu.enqueue_dma source(%dma_start3A_159 : memref<80xi32, #tpu.memory_space<hbm>>) target(%arg4 : memref<80xi32, #tpu.memory_space<vmem>>) target_semaphore(%arg14 : memref<!tpu.dma_semaphore, #tpu.memory_space<semaphore_mem>>)
      %dma_wait3A_160 = arith.constant 0 : i32
      %dma_wait3A_161 = tpu.memref_slice %arg9[%dma_wait3A_160] : memref<10240xf32, #tpu.memory_space<vmem_shared>> -> memref<10240xf32, #tpu.memory_space<vmem_shared>>
      tpu.wait_indirect_dma semaphore(%arg11 : memref<!tpu.dma_semaphore, #tpu.memory_space<semaphore_mem>>) src(%arg8 : memref<80xf32, #tpu.memory_space<vmem>>) dst(%dma_wait3A_161 : memref<10240xf32, #tpu.memory_space<vmem_shared>>)
      %add3A_162 = arith.constant 80 : i32
      %add3A_163 = arith.addi %add3A_153, %add3A_162 : i32
      %dma_start3A_164 = tpu.memref_slice %arg2[%add3A_163] : memref<327680xi32, #tpu.memory_space<hbm>> -> memref<80xi32, #tpu.memory_space<hbm>>
      %dma_start3A_165 = tpu.memref_slice %arg2[%add3A_163] : memref<327680xi32, #tpu.memory_space<hbm>> -> memref<80xi32, #tpu.memory_space<hbm>>
      tpu.enqueue_dma source(%dma_start3A_165 : memref<80xi32, #tpu.memory_space<hbm>>) target(%arg5 : memref<80xi32, #tpu.memory_space<vmem>>) target_semaphore(%arg15 : memref<!tpu.dma_semaphore, #tpu.memory_space<semaphore_mem>>)
      %dma_wait3A_166 = arith.constant 0 : i32
      %dma_wait3A_167 = tpu.memref_slice %arg9[%dma_wait3A_166] : memref<10240xf32, #tpu.memory_space<vmem_shared>> -> memref<10240xf32, #tpu.memory_space<vmem_shared>>
      tpu.wait_indirect_dma semaphore(%arg12 : memref<!tpu.dma_semaphore, #tpu.memory_space<semaphore_mem>>) src(%arg8 : memref<80xf32, #tpu.memory_space<vmem>>) dst(%dma_wait3A_167 : memref<10240xf32, #tpu.memory_space<vmem_shared>>)
      %add3A_168 = arith.constant 160 : i32
      %add3A_169 = arith.addi %add3A_153, %add3A_168 : i32
      %dma_start3A_170 = tpu.memref_slice %arg2[%add3A_169] : memref<327680xi32, #tpu.memory_space<hbm>> -> memref<80xi32, #tpu.memory_space<hbm>>
      %dma_start3A_171 = tpu.memref_slice %arg2[%add3A_169] : memref<327680xi32, #tpu.memory_space<hbm>> -> memref<80xi32, #tpu.memory_space<hbm>>
      tpu.enqueue_dma source(%dma_start3A_171 : memref<80xi32, #tpu.memory_space<hbm>>) target(%arg6 : memref<80xi32, #tpu.memory_space<vmem>>) target_semaphore(%arg16 : memref<!tpu.dma_semaphore, #tpu.memory_space<semaphore_mem>>)
      %dma_wait3A_172 = arith.constant 0 : i32
      %dma_wait3A_173 = tpu.memref_slice %arg9[%dma_wait3A_172] : memref<10240xf32, #tpu.memory_space<vmem_shared>> -> memref<10240xf32, #tpu.memory_space<vmem_shared>>
      tpu.wait_indirect_dma semaphore(%arg13 : memref<!tpu.dma_semaphore, #tpu.memory_space<semaphore_mem>>) src(%arg8 : memref<80xf32, #tpu.memory_space<vmem>>) dst(%dma_wait3A_173 : memref<10240xf32, #tpu.memory_space<vmem_shared>>)
      %add3A_174 = arith.constant 240 : i32
      %add3A_175 = arith.addi %add3A_153, %add3A_174 : i32
      %dma_start3A_176 = tpu.memref_slice %arg2[%add3A_175] : memref<327680xi32, #tpu.memory_space<hbm>> -> memref<80xi32, #tpu.memory_space<hbm>>
      %dma_start3A_177 = tpu.memref_slice %arg2[%add3A_175] : memref<327680xi32, #tpu.memory_space<hbm>> -> memref<80xi32, #tpu.memory_space<hbm>>
      tpu.enqueue_dma source(%dma_start3A_177 : memref<80xi32, #tpu.memory_space<hbm>>) target(%arg7 : memref<80xi32, #tpu.memory_space<vmem>>) target_semaphore(%arg17 : memref<!tpu.dma_semaphore, #tpu.memory_space<semaphore_mem>>)
      %dma_wait3A_178 = tpu.memref_slice %arg2[%add3A_157] : memref<327680xi32, #tpu.memory_space<hbm>> -> memref<80xi32, #tpu.memory_space<hbm>>
      %dma_wait3A_179 = tpu.memref_slice %arg2[%add3A_157] : memref<327680xi32, #tpu.memory_space<hbm>> -> memref<80xi32, #tpu.memory_space<hbm>>
      tpu.wait_dma2 semaphore(%arg14 : memref<!tpu.dma_semaphore, #tpu.memory_space<semaphore_mem>>) src(%dma_wait3A_179 : memref<80xi32, #tpu.memory_space<hbm>>) dst(%arg4 : memref<80xi32, #tpu.memory_space<vmem>>)
      %dma_start3A_180 = arith.constant 0 : i32
      %dma_start3A_181 = tpu.memref_slice %arg9[%dma_start3A_180] : memref<10240xf32, #tpu.memory_space<vmem_shared>> -> memref<10240xf32, #tpu.memory_space<vmem_shared>>
      tpu.enqueue_indirect_dma source(%arg8 : memref<80xf32, #tpu.memory_space<vmem>>) target(%dma_start3A_181 : memref<10240xf32, #tpu.memory_space<vmem_shared>>) offsets(%arg4 : memref<80xi32, #tpu.memory_space<vmem>>) semaphore(%arg10 : memref<!tpu.dma_semaphore, #tpu.memory_space<semaphore_mem>>) {add = true}
      %dma_wait3A_182 = tpu.memref_slice %arg2[%add3A_163] : memref<327680xi32, #tpu.memory_space<hbm>> -> memref<80xi32, #tpu.memory_space<hbm>>
      %dma_wait3A_183 = tpu.memref_slice %arg2[%add3A_163] : memref<327680xi32, #tpu.memory_space<hbm>> -> memref<80xi32, #tpu.memory_space<hbm>>
      tpu.wait_dma2 semaphore(%arg15 : memref<!tpu.dma_semaphore, #tpu.memory_space<semaphore_mem>>) src(%dma_wait3A_183 : memref<80xi32, #tpu.memory_space<hbm>>) dst(%arg5 : memref<80xi32, #tpu.memory_space<vmem>>)
      %dma_start3A_184 = arith.constant 0 : i32
      %dma_start3A_185 = tpu.memref_slice %arg9[%dma_start3A_184] : memref<10240xf32, #tpu.memory_space<vmem_shared>> -> memref<10240xf32, #tpu.memory_space<vmem_shared>>
      tpu.enqueue_indirect_dma source(%arg8 : memref<80xf32, #tpu.memory_space<vmem>>) target(%dma_start3A_185 : memref<10240xf32, #tpu.memory_space<vmem_shared>>) offsets(%arg5 : memref<80xi32, #tpu.memory_space<vmem>>) semaphore(%arg11 : memref<!tpu.dma_semaphore, #tpu.memory_space<semaphore_mem>>) {add = true}
      %dma_wait3A_186 = tpu.memref_slice %arg2[%add3A_169] : memref<327680xi32, #tpu.memory_space<hbm>> -> memref<80xi32, #tpu.memory_space<hbm>>
      %dma_wait3A_187 = tpu.memref_slice %arg2[%add3A_169] : memref<327680xi32, #tpu.memory_space<hbm>> -> memref<80xi32, #tpu.memory_space<hbm>>
      tpu.wait_dma2 semaphore(%arg16 : memref<!tpu.dma_semaphore, #tpu.memory_space<semaphore_mem>>) src(%dma_wait3A_187 : memref<80xi32, #tpu.memory_space<hbm>>) dst(%arg6 : memref<80xi32, #tpu.memory_space<vmem>>)
      %dma_start3A_188 = arith.constant 0 : i32
      %dma_start3A_189 = tpu.memref_slice %arg9[%dma_start3A_188] : memref<10240xf32, #tpu.memory_space<vmem_shared>> -> memref<10240xf32, #tpu.memory_space<vmem_shared>>
      tpu.enqueue_indirect_dma source(%arg8 : memref<80xf32, #tpu.memory_space<vmem>>) target(%dma_start3A_189 : memref<10240xf32, #tpu.memory_space<vmem_shared>>) offsets(%arg6 : memref<80xi32, #tpu.memory_space<vmem>>) semaphore(%arg12 : memref<!tpu.dma_semaphore, #tpu.memory_space<semaphore_mem>>) {add = true}
      %dma_wait3A_190 = tpu.memref_slice %arg2[%add3A_175] : memref<327680xi32, #tpu.memory_space<hbm>> -> memref<80xi32, #tpu.memory_space<hbm>>
      %dma_wait3A_191 = tpu.memref_slice %arg2[%add3A_175] : memref<327680xi32, #tpu.memory_space<hbm>> -> memref<80xi32, #tpu.memory_space<hbm>>
      tpu.wait_dma2 semaphore(%arg17 : memref<!tpu.dma_semaphore, #tpu.memory_space<semaphore_mem>>) src(%dma_wait3A_191 : memref<80xi32, #tpu.memory_space<hbm>>) dst(%arg7 : memref<80xi32, #tpu.memory_space<vmem>>)
      %dma_start3A_192 = arith.constant 0 : i32
      %dma_start3A_193 = tpu.memref_slice %arg9[%dma_start3A_192] : memref<10240xf32, #tpu.memory_space<vmem_shared>> -> memref<10240xf32, #tpu.memory_space<vmem_shared>>
      tpu.enqueue_indirect_dma source(%arg8 : memref<80xf32, #tpu.memory_space<vmem>>) target(%dma_start3A_193 : memref<10240xf32, #tpu.memory_space<vmem_shared>>) offsets(%arg7 : memref<80xi32, #tpu.memory_space<vmem>>) semaphore(%arg13 : memref<!tpu.dma_semaphore, #tpu.memory_space<semaphore_mem>>) {add = true}
    }
    %scan3A_129 = arith.constant 31 : i32
    %dma_wait3A_130 = arith.constant 0 : i32
    %dma_wait3A_131 = tpu.memref_slice %arg9[%dma_wait3A_130] : memref<10240xf32, #tpu.memory_space<vmem_shared>> -> memref<10240xf32, #tpu.memory_space<vmem_shared>>
    tpu.wait_indirect_dma semaphore(%arg10 : memref<!tpu.dma_semaphore, #tpu.memory_space<semaphore_mem>>) src(%arg8 : memref<80xf32, #tpu.memory_space<vmem>>) dst(%dma_wait3A_131 : memref<10240xf32, #tpu.memory_space<vmem_shared>>)
    %dma_wait3A_132 = arith.constant 0 : i32
    %dma_wait3A_133 = tpu.memref_slice %arg9[%dma_wait3A_132] : memref<10240xf32, #tpu.memory_space<vmem_shared>> -> memref<10240xf32, #tpu.memory_space<vmem_shared>>
    tpu.wait_indirect_dma semaphore(%arg11 : memref<!tpu.dma_semaphore, #tpu.memory_space<semaphore_mem>>) src(%arg8 : memref<80xf32, #tpu.memory_space<vmem>>) dst(%dma_wait3A_133 : memref<10240xf32, #tpu.memory_space<vmem_shared>>)
    %dma_wait3A_134 = arith.constant 0 : i32
    %dma_wait3A_135 = tpu.memref_slice %arg9[%dma_wait3A_134] : memref<10240xf32, #tpu.memory_space<vmem_shared>> -> memref<10240xf32, #tpu.memory_space<vmem_shared>>
    tpu.wait_indirect_dma semaphore(%arg12 : memref<!tpu.dma_semaphore, #tpu.memory_space<semaphore_mem>>) src(%arg8 : memref<80xf32, #tpu.memory_space<vmem>>) dst(%dma_wait3A_135 : memref<10240xf32, #tpu.memory_space<vmem_shared>>)
    %dma_wait3A_136 = arith.constant 0 : i32
    %dma_wait3A_137 = tpu.memref_slice %arg9[%dma_wait3A_136] : memref<10240xf32, #tpu.memory_space<vmem_shared>> -> memref<10240xf32, #tpu.memory_space<vmem_shared>>
    tpu.wait_indirect_dma semaphore(%arg13 : memref<!tpu.dma_semaphore, #tpu.memory_space<semaphore_mem>>) src(%arg8 : memref<80xf32, #tpu.memory_space<vmem>>) dst(%dma_wait3A_137 : memref<10240xf32, #tpu.memory_space<vmem_shared>>)
    %barrier3A_138 = arith.constant 0 : index
    tpu.barrier barrier_id(%barrier3A_138)
    %mul3A_139 = arith.constant 640 : i32
    %mul3A_140 = arith.muli %arg1, %mul3A_139 : i32
    %mul3A_141 = arith.constant 10240 : i32
    %mul3A_142 = arith.muli %arg0, %mul3A_141 : i32
    %mul3A_143 = arith.constant 640 : i32
    %mul3A_144 = arith.muli %arg1, %mul3A_143 : i32
    %add3A_145 = arith.addi %mul3A_142, %mul3A_144 : i32
    "tpu.region"() ({
      %run_scoped3A = tpu.sem_alloc : memref<!tpu.dma_semaphore, #tpu.memory_space<semaphore_mem>>
      %dma_start3A_146 = tpu.memref_slice %arg3[%add3A_145] : memref<20480xf32, #tpu.memory_space<hbm>> -> memref<640xf32, #tpu.memory_space<hbm>>
      %dma_start3A_147 = tpu.memref_slice %arg9[%mul3A_140] : memref<10240xf32, #tpu.memory_space<vmem_shared>> -> memref<640xf32, #tpu.memory_space<vmem_shared>>
      tpu.enqueue_dma source(%dma_start3A_147 : memref<640xf32, #tpu.memory_space<vmem_shared>>) target(%dma_start3A_146 : memref<640xf32, #tpu.memory_space<hbm>>) target_semaphore(%run_scoped3A : memref<!tpu.dma_semaphore, #tpu.memory_space<semaphore_mem>>)
      %dma_wait3A_148 = tpu.memref_slice %arg3[%add3A_145] : memref<20480xf32, #tpu.memory_space<hbm>> -> memref<640xf32, #tpu.memory_space<hbm>>
      %dma_wait3A_149 = tpu.memref_slice %arg9[%mul3A_140] : memref<10240xf32, #tpu.memory_space<vmem_shared>> -> memref<640xf32, #tpu.memory_space<vmem_shared>>
      tpu.wait_dma2 semaphore(%run_scoped3A : memref<!tpu.dma_semaphore, #tpu.memory_space<semaphore_mem>>) src(%dma_wait3A_149 : memref<640xf32, #tpu.memory_space<vmem_shared>>) dst(%dma_wait3A_148 : memref<640xf32, #tpu.memory_space<hbm>>)
      tpu.yield
    }) : () -> ()
    return
  }
}

module attributes {stable_mosaic.version = 14 : i64} {
  func.func @_tc0_body(%arg0: i32, %arg1: memref<1000x128xf32, #tpu.memory_space<vmem>>, %arg2: memref<128x128xf32, #tpu.memory_space<vmem>>, %arg3: memref<1000x128xf32, #tpu.memory_space<vmem>>) attributes {dimension_semantics = [#tpu.dimension_semantics<arbitrary>], iteration_bounds = array<i64: 10>, scalar_prefetch = 0 : i64, scratch_operands = 0 : i64, tpu.core_type = #tpu.core_type<tc>, window_params = [{transform_indices = @transform_0, window_bounds = array<i64: 1000, 128>}, {pipeline_mode = #tpu.pipeline_mode<synchronous>, transform_indices = @transform_1, window_bounds = array<i64: 128, 128>}, {transform_indices = @transform_2, window_bounds = array<i64: 1000, 128>}]} {
    %get3A = arith.constant 0 : index
    %get3A_0 = arith.constant 0 : index
    %get3A_1 = vector.load %arg1[%get3A, %get3A_0] : memref<1000x128xf32, #tpu.memory_space<vmem>>, vector<1000x128xf32>
    %get3A_2 = arith.constant 0 : index
    %get3A_3 = arith.constant 0 : index
    %get3A_4 = vector.load %arg2[%get3A_2, %get3A_3] : memref<128x128xf32, #tpu.memory_space<vmem>>, vector<128x128xf32>
    %dot_general3A = arith.constant dense<0.000000e+00> : vector<1000x128xf32>
    %dot_general3A_5 = tpu.matmul %get3A_1, %get3A_4, %dot_general3A {dimension_numbers = #tpu.dot_dimension_numbers<[1], [0], [0], [1], [0, 0, 1, 1], [], []>, transpose_lhs_hint = false} : vector<1000x128xf32>, vector<128x128xf32>, vector<1000x128xf32> -> vector<1000x128xf32>
    %swap3A = arith.constant 0 : index
    %swap3A_6 = arith.constant 0 : index
    %swap3A_7 = vector.load %arg3[%swap3A, %swap3A_6] : memref<1000x128xf32, #tpu.memory_space<vmem>>, vector<1000x128xf32>
    tpu.vector_store %arg3[%swap3A, %swap3A_6], %dot_general3A_5 {strides = array<i32>} : memref<1000x128xf32, #tpu.memory_space<vmem>>, vector<1000x128xf32>,
    return
  }
  func.func @transform_0(%arg0: i32) -> (i32, i32) {
    %c0_i32 = arith.constant 0 : i32
    %c0_i32_0 = arith.constant 0 : i32
    return %arg0, %c0_i32 : i32, i32
  }
  func.func @transform_1(%arg0: i32) -> (i32, i32) {
    %c0_i32 = arith.constant 0 : i32
    %c0_i32_0 = arith.constant 0 : i32
    %c0_i32_1 = arith.constant 0 : i32
    return %c0_i32, %c0_i32_0 : i32, i32
  }
  func.func @transform_2(%arg0: i32) -> (i32, i32) {
    %c0_i32 = arith.constant 0 : i32
    %c0_i32_0 = arith.constant 0 : i32
    return %arg0, %c0_i32 : i32, i32
  }
}

module attributes {stable_mosaic.version = 14 : i64} {
  func.func @_tc1_body(%arg0: i32, %arg1: memref<1024x128xf32, #tpu.memory_space<vmem>>, %arg2: memref<2x1024x1xf32, #tpu.memory_space<vmem>>, %arg3: memref<1024x128xf32, #tpu.memory_space<vmem>>) attributes {dimension_semantics = [#tpu.dimension_semantics<arbitrary>], iteration_bounds = array<i64: 10>, scalar_prefetch = 0 : i64, scratch_operands = 0 : i64, tpu.core_type = #tpu.core_type<tc>, window_params = [{transform_indices = @transform_0, window_bounds = array<i64: 1024, 128>}, {transform_indices = @transform_1, window_bounds = array<i64: 2, 1024, 1>}, {transform_indices = @transform_2, window_bounds = array<i64: 1024, 128>}]} {
    %get3A = arith.constant 0 : index
    %get3A_0 = arith.constant 0 : index
    %get3A_1 = vector.load %arg1[%get3A, %get3A_0] : memref<1024x128xf32, #tpu.memory_space<vmem>>, vector<1024x128xf32>
    %get3A_2 = arith.constant 0 : index
    %get3A_3 = arith.constant 0 : index
    %get3A_4 = arith.constant 0 : index
    %get3A_5 = vector.load %arg2[%get3A_2, %get3A_3, %get3A_4] : memref<2x1024x1xf32, #tpu.memory_space<vmem>>, vector<2x1024x1xf32>
    %slice3A = vector.extract_strided_slice %get3A_5 {offsets = [0, 0, 0], sizes = [1, 1024, 1], strides = [1, 1, 1]} : vector<2x1024x1xf32> to vector<1x1024x1xf32>
    %squeeze3A = vector.shape_cast %slice3A : vector<1x1024x1xf32> to vector<1024x1xf32>
    %add3A = arith.constant 1.000000e+00 : f32
    %add3A_6 = vector.broadcast %add3A : f32 to vector<1024x1xf32>
    %add3A_7 = arith.addf %add3A_6, %squeeze3A : vector<1024x1xf32>
    %slice3A_8 = vector.extract_strided_slice %get3A_5 {offsets = [1, 0, 0], sizes = [1, 1024, 1], strides = [1, 1, 1]} : vector<2x1024x1xf32> to vector<1x1024x1xf32>
    %squeeze3A_9 = vector.shape_cast %slice3A_8 : vector<1x1024x1xf32> to vector<1024x1xf32>
    %add3A_10 = arith.addf %add3A_7, %squeeze3A_9 : vector<1024x1xf32>
    %rsqrt3A = math.rsqrt %add3A_10 : vector<1024x1xf32>
    %mul3A = vector.broadcast %rsqrt3A : vector<1024x1xf32> to vector<1024x128xf32>
    %mul3A_11 = arith.mulf %get3A_1, %mul3A : vector<1024x128xf32>
    %swap3A = arith.constant 0 : index
    %swap3A_12 = arith.constant 0 : index
    %swap3A_13 = vector.load %arg3[%swap3A, %swap3A_12] : memref<1024x128xf32, #tpu.memory_space<vmem>>, vector<1024x128xf32>
    tpu.vector_store %arg3[%swap3A, %swap3A_12], %mul3A_11 {strides = array<i32>} : memref<1024x128xf32, #tpu.memory_space<vmem>>, vector<1024x128xf32>,
    return
  }
  func.func @transform_0(%arg0: i32) -> (i32, i32) {
    %c0_i32 = arith.constant 0 : i32
    %c0_i32_0 = arith.constant 0 : i32
    return %arg0, %c0_i32 : i32, i32
  }
  func.func @transform_1(%arg0: i32) -> (i32, i32, i32) {
    %c0_i32 = arith.constant 0 : i32
    %c0_i32_0 = arith.constant 0 : i32
    %c0_i32_1 = arith.constant 0 : i32
    return %c0_i32, %arg0, %c0_i32_0 : i32, i32, i32
  }
  func.func @transform_2(%arg0: i32) -> (i32, i32) {
    %c0_i32 = arith.constant 0 : i32
    %c0_i32_0 = arith.constant 0 : i32
    return %arg0, %c0_i32 : i32, i32
  }
}

module attributes {stable_mosaic.version = 14 : i64} {
  func.func @_tc2_body(%arg0: i32, %arg1: memref<2x1024x128xf32, #tpu.memory_space<vmem>>, %arg2: memref<1024x128xf32, #tpu.memory_space<vmem>>, %arg3: memref<2x1024x1xf32, #tpu.memory_space<vmem>>, %arg4: memref<1x128xf32, #tpu.memory_space<vmem>>, %arg5: memref<128x128xf32, #tpu.memory_space<vmem>>, %arg6: memref<1024x128xf32, #tpu.memory_space<vmem>>) attributes {dimension_semantics = [#tpu.dimension_semantics<arbitrary>], iteration_bounds = array<i64: 10>, scalar_prefetch = 0 : i64, scratch_operands = 0 : i64, tpu.core_type = #tpu.core_type<tc>, window_params = [{transform_indices = @transform_0, window_bounds = array<i64: 2, 1024, 128>}, {transform_indices = @transform_1, window_bounds = array<i64: 1024, 128>}, {transform_indices = @transform_2, window_bounds = array<i64: 2, 1024, 1>}, {pipeline_mode = #tpu.pipeline_mode<synchronous>, transform_indices = @transform_3, window_bounds = array<i64: 1, 128>}, {pipeline_mode = #tpu.pipeline_mode<synchronous>, transform_indices = @transform_4, window_bounds = array<i64: 128, 128>}, {transform_indices = @transform_5, window_bounds = array<i64: 1024, 128>}]} {
    %get3A = arith.constant 0 : index
    %get3A_0 = arith.constant 0 : index
    %get3A_1 = arith.constant 0 : index
    %get3A_2 = vector.load %arg3[%get3A, %get3A_0, %get3A_1] : memref<2x1024x1xf32, #tpu.memory_space<vmem>>, vector<2x1024x1xf32>
    %slice3A = vector.extract_strided_slice %get3A_2 {offsets = [0, 0, 0], sizes = [1, 1024, 1], strides = [1, 1, 1]} : vector<2x1024x1xf32> to vector<1x1024x1xf32>
    %squeeze3A = vector.shape_cast %slice3A : vector<1x1024x1xf32> to vector<1024x1xf32>
    %add3A = arith.constant 1.000000e+00 : f32
    %add3A_3 = vector.broadcast %add3A : f32 to vector<1024x1xf32>
    %add3A_4 = arith.addf %add3A_3, %squeeze3A : vector<1024x1xf32>
    %slice3A_5 = vector.extract_strided_slice %get3A_2 {offsets = [1, 0, 0], sizes = [1, 1024, 1], strides = [1, 1, 1]} : vector<2x1024x1xf32> to vector<1x1024x1xf32>
    %squeeze3A_6 = vector.shape_cast %slice3A_5 : vector<1x1024x1xf32> to vector<1024x1xf32>
    %add3A_7 = arith.addf %add3A_4, %squeeze3A_6 : vector<1024x1xf32>
    %rsqrt3A = math.rsqrt %add3A_7 : vector<1024x1xf32>
    %get3A_8 = arith.constant 0 : index
    %get3A_9 = arith.constant 0 : index
    %get3A_10 = arith.constant 0 : index
    %get3A_11 = vector.load %arg1[%get3A_8, %get3A_9, %get3A_10] : memref<2x1024x128xf32, #tpu.memory_space<vmem>>, vector<1x1024x128xf32>
    %get3A_12 = vector.shape_cast %get3A_11 : vector<1x1024x128xf32> to vector<1024x128xf32>
    %get3A_13 = arith.constant 1 : index
    %get3A_14 = arith.constant 0 : index
    %get3A_15 = arith.constant 0 : index
    %get3A_16 = vector.load %arg1[%get3A_13, %get3A_14, %get3A_15] : memref<2x1024x128xf32, #tpu.memory_space<vmem>>, vector<1x1024x128xf32>
    %get3A_17 = vector.shape_cast %get3A_16 : vector<1x1024x128xf32> to vector<1024x128xf32>
    %add3A_18 = arith.addf %get3A_12, %get3A_17 : vector<1024x128xf32>
    %get3A_19 = arith.constant 0 : index
    %get3A_20 = arith.constant 0 : index
    %get3A_21 = vector.load %arg2[%get3A_19, %get3A_20] : memref<1024x128xf32, #tpu.memory_space<vmem>>, vector<1024x128xf32>
    %add3A_22 = arith.addf %add3A_18, %get3A_21 : vector<1024x128xf32>
    %mul3A = vector.broadcast %rsqrt3A : vector<1024x1xf32> to vector<1024x128xf32>
    %mul3A_23 = arith.mulf %add3A_22, %mul3A : vector<1024x128xf32>
    %get3A_24 = arith.constant 0 : index
    %get3A_25 = arith.constant 0 : index
    %get3A_26 = vector.load %arg4[%get3A_24, %get3A_25] : memref<1x128xf32, #tpu.memory_space<vmem>>, vector<1x128xf32>
    %add3A_27 = vector.broadcast %get3A_26 : vector<1x128xf32> to vector<1024x128xf32>
    %add3A_28 = arith.addf %mul3A_23, %add3A_27 : vector<1024x128xf32>
    %max3A = arith.constant 0.000000e+00 : f32
    %max3A_29 = vector.broadcast %max3A : f32 to vector<1024x128xf32>
    %max3A_30 = arith.maximumf %add3A_28, %max3A_29 : vector<1024x128xf32>
    %get3A_31 = arith.constant 0 : index
    %get3A_32 = arith.constant 0 : index
    %get3A_33 = vector.load %arg5[%get3A_31, %get3A_32] : memref<128x128xf32, #tpu.memory_space<vmem>>, vector<128x128xf32>
    %dot_general3A = arith.constant dense<0.000000e+00> : vector<1024x128xf32>
    %dot_general3A_34 = tpu.matmul %max3A_30, %get3A_33, %dot_general3A {dimension_numbers = #tpu.dot_dimension_numbers<[1], [0], [0], [1], [0, 0, 1, 1], [], []>, transpose_lhs_hint = false} : vector<1024x128xf32>, vector<128x128xf32>, vector<1024x128xf32> -> vector<1024x128xf32>
    %mul3A_35 = vector.broadcast %rsqrt3A : vector<1024x1xf32> to vector<1024x128xf32>
    %mul3A_36 = arith.mulf %dot_general3A_34, %mul3A_35 : vector<1024x128xf32>
    %swap3A = arith.constant 0 : index
    %swap3A_37 = arith.constant 0 : index
    %swap3A_38 = vector.load %arg6[%swap3A, %swap3A_37] : memref<1024x128xf32, #tpu.memory_space<vmem>>, vector<1024x128xf32>
    tpu.vector_store %arg6[%swap3A, %swap3A_37], %mul3A_36 {strides = array<i32>} : memref<1024x128xf32, #tpu.memory_space<vmem>>, vector<1024x128xf32>,
    return
  }
  func.func @transform_0(%arg0: i32) -> (i32, i32, i32) {
    %c0_i32 = arith.constant 0 : i32
    %c0_i32_0 = arith.constant 0 : i32
    %c0_i32_1 = arith.constant 0 : i32
    return %c0_i32, %arg0, %c0_i32_0 : i32, i32, i32
  }
  func.func @transform_1(%arg0: i32) -> (i32, i32) {
    %c0_i32 = arith.constant 0 : i32
    %c0_i32_0 = arith.constant 0 : i32
    return %arg0, %c0_i32 : i32, i32
  }
  func.func @transform_2(%arg0: i32) -> (i32, i32, i32) {
    %c0_i32 = arith.constant 0 : i32
    %c0_i32_0 = arith.constant 0 : i32
    %c0_i32_1 = arith.constant 0 : i32
    return %c0_i32, %arg0, %c0_i32_0 : i32, i32, i32
  }
  func.func @transform_3(%arg0: i32) -> (i32, i32) {
    %c0_i32 = arith.constant 0 : i32
    %c0_i32_0 = arith.constant 0 : i32
    %c0_i32_1 = arith.constant 0 : i32
    return %c0_i32, %c0_i32_0 : i32, i32
  }
  func.func @transform_4(%arg0: i32) -> (i32, i32) {
    %c0_i32 = arith.constant 0 : i32
    %c0_i32_0 = arith.constant 0 : i32
    %c0_i32_1 = arith.constant 0 : i32
    return %c0_i32, %c0_i32_0 : i32, i32
  }
  func.func @transform_5(%arg0: i32) -> (i32, i32) {
    %c0_i32 = arith.constant 0 : i32
    %c0_i32_0 = arith.constant 0 : i32
    return %arg0, %c0_i32 : i32, i32
  }
}

module attributes {stable_mosaic.version = 14 : i64} {
  func.func @_tc3_body(%arg0: i32, %arg1: memref<2x1000x128xf32, #tpu.memory_space<vmem>>, %arg2: memref<1000x128xf32, #tpu.memory_space<vmem>>, %arg3: memref<2x1000x1xf32, #tpu.memory_space<vmem>>, %arg4: memref<1x128xf32, #tpu.memory_space<vmem>>, %arg5: memref<128x4xf32, #tpu.memory_space<vmem>>, %arg6: memref<1x4xf32, #tpu.memory_space<vmem>>, %arg7: memref<1000x4xf32, #tpu.memory_space<vmem>>) attributes {dimension_semantics = [#tpu.dimension_semantics<arbitrary>], iteration_bounds = array<i64: 10>, scalar_prefetch = 0 : i64, scratch_operands = 0 : i64, tpu.core_type = #tpu.core_type<tc>, window_params = [{transform_indices = @transform_0, window_bounds = array<i64: 2, 1000, 128>}, {transform_indices = @transform_1, window_bounds = array<i64: 1000, 128>}, {transform_indices = @transform_2, window_bounds = array<i64: 2, 1000, 1>}, {pipeline_mode = #tpu.pipeline_mode<synchronous>, transform_indices = @transform_3, window_bounds = array<i64: 1, 128>}, {pipeline_mode = #tpu.pipeline_mode<synchronous>, transform_indices = @transform_4, window_bounds = array<i64: 128, 4>}, {pipeline_mode = #tpu.pipeline_mode<synchronous>, transform_indices = @transform_5, window_bounds = array<i64: 1, 4>}, {transform_indices = @transform_6, window_bounds = array<i64: 1000, 4>}]} {
    %get3A = arith.constant 0 : index
    %get3A_0 = arith.constant 0 : index
    %get3A_1 = arith.constant 0 : index
    %get3A_2 = vector.load %arg3[%get3A, %get3A_0, %get3A_1] : memref<2x1000x1xf32, #tpu.memory_space<vmem>>, vector<2x1000x1xf32>
    %slice3A = vector.extract_strided_slice %get3A_2 {offsets = [0, 0, 0], sizes = [1, 1000, 1], strides = [1, 1, 1]} : vector<2x1000x1xf32> to vector<1x1000x1xf32>
    %squeeze3A = vector.shape_cast %slice3A : vector<1x1000x1xf32> to vector<1000x1xf32>
    %add3A = arith.constant 1.000000e+00 : f32
    %add3A_3 = vector.broadcast %add3A : f32 to vector<1000x1xf32>
    %add3A_4 = arith.addf %add3A_3, %squeeze3A : vector<1000x1xf32>
    %slice3A_5 = vector.extract_strided_slice %get3A_2 {offsets = [1, 0, 0], sizes = [1, 1000, 1], strides = [1, 1, 1]} : vector<2x1000x1xf32> to vector<1x1000x1xf32>
    %squeeze3A_6 = vector.shape_cast %slice3A_5 : vector<1x1000x1xf32> to vector<1000x1xf32>
    %add3A_7 = arith.addf %add3A_4, %squeeze3A_6 : vector<1000x1xf32>
    %rsqrt3A = math.rsqrt %add3A_7 : vector<1000x1xf32>
    %get3A_8 = arith.constant 0 : index
    %get3A_9 = arith.constant 0 : index
    %get3A_10 = arith.constant 0 : index
    %get3A_11 = vector.load %arg1[%get3A_8, %get3A_9, %get3A_10] : memref<2x1000x128xf32, #tpu.memory_space<vmem>>, vector<1x1000x128xf32>
    %get3A_12 = vector.shape_cast %get3A_11 : vector<1x1000x128xf32> to vector<1000x128xf32>
    %get3A_13 = arith.constant 1 : index
    %get3A_14 = arith.constant 0 : index
    %get3A_15 = arith.constant 0 : index
    %get3A_16 = vector.load %arg1[%get3A_13, %get3A_14, %get3A_15] : memref<2x1000x128xf32, #tpu.memory_space<vmem>>, vector<1x1000x128xf32>
    %get3A_17 = vector.shape_cast %get3A_16 : vector<1x1000x128xf32> to vector<1000x128xf32>
    %add3A_18 = arith.addf %get3A_12, %get3A_17 : vector<1000x128xf32>
    %get3A_19 = arith.constant 0 : index
    %get3A_20 = arith.constant 0 : index
    %get3A_21 = vector.load %arg2[%get3A_19, %get3A_20] : memref<1000x128xf32, #tpu.memory_space<vmem>>, vector<1000x128xf32>
    %add3A_22 = arith.addf %add3A_18, %get3A_21 : vector<1000x128xf32>
    %mul3A = vector.broadcast %rsqrt3A : vector<1000x1xf32> to vector<1000x128xf32>
    %mul3A_23 = arith.mulf %add3A_22, %mul3A : vector<1000x128xf32>
    %get3A_24 = arith.constant 0 : index
    %get3A_25 = arith.constant 0 : index
    %get3A_26 = vector.load %arg4[%get3A_24, %get3A_25] : memref<1x128xf32, #tpu.memory_space<vmem>>, vector<1x128xf32>
    %add3A_27 = vector.broadcast %get3A_26 : vector<1x128xf32> to vector<1000x128xf32>
    %add3A_28 = arith.addf %mul3A_23, %add3A_27 : vector<1000x128xf32>
    %max3A = arith.constant 0.000000e+00 : f32
    %max3A_29 = vector.broadcast %max3A : f32 to vector<1000x128xf32>
    %max3A_30 = arith.maximumf %add3A_28, %max3A_29 : vector<1000x128xf32>
    %get3A_31 = arith.constant 0 : index
    %get3A_32 = arith.constant 0 : index
    %get3A_33 = vector.load %arg5[%get3A_31, %get3A_32] : memref<128x4xf32, #tpu.memory_space<vmem>>, vector<128x4xf32>
    %dot_general3A = arith.constant dense<0.000000e+00> : vector<1000x4xf32>
    %dot_general3A_34 = tpu.matmul %max3A_30, %get3A_33, %dot_general3A {dimension_numbers = #tpu.dot_dimension_numbers<[1], [0], [0], [1], [0, 0, 1, 1], [], []>, transpose_lhs_hint = false} : vector<1000x128xf32>, vector<128x4xf32>, vector<1000x4xf32> -> vector<1000x4xf32>
    %get3A_35 = arith.constant 0 : index
    %get3A_36 = arith.constant 0 : index
    %get3A_37 = vector.load %arg6[%get3A_35, %get3A_36] : memref<1x4xf32, #tpu.memory_space<vmem>>, vector<1x4xf32>
    %add3A_38 = vector.broadcast %get3A_37 : vector<1x4xf32> to vector<1000x4xf32>
    %add3A_39 = arith.addf %dot_general3A_34, %add3A_38 : vector<1000x4xf32>
    %reduce_max3A = arith.constant dense<0xFF800000> : vector<1000xf32>
    %reduce_max3A_40 = vector.multi_reduction <maximumf>, %add3A_39, %reduce_max3A [1] : vector<1000x4xf32> to vector<1000xf32>
    %broadcast_in_dim3A = vector.shape_cast %reduce_max3A_40 : vector<1000xf32> to vector<1000x1xf32>
    %sub3A = vector.broadcast %broadcast_in_dim3A : vector<1000x1xf32> to vector<1000x4xf32>
    %sub3A_41 = arith.subf %add3A_39, %sub3A : vector<1000x4xf32>
    %exp3A = math.exp %sub3A_41 : vector<1000x4xf32>
    %reduce_sum3A = arith.constant dense<0.000000e+00> : vector<1000xf32>
    %reduce_sum3A_42 = vector.multi_reduction <add>, %exp3A, %reduce_sum3A [1] : vector<1000x4xf32> to vector<1000xf32>
    %broadcast_in_dim3A_43 = vector.shape_cast %reduce_sum3A_42 : vector<1000xf32> to vector<1000x1xf32>
    %log3A = math.log %broadcast_in_dim3A_43 : vector<1000x1xf32>
    %sub3A_44 = vector.broadcast %broadcast_in_dim3A : vector<1000x1xf32> to vector<1000x4xf32>
    %sub3A_45 = arith.subf %add3A_39, %sub3A_44 : vector<1000x4xf32>
    %sub3A_46 = vector.broadcast %log3A : vector<1000x1xf32> to vector<1000x4xf32>
    %sub3A_47 = arith.subf %sub3A_45, %sub3A_46 : vector<1000x4xf32>
    %swap3A = arith.constant 0 : index
    %swap3A_48 = arith.constant 0 : index
    %swap3A_49 = vector.load %arg7[%swap3A, %swap3A_48] : memref<1000x4xf32, #tpu.memory_space<vmem>>, vector<1000x4xf32>
    tpu.vector_store %arg7[%swap3A, %swap3A_48], %sub3A_47 {strides = array<i32>} : memref<1000x4xf32, #tpu.memory_space<vmem>>, vector<1000x4xf32>,
    return
  }
  func.func @transform_0(%arg0: i32) -> (i32, i32, i32) {
    %c0_i32 = arith.constant 0 : i32
    %c0_i32_0 = arith.constant 0 : i32
    %c0_i32_1 = arith.constant 0 : i32
    return %c0_i32, %arg0, %c0_i32_0 : i32, i32, i32
  }
  func.func @transform_1(%arg0: i32) -> (i32, i32) {
    %c0_i32 = arith.constant 0 : i32
    %c0_i32_0 = arith.constant 0 : i32
    return %arg0, %c0_i32 : i32, i32
  }
  func.func @transform_2(%arg0: i32) -> (i32, i32, i32) {
    %c0_i32 = arith.constant 0 : i32
    %c0_i32_0 = arith.constant 0 : i32
    %c0_i32_1 = arith.constant 0 : i32
    return %c0_i32, %arg0, %c0_i32_0 : i32, i32, i32
  }
  func.func @transform_3(%arg0: i32) -> (i32, i32) {
    %c0_i32 = arith.constant 0 : i32
    %c0_i32_0 = arith.constant 0 : i32
    %c0_i32_1 = arith.constant 0 : i32
    return %c0_i32, %c0_i32_0 : i32, i32
  }
  func.func @transform_4(%arg0: i32) -> (i32, i32) {
    %c0_i32 = arith.constant 0 : i32
    %c0_i32_0 = arith.constant 0 : i32
    %c0_i32_1 = arith.constant 0 : i32
    return %c0_i32, %c0_i32_0 : i32, i32
  }
  func.func @transform_5(%arg0: i32) -> (i32, i32) {
    %c0_i32 = arith.constant 0 : i32
    %c0_i32_0 = arith.constant 0 : i32
    %c0_i32_1 = arith.constant 0 : i32
    return %c0_i32, %c0_i32_0 : i32, i32
  }
  func.func @transform_6(%arg0: i32) -> (i32, i32) {
    %c0_i32 = arith.constant 0 : i32
    %c0_i32_0 = arith.constant 0 : i32
    return %arg0, %c0_i32 : i32, i32
  }
}

</mosaic_0001>

<sc_bundles>
// kernel: kernel.12.cloned.1.call-start
scs
__scs_entry_jumppad:
0x0: {  	(pc) =	sbr.rel $0x88, $3  }
0x1: {  	(tag) =	ssettag $0x0;
	lr =	simm.s32 $0x1  }
0x2: {  	[smem:$0x3F99] =	sst lr;
	_ =	strace $0xD0000000  }
0x3: {  	_ = 	snop  }
0x4: {  	_ = 	snop  }
0x5: {  	_ = 	snop  }
0x6: {  	_ = 	snop  }
0x7: {  	_ = 	snop  }
__scs_overlays_trampoline_lowered:
0x8: {  	[smem:$0x3FA8] =	sst s0  }
0x9: {  	[smem:$0x3FA9] =	sst s1  }
0xa: {  	[smem:$0x3FAA] =	sst s2  }
0xb: {  	[smem:$0x3FAB] =	sst s3  }
0xc: {  	[smem:$0x3FAC] =	sst s4  }
0xd: {  	[smem:$0x3FAD] =	sst s5  }
0xe: {  	[smem:$0x3FAE] =	sst s6  }
0xf: {  	[smem:$0x3FAF] =	sst s7  }
0x10: {  	[smem:$0x3FB0] =	sst s8  }
0x11: {  	[smem:$0x3FB1] =	sst s9;
	s0 =	simm.s32 @!p0 $0x0  }
0x12: {  	s1 =	sld [smem:$0x3F97];
	s0 =	simm.s32 @p0 $0x1  }
0x13: {  	[smem:$0x3FB2] =	sst s0;
	s0 =	simm.s32 @!p1 $0x0  }
0x14: {  	s2 =	sld [smem:$0x3F96];
	s0 =	simm.s32 @p1 $0x1  }
0x15: {  	[smem:$0x3FB3] =	sst s0;
	s0 =	simm.s32 @!p2 $0x0  }
0x16: {  	s3 =	sld [smem:$0x3FDB];
	s0 =	simm.s32 @p2 $0x1  }
0x17: {  	s4 =	simm.s32 $0x1BF5;
	[smem:$0x3FB5] =	sst s0  }
0x18: {  	s0 =	sld [smem:$0x3F98];
	_ =	swait.ge [sflag:s4], $0x0  }
0x19: {  	s7 =	sld [smem:$0x3F99]  }
0x1a: {  	s8 =	sadd.s32 $0xFFFFE003, lr  }
0x1b: {  	s9 =	sadd.s32 $0xFFFFFEF7, lr;
	s5 =	simm.s32 $0xFFFFFFFF;
	p2 =	slt.u32 s8, $0xFFFFF086  }
0x1c: {  	p1 =	slt.u32 s9, $0xF7A;
	s5 =	simm.s32 @!p2 $0x0  }
0x1d: {  	s5 =	simm.s32 @p1 $0x1;
	p0 =	seq.s32 s7, s2  }
0x1e: {  	s7 =	smul.u32 @!p0 $0xF7A, s2;
	p2 =	seq.s32 @!p0 s5, $0x0  }
0x1f: {  	s9 =	smul.u32 $0xF7A, s1;
	s8 =	simm.s32 @!p0 $0x1BF5;
	p2 =	por !p2, p0  }
0x20: {  	[sflag:s8] =	ssyncset.s32 @!p0 $0xFFFFF086;
	s6 =	sadd.s32 @!p0 s3, s7;
	s7 =	simm.s32 @!p0 $0x108  }
0x21: {  	s3 =	sadd.s32 s3, s9;
	s6 =	sadd.s32 @!p0 $0x88, s6;
	s7 =	simm.s32 @p2 $0x1082  }
0x22: {  	[simem:s7], [sflag:s8] =	dma.local @!p0 [hbm:s6], $0xF7A  }
0x23: {  	s9 =	sor.u32 $0xD0000000, s2;
	s6 =	simm.s32 $0x108;
	_ =	swait.ge @!p0 [sflag:s8], $0x0  }
0x24: {  	s3 =	sadd.s32 $0x88, s3;
	s6 =	simm.s32 @!p1 $0x1082;
	[sflag:s4] =	ssyncset.s32 $0xFFFFF086  }
0x25: {  	[simem:s6], [sflag:s4] =	dma.local [hbm:s3], $0xF7A  }
0x26: {  	[smem:$0x3F99] =	sst s1;
	(tag) =	ssettag s2;
	_ =	strace s9  }
0x27: {  	s1 =	sld [smem:$0x3FA9]  }
0x28: {  	s2 =	sld [smem:$0x3FAA]  }
0x29: {  	s4 =	sld [smem:$0x3FAC]  }
0x2a: {  	p0 =	seq.s32 s5, $0x0;
	s5 =	sld [smem:$0x3FAD]  }
0x2b: {  	s6 =	sld [smem:$0x3FAE]  }
0x2c: {  	s7 =	sld [smem:$0x3FAF]  }
0x2d: {  	s3 =	simm.s32 $0x108;
	s8 =	sld [smem:$0x3FB0]  }
0x2e: {  	s3 =	simm.s32 @!p0 $0x1082;
	s9 =	sld [smem:$0x3FB1]  }
0x2f: {  	lr =	sadd.s32 s0, s3;
	s0 =	sld [smem:$0x3FA8]  }
0x30: {  	s3 =	sld [smem:$0x3FAB]  }
0x31: {  	[smem:$0x3FB4] =	sst s10  }
0x32: {  	s10 =	sld [smem:$0x3FB2];
	_ =	sdelay $0x3  }
0x33: {  	p0 =	seq.s32 s10, $0x1;
	s10 =	sld [smem:$0x3FB4];
	_ =	sdelay $0x3  }
0x34: {  	[smem:$0x3FB4] =	sst s10  }
0x35: {  	s10 =	sld [smem:$0x3FB3];
	_ =	sdelay $0x3  }
0x36: {  	p1 =	seq.s32 s10, $0x1;
	s10 =	sld [smem:$0x3FB4];
	_ =	sdelay $0x3  }
0x37: {  	[smem:$0x3FB4] =	sst s10  }
0x38: {  	s10 =	sld [smem:$0x3FB5]  }
0x39: {  	_ = 	snop;
	(pc) =	sbr.ind lr, $3  }
0x3a: {  	_ = 	snop  }
0x3b: {  	_ = 	snop  }
0x3c: {  	p2 =	seq.s32 s10, $0x1;
	s10 =	sld [smem:$0x3FB4]  }
0x3d: {  	_ =	shalt  }
0x3e: {  	_ =	shalt  }
0x3f: {  	_ =	shalt  }
0x40: {  	_ =	shalt  }
0x41: {  	_ =	shalt  }
0x42: {  	_ =	shalt  }
0x43: {  	_ =	shalt  }
0x44: {  	_ =	shalt  }
0x45: {  	_ =	shalt  }
0x46: {  	_ =	shalt  }
0x47: {  	_ =	shalt  }
0x48: {  	_ =	shalt  }
0x49: {  	_ =	shalt  }
0x4a: {  	_ =	shalt  }
0x4b: {  	_ =	shalt  }
0x4c: {  	_ =	shalt  }
0x4d: {  	_ =	shalt  }
0x4e: {  	_ =	shalt  }
0x4f: {  	_ =	shalt  }
0x50: {  	_ =	shalt  }
0x51: {  	_ =	shalt  }
0x52: {  	_ =	shalt  }
0x53: {  	_ =	shalt  }
0x54: {  	_ =	shalt  }
0x55: {  	_ =	shalt  }
0x56: {  	_ =	shalt  }
0x57: {  	_ =	shalt  }
0x58: {  	_ =	shalt  }
0x59: {  	_ =	shalt  }
0x5a: {  	_ =	shalt  }
0x5b: {  	_ =	shalt  }
0x5c: {  	_ =	shalt  }
0x5d: {  	_ =	shalt  }
0x5e: {  	_ =	shalt  }
0x5f: {  	_ =	shalt  }
0x60: {  	_ =	shalt  }
0x61: {  	_ =	shalt  }
0x62: {  	_ =	shalt  }
0x63: {  	_ =	shalt  }
0x64: {  	_ =	shalt  }
0x65: {  	_ =	shalt  }
0x66: {  	_ =	shalt  }
0x67: {  	_ =	shalt  }
0x68: {  	_ =	shalt  }
0x69: {  	_ =	shalt  }
0x6a: {  	_ =	shalt  }
0x6b: {  	_ =	shalt  }
0x6c: {  	_ =	shalt  }
0x6d: {  	_ =	shalt  }
0x6e: {  	_ =	shalt  }
0x6f: {  	_ =	shalt  }
0x70: {  	_ =	shalt  }
0x71: {  	_ =	shalt  }
0x72: {  	_ =	shalt  }
0x73: {  	_ =	shalt  }
0x74: {  	_ =	shalt  }
0x75: {  	_ =	shalt  }
0x76: {  	_ =	shalt  }
0x77: {  	_ =	shalt  }
0x78: {  	_ =	shalt  }
0x79: {  	_ =	shalt  }
0x7a: {  	_ =	shalt  }
0x7b: {  	_ =	shalt  }
0x7c: {  	_ =	shalt  }
0x7d: {  	_ =	shalt  }
0x7e: {  	_ =	shalt  }
0x7f: {  	_ =	shalt  }
0x80: {  	_ =	shalt  }
0x81: {  	_ =	shalt  }
0x82: {  	_ =	shalt  }
0x83: {  	_ =	shalt  }
0x84: {  	_ =	shalt  }
0x85: {  	_ =	shalt  }
0x86: {  	_ =	shalt  }
0x87: {  	_ =	shalt  }
.Lfunc_end0:
.L_simem_size_0:
called_computation.1_lowered:
.L_overlay_start_0:
0x88: {  	s2 =	sld [smem:$0x3FD9]  }
0x89: {  	s3 =	sld [smem:$0x3FFE];
	_ =	sdelay $0x1  }
0x8a: {  	s1 =	srdreg.scid  }
0x8b: {  	s0 =	sand.u32 $0x1, s1  }
0x8c: {  	s16 =	sshll.u32 s0, $0xA;
	s2 =	sadd.s32 s3, s2  }
0x8d: {  	s2 =	sadd.s32 s2, s16  }
0x8e: {  	[smem:$0x3FC0] =	sst s2  }
0x8f: {  	_ = 	snop  }
0x90: {  	(tm) =	ssettm $0x1  }
0x91: {  	s17 =	sld [smem:$0x3FFB];
	_ =	sdelay $0x3  }
0x92: {  	_ =	strace s17  }
0x93: {  	s2 =	sld [smem:$0x3FFC];
	_ =	sdelay $0x3  }
0x94: {  	_ =	strace s2  }
0x95: {  	s2 =	sld [smem:$0x3FFD];
	_ =	sdelay $0x3  }
0x96: {  	_ =	strace s2  }
0x97: {  	_ =	strace $0x8FFFFFFF  }
0x98: {  	s18 =	sld [smem:$0x3FDB];
	_ =	sdelay $0x1  }
0x99: {  	s19 =	simm.s32 $_scs_section_size  }
0x9a: {  	s4 =	simm.s32 $_size__tile_overlayer_lowered;
	s5 =	simm.s32 $_tile_overlayer_lowered  }
0x9b: {  	s22 =	simm.s32 $0x1BFF;
	s21 =	sshll.u32 s5, $0x1;
	s2 =	sadd.s32 s19, s18  }
0x9c: {  	s6 =	simm.s32 $0x0;
	s20 =	sshll.u32 s4, $0x1;
	s4 =	sadd.s32 s21, s2  }
0x9d: {  	[timem:s6], [sflag:s22] =	dma.local [hbm:s4], s20  }
0x9e: {  	_ =	swait.ge [sflag:s22], s20  }
0x9f: {  	s3 =	ssub.s32 $0x0, s20;
	[sflag:s22] =	ssyncset.done $0x0  }
0xa0: {  	[sflag:s22] =	ssyncadd.s32 s3;
	_ =	sdelay $0x1  }
0xa1: {  	s23 =	simm.s32 $0x1B8B  }
0xa2: {  	_ =	swait.ge [sflag:s23], $0x1  }
0xa3: {  	[sflag:s23] =	ssyncset.done $0x0  }
0xa4: {  	s25 =	simm.s32 $0x1B8E;
	s24 =	sld [smem:$0x3FFE];
	[sflag:s23] =	ssyncadd.s32 $0xFFFFFFFF  }
0xa5: {  	s26 =	simm.s32 $execute0_lowered;
	[smem:$0x3FD2] =	sst s25  }
0xa6: {  	s4 =	sshll.u32 s26, $0x1;
	_ =	strace $0x80000049;
	[dreg:$0x1] =	wrdreg $0xFFFFFFFF  }
0xa7: {  	s28 =	simm.s32 $_size_execute0_lowered;
	s2 =	sadd.s32 s2, s4;
	[dreg:$0x0] =	wrdreg $0x0  }
0xa8: {  	s4 =	sshll.u32 s28, $0x1;
	[dreg:$0x2] =	wrdreg s2  }
0xa9: {  	[dreg:$0x3] =	wrdreg s4  }
0xaa: {  	[dreg:$0x4] =	wrdreg $0xC0  }
0xab: {  	_ =	task [dreg:s6], $0x5FFFF  }
0xac: {  	[dreg:$0x1] =	wrdreg $0xFFFFFFFF  }
0xad: {  	[dreg:$0x0] =	wrdreg $0x60  }
0xae: {  	[dreg:$0x2] =	wrdreg s24  }
0xaf: {  	[dreg:$0x3] =	wrdreg $0xA4000  }
0xb0: {  	[dreg:$0x4] =	wrdreg $0x9  }
0xb1: {  	_ =	task.clear_ibuf [dreg:s6], $0x5FFFF;
	_ =	strace $0x90000049  }
0xb2: {  	s29 =	simm.s32 $0x9;
	_ =	strace $0x8000004B  }
0xb3: {  	_ =	swait.ge [sflag:s29], $0x1  }
0xb4: {  	[sflag:s29] =	ssyncadd.s32 $0xFFFFFFFF  }
0xb5: {  	_ =	strace $0x9000004B  }
0xb6: {  	_ =	sfence  }
0xb7: {  	s30 =	sld [smem:$0x0];
	_ =	sdelay $0x2  }
0xb8: {  	s31 =	sshll.u32 s1, $0xD;
	s1 =	sshrl.u32 s1, $0x2  }
0xb9: {  	s3 =	sand.u32 $0x4000, s31;
	s1 =	sadd.s32 s1, s30  }
0xba: {  	s0 =	sor.u32 s3, s0;
	s1 =	sshll.u32 s1, $0x11  }
0xbb: {  	s0 =	sor.u32 s1, s0  }
0xbc: {  	s0 =	sadd.s32 $0x8F2B, s0  }
0xbd: {  	[sflag:s0] =	ssyncadd.remote.s32 $0x1  }
0xbe: {  	_ =	sfence.sel $0xFFFF  }
0xbf: {  	[dreg:$0x0] =	wrdreg $0xFFFFFFFF;
	(pc) =	sbr.abs _section_cstart, $3  }
0xc0: {  	[dreg:$0x1] =	wrdreg $0xFFFFFFFF  }
0xc1: {  	_ =	task.clear_ibuf [dreg:s6], $0x2FFFF;
	_ =	strace $0x9FFFFFFF  }
0xc2: {  	(tm) =	ssettm $0x7FFFFFFF  }
0xc3: {  	_ =	shalt  }
tec
execute0_lowered:
.L_overlay_start_1:
0x0: {  	(tag) =	ssettag $0x1  }
0x1: {  	s0 =	rddreg [dreg:$0x0]  }
0x2: {  	s2 =	rddreg [dreg:$0x1]  }
0x3: {  	s1 =	srdreg.scid;
	s11 =	stileid.u32;
	s3 =	simm.s32 $0x0  }
0x4: {  	s28 =	simm.s32 $0x400;
	s29 =	simm.s32 $0x11;
	s1 =	sand.u32 $0x1, s1  }
0x5: {  	s5 =	smul.u32 $0x2800, s11;
	[smem:$0x7FF] =	sst s3;
	s7 =	sadd.s32 $0x2E00, s0  }
0x6: {  	s8 =	smul.u32 $0x50000, s11;
	s9 =	sadd.s32 $0xCE00, s0;
	s4 =	sadd.s32 $0x66E00, s0  }
0x7: {  	s6 =	smul.u32 $0x28000, s1;
	_ =	strace $0x8000004A;
	s16 =	ssub.s32 $0x2, s1  }
0x8: {  	s1 =	sshll.u32 s1, $0x4;
	s8 =	sshrl.u32 s8, $0x2;
	s10 =	sshrl.u32 s16, $0x1  }
0x9: {  	s1 =	sor.u32 s11, s1;
	s11 =	simm.s32 $0xC;
	s26 =	sadd.s32 s8, s2  }
0xa: {  	s5 =	sadd.s32 s5, s6;
	s8 =	sadd.s32 $0x2800, s26;
	[dreg:$0xb] =	wrdreg s26  }
0xb: {  	s6 =	ssub.s32 s16, s10;
	s17 =	sadd.s32 $0x5000, s26;
	[dreg:$0xc] =	wrdreg s8  }
0xc: {  	s1 =	smul.u32 $0x2800, s1;
	s18 =	sadd.s32 $0x7800, s26;
	[dreg:$0xd] =	wrdreg s17  }
0xd: {  	s0 =	sadd.s32 s5, s0;
	s19 =	sadd.s32 $0xA000, s26;
	[dreg:$0xe] =	wrdreg s18  }
0xe: {  	s20 =	sadd.s32 $0xC800, s26;
	s21 =	sadd.s32 $0xF000, s26;
	[dreg:$0xf] =	wrdreg s19  }
0xf: {  	s22 =	sadd.s32 $0x11800, s26;
	s23 =	sor.u32 $0x140, s5;
	[dreg:$0x10] =	wrdreg s20  }
0x10: {  	s12 =	sor.u32 $0x230, s5;
	s15 =	sor.u32 $0x1E0, s5;
	[dreg:$0x11] =	wrdreg s21  }
0x11: {  	s5 =	sor.u32 $0x190, s5;
	[dreg:$0x12] =	wrdreg s22;
	s1 =	sshrl.u32 s1, $0x3  }
0x12: {  	s8 =	sshrl.u32 s23, $0x3;
	s13 =	sshrl.u32 s12, $0x3;
	s0 =	sadd.s32 $0x8EE00, s0  }
0x13: {  	s17 =	sshrl.u32 s15, $0x3;
	s24 =	sadd.s32 s7, s1;
	[dreg:$0x1b] =	wrdreg s0  }
0x14: {  	s5 =	sshrl.u32 s5, $0x3;
	s25 =	sadd.s32 s9, s1;
	[dreg:$0x13] =	wrdreg s24  }
0x15: {  	s15 =	simm.s32 $0x2;
	s31 =	sadd.s32 s8, s9;
	[dreg:$0x14] =	wrdreg s25  }
0x16: {  	s30 =	sor.u32 $0xA, s1;
	s8 =	sadd.s32 s8, s7;
	[dreg:$0x3] =	wrdreg s31  }
0x17: {  	s14 =	sadd.s32 s13, s9;
	s16 =	sadd.s32 s13, s7;
	[dreg:$0x4] =	wrdreg s8  }
0x18: {  	s19 =	sadd.s32 s17, s9;
	s20 =	sor.u32 $0x14, s1;
	[dreg:$0x5] =	wrdreg s14  }
0x19: {  	s1 =	sor.u32 $0x1E, s1;
	s23 =	sadd.s32 s17, s7;
	[dreg:$0x6] =	wrdreg s16  }
0x1a: {  	s13 =	simm.s32 $0x1;
	s17 =	simm.s32 $0x3;
	[dreg:$0x7] =	wrdreg s19  }
0x1b: {  	s0 =	simm.s32 $0x0;
	s18 =	sadd.s32 s7, s30;
	[dreg:$0x8] =	wrdreg s23  }
0x1c: {  	s10 =	sadd.s32 s9, s30;
	s21 =	sadd.s32 s7, s20;
	[dreg:$0x15] =	wrdreg s18  }
0x1d: {  	s22 =	sadd.s32 s9, s20;
	s24 =	sadd.s32 s9, s1;
	[dreg:$0x16] =	wrdreg s10  }
0x1e: {  	s25 =	sadd.s32 s5, s9;
	s1 =	sadd.s32 s7, s1;
	[dreg:$0x17] =	wrdreg s21  }
0x1f: {  	s30 =	sadd.s32 s5, s7;
	s31 =	smax.u32 s6, $0x1;
	[dreg:$0x18] =	wrdreg s22  }
0x20: {  	s6 =	simm.s32 $0x50;
	s7 =	simm.s32 $0xA;
	[dreg:$0x19] =	wrdreg s24  }
0x21: {  	s9 =	simm.s32 $0xB;
	s14 =	simm.s32 $0xD;
	[dreg:$0x1a] =	wrdreg s1  }
0x22: {  	s16 =	simm.s32 $0xE;
	s19 =	simm.s32 $0x4;
	[dreg:$0x9] =	wrdreg s25  }
0x23: {  	s20 =	simm.s32 $0x10;
	s5 =	simm.s32 $0x7;
	[dreg:$0x1c] =	wrdreg s31  }
0x24: {  	[dreg:$0xa] =	wrdreg s30;
	s1 =	simm.s32 $0x9;
	s18 =	simm.s32 $0xF  }
0x25: {  	v0 =	vimm.f32 $0.0e+00;
	s21 =	simm.s32 $0x5;
	s22 =	simm.s32 $0x6;
	s24 =	simm.s32 $0x8  }
.LBB2_1:
0x26: {  	[dreg:$0x1d] =	wrdreg s0;
	s23 =	simm.s32 $0x0;
	s25 =	simm.s32 $0x200  }
.LBB2_2:
0x27: {  	p0 =	sne.s32 s25, $0x9E00;
	[tilespmem:s23+$0x470] =	vst v0  }
0x28: {  	[tilespmem:s23+$0x400] =	vst v0  }
0x29: {  	[tilespmem:s23+$0x410] =	vst v0  }
.Ltmp0:
0x2a: {  	[tilespmem:s23+$0x420] =	vst v0;
	(pc) =	sbr.rel @p0 .LBB2_2-.Ltmp0, $4  }
0x2b: {  	[tilespmem:s23+$0x430] =	vst v0  }
0x2c: {  	[tilespmem:s23+$0x440] =	vst v0  }
0x2d: {  	[tilespmem:s23+$0x450] =	vst v0  }
0x2e: {  	[tilespmem:s23+$0x460] =	vst v0;
	s23 =	sshra.s32 s25, $0x2;
	s25 =	sadd.s32 $0x200, s25  }
0x2f: {  	[tilespmem:s23+$0x470] =	vst v0  }
0x30: {  	[tilespmem:s23+$0x400] =	vst v0  }
0x31: {  	[tilespmem:s23+$0x410] =	vst v0  }
0x32: {  	[tilespmem:s23+$0x420] =	vst v0  }
0x33: {  	[tilespmem:s23+$0x430] =	vst v0  }
0x34: {  	[tilespmem:s23+$0x440] =	vst v0  }
0x35: {  	[tilespmem:s23+$0x450] =	vst v0  }
0x36: {  	[tilespmem:s23+$0x460] =	vst v0  }
0x37: {  	[spmem:s26] =	stream.linear.scatter [tilespmem:s28], [sflag:$0x11], $0x2800, $0x38;
	[tilespmem:$0x1E400] =	vst v63  }
0x38: {  	_ =	swait.ge [sflag:s29], $0x2800  }
0x39: {  	[sflag:s29] =	ssyncset.done $0x0  }
0x3a: {  	s8 =	rddreg [dreg:$0xc];
	[sflag:s29] =	ssyncadd.s32 $0xFFFFD800  }
0x3b: {  	[spmem:s8] =	stream.linear.scatter [tilespmem:s28], [sflag:$0x11], $0x2800, $0x38;
	[tilespmem:$0x1E400] =	vst v63  }
0x3c: {  	_ =	swait.ge [sflag:s29], $0x2800  }
0x3d: {  	[sflag:s29] =	ssyncset.done $0x0  }
0x3e: {  	s10 =	rddreg [dreg:$0xd];
	[sflag:s29] =	ssyncadd.s32 $0xFFFFD800  }
0x3f: {  	[spmem:s10] =	stream.linear.scatter [tilespmem:s28], [sflag:$0x11], $0x2800, $0x38;
	[tilespmem:$0x1E400] =	vst v63  }
0x40: {  	_ =	swait.ge [sflag:s29], $0x2800  }
0x41: {  	[sflag:s29] =	ssyncset.done $0x0  }
0x42: {  	s12 =	rddreg [dreg:$0xe];
	[sflag:s29] =	ssyncadd.s32 $0xFFFFD800  }
0x43: {  	[spmem:s12] =	stream.linear.scatter [tilespmem:s28], [sflag:$0x11], $0x2800, $0x38;
	[tilespmem:$0x1E400] =	vst v63  }
0x44: {  	_ =	swait.ge [sflag:s29], $0x2800  }
0x45: {  	[sflag:s29] =	ssyncset.done $0x0  }
0x46: {  	s25 =	rddreg [dreg:$0xf];
	[sflag:s29] =	ssyncadd.s32 $0xFFFFD800  }
0x47: {  	[spmem:s25] =	stream.linear.scatter [tilespmem:s28], [sflag:$0x11], $0x2800, $0x38;
	[tilespmem:$0x1E400] =	vst v63  }
0x48: {  	_ =	swait.ge [sflag:s29], $0x2800  }
0x49: {  	[sflag:s29] =	ssyncset.done $0x0  }
0x4a: {  	s26 =	rddreg [dreg:$0x10];
	[sflag:s29] =	ssyncadd.s32 $0xFFFFD800  }
0x4b: {  	[spmem:s26] =	stream.linear.scatter [tilespmem:s28], [sflag:$0x11], $0x2800, $0x38;
	[tilespmem:$0x1E400] =	vst v63  }
0x4c: {  	_ =	swait.ge [sflag:s29], $0x2800  }
0x4d: {  	[sflag:s29] =	ssyncset.done $0x0  }
0x4e: {  	s30 =	rddreg [dreg:$0x11];
	[sflag:s29] =	ssyncadd.s32 $0xFFFFD800  }
0x4f: {  	[spmem:s30] =	stream.linear.scatter [tilespmem:s28], [sflag:$0x11], $0x2800, $0x38;
	[tilespmem:$0x1E400] =	vst v63  }
0x50: {  	_ =	swait.ge [sflag:s29], $0x2800  }
0x51: {  	[sflag:s29] =	ssyncset.done $0x0  }
0x52: {  	s31 =	rddreg [dreg:$0x12];
	[sflag:s29] =	ssyncadd.s32 $0xFFFFD800  }
0x53: {  	[spmem:s31] =	stream.linear.scatter [tilespmem:s28], [sflag:$0x11], $0x2800, $0x38;
	[tilespmem:$0x1E400] =	vst v63  }
0x54: {  	_ =	swait.ge [sflag:s29], $0x2800  }
0x55: {  	[sflag:s29] =	ssyncset.done $0x0  }
0x56: {  	[sflag:s29] =	ssyncadd.s32 $0xFFFFD800  }
0x57: {  	[bflag:$0x0] =	sbarrier.arrive $0xFFFF  }
0x58: {  	s23 =	simm.s32 $0x0;
	s25 =	rddreg [dreg:$0x13]  }
0x59: {  	[tilespmem:s23], [sflag:$0x9] =	stream.linear.gather [hbm4b:s25+s23], $0x50, $0x38;
	[tilespmem:$0x1E400] =	vst v63  }
0x5a: {  	s29 =	simm.s32 $0x200;
	s0 =	rddreg [dreg:$0x14]  }
0x5b: {  	[tilespmem:s29], [sflag:$0xD] =	stream.linear.gather [hbm4b:s0+s23], $0x50, $0x38;
	[tilespmem:$0x1E400] =	vst v63  }
0x5c: {  	s8 =	rddreg [dreg:$0x15];
	s0 =	simm.s32 $0x80  }
0x5d: {  	[tilespmem:s0], [sflag:$0xA] =	stream.linear.gather [hbm4b:s8+s23], $0x50, $0x38;
	[tilespmem:$0x1E400] =	vst v63  }
0x5e: {  	s12 =	simm.s32 $0x280;
	s10 =	rddreg [dreg:$0x16]  }
0x5f: {  	[tilespmem:s12], [sflag:$0xE] =	stream.linear.gather [hbm4b:s10+s23], $0x50, $0x38;
	[tilespmem:$0x1E400] =	vst v63  }
0x60: {  	s26 =	rddreg [dreg:$0x17];
	s10 =	simm.s32 $0x100  }
0x61: {  	[tilespmem:s10], [sflag:$0xB] =	stream.linear.gather [hbm4b:s26+s23], $0x50, $0x38;
	[tilespmem:$0x1E400] =	vst v63  }
0x62: {  	s30 =	rddreg [dreg:$0x18];
	s8 =	simm.s32 $0x300  }
0x63: {  	[tilespmem:s8], [sflag:$0xF] =	stream.linear.gather [hbm4b:s30+s23], $0x50, $0x38;
	[tilespmem:$0x1E400] =	vst v63  }
0x64: {  	s31 =	rddreg [dreg:$0x1a];
	s30 =	simm.s32 $0x180  }
0x65: {  	[tilespmem:s30], [sflag:$0xC] =	stream.linear.gather [hbm4b:s31+s23], $0x50, $0x38;
	[tilespmem:$0x1E400] =	vst v63  }
0x66: {  	s26 =	simm.s32 $0x380;
	s8 =	rddreg [dreg:$0x19]  }
0x67: {  	[tilespmem:s26], [sflag:$0x10] =	stream.linear.gather [hbm4b:s8+s23], $0x50, $0x38;
	[tilespmem:$0x1E400] =	vst v63  }
0x68: {  	_ =	swait.ge [sflag:s1], $0x50  }
0x69: {  	[sflag:s1] =	ssyncset.done $0x0  }
0x6a: {  	[sflag:s1] =	ssyncadd.s32 $0xFFFFFFB0  }
0x6b: {  	[tilespmem:s28], [sflag:$0x1] =	stream.indirect.gather [hbm4b:s4+s6], $0x80, s23, s6, $0xb8;
	[tilespmem:$0x1E400] =	vst v63  }
0x6c: {  	_ =	swait.ge [sflag:s7], $0x50  }
0x6d: {  	[sflag:s7] =	ssyncset.done $0x0  }
0x6e: {  	s31 =	simm.s32 $0x2C00;
	[sflag:s7] =	ssyncadd.s32 $0xFFFFFFB0  }
0x6f: {  	[tilespmem:s31], [sflag:$0x2] =	stream.indirect.gather [hbm4b:s4+s6], $0x80, s0, s6, $0xb8;
	[tilespmem:$0x1E400] =	vst v63  }
0x70: {  	_ =	swait.ge [sflag:s9], $0x50  }
0x71: {  	[sflag:s9] =	ssyncset.done $0x0  }
0x72: {  	s8 =	simm.s32 $0x5400;
	[sflag:s9] =	ssyncadd.s32 $0xFFFFFFB0  }
0x73: {  	[tilespmem:s8], [sflag:$0x3] =	stream.indirect.gather [hbm4b:s4+s6], $0x80, s10, s6, $0xb8;
	[tilespmem:$0x1E400] =	vst v63  }
0x74: {  	_ =	swait.ge [sflag:s11], $0x50  }
0x75: {  	[sflag:s11] =	ssyncset.done $0x0  }
0x76: {  	s23 =	simm.s32 $0x7C00;
	[sflag:s11] =	ssyncadd.s32 $0xFFFFFFB0  }
0x77: {  	[tilespmem:s23], [sflag:$0x4] =	stream.indirect.gather [hbm4b:s4+s6], $0x80, s30, s6, $0xb8;
	[tilespmem:$0x1E400] =	vst v63  }
0x78: {  	_ =	swait.ge [sflag:s13], $0x2800  }
0x79: {  	[sflag:s13] =	ssyncset.done $0x0  }
0x7a: {  	[sflag:s13] =	ssyncadd.s32 $0xFFFFD800  }
0x7b: {  	_ =	swait.ge [sflag:s14], $0x50  }
0x7c: {  	[sflag:s14] =	ssyncset.done $0x0  }
0x7d: {  	[sflag:s14] =	ssyncadd.s32 $0xFFFFFFB0  }
0x7e: {  	[spmem:s2] =	stream.indirect.scatter.add.f32 [tilespmem:s28], [sflag:$0x5], $0x80, s29, s6, $0xb8;
	[tilespmem:$0x1E400] =	vst v63  }
0x7f: {  	_ =	swait.ge [sflag:s15], $0x2800  }
0x80: {  	[sflag:s15] =	ssyncset.done $0x0  }
0x81: {  	[sflag:s15] =	ssyncadd.s32 $0xFFFFD800  }
0x82: {  	_ =	swait.ge [sflag:s16], $0x50  }
0x83: {  	[sflag:s16] =	ssyncset.done $0x0  }
0x84: {  	[sflag:s16] =	ssyncadd.s32 $0xFFFFFFB0  }
0x85: {  	[spmem:s2] =	stream.indirect.scatter.add.f32 [tilespmem:s31], [sflag:$0x6], $0x80, s12, s6, $0xb8;
	[tilespmem:$0x1E400] =	vst v63  }
0x86: {  	_ =	swait.ge [sflag:s17], $0x2800  }
0x87: {  	[sflag:s17] =	ssyncset.done $0x0  }
0x88: {  	[sflag:s17] =	ssyncadd.s32 $0xFFFFD800  }
0x89: {  	_ =	swait.ge [sflag:s18], $0x50  }
0x8a: {  	[sflag:s18] =	ssyncset.done $0x0  }
0x8b: {  	s25 =	simm.s32 $0x300;
	[sflag:s18] =	ssyncadd.s32 $0xFFFFFFB0  }
0x8c: {  	[spmem:s2] =	stream.indirect.scatter.add.f32 [tilespmem:s8], [sflag:$0x7], $0x80, s25, s6, $0xb8;
	[tilespmem:$0x1E400] =	vst v63  }
0x8d: {  	_ =	swait.ge [sflag:s19], $0x2800  }
0x8e: {  	[sflag:s19] =	ssyncset.done $0x0  }
0x8f: {  	[sflag:s19] =	ssyncadd.s32 $0xFFFFD800  }
0x90: {  	_ =	swait.ge [sflag:s20], $0x50  }
0x91: {  	[sflag:s20] =	ssyncset.done $0x0  }
0x92: {  	[sflag:s20] =	ssyncadd.s32 $0xFFFFFFB0  }
0x93: {  	[spmem:s2] =	stream.indirect.scatter.add.f32 [tilespmem:s23], [sflag:$0x8], $0x80, s26, s6, $0xb8;
	[tilespmem:$0x1E400] =	vst v63  }
0x94: {  	_ =	swait.ge [sflag:s21], $0x2800  }
0x95: {  	s23 =	rddreg [dreg:$0x4];
	[sflag:s21] =	ssyncset.done $0x0  }
0x96: {  	s25 =	rddreg [dreg:$0x3];
	[sflag:s21] =	ssyncadd.s32 $0xFFFFD800;
	s23 =	sadd.s32 $0x0, s23  }
0x97: {  	[tilespmem:s3], [sflag:$0x9] =	stream.linear.gather [hbm4b:s23+s3], $0x50, $0x38;
	[tilespmem:$0x1E400] =	vst v63  }
0x98: {  	s25 =	sadd.s32 $0x0, s25  }
0x99: {  	[tilespmem:s29], [sflag:$0xD] =	stream.linear.gather [hbm4b:s25+s3], $0x50, $0x38;
	[tilespmem:$0x1E400] =	vst v63  }
0x9a: {  	_ =	swait.ge [sflag:s22], $0x2800  }
0x9b: {  	s23 =	rddreg [dreg:$0xa];
	[sflag:s22] =	ssyncset.done $0x0  }
0x9c: {  	s25 =	rddreg [dreg:$0x9];
	[sflag:s22] =	ssyncadd.s32 $0xFFFFD800;
	s23 =	sadd.s32 $0x0, s23  }
0x9d: {  	[tilespmem:s0], [sflag:$0xA] =	stream.linear.gather [hbm4b:s23+s3], $0x50, $0x38;
	[tilespmem:$0x1E400] =	vst v63  }
0x9e: {  	s25 =	sadd.s32 $0x0, s25  }
0x9f: {  	[tilespmem:s12], [sflag:$0xE] =	stream.linear.gather [hbm4b:s25+s3], $0x50, $0x38;
	[tilespmem:$0x1E400] =	vst v63  }
0xa0: {  	_ =	swait.ge [sflag:s5], $0x2800  }
0xa1: {  	s23 =	rddreg [dreg:$0x8];
	[sflag:s5] =	ssyncset.done $0x0  }
0xa2: {  	s25 =	rddreg [dreg:$0x7];
	[sflag:s5] =	ssyncadd.s32 $0xFFFFD800;
	s23 =	sadd.s32 $0x0, s23  }
0xa3: {  	[tilespmem:s10], [sflag:$0xB] =	stream.linear.gather [hbm4b:s23+s3], $0x50, $0x38;
	[tilespmem:$0x1E400] =	vst v63  }
0xa4: {  	s23 =	sadd.s32 $0x0, s25;
	s25 =	simm.s32 $0x300  }
0xa5: {  	[tilespmem:s25], [sflag:$0xF] =	stream.linear.gather [hbm4b:s23+s3], $0x50, $0x38;
	[tilespmem:$0x1E400] =	vst v63  }
0xa6: {  	_ =	swait.ge [sflag:s24], $0x2800  }
0xa7: {  	s23 =	rddreg [dreg:$0x6];
	[sflag:s24] =	ssyncset.done $0x0  }
0xa8: {  	s25 =	rddreg [dreg:$0x5];
	[sflag:s24] =	ssyncadd.s32 $0xFFFFD800;
	s23 =	sadd.s32 $0x0, s23  }
0xa9: {  	[tilespmem:s30], [sflag:$0xC] =	stream.linear.gather [hbm4b:s23+s3], $0x50, $0x38;
	[tilespmem:$0x1E400] =	vst v63  }
0xaa: {  	s23 =	sadd.s32 $0x0, s25  }
0xab: {  	[tilespmem:s26], [sflag:$0x10] =	stream.linear.gather [hbm4b:s23+s3], $0x50, $0x38;
	[tilespmem:$0x1E400] =	vst v63  }
0xac: {  	_ =	swait.ge [sflag:s1], $0x50  }
0xad: {  	[sflag:s1] =	ssyncset.done $0x0  }
0xae: {  	[sflag:s1] =	ssyncadd.s32 $0xFFFFFFB0  }
0xaf: {  	[tilespmem:s28], [sflag:$0x1] =	stream.indirect.gather [hbm4b:s4+s6], $0x80, s3, s6, $0xb8;
	[tilespmem:$0x1E400] =	vst v63  }
0xb0: {  	_ =	swait.ge [sflag:s7], $0x50  }
0xb1: {  	[sflag:s7] =	ssyncset.done $0x0  }
0xb2: {  	[sflag:s7] =	ssyncadd.s32 $0xFFFFFFB0  }
0xb3: {  	[tilespmem:s31], [sflag:$0x2] =	stream.indirect.gather [hbm4b:s4+s6], $0x80, s0, s6, $0xb8;
	[tilespmem:$0x1E400] =	vst v63  }
0xb4: {  	_ =	swait.ge [sflag:s9], $0x50  }
0xb5: {  	[sflag:s9] =	ssyncset.done $0x0  }
0xb6: {  	[sflag:s9] =	ssyncadd.s32 $0xFFFFFFB0  }
0xb7: {  	[tilespmem:s8], [sflag:$0x3] =	stream.indirect.gather [hbm4b:s4+s6], $0x80, s10, s6, $0xb8;
	[tilespmem:$0x1E400] =	vst v63  }
0xb8: {  	_ =	swait.ge [sflag:s11], $0x50  }
0xb9: {  	[sflag:s11] =	ssyncset.done $0x0  }
0xba: {  	s25 =	simm.s32 $0x7C00;
	[sflag:s11] =	ssyncadd.s32 $0xFFFFFFB0  }
0xbb: {  	[tilespmem:s25], [sflag:$0x4] =	stream.indirect.gather [hbm4b:s4+s6], $0x80, s30, s6, $0xb8;
	[tilespmem:$0x1E400] =	vst v63  }
0xbc: {  	_ =	swait.ge [sflag:s13], $0x2800  }
0xbd: {  	[sflag:s13] =	ssyncset.done $0x0  }
0xbe: {  	[sflag:s13] =	ssyncadd.s32 $0xFFFFD800  }
0xbf: {  	_ =	swait.ge [sflag:s14], $0x50  }
0xc0: {  	[sflag:s14] =	ssyncset.done $0x0  }
0xc1: {  	[sflag:s14] =	ssyncadd.s32 $0xFFFFFFB0  }
0xc2: {  	[spmem:s2] =	stream.indirect.scatter.add.f32 [tilespmem:s28], [sflag:$0x5], $0x80, s29, s6, $0xb8;
	[tilespmem:$0x1E400] =	vst v63  }
0xc3: {  	_ =	swait.ge [sflag:s15], $0x2800  }
0xc4: {  	[sflag:s15] =	ssyncset.done $0x0  }
0xc5: {  	[sflag:s15] =	ssyncadd.s32 $0xFFFFD800  }
0xc6: {  	_ =	swait.ge [sflag:s16], $0x50  }
0xc7: {  	[sflag:s16] =	ssyncset.done $0x0  }
0xc8: {  	[sflag:s16] =	ssyncadd.s32 $0xFFFFFFB0  }
0xc9: {  	[spmem:s2] =	stream.indirect.scatter.add.f32 [tilespmem:s31], [sflag:$0x6], $0x80, s12, s6, $0xb8;
	[tilespmem:$0x1E400] =	vst v63  }
0xca: {  	_ =	swait.ge [sflag:s17], $0x2800  }
0xcb: {  	[sflag:s17] =	ssyncset.done $0x0  }
0xcc: {  	[sflag:s17] =	ssyncadd.s32 $0xFFFFD800  }
0xcd: {  	_ =	swait.ge [sflag:s18], $0x50  }
0xce: {  	[sflag:s18] =	ssyncset.done $0x0  }
0xcf: {  	s31 =	simm.s32 $0x300;
	[sflag:s18] =	ssyncadd.s32 $0xFFFFFFB0  }
0xd0: {  	[spmem:s2] =	stream.indirect.scatter.add.f32 [tilespmem:s8], [sflag:$0x7], $0x80, s31, s6, $0xb8;
	[tilespmem:$0x1E400] =	vst v63  }
0xd1: {  	_ =	swait.ge [sflag:s19], $0x2800  }
0xd2: {  	[sflag:s19] =	ssyncset.done $0x0  }
0xd3: {  	[sflag:s19] =	ssyncadd.s32 $0xFFFFD800  }
0xd4: {  	_ =	swait.ge [sflag:s20], $0x50  }
0xd5: {  	[sflag:s20] =	ssyncset.done $0x0  }
0xd6: {  	s23 =	simm.s32 $0x28;
	s29 =	simm.s32 $0x400;
	[sflag:s20] =	ssyncadd.s32 $0xFFFFFFB0  }
.LBB2_4:
0xd7: {  	[spmem:s2] =	stream.indirect.scatter.add.f32 [tilespmem:s25], [sflag:$0x8], $0x80, s26, s6, $0xb8;
	[tilespmem:$0x1E400] =	vst v63  }
0xd8: {  	_ =	swait.ge [sflag:s21], $0x2800  }
0xd9: {  	s25 =	smov.u32 s23;
	s0 =	rddreg [dreg:$0x4];
	[sflag:s21] =	ssyncset.done $0x0  }
0xda: {  	s28 =	rddreg [dreg:$0x3];
	[sflag:s21] =	ssyncadd.s32 $0xFFFFD800;
	s26 =	sadd.s32 s25, s0  }
0xdb: {  	[tilespmem:s3], [sflag:$0x9] =	stream.linear.gather [hbm4b:s26+s3], $0x50, $0x38;
	[tilespmem:$0x1E400] =	vst v63  }
0xdc: {  	s8 =	sadd.s32 s25, s28;
	s0 =	simm.s32 $0x200  }
0xdd: {  	[tilespmem:s0], [sflag:$0xD] =	stream.linear.gather [hbm4b:s8+s3], $0x50, $0x38;
	[tilespmem:$0x1E400] =	vst v63  }
0xde: {  	_ =	swait.ge [sflag:s22], $0x2800  }
0xdf: {  	s8 =	simm.s32 $0x80;
	s10 =	rddreg [dreg:$0xa];
	[sflag:s22] =	ssyncset.done $0x0  }
0xe0: {  	s12 =	rddreg [dreg:$0x9];
	[sflag:s22] =	ssyncadd.s32 $0xFFFFD800;
	s26 =	sadd.s32 s25, s10  }
0xe1: {  	[tilespmem:s8], [sflag:$0xA] =	stream.linear.gather [hbm4b:s26+s3], $0x50, $0x38;
	[tilespmem:$0x1E400] =	vst v63  }
0xe2: {  	s28 =	sadd.s32 s25, s12;
	s10 =	simm.s32 $0x280  }
0xe3: {  	[tilespmem:s10], [sflag:$0xE] =	stream.linear.gather [hbm4b:s28+s3], $0x50, $0x38;
	[tilespmem:$0x1E400] =	vst v63  }
0xe4: {  	_ =	swait.ge [sflag:s5], $0x2800  }
0xe5: {  	s12 =	simm.s32 $0x100;
	s30 =	rddreg [dreg:$0x8];
	[sflag:s5] =	ssyncset.done $0x0  }
0xe6: {  	s31 =	rddreg [dreg:$0x7];
	[sflag:s5] =	ssyncadd.s32 $0xFFFFD800;
	s26 =	sadd.s32 s25, s30  }
0xe7: {  	[tilespmem:s12], [sflag:$0xB] =	stream.linear.gather [hbm4b:s26+s3], $0x50, $0x38;
	[tilespmem:$0x1E400] =	vst v63  }
0xe8: {  	s28 =	sadd.s32 s25, s31;
	s30 =	simm.s32 $0x300  }
0xe9: {  	[tilespmem:s30], [sflag:$0xF] =	stream.linear.gather [hbm4b:s28+s3], $0x50, $0x38;
	[tilespmem:$0x1E400] =	vst v63  }
0xea: {  	_ =	swait.ge [sflag:s24], $0x2800  }
0xeb: {  	s31 =	rddreg [dreg:$0x6]  }
0xec: {  	[sflag:s24] =	ssyncset.done $0x0;
	s28 =	rddreg [dreg:$0x5]  }
0xed: {  	[sflag:s24] =	ssyncadd.s32 $0xFFFFD800;
	s26 =	sadd.s32 s25, s31;
	s31 =	simm.s32 $0x180  }
0xee: {  	[tilespmem:s31], [sflag:$0xC] =	stream.linear.gather [hbm4b:s26+s3], $0x50, $0x38;
	[tilespmem:$0x1E400] =	vst v63  }
0xef: {  	s25 =	sadd.s32 s25, s28;
	s26 =	simm.s32 $0x380  }
0xf0: {  	[tilespmem:s26], [sflag:$0x10] =	stream.linear.gather [hbm4b:s25+s3], $0x50, $0x38;
	[tilespmem:$0x1E400] =	vst v63  }
0xf1: {  	_ =	swait.ge [sflag:s1], $0x50  }
0xf2: {  	[sflag:s1] =	ssyncset.done $0x0  }
0xf3: {  	[sflag:s1] =	ssyncadd.s32 $0xFFFFFFB0  }
0xf4: {  	[tilespmem:s29], [sflag:$0x1] =	stream.indirect.gather [hbm4b:s4+s6], $0x80, s3, s6, $0xb8;
	[tilespmem:$0x1E400] =	vst v63  }
0xf5: {  	_ =	swait.ge [sflag:s7], $0x50  }
0xf6: {  	[sflag:s7] =	ssyncset.done $0x0  }
0xf7: {  	s28 =	simm.s32 $0x2C00;
	[sflag:s7] =	ssyncadd.s32 $0xFFFFFFB0  }
0xf8: {  	[tilespmem:s28], [sflag:$0x2] =	stream.indirect.gather [hbm4b:s4+s6], $0x80, s8, s6, $0xb8;
	[tilespmem:$0x1E400] =	vst v63  }
0xf9: {  	_ =	swait.ge [sflag:s9], $0x50  }
0xfa: {  	[sflag:s9] =	ssyncset.done $0x0  }
0xfb: {  	s8 =	simm.s32 $0x5400;
	[sflag:s9] =	ssyncadd.s32 $0xFFFFFFB0  }
0xfc: {  	[tilespmem:s8], [sflag:$0x3] =	stream.indirect.gather [hbm4b:s4+s6], $0x80, s12, s6, $0xb8;
	[tilespmem:$0x1E400] =	vst v63  }
0xfd: {  	_ =	swait.ge [sflag:s11], $0x50  }
0xfe: {  	[sflag:s11] =	ssyncset.done $0x0  }
0xff: {  	s25 =	simm.s32 $0x7C00;
	[sflag:s11] =	ssyncadd.s32 $0xFFFFFFB0  }
0x100: {  	[tilespmem:s25], [sflag:$0x4] =	stream.indirect.gather [hbm4b:s4+s6], $0x80, s31, s6, $0xb8;
	[tilespmem:$0x1E400] =	vst v63  }
0x101: {  	_ =	swait.ge [sflag:s13], $0x2800  }
0x102: {  	[sflag:s13] =	ssyncset.done $0x0  }
0x103: {  	[sflag:s13] =	ssyncadd.s32 $0xFFFFD800  }
0x104: {  	_ =	swait.ge [sflag:s14], $0x50  }
0x105: {  	[sflag:s14] =	ssyncset.done $0x0  }
0x106: {  	[sflag:s14] =	ssyncadd.s32 $0xFFFFFFB0  }
0x107: {  	[spmem:s2] =	stream.indirect.scatter.add.f32 [tilespmem:s29], [sflag:$0x5], $0x80, s0, s6, $0xb8;
	[tilespmem:$0x1E400] =	vst v63  }
0x108: {  	_ =	swait.ge [sflag:s15], $0x2800  }
0x109: {  	[sflag:s15] =	ssyncset.done $0x0  }
0x10a: {  	[sflag:s15] =	ssyncadd.s32 $0xFFFFD800  }
0x10b: {  	_ =	swait.ge [sflag:s16], $0x50  }
0x10c: {  	[sflag:s16] =	ssyncset.done $0x0  }
0x10d: {  	[sflag:s16] =	ssyncadd.s32 $0xFFFFFFB0  }
0x10e: {  	[spmem:s2] =	stream.indirect.scatter.add.f32 [tilespmem:s28], [sflag:$0x6], $0x80, s10, s6, $0xb8;
	[tilespmem:$0x1E400] =	vst v63  }
0x10f: {  	_ =	swait.ge [sflag:s17], $0x2800  }
0x110: {  	[sflag:s17] =	ssyncset.done $0x0  }
0x111: {  	[sflag:s17] =	ssyncadd.s32 $0xFFFFD800  }
0x112: {  	_ =	swait.ge [sflag:s18], $0x50  }
0x113: {  	[sflag:s18] =	ssyncset.done $0x0  }
0x114: {  	[sflag:s18] =	ssyncadd.s32 $0xFFFFFFB0  }
0x115: {  	[spmem:s2] =	stream.indirect.scatter.add.f32 [tilespmem:s8], [sflag:$0x7], $0x80, s30, s6, $0xb8;
	[tilespmem:$0x1E400] =	vst v63  }
0x116: {  	p0 =	sne.s32 s23, $0x4B0;
	_ =	swait.ge [sflag:s19], $0x2800  }
.Ltmp1:
0x117: {  	[sflag:s19] =	ssyncset.done $0x0;
	(pc) =	sbr.rel @p0 .LBB2_4-.Ltmp1, $4  }
0x118: {  	[sflag:s19] =	ssyncadd.s32 $0xFFFFD800  }
0x119: {  	_ =	swait.ge [sflag:s20], $0x50  }
0x11a: {  	[sflag:s20] =	ssyncset.done $0x0  }
0x11b: {  	s23 =	sadd.s32 $0x28, s23;
	[sflag:s20] =	ssyncadd.s32 $0xFFFFFFB0  }
0x11c: {  	[spmem:s2] =	stream.indirect.scatter.add.f32 [tilespmem:s25], [sflag:$0x8], $0x80, s26, s6, $0xb8;
	[tilespmem:$0x1E400] =	vst v63  }
0x11d: {  	_ =	swait.ge [sflag:s21], $0x2800  }
0x11e: {  	[sflag:s21] =	ssyncset.done $0x0  }
0x11f: {  	[sflag:s21] =	ssyncadd.s32 $0xFFFFD800  }
0x120: {  	_ =	swait.ge [sflag:s22], $0x2800  }
0x121: {  	[sflag:s22] =	ssyncset.done $0x0  }
0x122: {  	[sflag:s22] =	ssyncadd.s32 $0xFFFFD800  }
0x123: {  	_ =	swait.ge [sflag:s5], $0x2800  }
0x124: {  	[sflag:s5] =	ssyncset.done $0x0  }
0x125: {  	[sflag:s5] =	ssyncadd.s32 $0xFFFFD800  }
0x126: {  	_ =	swait.ge [sflag:s24], $0x2800  }
0x127: {  	[sflag:s24] =	ssyncset.done $0x0  }
0x128: {  	[sflag:s24] =	ssyncadd.s32 $0xFFFFD800  }
0x129: {  	s23 =	stileid.u32;
	[bflag:$0x0] =	sbarrier.arrive $0xFFFF  }
0x12a: {  	s29 =	simm.s32 $0x11;
	s23 =	sshll.u32 s23, $0x6;
	s26 =	rddreg [dreg:$0xb]  }
0x12b: {  	s23 =	sor.u32 $0x1C11, s23;
	s28 =	rddreg [dreg:$0x1b];
	s30 =	sshrl.u32 s26, $0x3  }
0x12c: {  	[hbm:s28], [sflag:s23] =	dma.local [spmem:s30], $0x2800  }
0x12d: {  	_ =	swait.ge [sflag:s29], $0x2800  }
0x12e: {  	s0 =	rddreg [dreg:$0x1d]  }
0x12f: {  	s31 =	rddreg [dreg:$0x1c];
	s0 =	sadd.s32 $0x1, s0  }
0x130: {  	p0 =	sne.s32 s0, s31  }
.Ltmp2:
0x131: {  	_ = 	snop;
	(pc) =	sbr.rel @p0 .LBB2_1-.Ltmp2, $3  }
0x132: {  	_ =	sdelay $0x1  }
0x133: {  	[sflag:s29] =	ssyncset.done $0x0  }
0x134: {  	s28 =	simm.s32 $0x400;
	[sflag:s29] =	ssyncadd.s32 $0xFFFFD800  }
0x135: {  	_ =	sfence.sel $0x180000  }
0x136: {  	[bflag:$0x0] =	sbarrier.arrive $0xFFFF  }
0x137: {  	_ =	strace $0x9000004A  }
0x138: {  	s0 =	stileid.u32;
	[bflag:$0x2] =	sbarrier.arrive $0xFFFF  }
0x139: {  	p0 =	sne.s32 s0, $0x0;
	s0 =	rddreg [dreg:$0x2]  }
0x13a: {  	s0 =	sadd.s32 @!p0 $0x100000, s0  }
0x13b: {  	[sflag:s0] =	ssyncadd.tile.s32 @!p0 $0x1;
	_ =	shalt  }
.Lfunc_end2:
_tile_overlayer_lowered:
.L_overlay_start_2:
0x13c: {  	(tag) =	ssettag $0x2  }
0x13d: {  	s0 =	rddreg [dreg:$0x0];
	s2 =	stileid.u32  }
0x13e: {  	s1 =	rddreg [dreg:$0x1];
	p0 =	sne.s32 s2, $0x0  }
0x13f: {  	s3 =	rddreg [dreg:$0x2];
	[bflag:$0x3] =	sbarrier.arrive $0xFFFF;
	s2 =	simm.s32 @!p0 $0x1C11  }
0x140: {  	[timem:s3], [sflag:s2] =	dma.local @!p0 [hbm:s0], s1  }
0x141: {  	s0 =	simm.s32 @!p0 $0x11  }
0x142: {  	_ =	swait.ge @!p0 [sflag:s0], s1  }
0x143: {  	s1 =	ssub.s32 @!p0 $0x0, s1;
	[sflag:s0] =	ssyncset.done @!p0 $0x0  }
0x144: {  	[sflag:s0] =	ssyncadd.s32 @!p0 s1  }
0x145: {  	[bflag:$0x3] =	sbarrier.arrive $0xFFFF  }
0x146: {  	_ =	shalt  }

// kernel: kernel.15.cloned.1.call-start
scs
__scs_entry_jumppad:
0x0: {  	(pc) =	sbr.rel $0x88, $3  }
0x1: {  	(tag) =	ssettag $0x0;
	lr =	simm.s32 $0x1  }
0x2: {  	[smem:$0x3F99] =	sst lr;
	_ =	strace $0xD0000000  }
0x3: {  	_ = 	snop  }
0x4: {  	_ = 	snop  }
0x5: {  	_ = 	snop  }
0x6: {  	_ = 	snop  }
0x7: {  	_ = 	snop  }
__scs_overlays_trampoline_lowered:
0x8: {  	[smem:$0x3FA8] =	sst s0  }
0x9: {  	[smem:$0x3FA9] =	sst s1  }
0xa: {  	[smem:$0x3FAA] =	sst s2  }
0xb: {  	[smem:$0x3FAB] =	sst s3  }
0xc: {  	[smem:$0x3FAC] =	sst s4  }
0xd: {  	[smem:$0x3FAD] =	sst s5  }
0xe: {  	[smem:$0x3FAE] =	sst s6  }
0xf: {  	[smem:$0x3FAF] =	sst s7  }
0x10: {  	[smem:$0x3FB0] =	sst s8  }
0x11: {  	[smem:$0x3FB1] =	sst s9;
	s0 =	simm.s32 @!p0 $0x0  }
0x12: {  	s1 =	sld [smem:$0x3F97];
	s0 =	simm.s32 @p0 $0x1  }
0x13: {  	[smem:$0x3FB2] =	sst s0;
	s0 =	simm.s32 @!p1 $0x0  }
0x14: {  	s2 =	sld [smem:$0x3F96];
	s0 =	simm.s32 @p1 $0x1  }
0x15: {  	[smem:$0x3FB3] =	sst s0;
	s0 =	simm.s32 @!p2 $0x0  }
0x16: {  	s3 =	sld [smem:$0x3FDB];
	s0 =	simm.s32 @p2 $0x1  }
0x17: {  	s4 =	simm.s32 $0x1BF5;
	[smem:$0x3FB5] =	sst s0  }
0x18: {  	s0 =	sld [smem:$0x3F98];
	_ =	swait.ge [sflag:s4], $0x0  }
0x19: {  	s7 =	sld [smem:$0x3F99]  }
0x1a: {  	s8 =	sadd.s32 $0xFFFFE003, lr  }
0x1b: {  	s9 =	sadd.s32 $0xFFFFFEF7, lr;
	s5 =	simm.s32 $0xFFFFFFFF;
	p2 =	slt.u32 s8, $0xFFFFF086  }
0x1c: {  	p1 =	slt.u32 s9, $0xF7A;
	s5 =	simm.s32 @!p2 $0x0  }
0x1d: {  	s5 =	simm.s32 @p1 $0x1;
	p0 =	seq.s32 s7, s2  }
0x1e: {  	s7 =	smul.u32 @!p0 $0xF7A, s2;
	p2 =	seq.s32 @!p0 s5, $0x0  }
0x1f: {  	s9 =	smul.u32 $0xF7A, s1;
	s8 =	simm.s32 @!p0 $0x1BF5;
	p2 =	por !p2, p0  }
0x20: {  	[sflag:s8] =	ssyncset.s32 @!p0 $0xFFFFF086;
	s6 =	sadd.s32 @!p0 s3, s7;
	s7 =	simm.s32 @!p0 $0x108  }
0x21: {  	s3 =	sadd.s32 s3, s9;
	s6 =	sadd.s32 @!p0 $0x88, s6;
	s7 =	simm.s32 @p2 $0x1082  }
0x22: {  	[simem:s7], [sflag:s8] =	dma.local @!p0 [hbm:s6], $0xF7A  }
0x23: {  	s9 =	sor.u32 $0xD0000000, s2;
	s6 =	simm.s32 $0x108;
	_ =	swait.ge @!p0 [sflag:s8], $0x0  }
0x24: {  	s3 =	sadd.s32 $0x88, s3;
	s6 =	simm.s32 @!p1 $0x1082;
	[sflag:s4] =	ssyncset.s32 $0xFFFFF086  }
0x25: {  	[simem:s6], [sflag:s4] =	dma.local [hbm:s3], $0xF7A  }
0x26: {  	[smem:$0x3F99] =	sst s1;
	(tag) =	ssettag s2;
	_ =	strace s9  }
0x27: {  	s1 =	sld [smem:$0x3FA9]  }
0x28: {  	s2 =	sld [smem:$0x3FAA]  }
0x29: {  	s4 =	sld [smem:$0x3FAC]  }
0x2a: {  	p0 =	seq.s32 s5, $0x0;
	s5 =	sld [smem:$0x3FAD]  }
0x2b: {  	s6 =	sld [smem:$0x3FAE]  }
0x2c: {  	s7 =	sld [smem:$0x3FAF]  }
0x2d: {  	s3 =	simm.s32 $0x108;
	s8 =	sld [smem:$0x3FB0]  }
0x2e: {  	s3 =	simm.s32 @!p0 $0x1082;
	s9 =	sld [smem:$0x3FB1]  }
0x2f: {  	lr =	sadd.s32 s0, s3;
	s0 =	sld [smem:$0x3FA8]  }
0x30: {  	s3 =	sld [smem:$0x3FAB]  }
0x31: {  	[smem:$0x3FB4] =	sst s10  }
0x32: {  	s10 =	sld [smem:$0x3FB2];
	_ =	sdelay $0x3  }
0x33: {  	p0 =	seq.s32 s10, $0x1;
	s10 =	sld [smem:$0x3FB4];
	_ =	sdelay $0x3  }
0x34: {  	[smem:$0x3FB4] =	sst s10  }
0x35: {  	s10 =	sld [smem:$0x3FB3];
	_ =	sdelay $0x3  }
0x36: {  	p1 =	seq.s32 s10, $0x1;
	s10 =	sld [smem:$0x3FB4];
	_ =	sdelay $0x3  }
0x37: {  	[smem:$0x3FB4] =	sst s10  }
0x38: {  	s10 =	sld [smem:$0x3FB5]  }
0x39: {  	_ = 	snop;
	(pc) =	sbr.ind lr, $3  }
0x3a: {  	_ = 	snop  }
0x3b: {  	_ = 	snop  }
0x3c: {  	p2 =	seq.s32 s10, $0x1;
	s10 =	sld [smem:$0x3FB4]  }
0x3d: {  	_ =	shalt  }
0x3e: {  	_ =	shalt  }
0x3f: {  	_ =	shalt  }
0x40: {  	_ =	shalt  }
0x41: {  	_ =	shalt  }
0x42: {  	_ =	shalt  }
0x43: {  	_ =	shalt  }
0x44: {  	_ =	shalt  }
0x45: {  	_ =	shalt  }
0x46: {  	_ =	shalt  }
0x47: {  	_ =	shalt  }
0x48: {  	_ =	shalt  }
0x49: {  	_ =	shalt  }
0x4a: {  	_ =	shalt  }
0x4b: {  	_ =	shalt  }
0x4c: {  	_ =	shalt  }
0x4d: {  	_ =	shalt  }
0x4e: {  	_ =	shalt  }
0x4f: {  	_ =	shalt  }
0x50: {  	_ =	shalt  }
0x51: {  	_ =	shalt  }
0x52: {  	_ =	shalt  }
0x53: {  	_ =	shalt  }
0x54: {  	_ =	shalt  }
0x55: {  	_ =	shalt  }
0x56: {  	_ =	shalt  }
0x57: {  	_ =	shalt  }
0x58: {  	_ =	shalt  }
0x59: {  	_ =	shalt  }
0x5a: {  	_ =	shalt  }
0x5b: {  	_ =	shalt  }
0x5c: {  	_ =	shalt  }
0x5d: {  	_ =	shalt  }
0x5e: {  	_ =	shalt  }
0x5f: {  	_ =	shalt  }
0x60: {  	_ =	shalt  }
0x61: {  	_ =	shalt  }
0x62: {  	_ =	shalt  }
0x63: {  	_ =	shalt  }
0x64: {  	_ =	shalt  }
0x65: {  	_ =	shalt  }
0x66: {  	_ =	shalt  }
0x67: {  	_ =	shalt  }
0x68: {  	_ =	shalt  }
0x69: {  	_ =	shalt  }
0x6a: {  	_ =	shalt  }
0x6b: {  	_ =	shalt  }
0x6c: {  	_ =	shalt  }
0x6d: {  	_ =	shalt  }
0x6e: {  	_ =	shalt  }
0x6f: {  	_ =	shalt  }
0x70: {  	_ =	shalt  }
0x71: {  	_ =	shalt  }
0x72: {  	_ =	shalt  }
0x73: {  	_ =	shalt  }
0x74: {  	_ =	shalt  }
0x75: {  	_ =	shalt  }
0x76: {  	_ =	shalt  }
0x77: {  	_ =	shalt  }
0x78: {  	_ =	shalt  }
0x79: {  	_ =	shalt  }
0x7a: {  	_ =	shalt  }
0x7b: {  	_ =	shalt  }
0x7c: {  	_ =	shalt  }
0x7d: {  	_ =	shalt  }
0x7e: {  	_ =	shalt  }
0x7f: {  	_ =	shalt  }
0x80: {  	_ =	shalt  }
0x81: {  	_ =	shalt  }
0x82: {  	_ =	shalt  }
0x83: {  	_ =	shalt  }
0x84: {  	_ =	shalt  }
0x85: {  	_ =	shalt  }
0x86: {  	_ =	shalt  }
0x87: {  	_ =	shalt  }
.Lfunc_end0:
.L_simem_size_0:
called_computation.2_lowered:
.L_overlay_start_0:
0x88: {  	s2 =	sld [smem:$0x3FD9]  }
0x89: {  	s3 =	sld [smem:$0x3FFE];
	_ =	sdelay $0x1  }
0x8a: {  	s1 =	srdreg.scid  }
0x8b: {  	s0 =	sand.u32 $0x1, s1  }
0x8c: {  	s16 =	sshll.u32 s0, $0xA;
	s2 =	sadd.s32 s3, s2  }
0x8d: {  	s2 =	sadd.s32 s2, s16  }
0x8e: {  	[smem:$0x3FC0] =	sst s2  }
0x8f: {  	_ = 	snop  }
0x90: {  	(tm) =	ssettm $0x1  }
0x91: {  	s17 =	sld [smem:$0x3FFB];
	_ =	sdelay $0x3  }
0x92: {  	_ =	strace s17  }
0x93: {  	s2 =	sld [smem:$0x3FFC];
	_ =	sdelay $0x3  }
0x94: {  	_ =	strace s2  }
0x95: {  	s2 =	sld [smem:$0x3FFD];
	_ =	sdelay $0x3  }
0x96: {  	_ =	strace s2  }
0x97: {  	_ =	strace $0x8FFFFFFF  }
0x98: {  	s18 =	sld [smem:$0x3FDB];
	_ =	sdelay $0x1  }
0x99: {  	s19 =	simm.s32 $_scs_section_size  }
0x9a: {  	s4 =	simm.s32 $_size__tile_overlayer_lowered;
	s5 =	simm.s32 $_tile_overlayer_lowered  }
0x9b: {  	s22 =	simm.s32 $0x1BFF;
	s21 =	sshll.u32 s5, $0x1;
	s2 =	sadd.s32 s19, s18  }
0x9c: {  	s6 =	simm.s32 $0x0;
	s20 =	sshll.u32 s4, $0x1;
	s4 =	sadd.s32 s21, s2  }
0x9d: {  	[timem:s6], [sflag:s22] =	dma.local [hbm:s4], s20  }
0x9e: {  	_ =	swait.ge [sflag:s22], s20  }
0x9f: {  	s3 =	ssub.s32 $0x0, s20;
	[sflag:s22] =	ssyncset.done $0x0  }
0xa0: {  	[sflag:s22] =	ssyncadd.s32 s3;
	_ =	sdelay $0x1  }
0xa1: {  	s23 =	simm.s32 $0x1B8B  }
0xa2: {  	_ =	swait.ge [sflag:s23], $0x1  }
0xa3: {  	[sflag:s23] =	ssyncset.done $0x0  }
0xa4: {  	s25 =	simm.s32 $0x1B8E;
	s24 =	sld [smem:$0x3FFE];
	[sflag:s23] =	ssyncadd.s32 $0xFFFFFFFF  }
0xa5: {  	s26 =	simm.s32 $execute0_lowered;
	[smem:$0x3FD2] =	sst s25  }
0xa6: {  	s4 =	sshll.u32 s26, $0x1;
	_ =	strace $0x8000004C;
	[dreg:$0x1] =	wrdreg $0xFFFFFFFF  }
0xa7: {  	s28 =	simm.s32 $_size_execute0_lowered;
	s2 =	sadd.s32 s2, s4;
	[dreg:$0x0] =	wrdreg $0x0  }
0xa8: {  	s4 =	sshll.u32 s28, $0x1;
	[dreg:$0x2] =	wrdreg s2  }
0xa9: {  	[dreg:$0x3] =	wrdreg s4  }
0xaa: {  	[dreg:$0x4] =	wrdreg $0xC0  }
0xab: {  	_ =	task [dreg:s6], $0x5FFFF  }
0xac: {  	[dreg:$0x1] =	wrdreg $0xFFFFFFFF  }
0xad: {  	[dreg:$0x0] =	wrdreg $0x60  }
0xae: {  	[dreg:$0x2] =	wrdreg s24  }
0xaf: {  	[dreg:$0x3] =	wrdreg $0xA4000  }
0xb0: {  	[dreg:$0x4] =	wrdreg $0x9  }
0xb1: {  	_ =	task.clear_ibuf [dreg:s6], $0x5FFFF;
	_ =	strace $0x9000004C  }
0xb2: {  	s29 =	simm.s32 $0x9;
	_ =	strace $0x8000004E  }
0xb3: {  	_ =	swait.ge [sflag:s29], $0x1  }
0xb4: {  	[sflag:s29] =	ssyncadd.s32 $0xFFFFFFFF  }
0xb5: {  	_ =	strace $0x9000004E  }
0xb6: {  	_ =	sfence  }
0xb7: {  	s30 =	sld [smem:$0x0];
	_ =	sdelay $0x2  }
0xb8: {  	s31 =	sshll.u32 s1, $0xD;
	s1 =	sshrl.u32 s1, $0x2  }
0xb9: {  	s3 =	sand.u32 $0x4000, s31;
	s1 =	sadd.s32 s1, s30  }
0xba: {  	s0 =	sor.u32 s3, s0;
	s1 =	sshll.u32 s1, $0x11  }
0xbb: {  	s0 =	sor.u32 s1, s0  }
0xbc: {  	s0 =	sadd.s32 $0x8F2B, s0  }
0xbd: {  	[sflag:s0] =	ssyncadd.remote.s32 $0x1  }
0xbe: {  	_ =	sfence.sel $0xFFFF  }
0xbf: {  	[dreg:$0x0] =	wrdreg $0xFFFFFFFF;
	(pc) =	sbr.abs _section_cstart, $3  }
0xc0: {  	[dreg:$0x1] =	wrdreg $0xFFFFFFFF  }
0xc1: {  	_ =	task.clear_ibuf [dreg:s6], $0x2FFFF;
	_ =	strace $0x9FFFFFFF  }
0xc2: {  	(tm) =	ssettm $0x7FFFFFFF  }
0xc3: {  	_ =	shalt  }
tec
execute0_lowered:
.L_overlay_start_1:
0x0: {  	(tag) =	ssettag $0x1  }
0x1: {  	s0 =	rddreg [dreg:$0x0]  }
0x2: {  	s2 =	rddreg [dreg:$0x1]  }
0x3: {  	s1 =	srdreg.scid;
	s11 =	stileid.u32;
	s3 =	simm.s32 $0x0  }
0x4: {  	s28 =	simm.s32 $0x400;
	s29 =	simm.s32 $0x11;
	s1 =	sand.u32 $0x1, s1  }
0x5: {  	s5 =	smul.u32 $0x2800, s11;
	[smem:$0x7FF] =	sst s3;
	s7 =	sadd.s32 $0x2E00, s0  }
0x6: {  	s8 =	smul.u32 $0x50000, s11;
	s9 =	sadd.s32 $0xCE00, s0;
	s4 =	sadd.s32 $0x66E00, s0  }
0x7: {  	s6 =	smul.u32 $0x28000, s1;
	_ =	strace $0x8000004D;
	s16 =	ssub.s32 $0x2, s1  }
0x8: {  	s1 =	sshll.u32 s1, $0x4;
	s8 =	sshrl.u32 s8, $0x2;
	s10 =	sshrl.u32 s16, $0x1  }
0x9: {  	s1 =	sor.u32 s11, s1;
	s11 =	simm.s32 $0xC;
	s26 =	sadd.s32 s8, s2  }
0xa: {  	s5 =	sadd.s32 s5, s6;
	s8 =	sadd.s32 $0x2800, s26;
	[dreg:$0xb] =	wrdreg s26  }
0xb: {  	s6 =	ssub.s32 s16, s10;
	s17 =	sadd.s32 $0x5000, s26;
	[dreg:$0xc] =	wrdreg s8  }
0xc: {  	s1 =	smul.u32 $0x2800, s1;
	s18 =	sadd.s32 $0x7800, s26;
	[dreg:$0xd] =	wrdreg s17  }
0xd: {  	s0 =	sadd.s32 s5, s0;
	s19 =	sadd.s32 $0xA000, s26;
	[dreg:$0xe] =	wrdreg s18  }
0xe: {  	s20 =	sadd.s32 $0xC800, s26;
	s21 =	sadd.s32 $0xF000, s26;
	[dreg:$0xf] =	wrdreg s19  }
0xf: {  	s22 =	sadd.s32 $0x11800, s26;
	s23 =	sor.u32 $0x140, s5;
	[dreg:$0x10] =	wrdreg s20  }
0x10: {  	s12 =	sor.u32 $0x230, s5;
	s15 =	sor.u32 $0x1E0, s5;
	[dreg:$0x11] =	wrdreg s21  }
0x11: {  	s5 =	sor.u32 $0x190, s5;
	[dreg:$0x12] =	wrdreg s22;
	s1 =	sshrl.u32 s1, $0x3  }
0x12: {  	s8 =	sshrl.u32 s23, $0x3;
	s13 =	sshrl.u32 s12, $0x3;
	s0 =	sadd.s32 $0x8EE00, s0  }
0x13: {  	s17 =	sshrl.u32 s15, $0x3;
	s24 =	sadd.s32 s7, s1;
	[dreg:$0x1b] =	wrdreg s0  }
0x14: {  	s5 =	sshrl.u32 s5, $0x3;
	s25 =	sadd.s32 s9, s1;
	[dreg:$0x13] =	wrdreg s24  }
0x15: {  	s15 =	simm.s32 $0x2;
	s31 =	sadd.s32 s8, s9;
	[dreg:$0x14] =	wrdreg s25  }
0x16: {  	s30 =	sor.u32 $0xA, s1;
	s8 =	sadd.s32 s8, s7;
	[dreg:$0x3] =	wrdreg s31  }
0x17: {  	s14 =	sadd.s32 s13, s9;
	s16 =	sadd.s32 s13, s7;
	[dreg:$0x4] =	wrdreg s8  }
0x18: {  	s19 =	sadd.s32 s17, s9;
	s20 =	sor.u32 $0x14, s1;
	[dreg:$0x5] =	wrdreg s14  }
0x19: {  	s1 =	sor.u32 $0x1E, s1;
	s23 =	sadd.s32 s17, s7;
	[dreg:$0x6] =	wrdreg s16  }
0x1a: {  	s13 =	simm.s32 $0x1;
	s17 =	simm.s32 $0x3;
	[dreg:$0x7] =	wrdreg s19  }
0x1b: {  	s0 =	simm.s32 $0x0;
	s18 =	sadd.s32 s7, s30;
	[dreg:$0x8] =	wrdreg s23  }
0x1c: {  	s10 =	sadd.s32 s9, s30;
	s21 =	sadd.s32 s7, s20;
	[dreg:$0x15] =	wrdreg s18  }
0x1d: {  	s22 =	sadd.s32 s9, s20;
	s24 =	sadd.s32 s9, s1;
	[dreg:$0x16] =	wrdreg s10  }
0x1e: {  	s25 =	sadd.s32 s5, s9;
	s1 =	sadd.s32 s7, s1;
	[dreg:$0x17] =	wrdreg s21  }
0x1f: {  	s30 =	sadd.s32 s5, s7;
	s31 =	smax.u32 s6, $0x1;
	[dreg:$0x18] =	wrdreg s22  }
0x20: {  	s6 =	simm.s32 $0x50;
	s7 =	simm.s32 $0xA;
	[dreg:$0x19] =	wrdreg s24  }
0x21: {  	s9 =	simm.s32 $0xB;
	s14 =	simm.s32 $0xD;
	[dreg:$0x1a] =	wrdreg s1  }
0x22: {  	s16 =	simm.s32 $0xE;
	s19 =	simm.s32 $0x4;
	[dreg:$0x9] =	wrdreg s25  }
0x23: {  	s20 =	simm.s32 $0x10;
	s5 =	simm.s32 $0x7;
	[dreg:$0x1c] =	wrdreg s31  }
0x24: {  	[dreg:$0xa] =	wrdreg s30;
	s1 =	simm.s32 $0x9;
	s18 =	simm.s32 $0xF  }
0x25: {  	v0 =	vimm.f32 $0.0e+00;
	s21 =	simm.s32 $0x5;
	s22 =	simm.s32 $0x6;
	s24 =	simm.s32 $0x8  }
.LBB2_1:
0x26: {  	[dreg:$0x1d] =	wrdreg s0;
	s23 =	simm.s32 $0x0;
	s25 =	simm.s32 $0x200  }
.LBB2_2:
0x27: {  	p0 =	sne.s32 s25, $0x9E00;
	[tilespmem:s23+$0x470] =	vst v0  }
0x28: {  	[tilespmem:s23+$0x400] =	vst v0  }
0x29: {  	[tilespmem:s23+$0x410] =	vst v0  }
.Ltmp0:
0x2a: {  	[tilespmem:s23+$0x420] =	vst v0;
	(pc) =	sbr.rel @p0 .LBB2_2-.Ltmp0, $4  }
0x2b: {  	[tilespmem:s23+$0x430] =	vst v0  }
0x2c: {  	[tilespmem:s23+$0x440] =	vst v0  }
0x2d: {  	[tilespmem:s23+$0x450] =	vst v0  }
0x2e: {  	[tilespmem:s23+$0x460] =	vst v0;
	s23 =	sshra.s32 s25, $0x2;
	s25 =	sadd.s32 $0x200, s25  }
0x2f: {  	[tilespmem:s23+$0x470] =	vst v0  }
0x30: {  	[tilespmem:s23+$0x400] =	vst v0  }
0x31: {  	[tilespmem:s23+$0x410] =	vst v0  }
0x32: {  	[tilespmem:s23+$0x420] =	vst v0  }
0x33: {  	[tilespmem:s23+$0x430] =	vst v0  }
0x34: {  	[tilespmem:s23+$0x440] =	vst v0  }
0x35: {  	[tilespmem:s23+$0x450] =	vst v0  }
0x36: {  	[tilespmem:s23+$0x460] =	vst v0  }
0x37: {  	[spmem:s26] =	stream.linear.scatter [tilespmem:s28], [sflag:$0x11], $0x2800, $0x38;
	[tilespmem:$0x1E400] =	vst v63  }
0x38: {  	_ =	swait.ge [sflag:s29], $0x2800  }
0x39: {  	[sflag:s29] =	ssyncset.done $0x0  }
0x3a: {  	s8 =	rddreg [dreg:$0xc];
	[sflag:s29] =	ssyncadd.s32 $0xFFFFD800  }
0x3b: {  	[spmem:s8] =	stream.linear.scatter [tilespmem:s28], [sflag:$0x11], $0x2800, $0x38;
	[tilespmem:$0x1E400] =	vst v63  }
0x3c: {  	_ =	swait.ge [sflag:s29], $0x2800  }
0x3d: {  	[sflag:s29] =	ssyncset.done $0x0  }
0x3e: {  	s10 =	rddreg [dreg:$0xd];
	[sflag:s29] =	ssyncadd.s32 $0xFFFFD800  }
0x3f: {  	[spmem:s10] =	stream.linear.scatter [tilespmem:s28], [sflag:$0x11], $0x2800, $0x38;
	[tilespmem:$0x1E400] =	vst v63  }
0x40: {  	_ =	swait.ge [sflag:s29], $0x2800  }
0x41: {  	[sflag:s29] =	ssyncset.done $0x0  }
0x42: {  	s12 =	rddreg [dreg:$0xe];
	[sflag:s29] =	ssyncadd.s32 $0xFFFFD800  }
0x43: {  	[spmem:s12] =	stream.linear.scatter [tilespmem:s28], [sflag:$0x11], $0x2800, $0x38;
	[tilespmem:$0x1E400] =	vst v63  }
0x44: {  	_ =	swait.ge [sflag:s29], $0x2800  }
0x45: {  	[sflag:s29] =	ssyncset.done $0x0  }
0x46: {  	s25 =	rddreg [dreg:$0xf];
	[sflag:s29] =	ssyncadd.s32 $0xFFFFD800  }
0x47: {  	[spmem:s25] =	stream.linear.scatter [tilespmem:s28], [sflag:$0x11], $0x2800, $0x38;
	[tilespmem:$0x1E400] =	vst v63  }
0x48: {  	_ =	swait.ge [sflag:s29], $0x2800  }
0x49: {  	[sflag:s29] =	ssyncset.done $0x0  }
0x4a: {  	s26 =	rddreg [dreg:$0x10];
	[sflag:s29] =	ssyncadd.s32 $0xFFFFD800  }
0x4b: {  	[spmem:s26] =	stream.linear.scatter [tilespmem:s28], [sflag:$0x11], $0x2800, $0x38;
	[tilespmem:$0x1E400] =	vst v63  }
0x4c: {  	_ =	swait.ge [sflag:s29], $0x2800  }
0x4d: {  	[sflag:s29] =	ssyncset.done $0x0  }
0x4e: {  	s30 =	rddreg [dreg:$0x11];
	[sflag:s29] =	ssyncadd.s32 $0xFFFFD800  }
0x4f: {  	[spmem:s30] =	stream.linear.scatter [tilespmem:s28], [sflag:$0x11], $0x2800, $0x38;
	[tilespmem:$0x1E400] =	vst v63  }
0x50: {  	_ =	swait.ge [sflag:s29], $0x2800  }
0x51: {  	[sflag:s29] =	ssyncset.done $0x0  }
0x52: {  	s31 =	rddreg [dreg:$0x12];
	[sflag:s29] =	ssyncadd.s32 $0xFFFFD800  }
0x53: {  	[spmem:s31] =	stream.linear.scatter [tilespmem:s28], [sflag:$0x11], $0x2800, $0x38;
	[tilespmem:$0x1E400] =	vst v63  }
0x54: {  	_ =	swait.ge [sflag:s29], $0x2800  }
0x55: {  	[sflag:s29] =	ssyncset.done $0x0  }
0x56: {  	[sflag:s29] =	ssyncadd.s32 $0xFFFFD800  }
0x57: {  	[bflag:$0x0] =	sbarrier.arrive $0xFFFF  }
0x58: {  	s23 =	simm.s32 $0x0;
	s25 =	rddreg [dreg:$0x13]  }
0x59: {  	[tilespmem:s23], [sflag:$0x9] =	stream.linear.gather [hbm4b:s25+s23], $0x50, $0x38;
	[tilespmem:$0x1E400] =	vst v63  }
0x5a: {  	s29 =	simm.s32 $0x200;
	s0 =	rddreg [dreg:$0x14]  }
0x5b: {  	[tilespmem:s29], [sflag:$0xD] =	stream.linear.gather [hbm4b:s0+s23], $0x50, $0x38;
	[tilespmem:$0x1E400] =	vst v63  }
0x5c: {  	s8 =	rddreg [dreg:$0x15];
	s0 =	simm.s32 $0x80  }
0x5d: {  	[tilespmem:s0], [sflag:$0xA] =	stream.linear.gather [hbm4b:s8+s23], $0x50, $0x38;
	[tilespmem:$0x1E400] =	vst v63  }
0x5e: {  	s12 =	simm.s32 $0x280;
	s10 =	rddreg [dreg:$0x16]  }
0x5f: {  	[tilespmem:s12], [sflag:$0xE] =	stream.linear.gather [hbm4b:s10+s23], $0x50, $0x38;
	[tilespmem:$0x1E400] =	vst v63  }
0x60: {  	s26 =	rddreg [dreg:$0x17];
	s10 =	simm.s32 $0x100  }
0x61: {  	[tilespmem:s10], [sflag:$0xB] =	stream.linear.gather [hbm4b:s26+s23], $0x50, $0x38;
	[tilespmem:$0x1E400] =	vst v63  }
0x62: {  	s30 =	rddreg [dreg:$0x18];
	s8 =	simm.s32 $0x300  }
0x63: {  	[tilespmem:s8], [sflag:$0xF] =	stream.linear.gather [hbm4b:s30+s23], $0x50, $0x38;
	[tilespmem:$0x1E400] =	vst v63  }
0x64: {  	s31 =	rddreg [dreg:$0x1a];
	s30 =	simm.s32 $0x180  }
0x65: {  	[tilespmem:s30], [sflag:$0xC] =	stream.linear.gather [hbm4b:s31+s23], $0x50, $0x38;
	[tilespmem:$0x1E400] =	vst v63  }
0x66: {  	s26 =	simm.s32 $0x380;
	s8 =	rddreg [dreg:$0x19]  }
0x67: {  	[tilespmem:s26], [sflag:$0x10] =	stream.linear.gather [hbm4b:s8+s23], $0x50, $0x38;
	[tilespmem:$0x1E400] =	vst v63  }
0x68: {  	_ =	swait.ge [sflag:s1], $0x50  }
0x69: {  	[sflag:s1] =	ssyncset.done $0x0  }
0x6a: {  	[sflag:s1] =	ssyncadd.s32 $0xFFFFFFB0  }
0x6b: {  	[tilespmem:s28], [sflag:$0x1] =	stream.indirect.gather [hbm4b:s4+s6], $0x80, s23, s6, $0xb8;
	[tilespmem:$0x1E400] =	vst v63  }
0x6c: {  	_ =	swait.ge [sflag:s7], $0x50  }
0x6d: {  	[sflag:s7] =	ssyncset.done $0x0  }
0x6e: {  	s31 =	simm.s32 $0x2C00;
	[sflag:s7] =	ssyncadd.s32 $0xFFFFFFB0  }
0x6f: {  	[tilespmem:s31], [sflag:$0x2] =	stream.indirect.gather [hbm4b:s4+s6], $0x80, s0, s6, $0xb8;
	[tilespmem:$0x1E400] =	vst v63  }
0x70: {  	_ =	swait.ge [sflag:s9], $0x50  }
0x71: {  	[sflag:s9] =	ssyncset.done $0x0  }
0x72: {  	s8 =	simm.s32 $0x5400;
	[sflag:s9] =	ssyncadd.s32 $0xFFFFFFB0  }
0x73: {  	[tilespmem:s8], [sflag:$0x3] =	stream.indirect.gather [hbm4b:s4+s6], $0x80, s10, s6, $0xb8;
	[tilespmem:$0x1E400] =	vst v63  }
0x74: {  	_ =	swait.ge [sflag:s11], $0x50  }
0x75: {  	[sflag:s11] =	ssyncset.done $0x0  }
0x76: {  	s23 =	simm.s32 $0x7C00;
	[sflag:s11] =	ssyncadd.s32 $0xFFFFFFB0  }
0x77: {  	[tilespmem:s23], [sflag:$0x4] =	stream.indirect.gather [hbm4b:s4+s6], $0x80, s30, s6, $0xb8;
	[tilespmem:$0x1E400] =	vst v63  }
0x78: {  	_ =	swait.ge [sflag:s13], $0x2800  }
0x79: {  	[sflag:s13] =	ssyncset.done $0x0  }
0x7a: {  	[sflag:s13] =	ssyncadd.s32 $0xFFFFD800  }
0x7b: {  	_ =	swait.ge [sflag:s14], $0x50  }
0x7c: {  	[sflag:s14] =	ssyncset.done $0x0  }
0x7d: {  	[sflag:s14] =	ssyncadd.s32 $0xFFFFFFB0  }
0x7e: {  	[spmem:s2] =	stream.indirect.scatter.add.f32 [tilespmem:s28], [sflag:$0x5], $0x80, s29, s6, $0xb8;
	[tilespmem:$0x1E400] =	vst v63  }
0x7f: {  	_ =	swait.ge [sflag:s15], $0x2800  }
0x80: {  	[sflag:s15] =	ssyncset.done $0x0  }
0x81: {  	[sflag:s15] =	ssyncadd.s32 $0xFFFFD800  }
0x82: {  	_ =	swait.ge [sflag:s16], $0x50  }
0x83: {  	[sflag:s16] =	ssyncset.done $0x0  }
0x84: {  	[sflag:s16] =	ssyncadd.s32 $0xFFFFFFB0  }
0x85: {  	[spmem:s2] =	stream.indirect.scatter.add.f32 [tilespmem:s31], [sflag:$0x6], $0x80, s12, s6, $0xb8;
	[tilespmem:$0x1E400] =	vst v63  }
0x86: {  	_ =	swait.ge [sflag:s17], $0x2800  }
0x87: {  	[sflag:s17] =	ssyncset.done $0x0  }
0x88: {  	[sflag:s17] =	ssyncadd.s32 $0xFFFFD800  }
0x89: {  	_ =	swait.ge [sflag:s18], $0x50  }
0x8a: {  	[sflag:s18] =	ssyncset.done $0x0  }
0x8b: {  	s25 =	simm.s32 $0x300;
	[sflag:s18] =	ssyncadd.s32 $0xFFFFFFB0  }
0x8c: {  	[spmem:s2] =	stream.indirect.scatter.add.f32 [tilespmem:s8], [sflag:$0x7], $0x80, s25, s6, $0xb8;
	[tilespmem:$0x1E400] =	vst v63  }
0x8d: {  	_ =	swait.ge [sflag:s19], $0x2800  }
0x8e: {  	[sflag:s19] =	ssyncset.done $0x0  }
0x8f: {  	[sflag:s19] =	ssyncadd.s32 $0xFFFFD800  }
0x90: {  	_ =	swait.ge [sflag:s20], $0x50  }
0x91: {  	[sflag:s20] =	ssyncset.done $0x0  }
0x92: {  	[sflag:s20] =	ssyncadd.s32 $0xFFFFFFB0  }
0x93: {  	[spmem:s2] =	stream.indirect.scatter.add.f32 [tilespmem:s23], [sflag:$0x8], $0x80, s26, s6, $0xb8;
	[tilespmem:$0x1E400] =	vst v63  }
0x94: {  	_ =	swait.ge [sflag:s21], $0x2800  }
0x95: {  	s23 =	rddreg [dreg:$0x4];
	[sflag:s21] =	ssyncset.done $0x0  }
0x96: {  	s25 =	rddreg [dreg:$0x3];
	[sflag:s21] =	ssyncadd.s32 $0xFFFFD800;
	s23 =	sadd.s32 $0x0, s23  }
0x97: {  	[tilespmem:s3], [sflag:$0x9] =	stream.linear.gather [hbm4b:s23+s3], $0x50, $0x38;
	[tilespmem:$0x1E400] =	vst v63  }
0x98: {  	s25 =	sadd.s32 $0x0, s25  }
0x99: {  	[tilespmem:s29], [sflag:$0xD] =	stream.linear.gather [hbm4b:s25+s3], $0x50, $0x38;
	[tilespmem:$0x1E400] =	vst v63  }
0x9a: {  	_ =	swait.ge [sflag:s22], $0x2800  }
0x9b: {  	s23 =	rddreg [dreg:$0xa];
	[sflag:s22] =	ssyncset.done $0x0  }
0x9c: {  	s25 =	rddreg [dreg:$0x9];
	[sflag:s22] =	ssyncadd.s32 $0xFFFFD800;
	s23 =	sadd.s32 $0x0, s23  }
0x9d: {  	[tilespmem:s0], [sflag:$0xA] =	stream.linear.gather [hbm4b:s23+s3], $0x50, $0x38;
	[tilespmem:$0x1E400] =	vst v63  }
0x9e: {  	s25 =	sadd.s32 $0x0, s25  }
0x9f: {  	[tilespmem:s12], [sflag:$0xE] =	stream.linear.gather [hbm4b:s25+s3], $0x50, $0x38;
	[tilespmem:$0x1E400] =	vst v63  }
0xa0: {  	_ =	swait.ge [sflag:s5], $0x2800  }
0xa1: {  	s23 =	rddreg [dreg:$0x8];
	[sflag:s5] =	ssyncset.done $0x0  }
0xa2: {  	s25 =	rddreg [dreg:$0x7];
	[sflag:s5] =	ssyncadd.s32 $0xFFFFD800;
	s23 =	sadd.s32 $0x0, s23  }
0xa3: {  	[tilespmem:s10], [sflag:$0xB] =	stream.linear.gather [hbm4b:s23+s3], $0x50, $0x38;
	[tilespmem:$0x1E400] =	vst v63  }
0xa4: {  	s23 =	sadd.s32 $0x0, s25;
	s25 =	simm.s32 $0x300  }
0xa5: {  	[tilespmem:s25], [sflag:$0xF] =	stream.linear.gather [hbm4b:s23+s3], $0x50, $0x38;
	[tilespmem:$0x1E400] =	vst v63  }
0xa6: {  	_ =	swait.ge [sflag:s24], $0x2800  }
0xa7: {  	s23 =	rddreg [dreg:$0x6];
	[sflag:s24] =	ssyncset.done $0x0  }
0xa8: {  	s25 =	rddreg [dreg:$0x5];
	[sflag:s24] =	ssyncadd.s32 $0xFFFFD800;
	s23 =	sadd.s32 $0x0, s23  }
0xa9: {  	[tilespmem:s30], [sflag:$0xC] =	stream.linear.gather [hbm4b:s23+s3], $0x50, $0x38;
	[tilespmem:$0x1E400] =	vst v63  }
0xaa: {  	s23 =	sadd.s32 $0x0, s25  }
0xab: {  	[tilespmem:s26], [sflag:$0x10] =	stream.linear.gather [hbm4b:s23+s3], $0x50, $0x38;
	[tilespmem:$0x1E400] =	vst v63  }
0xac: {  	_ =	swait.ge [sflag:s1], $0x50  }
0xad: {  	[sflag:s1] =	ssyncset.done $0x0  }
0xae: {  	[sflag:s1] =	ssyncadd.s32 $0xFFFFFFB0  }
0xaf: {  	[tilespmem:s28], [sflag:$0x1] =	stream.indirect.gather [hbm4b:s4+s6], $0x80, s3, s6, $0xb8;
	[tilespmem:$0x1E400] =	vst v63  }
0xb0: {  	_ =	swait.ge [sflag:s7], $0x50  }
0xb1: {  	[sflag:s7] =	ssyncset.done $0x0  }
0xb2: {  	[sflag:s7] =	ssyncadd.s32 $0xFFFFFFB0  }
0xb3: {  	[tilespmem:s31], [sflag:$0x2] =	stream.indirect.gather [hbm4b:s4+s6], $0x80, s0, s6, $0xb8;
	[tilespmem:$0x1E400] =	vst v63  }
0xb4: {  	_ =	swait.ge [sflag:s9], $0x50  }
0xb5: {  	[sflag:s9] =	ssyncset.done $0x0  }
0xb6: {  	[sflag:s9] =	ssyncadd.s32 $0xFFFFFFB0  }
0xb7: {  	[tilespmem:s8], [sflag:$0x3] =	stream.indirect.gather [hbm4b:s4+s6], $0x80, s10, s6, $0xb8;
	[tilespmem:$0x1E400] =	vst v63  }
0xb8: {  	_ =	swait.ge [sflag:s11], $0x50  }
0xb9: {  	[sflag:s11] =	ssyncset.done $0x0  }
0xba: {  	s25 =	simm.s32 $0x7C00;
	[sflag:s11] =	ssyncadd.s32 $0xFFFFFFB0  }
0xbb: {  	[tilespmem:s25], [sflag:$0x4] =	stream.indirect.gather [hbm4b:s4+s6], $0x80, s30, s6, $0xb8;
	[tilespmem:$0x1E400] =	vst v63  }
0xbc: {  	_ =	swait.ge [sflag:s13], $0x2800  }
0xbd: {  	[sflag:s13] =	ssyncset.done $0x0  }
0xbe: {  	[sflag:s13] =	ssyncadd.s32 $0xFFFFD800  }
0xbf: {  	_ =	swait.ge [sflag:s14], $0x50  }
0xc0: {  	[sflag:s14] =	ssyncset.done $0x0  }
0xc1: {  	[sflag:s14] =	ssyncadd.s32 $0xFFFFFFB0  }
0xc2: {  	[spmem:s2] =	stream.indirect.scatter.add.f32 [tilespmem:s28], [sflag:$0x5], $0x80, s29, s6, $0xb8;
	[tilespmem:$0x1E400] =	vst v63  }
0xc3: {  	_ =	swait.ge [sflag:s15], $0x2800  }
0xc4: {  	[sflag:s15] =	ssyncset.done $0x0  }
0xc5: {  	[sflag:s15] =	ssyncadd.s32 $0xFFFFD800  }
0xc6: {  	_ =	swait.ge [sflag:s16], $0x50  }
0xc7: {  	[sflag:s16] =	ssyncset.done $0x0  }
0xc8: {  	[sflag:s16] =	ssyncadd.s32 $0xFFFFFFB0  }
0xc9: {  	[spmem:s2] =	stream.indirect.scatter.add.f32 [tilespmem:s31], [sflag:$0x6], $0x80, s12, s6, $0xb8;
	[tilespmem:$0x1E400] =	vst v63  }
0xca: {  	_ =	swait.ge [sflag:s17], $0x2800  }
0xcb: {  	[sflag:s17] =	ssyncset.done $0x0  }
0xcc: {  	[sflag:s17] =	ssyncadd.s32 $0xFFFFD800  }
0xcd: {  	_ =	swait.ge [sflag:s18], $0x50  }
0xce: {  	[sflag:s18] =	ssyncset.done $0x0  }
0xcf: {  	s31 =	simm.s32 $0x300;
	[sflag:s18] =	ssyncadd.s32 $0xFFFFFFB0  }
0xd0: {  	[spmem:s2] =	stream.indirect.scatter.add.f32 [tilespmem:s8], [sflag:$0x7], $0x80, s31, s6, $0xb8;
	[tilespmem:$0x1E400] =	vst v63  }
0xd1: {  	_ =	swait.ge [sflag:s19], $0x2800  }
0xd2: {  	[sflag:s19] =	ssyncset.done $0x0  }
0xd3: {  	[sflag:s19] =	ssyncadd.s32 $0xFFFFD800  }
0xd4: {  	_ =	swait.ge [sflag:s20], $0x50  }
0xd5: {  	[sflag:s20] =	ssyncset.done $0x0  }
0xd6: {  	s23 =	simm.s32 $0x28;
	s29 =	simm.s32 $0x400;
	[sflag:s20] =	ssyncadd.s32 $0xFFFFFFB0  }
.LBB2_4:
0xd7: {  	[spmem:s2] =	stream.indirect.scatter.add.f32 [tilespmem:s25], [sflag:$0x8], $0x80, s26, s6, $0xb8;
	[tilespmem:$0x1E400] =	vst v63  }
0xd8: {  	_ =	swait.ge [sflag:s21], $0x2800  }
0xd9: {  	s25 =	smov.u32 s23;
	s0 =	rddreg [dreg:$0x4];
	[sflag:s21] =	ssyncset.done $0x0  }
0xda: {  	s28 =	rddreg [dreg:$0x3];
	[sflag:s21] =	ssyncadd.s32 $0xFFFFD800;
	s26 =	sadd.s32 s25, s0  }
0xdb: {  	[tilespmem:s3], [sflag:$0x9] =	stream.linear.gather [hbm4b:s26+s3], $0x50, $0x38;
	[tilespmem:$0x1E400] =	vst v63  }
0xdc: {  	s8 =	sadd.s32 s25, s28;
	s0 =	simm.s32 $0x200  }
0xdd: {  	[tilespmem:s0], [sflag:$0xD] =	stream.linear.gather [hbm4b:s8+s3], $0x50, $0x38;
	[tilespmem:$0x1E400] =	vst v63  }
0xde: {  	_ =	swait.ge [sflag:s22], $0x2800  }
0xdf: {  	s8 =	simm.s32 $0x80;
	s10 =	rddreg [dreg:$0xa];
	[sflag:s22] =	ssyncset.done $0x0  }
0xe0: {  	s12 =	rddreg [dreg:$0x9];
	[sflag:s22] =	ssyncadd.s32 $0xFFFFD800;
	s26 =	sadd.s32 s25, s10  }
0xe1: {  	[tilespmem:s8], [sflag:$0xA] =	stream.linear.gather [hbm4b:s26+s3], $0x50, $0x38;
	[tilespmem:$0x1E400] =	vst v63  }
0xe2: {  	s28 =	sadd.s32 s25, s12;
	s10 =	simm.s32 $0x280  }
0xe3: {  	[tilespmem:s10], [sflag:$0xE] =	stream.linear.gather [hbm4b:s28+s3], $0x50, $0x38;
	[tilespmem:$0x1E400] =	vst v63  }
0xe4: {  	_ =	swait.ge [sflag:s5], $0x2800  }
0xe5: {  	s12 =	simm.s32 $0x100;
	s30 =	rddreg [dreg:$0x8];
	[sflag:s5] =	ssyncset.done $0x0  }
0xe6: {  	s31 =	rddreg [dreg:$0x7];
	[sflag:s5] =	ssyncadd.s32 $0xFFFFD800;
	s26 =	sadd.s32 s25, s30  }
0xe7: {  	[tilespmem:s12], [sflag:$0xB] =	stream.linear.gather [hbm4b:s26+s3], $0x50, $0x38;
	[tilespmem:$0x1E400] =	vst v63  }
0xe8: {  	s28 =	sadd.s32 s25, s31;
	s30 =	simm.s32 $0x300  }
0xe9: {  	[tilespmem:s30], [sflag:$0xF] =	stream.linear.gather [hbm4b:s28+s3], $0x50, $0x38;
	[tilespmem:$0x1E400] =	vst v63  }
0xea: {  	_ =	swait.ge [sflag:s24], $0x2800  }
0xeb: {  	s31 =	rddreg [dreg:$0x6]  }
0xec: {  	[sflag:s24] =	ssyncset.done $0x0;
	s28 =	rddreg [dreg:$0x5]  }
0xed: {  	[sflag:s24] =	ssyncadd.s32 $0xFFFFD800;
	s26 =	sadd.s32 s25, s31;
	s31 =	simm.s32 $0x180  }
0xee: {  	[tilespmem:s31], [sflag:$0xC] =	stream.linear.gather [hbm4b:s26+s3], $0x50, $0x38;
	[tilespmem:$0x1E400] =	vst v63  }
0xef: {  	s25 =	sadd.s32 s25, s28;
	s26 =	simm.s32 $0x380  }
0xf0: {  	[tilespmem:s26], [sflag:$0x10] =	stream.linear.gather [hbm4b:s25+s3], $0x50, $0x38;
	[tilespmem:$0x1E400] =	vst v63  }
0xf1: {  	_ =	swait.ge [sflag:s1], $0x50  }
0xf2: {  	[sflag:s1] =	ssyncset.done $0x0  }
0xf3: {  	[sflag:s1] =	ssyncadd.s32 $0xFFFFFFB0  }
0xf4: {  	[tilespmem:s29], [sflag:$0x1] =	stream.indirect.gather [hbm4b:s4+s6], $0x80, s3, s6, $0xb8;
	[tilespmem:$0x1E400] =	vst v63  }
0xf5: {  	_ =	swait.ge [sflag:s7], $0x50  }
0xf6: {  	[sflag:s7] =	ssyncset.done $0x0  }
0xf7: {  	s28 =	simm.s32 $0x2C00;
	[sflag:s7] =	ssyncadd.s32 $0xFFFFFFB0  }
0xf8: {  	[tilespmem:s28], [sflag:$0x2] =	stream.indirect.gather [hbm4b:s4+s6], $0x80, s8, s6, $0xb8;
	[tilespmem:$0x1E400] =	vst v63  }
0xf9: {  	_ =	swait.ge [sflag:s9], $0x50  }
0xfa: {  	[sflag:s9] =	ssyncset.done $0x0  }
0xfb: {  	s8 =	simm.s32 $0x5400;
	[sflag:s9] =	ssyncadd.s32 $0xFFFFFFB0  }
0xfc: {  	[tilespmem:s8], [sflag:$0x3] =	stream.indirect.gather [hbm4b:s4+s6], $0x80, s12, s6, $0xb8;
	[tilespmem:$0x1E400] =	vst v63  }
0xfd: {  	_ =	swait.ge [sflag:s11], $0x50  }
0xfe: {  	[sflag:s11] =	ssyncset.done $0x0  }
0xff: {  	s25 =	simm.s32 $0x7C00;
	[sflag:s11] =	ssyncadd.s32 $0xFFFFFFB0  }
0x100: {  	[tilespmem:s25], [sflag:$0x4] =	stream.indirect.gather [hbm4b:s4+s6], $0x80, s31, s6, $0xb8;
	[tilespmem:$0x1E400] =	vst v63  }
0x101: {  	_ =	swait.ge [sflag:s13], $0x2800  }
0x102: {  	[sflag:s13] =	ssyncset.done $0x0  }
0x103: {  	[sflag:s13] =	ssyncadd.s32 $0xFFFFD800  }
0x104: {  	_ =	swait.ge [sflag:s14], $0x50  }
0x105: {  	[sflag:s14] =	ssyncset.done $0x0  }
0x106: {  	[sflag:s14] =	ssyncadd.s32 $0xFFFFFFB0  }
0x107: {  	[spmem:s2] =	stream.indirect.scatter.add.f32 [tilespmem:s29], [sflag:$0x5], $0x80, s0, s6, $0xb8;
	[tilespmem:$0x1E400] =	vst v63  }
0x108: {  	_ =	swait.ge [sflag:s15], $0x2800  }
0x109: {  	[sflag:s15] =	ssyncset.done $0x0  }
0x10a: {  	[sflag:s15] =	ssyncadd.s32 $0xFFFFD800  }
0x10b: {  	_ =	swait.ge [sflag:s16], $0x50  }
0x10c: {  	[sflag:s16] =	ssyncset.done $0x0  }
0x10d: {  	[sflag:s16] =	ssyncadd.s32 $0xFFFFFFB0  }
0x10e: {  	[spmem:s2] =	stream.indirect.scatter.add.f32 [tilespmem:s28], [sflag:$0x6], $0x80, s10, s6, $0xb8;
	[tilespmem:$0x1E400] =	vst v63  }
0x10f: {  	_ =	swait.ge [sflag:s17], $0x2800  }
0x110: {  	[sflag:s17] =	ssyncset.done $0x0  }
0x111: {  	[sflag:s17] =	ssyncadd.s32 $0xFFFFD800  }
0x112: {  	_ =	swait.ge [sflag:s18], $0x50  }
0x113: {  	[sflag:s18] =	ssyncset.done $0x0  }
0x114: {  	[sflag:s18] =	ssyncadd.s32 $0xFFFFFFB0  }
0x115: {  	[spmem:s2] =	stream.indirect.scatter.add.f32 [tilespmem:s8], [sflag:$0x7], $0x80, s30, s6, $0xb8;
	[tilespmem:$0x1E400] =	vst v63  }
0x116: {  	p0 =	sne.s32 s23, $0x4B0;
	_ =	swait.ge [sflag:s19], $0x2800  }
.Ltmp1:
0x117: {  	[sflag:s19] =	ssyncset.done $0x0;
	(pc) =	sbr.rel @p0 .LBB2_4-.Ltmp1, $4  }
0x118: {  	[sflag:s19] =	ssyncadd.s32 $0xFFFFD800  }
0x119: {  	_ =	swait.ge [sflag:s20], $0x50  }
0x11a: {  	[sflag:s20] =	ssyncset.done $0x0  }
0x11b: {  	s23 =	sadd.s32 $0x28, s23;
	[sflag:s20] =	ssyncadd.s32 $0xFFFFFFB0  }
0x11c: {  	[spmem:s2] =	stream.indirect.scatter.add.f32 [tilespmem:s25], [sflag:$0x8], $0x80, s26, s6, $0xb8;
	[tilespmem:$0x1E400] =	vst v63  }
0x11d: {  	_ =	swait.ge [sflag:s21], $0x2800  }
0x11e: {  	[sflag:s21] =	ssyncset.done $0x0  }
0x11f: {  	[sflag:s21] =	ssyncadd.s32 $0xFFFFD800  }
0x120: {  	_ =	swait.ge [sflag:s22], $0x2800  }
0x121: {  	[sflag:s22] =	ssyncset.done $0x0  }
0x122: {  	[sflag:s22] =	ssyncadd.s32 $0xFFFFD800  }
0x123: {  	_ =	swait.ge [sflag:s5], $0x2800  }
0x124: {  	[sflag:s5] =	ssyncset.done $0x0  }
0x125: {  	[sflag:s5] =	ssyncadd.s32 $0xFFFFD800  }
0x126: {  	_ =	swait.ge [sflag:s24], $0x2800  }
0x127: {  	[sflag:s24] =	ssyncset.done $0x0  }
0x128: {  	[sflag:s24] =	ssyncadd.s32 $0xFFFFD800  }
0x129: {  	s23 =	stileid.u32;
	[bflag:$0x0] =	sbarrier.arrive $0xFFFF  }
0x12a: {  	s29 =	simm.s32 $0x11;
	s23 =	sshll.u32 s23, $0x6;
	s26 =	rddreg [dreg:$0xb]  }
0x12b: {  	s23 =	sor.u32 $0x1C11, s23;
	s28 =	rddreg [dreg:$0x1b];
	s30 =	sshrl.u32 s26, $0x3  }
0x12c: {  	[hbm:s28], [sflag:s23] =	dma.local [spmem:s30], $0x2800  }
0x12d: {  	_ =	swait.ge [sflag:s29], $0x2800  }
0x12e: {  	s0 =	rddreg [dreg:$0x1d]  }
0x12f: {  	s31 =	rddreg [dreg:$0x1c];
	s0 =	sadd.s32 $0x1, s0  }
0x130: {  	p0 =	sne.s32 s0, s31  }
.Ltmp2:
0x131: {  	_ = 	snop;
	(pc) =	sbr.rel @p0 .LBB2_1-.Ltmp2, $3  }
0x132: {  	_ =	sdelay $0x1  }
0x133: {  	[sflag:s29] =	ssyncset.done $0x0  }
0x134: {  	s28 =	simm.s32 $0x400;
	[sflag:s29] =	ssyncadd.s32 $0xFFFFD800  }
0x135: {  	_ =	sfence.sel $0x180000  }
0x136: {  	[bflag:$0x0] =	sbarrier.arrive $0xFFFF  }
0x137: {  	_ =	strace $0x9000004D  }
0x138: {  	s0 =	stileid.u32;
	[bflag:$0x2] =	sbarrier.arrive $0xFFFF  }
0x139: {  	p0 =	sne.s32 s0, $0x0;
	s0 =	rddreg [dreg:$0x2]  }
0x13a: {  	s0 =	sadd.s32 @!p0 $0x100000, s0  }
0x13b: {  	[sflag:s0] =	ssyncadd.tile.s32 @!p0 $0x1;
	_ =	shalt  }
.Lfunc_end2:
_tile_overlayer_lowered:
.L_overlay_start_2:
0x13c: {  	(tag) =	ssettag $0x2  }
0x13d: {  	s0 =	rddreg [dreg:$0x0];
	s2 =	stileid.u32  }
0x13e: {  	s1 =	rddreg [dreg:$0x1];
	p0 =	sne.s32 s2, $0x0  }
0x13f: {  	s3 =	rddreg [dreg:$0x2];
	[bflag:$0x3] =	sbarrier.arrive $0xFFFF;
	s2 =	simm.s32 @!p0 $0x1C11  }
0x140: {  	[timem:s3], [sflag:s2] =	dma.local @!p0 [hbm:s0], s1  }
0x141: {  	s0 =	simm.s32 @!p0 $0x11  }
0x142: {  	_ =	swait.ge @!p0 [sflag:s0], s1  }
0x143: {  	s1 =	ssub.s32 @!p0 $0x0, s1;
	[sflag:s0] =	ssyncset.done @!p0 $0x0  }
0x144: {  	[sflag:s0] =	ssyncadd.s32 @!p0 s1  }
0x145: {  	[bflag:$0x3] =	sbarrier.arrive $0xFFFF  }
0x146: {  	_ =	shalt  }

// kernel: kernel.9.cloned.1.call-start
scs
__scs_entry_jumppad:
0x0: {  	(pc) =	sbr.rel $0x88, $3  }
0x1: {  	(tag) =	ssettag $0x0;
	lr =	simm.s32 $0x1  }
0x2: {  	[smem:$0x3F99] =	sst lr;
	_ =	strace $0xD0000000  }
0x3: {  	_ = 	snop  }
0x4: {  	_ = 	snop  }
0x5: {  	_ = 	snop  }
0x6: {  	_ = 	snop  }
0x7: {  	_ = 	snop  }
__scs_overlays_trampoline_lowered:
0x8: {  	[smem:$0x3FA8] =	sst s0  }
0x9: {  	[smem:$0x3FA9] =	sst s1  }
0xa: {  	[smem:$0x3FAA] =	sst s2  }
0xb: {  	[smem:$0x3FAB] =	sst s3  }
0xc: {  	[smem:$0x3FAC] =	sst s4  }
0xd: {  	[smem:$0x3FAD] =	sst s5  }
0xe: {  	[smem:$0x3FAE] =	sst s6  }
0xf: {  	[smem:$0x3FAF] =	sst s7  }
0x10: {  	[smem:$0x3FB0] =	sst s8  }
0x11: {  	[smem:$0x3FB1] =	sst s9;
	s0 =	simm.s32 @!p0 $0x0  }
0x12: {  	s1 =	sld [smem:$0x3F97];
	s0 =	simm.s32 @p0 $0x1  }
0x13: {  	[smem:$0x3FB2] =	sst s0;
	s0 =	simm.s32 @!p1 $0x0  }
0x14: {  	s2 =	sld [smem:$0x3F96];
	s0 =	simm.s32 @p1 $0x1  }
0x15: {  	[smem:$0x3FB3] =	sst s0;
	s0 =	simm.s32 @!p2 $0x0  }
0x16: {  	s3 =	sld [smem:$0x3FDB];
	s0 =	simm.s32 @p2 $0x1  }
0x17: {  	s4 =	simm.s32 $0x1BF5;
	[smem:$0x3FB5] =	sst s0  }
0x18: {  	s0 =	sld [smem:$0x3F98];
	_ =	swait.ge [sflag:s4], $0x0  }
0x19: {  	s7 =	sld [smem:$0x3F99]  }
0x1a: {  	s8 =	sadd.s32 $0xFFFFE003, lr  }
0x1b: {  	s9 =	sadd.s32 $0xFFFFFEF7, lr;
	s5 =	simm.s32 $0xFFFFFFFF;
	p2 =	slt.u32 s8, $0xFFFFF086  }
0x1c: {  	p1 =	slt.u32 s9, $0xF7A;
	s5 =	simm.s32 @!p2 $0x0  }
0x1d: {  	s5 =	simm.s32 @p1 $0x1;
	p0 =	seq.s32 s7, s2  }
0x1e: {  	s7 =	smul.u32 @!p0 $0xF7A, s2;
	p2 =	seq.s32 @!p0 s5, $0x0  }
0x1f: {  	s9 =	smul.u32 $0xF7A, s1;
	s8 =	simm.s32 @!p0 $0x1BF5;
	p2 =	por !p2, p0  }
0x20: {  	[sflag:s8] =	ssyncset.s32 @!p0 $0xFFFFF086;
	s6 =	sadd.s32 @!p0 s3, s7;
	s7 =	simm.s32 @!p0 $0x108  }
0x21: {  	s3 =	sadd.s32 s3, s9;
	s6 =	sadd.s32 @!p0 $0x88, s6;
	s7 =	simm.s32 @p2 $0x1082  }
0x22: {  	[simem:s7], [sflag:s8] =	dma.local @!p0 [hbm:s6], $0xF7A  }
0x23: {  	s9 =	sor.u32 $0xD0000000, s2;
	s6 =	simm.s32 $0x108;
	_ =	swait.ge @!p0 [sflag:s8], $0x0  }
0x24: {  	s3 =	sadd.s32 $0x88, s3;
	s6 =	simm.s32 @!p1 $0x1082;
	[sflag:s4] =	ssyncset.s32 $0xFFFFF086  }
0x25: {  	[simem:s6], [sflag:s4] =	dma.local [hbm:s3], $0xF7A  }
0x26: {  	[smem:$0x3F99] =	sst s1;
	(tag) =	ssettag s2;
	_ =	strace s9  }
0x27: {  	s1 =	sld [smem:$0x3FA9]  }
0x28: {  	s2 =	sld [smem:$0x3FAA]  }
0x29: {  	s4 =	sld [smem:$0x3FAC]  }
0x2a: {  	p0 =	seq.s32 s5, $0x0;
	s5 =	sld [smem:$0x3FAD]  }
0x2b: {  	s6 =	sld [smem:$0x3FAE]  }
0x2c: {  	s7 =	sld [smem:$0x3FAF]  }
0x2d: {  	s3 =	simm.s32 $0x108;
	s8 =	sld [smem:$0x3FB0]  }
0x2e: {  	s3 =	simm.s32 @!p0 $0x1082;
	s9 =	sld [smem:$0x3FB1]  }
0x2f: {  	lr =	sadd.s32 s0, s3;
	s0 =	sld [smem:$0x3FA8]  }
0x30: {  	s3 =	sld [smem:$0x3FAB]  }
0x31: {  	[smem:$0x3FB4] =	sst s10  }
0x32: {  	s10 =	sld [smem:$0x3FB2];
	_ =	sdelay $0x3  }
0x33: {  	p0 =	seq.s32 s10, $0x1;
	s10 =	sld [smem:$0x3FB4];
	_ =	sdelay $0x3  }
0x34: {  	[smem:$0x3FB4] =	sst s10  }
0x35: {  	s10 =	sld [smem:$0x3FB3];
	_ =	sdelay $0x3  }
0x36: {  	p1 =	seq.s32 s10, $0x1;
	s10 =	sld [smem:$0x3FB4];
	_ =	sdelay $0x3  }
0x37: {  	[smem:$0x3FB4] =	sst s10  }
0x38: {  	s10 =	sld [smem:$0x3FB5]  }
0x39: {  	_ = 	snop;
	(pc) =	sbr.ind lr, $3  }
0x3a: {  	_ = 	snop  }
0x3b: {  	_ = 	snop  }
0x3c: {  	p2 =	seq.s32 s10, $0x1;
	s10 =	sld [smem:$0x3FB4]  }
0x3d: {  	_ =	shalt  }
0x3e: {  	_ =	shalt  }
0x3f: {  	_ =	shalt  }
0x40: {  	_ =	shalt  }
0x41: {  	_ =	shalt  }
0x42: {  	_ =	shalt  }
0x43: {  	_ =	shalt  }
0x44: {  	_ =	shalt  }
0x45: {  	_ =	shalt  }
0x46: {  	_ =	shalt  }
0x47: {  	_ =	shalt  }
0x48: {  	_ =	shalt  }
0x49: {  	_ =	shalt  }
0x4a: {  	_ =	shalt  }
0x4b: {  	_ =	shalt  }
0x4c: {  	_ =	shalt  }
0x4d: {  	_ =	shalt  }
0x4e: {  	_ =	shalt  }
0x4f: {  	_ =	shalt  }
0x50: {  	_ =	shalt  }
0x51: {  	_ =	shalt  }
0x52: {  	_ =	shalt  }
0x53: {  	_ =	shalt  }
0x54: {  	_ =	shalt  }
0x55: {  	_ =	shalt  }
0x56: {  	_ =	shalt  }
0x57: {  	_ =	shalt  }
0x58: {  	_ =	shalt  }
0x59: {  	_ =	shalt  }
0x5a: {  	_ =	shalt  }
0x5b: {  	_ =	shalt  }
0x5c: {  	_ =	shalt  }
0x5d: {  	_ =	shalt  }
0x5e: {  	_ =	shalt  }
0x5f: {  	_ =	shalt  }
0x60: {  	_ =	shalt  }
0x61: {  	_ =	shalt  }
0x62: {  	_ =	shalt  }
0x63: {  	_ =	shalt  }
0x64: {  	_ =	shalt  }
0x65: {  	_ =	shalt  }
0x66: {  	_ =	shalt  }
0x67: {  	_ =	shalt  }
0x68: {  	_ =	shalt  }
0x69: {  	_ =	shalt  }
0x6a: {  	_ =	shalt  }
0x6b: {  	_ =	shalt  }
0x6c: {  	_ =	shalt  }
0x6d: {  	_ =	shalt  }
0x6e: {  	_ =	shalt  }
0x6f: {  	_ =	shalt  }
0x70: {  	_ =	shalt  }
0x71: {  	_ =	shalt  }
0x72: {  	_ =	shalt  }
0x73: {  	_ =	shalt  }
0x74: {  	_ =	shalt  }
0x75: {  	_ =	shalt  }
0x76: {  	_ =	shalt  }
0x77: {  	_ =	shalt  }
0x78: {  	_ =	shalt  }
0x79: {  	_ =	shalt  }
0x7a: {  	_ =	shalt  }
0x7b: {  	_ =	shalt  }
0x7c: {  	_ =	shalt  }
0x7d: {  	_ =	shalt  }
0x7e: {  	_ =	shalt  }
0x7f: {  	_ =	shalt  }
0x80: {  	_ =	shalt  }
0x81: {  	_ =	shalt  }
0x82: {  	_ =	shalt  }
0x83: {  	_ =	shalt  }
0x84: {  	_ =	shalt  }
0x85: {  	_ =	shalt  }
0x86: {  	_ =	shalt  }
0x87: {  	_ =	shalt  }
.Lfunc_end0:
.L_simem_size_0:
called_computation_lowered:
.L_overlay_start_0:
0x88: {  	s2 =	sld [smem:$0x3FD9]  }
0x89: {  	s3 =	sld [smem:$0x3FFE];
	_ =	sdelay $0x1  }
0x8a: {  	s1 =	srdreg.scid  }
0x8b: {  	s0 =	sand.u32 $0x1, s1  }
0x8c: {  	s17 =	sshll.u32 s0, $0xA;
	s2 =	sadd.s32 s3, s2  }
0x8d: {  	s2 =	sadd.s32 s2, s17  }
0x8e: {  	[smem:$0x3FC0] =	sst s2  }
0x8f: {  	_ = 	snop  }
0x90: {  	s2 =	sld [smem:$0x3FD0];
	(tm) =	ssettm $0x1  }
0x91: {  	s18 =	sld [smem:$0x3FFB];
	_ =	sdelay $0x3  }
0x92: {  	_ =	strace s18  }
0x93: {  	s3 =	sld [smem:$0x3FFC];
	_ =	sdelay $0x3  }
0x94: {  	_ =	strace s3  }
0x95: {  	s3 =	sld [smem:$0x3FFD];
	_ =	sdelay $0x3  }
0x96: {  	_ =	strace s3  }
0x97: {  	_ =	strace $0x8FFFFFFF  }
0x98: {  	s19 =	sld [smem:$0x3FDB];
	_ =	sdelay $0x1  }
0x99: {  	s4 =	simm.s32 $_scs_section_size  }
0x9a: {  	s5 =	simm.s32 $_size__tile_overlayer_lowered;
	s6 =	simm.s32 $_tile_overlayer_lowered  }
0x9b: {  	s22 =	simm.s32 $0x1BFF;
	s21 =	sshll.u32 s6, $0x1;
	s3 =	sadd.s32 s4, s19  }
0x9c: {  	s7 =	simm.s32 $0x0;
	s20 =	sshll.u32 s5, $0x1;
	s5 =	sadd.s32 s21, s3  }
0x9d: {  	[timem:s7], [sflag:s22] =	dma.local [hbm:s5], s20  }
0x9e: {  	_ =	swait.ge [sflag:s22], s20  }
0x9f: {  	s4 =	ssub.s32 $0x0, s20;
	[sflag:s22] =	ssyncset.done $0x0  }
0xa0: {  	[sflag:s22] =	ssyncadd.s32 s4;
	_ =	sdelay $0x1  }
0xa1: {  	s23 =	simm.s32 $0x1B8B  }
0xa2: {  	_ =	swait.ge [sflag:s23], $0x1  }
0xa3: {  	[sflag:s23] =	ssyncset.done $0x0  }
0xa4: {  	s25 =	simm.s32 $0x1B8E;
	s24 =	sld [smem:$0x3FFE];
	[sflag:s23] =	ssyncadd.s32 $0xFFFFFFFF  }
0xa5: {  	s26 =	simm.s32 $execute0_lowered;
	[smem:$0x3FD2] =	sst s25  }
0xa6: {  	s5 =	sshll.u32 s26, $0x1;
	_ =	strace $0x80000046;
	[dreg:$0x1] =	wrdreg $0xFFFFFFFF  }
0xa7: {  	s28 =	simm.s32 $_size_execute0_lowered;
	s3 =	sadd.s32 s3, s5;
	[dreg:$0x0] =	wrdreg $0x0  }
0xa8: {  	s5 =	sshll.u32 s28, $0x1;
	[dreg:$0x2] =	wrdreg s3  }
0xa9: {  	[dreg:$0x3] =	wrdreg s5  }
0xaa: {  	[dreg:$0x4] =	wrdreg $0xC0  }
0xab: {  	_ =	task [dreg:s7], $0x5FFFF  }
0xac: {  	[dreg:$0x1] =	wrdreg $0xFFFFFFFF  }
0xad: {  	[dreg:$0x0] =	wrdreg $0x60  }
0xae: {  	[dreg:$0x2] =	wrdreg s24  }
0xaf: {  	[dreg:$0x3] =	wrdreg s2  }
0xb0: {  	[dreg:$0x4] =	wrdreg $0x2800  }
0xb1: {  	[dreg:$0x5] =	wrdreg $0x9  }
0xb2: {  	_ =	task.clear_ibuf [dreg:s7], $0x6FFFF;
	_ =	strace $0x90000046  }
0xb3: {  	s29 =	simm.s32 $0x9;
	_ =	strace $0x80000048  }
0xb4: {  	_ =	swait.ge [sflag:s29], $0x1  }
0xb5: {  	[sflag:s29] =	ssyncadd.s32 $0xFFFFFFFF  }
0xb6: {  	_ =	strace $0x90000048  }
0xb7: {  	_ =	sfence  }
0xb8: {  	s30 =	sld [smem:$0x0];
	_ =	sdelay $0x2  }
0xb9: {  	s31 =	sshll.u32 s1, $0xD;
	s1 =	sshrl.u32 s1, $0x2  }
0xba: {  	s3 =	sand.u32 $0x4000, s31;
	s1 =	sadd.s32 s1, s30  }
0xbb: {  	s0 =	sor.u32 s3, s0;
	s1 =	sshll.u32 s1, $0x11  }
0xbc: {  	s0 =	sor.u32 s1, s0  }
0xbd: {  	s0 =	sadd.s32 $0x8F2B, s0  }
0xbe: {  	[sflag:s0] =	ssyncadd.remote.s32 $0x1  }
0xbf: {  	_ =	sfence.sel $0xFFFF  }
0xc0: {  	[dreg:$0x0] =	wrdreg $0xFFFFFFFF;
	(pc) =	sbr.abs _section_cstart, $3  }
0xc1: {  	[dreg:$0x1] =	wrdreg $0xFFFFFFFF  }
0xc2: {  	_ =	task.clear_ibuf [dreg:s7], $0x2FFFF;
	_ =	strace $0x9FFFFFFF  }
0xc3: {  	(tm) =	ssettm $0x7FFFFFFF  }
tec
execute0_lowered:
.L_overlay_start_1:
0x0: {  	(tag) =	ssettag $0x1  }
0x1: {  	s0 =	rddreg [dreg:$0x0]  }
0x2: {  	s2 =	rddreg [dreg:$0x1]  }
0x3: {  	s1 =	rddreg [dreg:$0x2]  }
0x4: {  	s3 =	simm.s32 $0x0;
	s4 =	srdreg.scid;
	s10 =	stileid.u32  }
0x5: {  	s28 =	simm.s32 $0x5;
	s29 =	simm.s32 $0x50;
	s30 =	simm.s32 $0x6  }
0x6: {  	s31 =	simm.s32 $0x7;
	[smem:$0x7FF] =	sst s3;
	s6 =	smul.u32 $0x280, s10  }
0x7: {  	s5 =	sand.u32 $0x1, s4;
	s0 =	sadd.s32 $0xCE00, s0;
	s14 =	smul.u32 $0x2800, s10  }
0x8: {  	_ =	strace $0x80000047;
	s4 =	ssub.s32 $0x2, s5;
	s19 =	smul.u32 $0x28000, s5  }
0x9: {  	s8 =	sshll.u32 s5, $0x4;
	s5 =	smul.u32 $0x2800, s5;
	s7 =	sshrl.u32 s4, $0x1  }
0xa: {  	s8 =	sor.u32 s10, s8;
	s7 =	ssub.s32 s4, s7;
	s4 =	sadd.s32 s6, s1  }
0xb: {  	s8 =	smul.u32 $0x2800, s8;
	s22 =	sadd.s32 s14, s19;
	s9 =	sadd.s32 $0x50, s4  }
0xc: {  	s5 =	sadd.s32 s6, s5;
	s16 =	sadd.s32 $0xA0, s4;
	[dreg:$0x4] =	wrdreg s9  }
0xd: {  	s17 =	sadd.s32 $0xF0, s4;
	s18 =	sadd.s32 $0x140, s4;
	[dreg:$0x5] =	wrdreg s16  }
0xe: {  	s11 =	sadd.s32 $0x190, s4;
	s20 =	sadd.s32 $0x1E0, s4;
	[dreg:$0x6] =	wrdreg s17  }
0xf: {  	s21 =	sadd.s32 $0x230, s4;
	s23 =	sor.u32 $0x140, s22;
	[dreg:$0x7] =	wrdreg s18  }
0x10: {  	s5 =	sshrl.u32 s5, $0x3;
	s24 =	sor.u32 $0x230, s22;
	[dreg:$0x8] =	wrdreg s11  }
0x11: {  	s25 =	sor.u32 $0x1E0, s22;
	s26 =	sor.u32 $0x190, s22;
	[dreg:$0x9] =	wrdreg s20  }
0x12: {  	s22 =	simm.s32 $0x200;
	s8 =	sshrl.u32 s8, $0x3;
	[dreg:$0xa] =	wrdreg s21  }
0x13: {  	s6 =	sshrl.u32 s23, $0x3;
	s16 =	sadd.s32 s2, s5;
	s17 =	smax.u32 s7, $0x1  }
0x14: {  	s2 =	sshrl.u32 s24, $0x3;
	s5 =	sshrl.u32 s25, $0x3;
	s23 =	simm.s32 $0x9  }
0x15: {  	s24 =	simm.s32 $0x80;
	s25 =	simm.s32 $0x100;
	s7 =	simm.s32 $0x4  }
0x16: {  	s11 =	sadd.s32 s0, s8;
	s18 =	sadd.s32 s6, s0;
	s6 =	sshrl.u32 s26, $0x3  }
0x17: {  	s19 =	sadd.s32 s2, s0;
	s20 =	sadd.s32 s5, s0;
	s26 =	simm.s32 $0x180  }
0x18: {  	s2 =	simm.s32 $0x1;
	s5 =	simm.s32 $0x2;
	s8 =	simm.s32 $0x0  }
0x19: {  	s13 =	sadd.s32 $0xA, s11;
	s14 =	sadd.s32 $0x14, s11;
	s15 =	sadd.s32 $0x1E, s11  }
0x1a: {  	v0 =	vimm.f32 $0.0e+00;
	v1 =	vimm.f32 $1.000000000e+00;
	s21 =	sadd.s32 s6, s0;
	s0 =	simm.s32 $0x8;
	s6 =	simm.s32 $0x3  }
.LBB2_1:
0x1b: {  	[tilespmem:$0x200] =	vst v0  }
0x1c: {  	[tilespmem:$0x210] =	vst v0  }
0x1d: {  	[tilespmem:$0x220] =	vst v0  }
0x1e: {  	[tilespmem:$0x230] =	vst v0  }
0x1f: {  	[tilespmem:$0x240] =	vst v0  }
0x20: {  	[spmem:s4] =	stream.linear.scatter [tilespmem:s22], [sflag:$0x9], $0x50, $0x38;
	[tilespmem:$0x500] =	vst v63  }
0x21: {  	_ =	swait.ge [sflag:s23], $0x50  }
0x22: {  	[sflag:s23] =	ssyncset.done $0x0  }
0x23: {  	s9 =	rddreg [dreg:$0x4];
	[sflag:s23] =	ssyncadd.s32 $0xFFFFFFB0  }
0x24: {  	[spmem:s9] =	stream.linear.scatter [tilespmem:s22], [sflag:$0x9], $0x50, $0x38;
	[tilespmem:$0x500] =	vst v63  }
0x25: {  	_ =	swait.ge [sflag:s23], $0x50  }
0x26: {  	[sflag:s23] =	ssyncset.done $0x0  }
0x27: {  	s10 =	rddreg [dreg:$0x5];
	[sflag:s23] =	ssyncadd.s32 $0xFFFFFFB0  }
0x28: {  	[spmem:s10] =	stream.linear.scatter [tilespmem:s22], [sflag:$0x9], $0x50, $0x38;
	[tilespmem:$0x500] =	vst v63  }
0x29: {  	_ =	swait.ge [sflag:s23], $0x50  }
0x2a: {  	[sflag:s23] =	ssyncset.done $0x0  }
0x2b: {  	s12 =	rddreg [dreg:$0x6];
	[sflag:s23] =	ssyncadd.s32 $0xFFFFFFB0  }
0x2c: {  	[spmem:s12] =	stream.linear.scatter [tilespmem:s22], [sflag:$0x9], $0x50, $0x38;
	[tilespmem:$0x500] =	vst v63  }
0x2d: {  	_ =	swait.ge [sflag:s23], $0x50  }
0x2e: {  	[sflag:s23] =	ssyncset.done $0x0  }
0x2f: {  	s10 =	rddreg [dreg:$0x7];
	[sflag:s23] =	ssyncadd.s32 $0xFFFFFFB0  }
0x30: {  	[spmem:s10] =	stream.linear.scatter [tilespmem:s22], [sflag:$0x9], $0x50, $0x38;
	[tilespmem:$0x500] =	vst v63  }
0x31: {  	_ =	swait.ge [sflag:s23], $0x50  }
0x32: {  	[sflag:s23] =	ssyncset.done $0x0  }
0x33: {  	s12 =	rddreg [dreg:$0x8];
	[sflag:s23] =	ssyncadd.s32 $0xFFFFFFB0  }
0x34: {  	[spmem:s12] =	stream.linear.scatter [tilespmem:s22], [sflag:$0x9], $0x50, $0x38;
	[tilespmem:$0x500] =	vst v63  }
0x35: {  	_ =	swait.ge [sflag:s23], $0x50  }
0x36: {  	[sflag:s23] =	ssyncset.done $0x0  }
0x37: {  	s10 =	rddreg [dreg:$0x9];
	[sflag:s23] =	ssyncadd.s32 $0xFFFFFFB0  }
0x38: {  	[spmem:s10] =	stream.linear.scatter [tilespmem:s22], [sflag:$0x9], $0x50, $0x38;
	[tilespmem:$0x500] =	vst v63  }
0x39: {  	_ =	swait.ge [sflag:s23], $0x50  }
0x3a: {  	[sflag:s23] =	ssyncset.done $0x0  }
0x3b: {  	s12 =	rddreg [dreg:$0xa];
	[sflag:s23] =	ssyncadd.s32 $0xFFFFFFB0  }
0x3c: {  	[spmem:s12] =	stream.linear.scatter [tilespmem:s22], [sflag:$0x9], $0x50, $0x38;
	[tilespmem:$0x500] =	vst v63  }
0x3d: {  	_ =	swait.ge [sflag:s23], $0x50  }
0x3e: {  	[sflag:s23] =	ssyncset.done $0x0  }
0x3f: {  	[sflag:s23] =	ssyncadd.s32 $0xFFFFFFB0  }
0x40: {  	[tilespmem:$0x200] =	vst v1  }
0x41: {  	[tilespmem:$0x210] =	vst v1  }
0x42: {  	[tilespmem:$0x220] =	vst v1  }
0x43: {  	[tilespmem:$0x230] =	vst v1  }
0x44: {  	[tilespmem:$0x240] =	vst v1  }
0x45: {  	[bflag:$0x0] =	sbarrier.arrive $0xFFFF  }
0x46: {  	[tilespmem:s3], [sflag:$0x5] =	stream.linear.gather [hbm4b:s11+s3], $0x50, $0x38;
	[tilespmem:$0x500] =	vst v63  }
0x47: {  	_ = 	snop  }
0x48: {  	[tilespmem:s24], [sflag:$0x6] =	stream.linear.gather [hbm4b:s13+s3], $0x50, $0x38;
	[tilespmem:$0x500] =	vst v63  }
0x49: {  	_ = 	snop  }
0x4a: {  	[tilespmem:s25], [sflag:$0x7] =	stream.linear.gather [hbm4b:s14+s3], $0x50, $0x38;
	[tilespmem:$0x500] =	vst v63  }
0x4b: {  	_ = 	snop  }
0x4c: {  	[tilespmem:s26], [sflag:$0x8] =	stream.linear.gather [hbm4b:s15+s3], $0x50, $0x38;
	[tilespmem:$0x500] =	vst v63  }
0x4d: {  	_ =	swait.ge [sflag:s28], $0x50  }
0x4e: {  	[sflag:s28] =	ssyncset.done $0x0  }
0x4f: {  	[sflag:s28] =	ssyncadd.s32 $0xFFFFFFB0  }
0x50: {  	[spmem:s1] =	stream.indirect.scatter.add.f32 [tilespmem:s22], [sflag:$0x1], $0x1, s3, s29, $0xb8;
	[tilespmem:$0x500] =	vst v63  }
0x51: {  	_ =	swait.ge [sflag:s30], $0x50  }
0x52: {  	[sflag:s30] =	ssyncset.done $0x0  }
0x53: {  	[sflag:s30] =	ssyncadd.s32 $0xFFFFFFB0  }
0x54: {  	[spmem:s1] =	stream.indirect.scatter.add.f32 [tilespmem:s22], [sflag:$0x2], $0x1, s24, s29, $0xb8;
	[tilespmem:$0x500] =	vst v63  }
0x55: {  	_ =	swait.ge [sflag:s31], $0x50  }
0x56: {  	[sflag:s31] =	ssyncset.done $0x0  }
0x57: {  	[sflag:s31] =	ssyncadd.s32 $0xFFFFFFB0  }
0x58: {  	[spmem:s1] =	stream.indirect.scatter.add.f32 [tilespmem:s22], [sflag:$0x3], $0x1, s25, s29, $0xb8;
	[tilespmem:$0x500] =	vst v63  }
0x59: {  	_ =	swait.ge [sflag:s0], $0x50  }
0x5a: {  	[sflag:s0] =	ssyncset.done $0x0  }
0x5b: {  	[sflag:s0] =	ssyncadd.s32 $0xFFFFFFB0  }
0x5c: {  	[spmem:s1] =	stream.indirect.scatter.add.f32 [tilespmem:s22], [sflag:$0x4], $0x1, s26, s29, $0xb8;
	[tilespmem:$0x500] =	vst v63  }
0x5d: {  	_ =	swait.ge [sflag:s2], $0x50  }
0x5e: {  	[sflag:s2] =	ssyncset.done $0x0  }
0x5f: {  	s10 =	sadd.s32 $0x0, s18;
	[sflag:s2] =	ssyncadd.s32 $0xFFFFFFB0  }
0x60: {  	[tilespmem:s3], [sflag:$0x5] =	stream.linear.gather [hbm4b:s10+s3], $0x50, $0x38;
	[tilespmem:$0x500] =	vst v63  }
0x61: {  	_ =	swait.ge [sflag:s5], $0x50  }
0x62: {  	[sflag:s5] =	ssyncset.done $0x0  }
0x63: {  	s12 =	sadd.s32 $0x0, s21;
	[sflag:s5] =	ssyncadd.s32 $0xFFFFFFB0  }
0x64: {  	[tilespmem:s24], [sflag:$0x6] =	stream.linear.gather [hbm4b:s12+s3], $0x50, $0x38;
	[tilespmem:$0x500] =	vst v63  }
0x65: {  	_ =	swait.ge [sflag:s6], $0x50  }
0x66: {  	[sflag:s6] =	ssyncset.done $0x0  }
0x67: {  	s10 =	sadd.s32 $0x0, s20;
	[sflag:s6] =	ssyncadd.s32 $0xFFFFFFB0  }
0x68: {  	[tilespmem:s25], [sflag:$0x7] =	stream.linear.gather [hbm4b:s10+s3], $0x50, $0x38;
	[tilespmem:$0x500] =	vst v63  }
0x69: {  	_ =	swait.ge [sflag:s7], $0x50  }
0x6a: {  	[sflag:s7] =	ssyncset.done $0x0  }
0x6b: {  	s12 =	sadd.s32 $0x0, s19;
	[sflag:s7] =	ssyncadd.s32 $0xFFFFFFB0  }
0x6c: {  	[tilespmem:s26], [sflag:$0x8] =	stream.linear.gather [hbm4b:s12+s3], $0x50, $0x38;
	[tilespmem:$0x500] =	vst v63  }
0x6d: {  	_ =	swait.ge [sflag:s28], $0x50  }
0x6e: {  	[sflag:s28] =	ssyncset.done $0x0  }
0x6f: {  	[sflag:s28] =	ssyncadd.s32 $0xFFFFFFB0  }
0x70: {  	[spmem:s1] =	stream.indirect.scatter.add.f32 [tilespmem:s22], [sflag:$0x1], $0x1, s3, s29, $0xb8;
	[tilespmem:$0x500] =	vst v63  }
0x71: {  	_ =	swait.ge [sflag:s30], $0x50  }
0x72: {  	[sflag:s30] =	ssyncset.done $0x0  }
0x73: {  	[sflag:s30] =	ssyncadd.s32 $0xFFFFFFB0  }
0x74: {  	[spmem:s1] =	stream.indirect.scatter.add.f32 [tilespmem:s22], [sflag:$0x2], $0x1, s24, s29, $0xb8;
	[tilespmem:$0x500] =	vst v63  }
0x75: {  	_ =	swait.ge [sflag:s31], $0x50  }
0x76: {  	[sflag:s31] =	ssyncset.done $0x0  }
0x77: {  	[sflag:s31] =	ssyncadd.s32 $0xFFFFFFB0  }
0x78: {  	[spmem:s1] =	stream.indirect.scatter.add.f32 [tilespmem:s22], [sflag:$0x3], $0x1, s25, s29, $0xb8;
	[tilespmem:$0x500] =	vst v63  }
0x79: {  	_ =	swait.ge [sflag:s0], $0x50  }
0x7a: {  	[sflag:s0] =	ssyncset.done $0x0  }
0x7b: {  	s9 =	simm.s32 $0x28;
	[sflag:s0] =	ssyncadd.s32 $0xFFFFFFB0  }
.LBB2_2:
0x7c: {  	[spmem:s1] =	stream.indirect.scatter.add.f32 [tilespmem:s22], [sflag:$0x4], $0x1, s26, s29, $0xb8;
	[tilespmem:$0x500] =	vst v63  }
0x7d: {  	s10 =	smov.u32 s9  }
0x7e: {  	p0 =	sne.s32 s9, $0x4B0;
	s9 =	sadd.s32 $0x28, s9;
	_ =	swait.ge [sflag:s2], $0x50  }
0x7f: {  	[sflag:s2] =	ssyncset.done $0x0  }
0x80: {  	s12 =	sadd.s32 s10, s18;
	[sflag:s2] =	ssyncadd.s32 $0xFFFFFFB0  }
0x81: {  	[tilespmem:s3], [sflag:$0x5] =	stream.linear.gather [hbm4b:s12+s3], $0x50, $0x38;
	[tilespmem:$0x500] =	vst v63  }
0x82: {  	_ =	swait.ge [sflag:s5], $0x50  }
0x83: {  	[sflag:s5] =	ssyncset.done $0x0  }
0x84: {  	s12 =	sadd.s32 s10, s21;
	[sflag:s5] =	ssyncadd.s32 $0xFFFFFFB0  }
0x85: {  	[tilespmem:s24], [sflag:$0x6] =	stream.linear.gather [hbm4b:s12+s3], $0x50, $0x38;
	[tilespmem:$0x500] =	vst v63  }
0x86: {  	_ =	swait.ge [sflag:s6], $0x50  }
0x87: {  	[sflag:s6] =	ssyncset.done $0x0  }
0x88: {  	s12 =	sadd.s32 s10, s20;
	[sflag:s6] =	ssyncadd.s32 $0xFFFFFFB0  }
0x89: {  	[tilespmem:s25], [sflag:$0x7] =	stream.linear.gather [hbm4b:s12+s3], $0x50, $0x38;
	[tilespmem:$0x500] =	vst v63  }
0x8a: {  	_ =	swait.ge [sflag:s7], $0x50  }
0x8b: {  	[sflag:s7] =	ssyncset.done $0x0  }
0x8c: {  	s10 =	sadd.s32 s10, s19;
	[sflag:s7] =	ssyncadd.s32 $0xFFFFFFB0  }
0x8d: {  	[tilespmem:s26], [sflag:$0x8] =	stream.linear.gather [hbm4b:s10+s3], $0x50, $0x38;
	[tilespmem:$0x500] =	vst v63  }
0x8e: {  	_ =	swait.ge [sflag:s28], $0x50  }
0x8f: {  	[sflag:s28] =	ssyncset.done $0x0  }
0x90: {  	[sflag:s28] =	ssyncadd.s32 $0xFFFFFFB0  }
0x91: {  	[spmem:s1] =	stream.indirect.scatter.add.f32 [tilespmem:s22], [sflag:$0x1], $0x1, s3, s29, $0xb8;
	[tilespmem:$0x500] =	vst v63  }
0x92: {  	_ =	swait.ge [sflag:s30], $0x50  }
0x93: {  	[sflag:s30] =	ssyncset.done $0x0  }
0x94: {  	[sflag:s30] =	ssyncadd.s32 $0xFFFFFFB0  }
0x95: {  	[spmem:s1] =	stream.indirect.scatter.add.f32 [tilespmem:s22], [sflag:$0x2], $0x1, s24, s29, $0xb8;
	[tilespmem:$0x500] =	vst v63  }
0x96: {  	_ =	swait.ge [sflag:s31], $0x50  }
0x97: {  	[sflag:s31] =	ssyncset.done $0x0  }
.Ltmp0:
0x98: {  	[sflag:s31] =	ssyncadd.s32 $0xFFFFFFB0;
	(pc) =	sbr.rel @p0 .LBB2_2-.Ltmp0, $4  }
0x99: {  	[spmem:s1] =	stream.indirect.scatter.add.f32 [tilespmem:s22], [sflag:$0x3], $0x1, s25, s29, $0xb8;
	[tilespmem:$0x500] =	vst v63  }
0x9a: {  	_ =	swait.ge [sflag:s0], $0x50  }
0x9b: {  	[sflag:s0] =	ssyncset.done $0x0  }
0x9c: {  	[sflag:s0] =	ssyncadd.s32 $0xFFFFFFB0  }
0x9d: {  	[spmem:s1] =	stream.indirect.scatter.add.f32 [tilespmem:s22], [sflag:$0x4], $0x1, s26, s29, $0xb8;
	[tilespmem:$0x500] =	vst v63  }
0x9e: {  	_ =	swait.ge [sflag:s2], $0x50  }
0x9f: {  	[sflag:s2] =	ssyncset.done $0x0  }
0xa0: {  	[sflag:s2] =	ssyncadd.s32 $0xFFFFFFB0  }
0xa1: {  	_ =	swait.ge [sflag:s5], $0x50  }
0xa2: {  	[sflag:s5] =	ssyncset.done $0x0  }
0xa3: {  	[sflag:s5] =	ssyncadd.s32 $0xFFFFFFB0  }
0xa4: {  	_ =	swait.ge [sflag:s6], $0x50  }
0xa5: {  	[sflag:s6] =	ssyncset.done $0x0  }
0xa6: {  	[sflag:s6] =	ssyncadd.s32 $0xFFFFFFB0  }
0xa7: {  	s9 =	stileid.u32;
	_ =	swait.ge [sflag:s7], $0x50  }
0xa8: {  	s10 =	sshrl.u32 s4, $0x3;
	s8 =	sadd.s32 $0x1, s8;
	[sflag:s7] =	ssyncset.done $0x0  }
0xa9: {  	s9 =	sshll.u32 s9, $0x6;
	p0 =	sne.s32 s8, s17;
	[sflag:s7] =	ssyncadd.s32 $0xFFFFFFB0  }
.Ltmp1:
0xaa: {  	s9 =	sor.u32 $0x1C09, s9;
	[bflag:$0x0] =	sbarrier.arrive $0xFFFF;
	(pc) =	sbr.rel @p0 .LBB2_1-.Ltmp1, $4  }
0xab: {  	[hbm:s16], [sflag:s9] =	dma.local [spmem:s10], $0x50  }
0xac: {  	_ =	swait.ge [sflag:s23], $0x50  }
0xad: {  	[sflag:s23] =	ssyncset.done $0x0  }
0xae: {  	[sflag:s23] =	ssyncadd.s32 $0xFFFFFFB0  }
0xaf: {  	_ =	sfence.sel $0x180000  }
0xb0: {  	[bflag:$0x0] =	sbarrier.arrive $0xFFFF  }
0xb1: {  	_ =	strace $0x90000047  }
0xb2: {  	s0 =	stileid.u32;
	[bflag:$0x2] =	sbarrier.arrive $0xFFFF  }
0xb3: {  	p0 =	sne.s32 s0, $0x0;
	s0 =	rddreg [dreg:$0x3]  }
0xb4: {  	s0 =	sadd.s32 @!p0 $0x100000, s0  }
0xb5: {  	[sflag:s0] =	ssyncadd.tile.s32 @!p0 $0x1;
	_ =	shalt  }
.Lfunc_end2:
_tile_overlayer_lowered:
.L_overlay_start_2:
0xb6: {  	(tag) =	ssettag $0x2  }
0xb7: {  	s0 =	rddreg [dreg:$0x0];
	s2 =	stileid.u32  }
0xb8: {  	s1 =	rddreg [dreg:$0x1];
	p0 =	sne.s32 s2, $0x0  }
0xb9: {  	s3 =	rddreg [dreg:$0x2];
	[bflag:$0x3] =	sbarrier.arrive $0xFFFF;
	s2 =	simm.s32 @!p0 $0x1C09  }
0xba: {  	[timem:s3], [sflag:s2] =	dma.local @!p0 [hbm:s0], s1  }
0xbb: {  	s0 =	simm.s32 @!p0 $0x9  }
0xbc: {  	_ =	swait.ge @!p0 [sflag:s0], s1  }
0xbd: {  	s1 =	ssub.s32 @!p0 $0x0, s1;
	[sflag:s0] =	ssyncset.done @!p0 $0x0  }
0xbe: {  	[sflag:s0] =	ssyncadd.s32 @!p0 s1  }
0xbf: {  	[bflag:$0x3] =	sbarrier.arrive $0xFFFF  }
0xc0: {  	_ =	shalt  }

</sc_bundles>
